<compile_context>
chip_gen: v7x
topology: tpu7x:2x2x1
jax: 0.10.2.dev20260603
libtpu: 0.0.44.dev20260713+nightly
codegen_flags: <defaults>
</compile_context>

<pallas_src>
import functools

import jax
import jax.numpy as jnp
from jax import lax
from jax.experimental import pallas as pl
from jax.experimental.pallas import tpu as pltpu
from jax.experimental.pallas import tpu_sc as plsc

NC = 2
NS = 16


_SQRT_HALF = 0.7071067811865476


def _gelu(x):
    return 0.5 * x * (1.0 + lax.erf(x * _SQRT_HALF))


def _sc_mesh():
    return plsc.VectorSubcoreMesh(
        core_axis_name="core", subcore_axis_name="subcore",
        num_cores=NC, num_subcores=NS)


def _gather(faug, idx, Ep, FW):
    out_t = jax.ShapeDtypeStruct((Ep, FW), jnp.float32)

    @functools.partial(pl.kernel, out_type=out_t, mesh=_sc_mesh())
    def gk(faug_hbm, idx_hbm, o_hbm):
        def body(idx_v, o_v):
            def two_streams(s1, s2):
                c0 = pltpu.async_copy(
                    faug_hbm.at[idx_v.at[0, pl.ds(0, 64)]],
                    o_v.at[pl.ds(0, 64)], s1)
                c1 = pltpu.async_copy(
                    faug_hbm.at[idx_v.at[0, pl.ds(64, 64)]],
                    o_v.at[pl.ds(64, 64)], s2)
                c0.wait()
                c1.wait()

            pl.run_scoped(two_streams, pltpu.SemaphoreType.DMA,
                          pltpu.SemaphoreType.DMA)

        GW = 128
        pltpu.emit_pipeline(
            body,
            grid=(Ep // GW,),
            in_specs=[pl.BlockSpec((1, GW), lambda i: (0, i))],
            out_specs=[pl.BlockSpec((GW, FW), lambda i: (i, 0))],
            core_axis_name=("core", "subcore"),
            dimension_semantics=(pltpu.PARALLEL,),
        )(idx_hbm, o_hbm)

    return gk(faug, idx)


def _unpack_pair(x_f32):
    w = lax.bitcast_convert_type(x_f32, jnp.int32)
    a = lax.bitcast_convert_type(w << 16, jnp.float32)
    b = lax.bitcast_convert_type(w & jnp.int32(-65536), jnp.float32)
    return jnp.concatenate([a, b], axis=1).astype(jnp.bfloat16)


def _mlp_body(s_ref, t_ref, w1s_ref, w1t_ref, b1_ref, w2_ref, b2_ref,
              w3_ref, b3_ref, h_ref):
    f32 = jnp.float32
    bf16 = jnp.bfloat16
    s = _unpack_pair(s_ref[...])
    t = _unpack_pair(t_ref[...])
    a = (jnp.dot(s, w1s_ref[...], preferred_element_type=f32)
         + jnp.dot(t, w1t_ref[...], preferred_element_type=f32)
         + b1_ref[...])
    h = _gelu(a).astype(bf16)
    h = _gelu(jnp.dot(h, w2_ref[...], preferred_element_type=f32)
              + b2_ref[...]).astype(bf16)
    h_ref[...] = _gelu(jnp.dot(h, w3_ref[...], preferred_element_type=f32)
                       + b3_ref[...])


def _edge_mlp(ST, W1s, W1t, b1, W2, b2, W3, b3, Ep, PW, BK=512):
    H = W1s.shape[1]
    WB = W1s.shape[0]
    nblk = Ep // BK
    return pl.pallas_call(
        _mlp_body,
        grid=(nblk,),
        in_specs=[
            pl.BlockSpec((BK, PW), lambda i: (i, 0)),
            pl.BlockSpec((BK, PW), lambda i: (i + nblk, 0)),
            pl.BlockSpec((WB, H), lambda i: (0, 0)),
            pl.BlockSpec((WB, H), lambda i: (0, 0)),
            pl.BlockSpec((1, H), lambda i: (0, 0)),
            pl.BlockSpec((H, H), lambda i: (0, 0)),
            pl.BlockSpec((1, H), lambda i: (0, 0)),
            pl.BlockSpec((H, H), lambda i: (0, 0)),
            pl.BlockSpec((1, H), lambda i: (0, 0)),
        ],
        out_specs=pl.BlockSpec((BK, H), lambda i: (i, 0)),
        out_shape=jax.ShapeDtypeStruct((Ep, H), jnp.float32),
    )(ST, ST, W1s, W1t, b1.reshape(1, H), W2, b2.reshape(1, H),
      W3, b3.reshape(1, H))


def _segsum(h, di, zeros_np, Ep, Np, H):
    ROWS = Np // NS
    EPW = Ep // NS
    NB = EPW // 128
    f32 = jnp.float32
    out_t = jax.ShapeDtypeStruct((Np, H), f32)

    @functools.partial(
        pl.kernel, out_type=out_t, mesh=_sc_mesh(),
        scratch_types=[
            pltpu.VMEM_SHARED((Np, 128), f32),
            pltpu.VMEM((128, 128), f32),
            pltpu.VMEM((1, 128), jnp.int32),
        ])
    def sk(h_hbm, di_hbm, zeros_hbm, sums_hbm, acc_sh, buf_v, idx_v):
        c = lax.axis_index("core")
        s = lax.axis_index("subcore")
        rows0 = s * ROWS
        e0 = s * EPW
        for kk in range(4 // NC):
            col = (c * (4 // NC) + kk) * 128
            pltpu.sync_copy(zeros_hbm.at[pl.ds(rows0, ROWS), :],
                            acc_sh.at[pl.ds(rows0, ROWS), :])
            plsc.subcore_barrier()

            @pl.loop(0, NB)
            def _(b):
                e = e0 + b * 128
                pltpu.sync_copy(di_hbm.at[:, pl.ds(e, 128)], idx_v)
                pltpu.sync_copy(h_hbm.at[pl.ds(e, 128), pl.ds(col, 128)],
                                buf_v)
                pltpu.sync_copy(buf_v, acc_sh.at[idx_v.at[0]], add=True)

            plsc.subcore_barrier()
            pltpu.sync_copy(acc_sh.at[pl.ds(rows0, ROWS), :],
                            sums_hbm.at[pl.ds(rows0, ROWS), pl.ds(col, 128)])

    return sk(h, di, zeros_np)


def _counts(di, zeros_cnt, ones8, Ep, Np):
    ROWS = Np // NS
    EPW = Ep // (NS * NC)
    NB = EPW // 128
    f32 = jnp.float32
    out_t = jax.ShapeDtypeStruct((NC, Np, 128), f32)

    @functools.partial(
        pl.kernel, out_type=out_t, mesh=_sc_mesh(),
        scratch_types=[
            pltpu.VMEM_SHARED((Np, 128), f32),
            pltpu.VMEM((1, 128), jnp.int32),
            pltpu.VMEM((128, 128), f32),
        ])
    def ck(di_hbm, zeros_hbm, ones_hbm, cnt_hbm, acc_sh, idx_v, ones_v):
        c = lax.axis_index("core")
        s = lax.axis_index("subcore")
        rows0 = s * ROWS
        e0 = (c * NS + s) * EPW
        pltpu.sync_copy(ones_hbm, ones_v)
        pltpu.sync_copy(zeros_hbm.at[pl.ds(rows0, ROWS), :],
                        acc_sh.at[pl.ds(rows0, ROWS), :])
        plsc.subcore_barrier()

        @pl.loop(0, NB)
        def _(b):
            e = e0 + b * 128
            pltpu.sync_copy(di_hbm.at[:, pl.ds(e, 128)], idx_v)
            pltpu.sync_copy(ones_v, acc_sh.at[idx_v.at[0]], add=True)

        plsc.subcore_barrier()
        pltpu.sync_copy(acc_sh.at[pl.ds(rows0, ROWS), :],
                        cnt_hbm.at[c, pl.ds(rows0, ROWS), :])

    return ck(di, zeros_cnt, ones8)


def _out_body(s0_ref, s1_ref, s2_ref, s3_ref, c0_ref, c1_ref,
              wo1_ref, bo1_ref, wo2_ref, bo2_ref, o_ref):
    f32 = jnp.float32
    bf16 = jnp.bfloat16
    ssum = ((s0_ref[...] + s1_ref[...]) + (s2_ref[...] + s3_ref[...]))
    cnt = (c0_ref[0] + c1_ref[0])[:, 0:1]
    agg = jnp.where(cnt > 0, ssum / jnp.maximum(cnt, 1.0),
                    0.0).astype(bf16)
    o = _gelu(jnp.dot(agg, wo1_ref[...], preferred_element_type=f32)
              + bo1_ref[...]).astype(bf16)
    o_ref[...] = _gelu(jnp.dot(o, wo2_ref[...], preferred_element_type=f32)
                       + bo2_ref[...])


def _out_mlp(sums_list, cnt, Wo1, bo1, Wo2, bo2, N):
    BN = N if N <= 1024 else 1000
    H = Wo1.shape[0]
    O = Wo2.shape[1]
    return pl.pallas_call(
        _out_body,
        grid=(N // BN,),
        in_specs=[
            pl.BlockSpec((BN, H), lambda i: (i, 0)),
            pl.BlockSpec((BN, H), lambda i: (i, 0)),
            pl.BlockSpec((BN, H), lambda i: (i, 0)),
            pl.BlockSpec((BN, H), lambda i: (i, 0)),
            pl.BlockSpec((1, BN, 128), lambda i: (0, i, 0)),
            pl.BlockSpec((1, BN, 128), lambda i: (1, i, 0)),
            pl.BlockSpec((H, H), lambda i: (0, 0)),
            pl.BlockSpec((1, H), lambda i: (0, 0)),
            pl.BlockSpec((H, O), lambda i: (0, 0)),
            pl.BlockSpec((1, O), lambda i: (0, 0)),
        ],
        out_specs=pl.BlockSpec((BN, O), lambda i: (i, 0)),
        out_shape=jax.ShapeDtypeStruct((N, O), jnp.float32),
    )(*sums_list, cnt, cnt, Wo1.astype(jnp.bfloat16), bo1.reshape(1, H),
      Wo2.astype(jnp.bfloat16), bo2.reshape(1, O))


def kernel(features, points, l0_edges, We1, be1, We2, be2, We3, be3,
           Wo1, bo1, Wo2, bo2):
    N, D = features.shape
    E = l0_edges.shape[0]
    H = We2.shape[0]
    WB = 2 * D
    PW = WB // 2
    Ep = -(-E // 4096) * 4096
    Np = -(-(N + 48) // (NS * 8)) * (NS * 8)

    f32 = jnp.float32
    bf16 = jnp.bfloat16
    faug = jnp.concatenate(
        [features, points, jnp.zeros((N, WB - D - 3), f32)],
        axis=1).astype(bf16)
    au = lax.bitcast_convert_type(faug[:, :PW], jnp.uint16).astype(jnp.uint32)
    bu = lax.bitcast_convert_type(faug[:, PW:], jnp.uint16).astype(jnp.uint32)
    packed = lax.bitcast_convert_type(au | (bu << 16), f32)

    edges = l0_edges.astype(jnp.int32)
    pad = Ep - E
    src = jnp.concatenate([edges[:, 0], jnp.zeros((pad,), jnp.int32)])
    dst = jnp.concatenate([edges[:, 1], jnp.zeros((pad,), jnp.int32)])
    dseg = jnp.concatenate(
        [edges[:, 1], N + (jnp.arange(pad, dtype=jnp.int32) % 48)])
    NCH = 4
    Ec = Ep // NCH
    src4 = src.reshape(NCH, Ec)
    dst4 = dst.reshape(NCH, Ec)
    dseg4 = dseg.reshape(NCH, Ec)
    di = dseg.reshape(1, Ep)

    Wc = jnp.concatenate(
        [We1[2 * D:], jnp.zeros((WB - D - 3, H), f32)], axis=0)
    W1s = jnp.concatenate([We1[:D], Wc], axis=0).astype(bf16)
    W1t = jnp.concatenate([We1[D:2 * D], -Wc], axis=0).astype(bf16)

    zeros_np = jnp.zeros((Np, 128), f32)
    ones128 = jnp.ones((128, 128), f32)
    We2b = We2.astype(bf16)
    We3b = We3.astype(bf16)

    cnt = _counts(di, zeros_np, ones128, Ep, Np)
    sums_list = []
    for q in range(NCH):
        gq = jnp.concatenate([src4[q], dst4[q]]).reshape(1, 2 * Ec)
        STq = _gather(packed, gq, 2 * Ec, PW)
        hq = _edge_mlp(STq, W1s, W1t, be1, We2b, be2, We3b, be3, Ec, PW)
        sums_list.append(
            _segsum(hq, dseg4[q].reshape(1, Ec), zeros_np, Ec, Np, H))

    return _out_mlp(sums_list, cnt, Wo1, bo1, Wo2, bo2, N)

# --- scband reference (transcript-rebuilt; emitter-appended) ---
"""Pipeline reference for scband-feature-feed-forward-46961172414973 (READ-ONLY COPY).

The authoritative reference and input builder live on the scoring server;
editing this copy changes nothing except your own understanding.
"""

import jax, jax.numpy as jnp
import numpy as np

def gelu(x):
    return jax.nn.gelu(x, approximate=False)

def setup_inputs(seed: int = 0) -> dict:
    key = jax.random.key(seed)
    ks = jax.random.split(key, 16)
    N, E, D = 10000, 160000, 256
    d_in = D + D + 3  # point_feat + dest_feat + coord diff = 515
    inp = {}
    inp['features'] = jax.random.normal(ks[0], (N, D), dtype=jnp.float32)
    inp['points'] = jax.random.normal(ks[1], (N, 3), dtype=jnp.float32)
    inp['l0_edges'] = jax.random.randint(ks[2], (E, 2), 0, N, dtype=jnp.int64)
    # edge_feature_mlp = [512, 512, 512]
    inp['We1'] = jax.random.normal(ks[3], (d_in, 512), dtype=jnp.float32) * 0.05
    inp['be1'] = jnp.zeros((512,), dtype=jnp.float32)
    inp['We2'] = jax.random.normal(ks[4], (512, 512), dtype=jnp.float32) * 0.05
    inp['be2'] = jnp.zeros((512,), dtype=jnp.float32)
    inp['We3'] = jax.random.normal(ks[5], (512, 512), dtype=jnp.float32) * 0.05
    inp['be3'] = jnp.zeros((512,), dtype=jnp.float32)
    # output_mlp = [512, 256]
    inp['Wo1'] = jax.random.normal(ks[6], (512, 512), dtype=jnp.float32) * 0.05
    inp['bo1'] = jnp.zeros((512,), dtype=jnp.float32)
    inp['Wo2'] = jax.random.normal(ks[7], (512, 256), dtype=jnp.float32) * 0.05
    inp['bo2'] = jnp.zeros((256,), dtype=jnp.float32)
    return inp

def reference(features, points, l0_edges, We1, be1, We2, be2, We3, be3, Wo1, bo1, Wo2, bo2):
    src = l0_edges[:, 0]
    dst = l0_edges[:, 1]
    point_features = jnp.take(features, src, axis=0)
    dest_features = jnp.take(features, dst, axis=0)
    source_coords = jnp.take(points, src, axis=0)
    dest_coords = jnp.take(points, dst, axis=0)
    edge_features = jnp.concatenate([point_features, dest_features, source_coords - dest_coords], axis=-1)
    h = gelu(edge_features @ We1 + be1)
    h = gelu(h @ We2 + be2)
    h = gelu(h @ We3 + be3)
    num_centers = points.shape[0]
    seg_sum = jax.ops.segment_sum(h, dst, num_segments=num_centers)
    cnt = jax.ops.segment_sum(jnp.ones((dst.shape[0],), dtype=h.dtype), dst, num_segments=num_centers)
    # tf.math.unsorted_segment_mean: empty segments -> 0
    agg = jnp.where(cnt[:, None] > 0, seg_sum / jnp.maximum(cnt[:, None], 1.0), 0.0)
    o = gelu(agg @ Wo1 + bo1)
    o = gelu(o @ Wo2 + bo2)
    return o

if __name__ == "__main__":
    import jax
    _d = setup_inputs()
    print(jax.jit(kernel)(*tuple(_d.values())))

</pallas_src>

<mosaic_0001>
#map = affine_map<(d0, d1) -> (0, 0)>
module attributes {stable_mosaic.version = 14 : i64} {
  func.func @gk(%arg0: i32, %arg1: i32, %arg2: memref<10000x256xf32, #tpu.memory_space<hbm>>, %arg3: memref<1x81920xi32, #tpu.memory_space<hbm>>, %arg4: memref<81920x256xf32, #tpu.memory_space<hbm>>) attributes {dimension_semantics = [#tpu.dimension_semantics<core_parallel>, #tpu.dimension_semantics<subcore_parallel>], iteration_bounds = array<i64: 2, 16>, scalar_prefetch = 0 : i64, scratch_operands = 0 : i64, tpu.core_type = #tpu.core_type<sc_vector_subcore>, window_params = [{transform_indices = #map}, {transform_indices = #map}, {transform_indices = #map}]} {
    %mul3A = arith.constant 1 : i32
    %mul3A_0 = arith.muli %arg1, %mul3A : i32
    %add3A = arith.constant 0 : i32
    %add3A_1 = arith.addi %add3A, %mul3A_0 : i32
    %mul3A_2 = arith.constant 16 : i32
    %mul3A_3 = arith.muli %arg0, %mul3A_2 : i32
    %add3A_4 = arith.addi %add3A_1, %mul3A_3 : i32
    %mul3A_5 = arith.constant 20 : i32
    %mul3A_6 = arith.muli %add3A_4, %mul3A_5 : i32
    "tpu.region"() ({
      %run_scoped3A = memref.alloca() : memref<2x1x128xi32, #tpu.memory_space<vmem>>
      %run_scoped3A_7 = tpu.sem_alloc : memref<2x!tpu.dma_semaphore, #tpu.memory_space<semaphore_mem>>
      %run_scoped3A_8 = memref.alloca() : memref<2x128x256xf32, #tpu.memory_space<vmem>>
      %run_scoped3A_9 = tpu.sem_alloc : memref<2x!tpu.dma_semaphore, #tpu.memory_space<semaphore_mem>>
      %add3A_10 = arith.constant 0 : i32
      %add3A_11 = arith.addi %add3A_10, %mul3A_6 : i32
      %select_n3A = arith.constant true
      %select_n3A_12 = arith.constant 0 : i32
      %select_n3A_13 = arith.constant -1 : i32
      %select_n3A_14 = arith.select %select_n3A, %select_n3A_13, %select_n3A_12 : i32
      %eq3A = arith.constant -1 : i32
      %eq3A_15 = arith.cmpi eq, %select_n3A_14, %eq3A : i32
      %select_n3A_16 = arith.constant 19 : i32
      %select_n3A_17 = arith.select %eq3A_15, %select_n3A_16, %select_n3A_14 : i32
      %add3A_18 = arith.addi %select_n3A_17, %mul3A_6 : i32
      %select_n3A_19 = arith.constant true
      %select_n3A_20 = arith.constant 0 : i32
      %select_n3A_21 = arith.constant 1 : i32
      %select_n3A_22 = arith.select %select_n3A_19, %select_n3A_21, %select_n3A_20 : i32
      %eq3A_23 = arith.constant 20 : i32
      %eq3A_24 = arith.cmpi eq, %select_n3A_22, %eq3A_23 : i32
      %select_n3A_25 = arith.constant 0 : i32
      %select_n3A_26 = arith.select %eq3A_24, %select_n3A_25, %select_n3A_22 : i32
      %add3A_27 = arith.addi %select_n3A_26, %mul3A_6 : i32
      %add3A_28 = arith.constant 1 : i32
      %add3A_29 = arith.addi %select_n3A_26, %add3A_28 : i32
      %select_n3A_30 = arith.constant true
      %select_n3A_31 = arith.select %select_n3A_30, %add3A_29, %select_n3A_26 : i32
      %eq3A_32 = arith.constant 20 : i32
      %eq3A_33 = arith.cmpi eq, %select_n3A_31, %eq3A_32 : i32
      %select_n3A_34 = arith.constant 0 : i32
      %select_n3A_35 = arith.select %eq3A_33, %select_n3A_34, %select_n3A_31 : i32
      %add3A_36 = arith.addi %select_n3A_35, %mul3A_6 : i32
      "tpu.trace_start"() <{level = 10 : i32, message = "ep_initialize_0"}> : () -> ()
      %rem3A = arith.constant 0 : i32
      %rem3A_37 = arith.constant 2 : i32
      %rem3A_38 = arith.remui %rem3A, %rem3A_37 : i32
      %mul3A_39 = arith.constant 128 : i32
      %mul3A_40 = arith.muli %mul3A_39, %add3A_11 : i32
      %dma_start3A = arith.constant 0 : i32
      %dma_start3A_41 = arith.constant 0 : i32
      %dma_start3A_42 = tpu.memref_slice %run_scoped3A[%rem3A_38, %dma_start3A, %dma_start3A_41] : memref<2x1x128xi32, #tpu.memory_space<vmem>> -> memref<1x1x128xi32, #tpu.memory_space<vmem>>
      %dma_start3A_43 = tpu.memref_squeeze %dma_start3A_42 : memref<1x1x128xi32, #tpu.memory_space<vmem>> -> memref<1x128xi32, #tpu.memory_space<vmem>>
      %dma_start3A_44 = arith.constant 0 : i32
      %dma_start3A_45 = tpu.memref_slice %arg3[%dma_start3A_44, %mul3A_40] : memref<1x81920xi32, #tpu.memory_space<hbm>> -> memref<1x128xi32, #tpu.memory_space<hbm>>
      %dma_start3A_46 = tpu.memref_slice %run_scoped3A_7[%rem3A_38] : memref<2x!tpu.dma_semaphore, #tpu.memory_space<semaphore_mem>> -> memref<1x!tpu.dma_semaphore, #tpu.memory_space<semaphore_mem>>
      %dma_start3A_47 = tpu.memref_squeeze %dma_start3A_46 : memref<1x!tpu.dma_semaphore, #tpu.memory_space<semaphore_mem>> -> memref<!tpu.dma_semaphore, #tpu.memory_space<semaphore_mem>>
      %dma_start3A_48 = arith.constant 0 : i32
      %dma_start3A_49 = arith.constant 0 : i32
      %dma_start3A_50 = tpu.memref_slice %run_scoped3A[%rem3A_38, %dma_start3A_48, %dma_start3A_49] : memref<2x1x128xi32, #tpu.memory_space<vmem>> -> memref<1x1x128xi32, #tpu.memory_space<vmem>>
      %dma_start3A_51 = tpu.memref_squeeze %dma_start3A_50 : memref<1x1x128xi32, #tpu.memory_space<vmem>> -> memref<1x128xi32, #tpu.memory_space<vmem>>
      %dma_start3A_52 = arith.constant 0 : i32
      %dma_start3A_53 = tpu.memref_slice %arg3[%dma_start3A_52, %mul3A_40] : memref<1x81920xi32, #tpu.memory_space<hbm>> -> memref<1x128xi32, #tpu.memory_space<hbm>>
      tpu.enqueue_dma source(%dma_start3A_53 : memref<1x128xi32, #tpu.memory_space<hbm>>) target(%dma_start3A_51 : memref<1x128xi32, #tpu.memory_space<vmem>>) target_semaphore(%dma_start3A_47 : memref<!tpu.dma_semaphore, #tpu.memory_space<semaphore_mem>>)
      %add3A_54 = arith.constant 0 : i32
      %add3A_55 = arith.constant 1 : i32
      %add3A_56 = arith.addi %add3A_54, %add3A_55 : i32
      %select_n3A_57 = arith.constant true
      %select_n3A_58 = arith.constant 0 : i32
      %select_n3A_59 = arith.select %select_n3A_57, %add3A_56, %select_n3A_58 : i32
      "tpu.trace_stop"() : () -> ()
      %scan3A = arith.constant 0 : i32
      %scan3A_60 = arith.constant 0 : i32
      %scan3A_61 = arith.constant 0 : i32
      %scan3A_62 = arith.constant 0 : i32
      %scan3A_63 = arith.constant 0 : i32
      %scan3A_64 = arith.constant 20 : i32
      %scan3A_65 = arith.addi %scan3A_63, %scan3A_64 : i32
      %scan3A_66 = arith.constant 1 : i32
      %scan3A_67:5 = scf.for %scan3A_121 = %scan3A_63 to %scan3A_65 step %scan3A_66 iter_args(%scan3A_122 = %select_n3A_59, %scan3A_123 = %scan3A, %scan3A_124 = %scan3A_60, %scan3A_125 = %scan3A_61, %scan3A_126 = %scan3A_62) -> (i32, i32, i32, i32, i32)  : i32 {
        %eq3A_127 = arith.constant 0 : i32
        %eq3A_128 = arith.cmpi eq, %scan3A_121, %eq3A_127 : i32
        %eq3A_129 = arith.constant 19 : i32
        %eq3A_130 = arith.cmpi eq, %scan3A_121, %eq3A_129 : i32
        %add3A_131 = arith.addi %scan3A_126, %mul3A_6 : i32
        %sub3A_132 = arith.constant 1 : i32
        %sub3A_133 = arith.subi %scan3A_126, %sub3A_132 : i32
        %select_n3A_134 = arith.constant true
        %select_n3A_135 = arith.select %select_n3A_134, %sub3A_133, %scan3A_126 : i32
        %eq3A_136 = arith.constant -1 : i32
        %eq3A_137 = arith.cmpi eq, %select_n3A_135, %eq3A_136 : i32
        %select_n3A_138 = arith.constant 19 : i32
        %select_n3A_139 = arith.select %eq3A_137, %select_n3A_138, %select_n3A_135 : i32
        %add3A_140 = arith.addi %select_n3A_139, %mul3A_6 : i32
        %add3A_141 = arith.constant 1 : i32
        %add3A_142 = arith.addi %scan3A_126, %add3A_141 : i32
        %select_n3A_143 = arith.constant true
        %select_n3A_144 = arith.select %select_n3A_143, %add3A_142, %scan3A_126 : i32
        %eq3A_145 = arith.constant 20 : i32
        %eq3A_146 = arith.cmpi eq, %select_n3A_144, %eq3A_145 : i32
        %select_n3A_147 = arith.constant 0 : i32
        %select_n3A_148 = arith.select %eq3A_146, %select_n3A_147, %select_n3A_144 : i32
        %add3A_149 = arith.addi %select_n3A_148, %mul3A_6 : i32
        %add3A_150 = arith.constant 1 : i32
        %add3A_151 = arith.addi %select_n3A_148, %add3A_150 : i32
        %select_n3A_152 = arith.constant true
        %select_n3A_153 = arith.select %select_n3A_152, %add3A_151, %select_n3A_148 : i32
        %eq3A_154 = arith.constant 20 : i32
        %eq3A_155 = arith.cmpi eq, %select_n3A_153, %eq3A_154 : i32
        %select_n3A_156 = arith.constant 0 : i32
        %select_n3A_157 = arith.select %eq3A_155, %select_n3A_156, %select_n3A_153 : i32
        %add3A_158 = arith.addi %select_n3A_157, %mul3A_6 : i32
        %ne3A = arith.cmpi ne, %add3A_131, %add3A_149 : i32
        %or3A = arith.constant false
        %or3A_159 = arith.ori %or3A, %ne3A : i1
        %ge3A = arith.constant 19 : i32
        %ge3A_160 = arith.cmpi sge, %scan3A_121, %ge3A : i32
        %not3A = arith.constant true
        %not3A_161 = arith.xori %ge3A_160, %not3A : i1
        %and3A = arith.andi %or3A_159, %not3A_161 : i1
        %convert_element_type3A = arith.extui %and3A : i1 to i32
        %cond3A = arith.constant 0 : i32
        %cond3A_162 = arith.cmpi ne, %convert_element_type3A, %cond3A : i32
        scf.if %cond3A_162 {
          "tpu.trace_start"() <{level = 10 : i32, message = "ep_copy_in"}> : () -> ()
          %rem3A_263 = arith.constant 2 : i32
          %rem3A_264 = arith.remui %scan3A_122, %rem3A_263 : i32
          %mul3A_265 = arith.constant 128 : i32
          %mul3A_266 = arith.muli %mul3A_265, %add3A_149 : i32
          %dma_start3A_267 = arith.constant 0 : i32
          %dma_start3A_268 = arith.constant 0 : i32
          %dma_start3A_269 = tpu.memref_slice %run_scoped3A[%rem3A_264, %dma_start3A_267, %dma_start3A_268] : memref<2x1x128xi32, #tpu.memory_space<vmem>> -> memref<1x1x128xi32, #tpu.memory_space<vmem>>
          %dma_start3A_270 = tpu.memref_squeeze %dma_start3A_269 : memref<1x1x128xi32, #tpu.memory_space<vmem>> -> memref<1x128xi32, #tpu.memory_space<vmem>>
          %dma_start3A_271 = arith.constant 0 : i32
          %dma_start3A_272 = tpu.memref_slice %arg3[%dma_start3A_271, %mul3A_266] : memref<1x81920xi32, #tpu.memory_space<hbm>> -> memref<1x128xi32, #tpu.memory_space<hbm>>
          %dma_start3A_273 = tpu.memref_slice %run_scoped3A_7[%rem3A_264] : memref<2x!tpu.dma_semaphore, #tpu.memory_space<semaphore_mem>> -> memref<1x!tpu.dma_semaphore, #tpu.memory_space<semaphore_mem>>
          %dma_start3A_274 = tpu.memref_squeeze %dma_start3A_273 : memref<1x!tpu.dma_semaphore, #tpu.memory_space<semaphore_mem>> -> memref<!tpu.dma_semaphore, #tpu.memory_space<semaphore_mem>>
          %dma_start3A_275 = arith.constant 0 : i32
          %dma_start3A_276 = arith.constant 0 : i32
          %dma_start3A_277 = tpu.memref_slice %run_scoped3A[%rem3A_264, %dma_start3A_275, %dma_start3A_276] : memref<2x1x128xi32, #tpu.memory_space<vmem>> -> memref<1x1x128xi32, #tpu.memory_space<vmem>>
          %dma_start3A_278 = tpu.memref_squeeze %dma_start3A_277 : memref<1x1x128xi32, #tpu.memory_space<vmem>> -> memref<1x128xi32, #tpu.memory_space<vmem>>
          %dma_start3A_279 = arith.constant 0 : i32
          %dma_start3A_280 = tpu.memref_slice %arg3[%dma_start3A_279, %mul3A_266] : memref<1x81920xi32, #tpu.memory_space<hbm>> -> memref<1x128xi32, #tpu.memory_space<hbm>>
          tpu.enqueue_dma source(%dma_start3A_280 : memref<1x128xi32, #tpu.memory_space<hbm>>) target(%dma_start3A_278 : memref<1x128xi32, #tpu.memory_space<vmem>>) target_semaphore(%dma_start3A_274 : memref<!tpu.dma_semaphore, #tpu.memory_space<semaphore_mem>>)
          "tpu.trace_stop"() : () -> ()
        } else {
        }
        %and3A_163 = arith.constant true
        %and3A_164 = arith.andi %and3A, %and3A_163 : i1
        %add3A_165 = arith.constant 1 : i32
        %add3A_166 = arith.addi %scan3A_122, %add3A_165 : i32
        %select_n3A_167 = arith.select %and3A_164, %add3A_166, %scan3A_122 : i32
        %ne3A_168 = arith.cmpi ne, %add3A_131, %add3A_149 : i32
        %or3A_169 = arith.constant false
        %or3A_170 = arith.ori %or3A_169, %ne3A_168 : i1
        %or3A_171 = arith.constant false
        %or3A_172 = arith.ori %or3A_170, %or3A_171 : i1
        %ge3A_173 = arith.constant 19 : i32
        %ge3A_174 = arith.cmpi sge, %scan3A_121, %ge3A_173 : i32
        %not3A_175 = arith.constant true
        %not3A_176 = arith.xori %ge3A_174, %not3A_175 : i1
        %and3A_177 = arith.andi %or3A_172, %not3A_176 : i1
        %ne3A_178 = arith.cmpi ne, %add3A_131, %add3A_140 : i32
        %or3A_179 = arith.constant false
        %or3A_180 = arith.ori %or3A_179, %ne3A_178 : i1
        %or3A_181 = arith.ori %or3A_180, %eq3A_128 : i1
        %convert_element_type3A_182 = arith.extui %or3A_181 : i1 to i32
        %cond3A_183 = arith.constant 0 : i32
        %cond3A_184 = arith.cmpi ne, %convert_element_type3A_182, %cond3A_183 : i32
        scf.if %cond3A_184 {
          "tpu.trace_start"() <{level = 10 : i32, message = "ep_wait_in"}> : () -> ()
          %mul3A_263 = arith.constant 128 : i32
          %mul3A_264 = arith.muli %mul3A_263, %add3A_131 : i32
          %rem3A_265 = arith.constant 2 : i32
          %rem3A_266 = arith.remui %scan3A_123, %rem3A_265 : i32
          %dma_wait3A_267 = arith.constant 0 : i32
          %dma_wait3A_268 = arith.constant 0 : i32
          %dma_wait3A_269 = tpu.memref_slice %run_scoped3A[%rem3A_266, %dma_wait3A_267, %dma_wait3A_268] : memref<2x1x128xi32, #tpu.memory_space<vmem>> -> memref<1x1x128xi32, #tpu.memory_space<vmem>>
          %dma_wait3A_270 = tpu.memref_squeeze %dma_wait3A_269 : memref<1x1x128xi32, #tpu.memory_space<vmem>> -> memref<1x128xi32, #tpu.memory_space<vmem>>
          %dma_wait3A_271 = arith.constant 0 : i32
          %dma_wait3A_272 = tpu.memref_slice %arg3[%dma_wait3A_271, %mul3A_264] : memref<1x81920xi32, #tpu.memory_space<hbm>> -> memref<1x128xi32, #tpu.memory_space<hbm>>
          %dma_wait3A_273 = tpu.memref_slice %run_scoped3A_7[%rem3A_266] : memref<2x!tpu.dma_semaphore, #tpu.memory_space<semaphore_mem>> -> memref<1x!tpu.dma_semaphore, #tpu.memory_space<semaphore_mem>>
          %dma_wait3A_274 = tpu.memref_squeeze %dma_wait3A_273 : memref<1x!tpu.dma_semaphore, #tpu.memory_space<semaphore_mem>> -> memref<!tpu.dma_semaphore, #tpu.memory_space<semaphore_mem>>
          %dma_wait3A_275 = arith.constant 0 : i32
          %dma_wait3A_276 = arith.constant 0 : i32
          %dma_wait3A_277 = tpu.memref_slice %run_scoped3A[%rem3A_266, %dma_wait3A_275, %dma_wait3A_276] : memref<2x1x128xi32, #tpu.memory_space<vmem>> -> memref<1x1x128xi32, #tpu.memory_space<vmem>>
          %dma_wait3A_278 = tpu.memref_squeeze %dma_wait3A_277 : memref<1x1x128xi32, #tpu.memory_space<vmem>> -> memref<1x128xi32, #tpu.memory_space<vmem>>
          %dma_wait3A_279 = arith.constant 0 : i32
          %dma_wait3A_280 = tpu.memref_slice %arg3[%dma_wait3A_279, %mul3A_264] : memref<1x81920xi32, #tpu.memory_space<hbm>> -> memref<1x128xi32, #tpu.memory_space<hbm>>
          tpu.wait_dma2 semaphore(%dma_wait3A_274 : memref<!tpu.dma_semaphore, #tpu.memory_space<semaphore_mem>>) src(%dma_wait3A_280 : memref<1x128xi32, #tpu.memory_space<hbm>>) dst(%dma_wait3A_278 : memref<1x128xi32, #tpu.memory_space<vmem>>)
          "tpu.trace_stop"() : () -> ()
        } else {
        }
        %ne3A_185 = arith.cmpi ne, %add3A_131, %add3A_140 : i32
        %or3A_186 = arith.constant false
        %or3A_187 = arith.ori %or3A_186, %ne3A_185 : i1
        %or3A_188 = arith.constant false
        %or3A_189 = arith.ori %or3A_187, %or3A_188 : i1
        %or3A_190 = arith.ori %or3A_189, %eq3A_128 : i1
        %convert_element_type3A_191 = arith.extui %or3A_190 : i1 to i32
        %cond3A_192 = arith.constant 0 : i32
        %cond3A_193 = arith.cmpi ne, %convert_element_type3A_191, %cond3A_192 : i32
        scf.if %cond3A_193 {
        } else {
        }
        %rem3A_194 = arith.constant 2 : i32
        %rem3A_195 = arith.remui %scan3A_123, %rem3A_194 : i32
        %rem3A_196 = arith.constant 2 : i32
        %rem3A_197 = arith.remui %scan3A_124, %rem3A_196 : i32
        "tpu.trace_start"() <{level = 10 : i32, message = "ep_run_kernel"}> : () -> ()
        "tpu.region"() ({
          %run_scoped3A_263 = tpu.sem_alloc : memref<!tpu.dma_semaphore, #tpu.memory_space<semaphore_mem>>
          %run_scoped3A_264 = tpu.sem_alloc : memref<!tpu.dma_semaphore, #tpu.memory_space<semaphore_mem>>
          %dma_start3A_265 = arith.constant 0 : i32
          %dma_start3A_266 = arith.constant 0 : i32
          %dma_start3A_267 = arith.constant 0 : i32
          %dma_start3A_268 = tpu.memref_slice %run_scoped3A_8[%rem3A_197, %dma_start3A_266, %dma_start3A_267] : memref<2x128x256xf32, #tpu.memory_space<vmem>> -> memref<1x128x256xf32, #tpu.memory_space<vmem>>
          %dma_start3A_269 = tpu.memref_squeeze %dma_start3A_268 : memref<1x128x256xf32, #tpu.memory_space<vmem>> -> memref<128x256xf32, #tpu.memory_space<vmem>>
          %dma_start3A_270 = arith.constant 0 : i32
          %dma_start3A_271 = arith.constant 0 : i32
          %dma_start3A_272 = tpu.memref_slice %dma_start3A_269[%dma_start3A_270, %dma_start3A_271] : memref<128x256xf32, #tpu.memory_space<vmem>> -> memref<64x256xf32, #tpu.memory_space<vmem>>
          %dma_start3A_273 = arith.constant 0 : i32
          %dma_start3A_274 = arith.constant 0 : i32
          %dma_start3A_275 = tpu.memref_slice %run_scoped3A[%rem3A_195, %dma_start3A_273, %dma_start3A_274] : memref<2x1x128xi32, #tpu.memory_space<vmem>> -> memref<1x1x128xi32, #tpu.memory_space<vmem>>
          %dma_start3A_276 = tpu.memref_squeeze %dma_start3A_275 : memref<1x1x128xi32, #tpu.memory_space<vmem>> -> memref<1x128xi32, #tpu.memory_space<vmem>>
          %dma_start3A_277 = arith.constant 0 : i32
          %dma_start3A_278 = tpu.memref_slice %dma_start3A_276[%dma_start3A_265, %dma_start3A_277] : memref<1x128xi32, #tpu.memory_space<vmem>> -> memref<1x64xi32, #tpu.memory_space<vmem>>
          %dma_start3A_279 = tpu.memref_squeeze %dma_start3A_278 : memref<1x64xi32, #tpu.memory_space<vmem>> -> memref<64xi32, #tpu.memory_space<vmem>>
          %dma_start3A_280 = arith.constant 0 : i32
          %dma_start3A_281 = arith.constant 0 : i32
          %dma_start3A_282 = tpu.memref_slice %arg2[%dma_start3A_280, %dma_start3A_281] : memref<10000x256xf32, #tpu.memory_space<hbm>> -> memref<10000x256xf32, #tpu.memory_space<hbm>>
          tpu.enqueue_indirect_dma source(%dma_start3A_282 : memref<10000x256xf32, #tpu.memory_space<hbm>>) target(%dma_start3A_272 : memref<64x256xf32, #tpu.memory_space<vmem>>) offsets(%dma_start3A_279 : memref<64xi32, #tpu.memory_space<vmem>>) semaphore(%run_scoped3A_263 : memref<!tpu.dma_semaphore, #tpu.memory_space<semaphore_mem>>)
          %dma_start3A_283 = arith.constant 0 : i32
          %dma_start3A_284 = arith.constant 0 : i32
          %dma_start3A_285 = arith.constant 0 : i32
          %dma_start3A_286 = tpu.memref_slice %run_scoped3A_8[%rem3A_197, %dma_start3A_284, %dma_start3A_285] : memref<2x128x256xf32, #tpu.memory_space<vmem>> -> memref<1x128x256xf32, #tpu.memory_space<vmem>>
          %dma_start3A_287 = tpu.memref_squeeze %dma_start3A_286 : memref<1x128x256xf32, #tpu.memory_space<vmem>> -> memref<128x256xf32, #tpu.memory_space<vmem>>
          %dma_start3A_288 = arith.constant 64 : i32
          %dma_start3A_289 = arith.constant 0 : i32
          %dma_start3A_290 = tpu.memref_slice %dma_start3A_287[%dma_start3A_288, %dma_start3A_289] : memref<128x256xf32, #tpu.memory_space<vmem>> -> memref<64x256xf32, #tpu.memory_space<vmem>>
          %dma_start3A_291 = arith.constant 0 : i32
          %dma_start3A_292 = arith.constant 0 : i32
          %dma_start3A_293 = tpu.memref_slice %run_scoped3A[%rem3A_195, %dma_start3A_291, %dma_start3A_292] : memref<2x1x128xi32, #tpu.memory_space<vmem>> -> memref<1x1x128xi32, #tpu.memory_space<vmem>>
          %dma_start3A_294 = tpu.memref_squeeze %dma_start3A_293 : memref<1x1x128xi32, #tpu.memory_space<vmem>> -> memref<1x128xi32, #tpu.memory_space<vmem>>
          %dma_start3A_295 = arith.constant 64 : i32
          %dma_start3A_296 = tpu.memref_slice %dma_start3A_294[%dma_start3A_283, %dma_start3A_295] : memref<1x128xi32, #tpu.memory_space<vmem>> -> memref<1x64xi32, #tpu.memory_space<vmem>>
          %dma_start3A_297 = tpu.memref_squeeze %dma_start3A_296 : memref<1x64xi32, #tpu.memory_space<vmem>> -> memref<64xi32, #tpu.memory_space<vmem>>
          %dma_start3A_298 = arith.constant 0 : i32
          %dma_start3A_299 = arith.constant 0 : i32
          %dma_start3A_300 = tpu.memref_slice %arg2[%dma_start3A_298, %dma_start3A_299] : memref<10000x256xf32, #tpu.memory_space<hbm>> -> memref<10000x256xf32, #tpu.memory_space<hbm>>
          tpu.enqueue_indirect_dma source(%dma_start3A_300 : memref<10000x256xf32, #tpu.memory_space<hbm>>) target(%dma_start3A_290 : memref<64x256xf32, #tpu.memory_space<vmem>>) offsets(%dma_start3A_297 : memref<64xi32, #tpu.memory_space<vmem>>) semaphore(%run_scoped3A_264 : memref<!tpu.dma_semaphore, #tpu.memory_space<semaphore_mem>>)
          %dma_wait3A_301 = arith.constant 0 : i32
          %dma_wait3A_302 = arith.constant 0 : i32
          %dma_wait3A_303 = arith.constant 0 : i32
          %dma_wait3A_304 = tpu.memref_slice %run_scoped3A_8[%rem3A_197, %dma_wait3A_302, %dma_wait3A_303] : memref<2x128x256xf32, #tpu.memory_space<vmem>> -> memref<1x128x256xf32, #tpu.memory_space<vmem>>
          %dma_wait3A_305 = tpu.memref_squeeze %dma_wait3A_304 : memref<1x128x256xf32, #tpu.memory_space<vmem>> -> memref<128x256xf32, #tpu.memory_space<vmem>>
          %dma_wait3A_306 = arith.constant 0 : i32
          %dma_wait3A_307 = arith.constant 0 : i32
          %dma_wait3A_308 = tpu.memref_slice %dma_wait3A_305[%dma_wait3A_306, %dma_wait3A_307] : memref<128x256xf32, #tpu.memory_space<vmem>> -> memref<64x256xf32, #tpu.memory_space<vmem>>
          %dma_wait3A_309 = arith.constant 0 : i32
          %dma_wait3A_310 = arith.constant 0 : i32
          %dma_wait3A_311 = tpu.memref_slice %run_scoped3A[%rem3A_195, %dma_wait3A_309, %dma_wait3A_310] : memref<2x1x128xi32, #tpu.memory_space<vmem>> -> memref<1x1x128xi32, #tpu.memory_space<vmem>>
          %dma_wait3A_312 = tpu.memref_squeeze %dma_wait3A_311 : memref<1x1x128xi32, #tpu.memory_space<vmem>> -> memref<1x128xi32, #tpu.memory_space<vmem>>
          %dma_wait3A_313 = arith.constant 0 : i32
          %dma_wait3A_314 = tpu.memref_slice %dma_wait3A_312[%dma_wait3A_301, %dma_wait3A_313] : memref<1x128xi32, #tpu.memory_space<vmem>> -> memref<1x64xi32, #tpu.memory_space<vmem>>
          %dma_wait3A_315 = tpu.memref_squeeze %dma_wait3A_314 : memref<1x64xi32, #tpu.memory_space<vmem>> -> memref<64xi32, #tpu.memory_space<vmem>>
          %dma_wait3A_316 = arith.constant 0 : i32
          %dma_wait3A_317 = arith.constant 0 : i32
          %dma_wait3A_318 = tpu.memref_slice %arg2[%dma_wait3A_316, %dma_wait3A_317] : memref<10000x256xf32, #tpu.memory_space<hbm>> -> memref<10000x256xf32, #tpu.memory_space<hbm>>
          tpu.wait_indirect_dma semaphore(%run_scoped3A_263 : memref<!tpu.dma_semaphore, #tpu.memory_space<semaphore_mem>>) src(%dma_wait3A_318 : memref<10000x256xf32, #tpu.memory_space<hbm>>) dst(%dma_wait3A_308 : memref<64x256xf32, #tpu.memory_space<vmem>>)
          %dma_wait3A_319 = arith.constant 0 : i32
          %dma_wait3A_320 = arith.constant 0 : i32
          %dma_wait3A_321 = arith.constant 0 : i32
          %dma_wait3A_322 = tpu.memref_slice %run_scoped3A_8[%rem3A_197, %dma_wait3A_320, %dma_wait3A_321] : memref<2x128x256xf32, #tpu.memory_space<vmem>> -> memref<1x128x256xf32, #tpu.memory_space<vmem>>
          %dma_wait3A_323 = tpu.memref_squeeze %dma_wait3A_322 : memref<1x128x256xf32, #tpu.memory_space<vmem>> -> memref<128x256xf32, #tpu.memory_space<vmem>>
          %dma_wait3A_324 = arith.constant 64 : i32
          %dma_wait3A_325 = arith.constant 0 : i32
          %dma_wait3A_326 = tpu.memref_slice %dma_wait3A_323[%dma_wait3A_324, %dma_wait3A_325] : memref<128x256xf32, #tpu.memory_space<vmem>> -> memref<64x256xf32, #tpu.memory_space<vmem>>
          %dma_wait3A_327 = arith.constant 0 : i32
          %dma_wait3A_328 = arith.constant 0 : i32
          %dma_wait3A_329 = tpu.memref_slice %run_scoped3A[%rem3A_195, %dma_wait3A_327, %dma_wait3A_328] : memref<2x1x128xi32, #tpu.memory_space<vmem>> -> memref<1x1x128xi32, #tpu.memory_space<vmem>>
          %dma_wait3A_330 = tpu.memref_squeeze %dma_wait3A_329 : memref<1x1x128xi32, #tpu.memory_space<vmem>> -> memref<1x128xi32, #tpu.memory_space<vmem>>
          %dma_wait3A_331 = arith.constant 64 : i32
          %dma_wait3A_332 = tpu.memref_slice %dma_wait3A_330[%dma_wait3A_319, %dma_wait3A_331] : memref<1x128xi32, #tpu.memory_space<vmem>> -> memref<1x64xi32, #tpu.memory_space<vmem>>
          %dma_wait3A_333 = tpu.memref_squeeze %dma_wait3A_332 : memref<1x64xi32, #tpu.memory_space<vmem>> -> memref<64xi32, #tpu.memory_space<vmem>>
          %dma_wait3A_334 = arith.constant 0 : i32
          %dma_wait3A_335 = arith.constant 0 : i32
          %dma_wait3A_336 = tpu.memref_slice %arg2[%dma_wait3A_334, %dma_wait3A_335] : memref<10000x256xf32, #tpu.memory_space<hbm>> -> memref<10000x256xf32, #tpu.memory_space<hbm>>
          tpu.wait_indirect_dma semaphore(%run_scoped3A_264 : memref<!tpu.dma_semaphore, #tpu.memory_space<semaphore_mem>>) src(%dma_wait3A_336 : memref<10000x256xf32, #tpu.memory_space<hbm>>) dst(%dma_wait3A_326 : memref<64x256xf32, #tpu.memory_space<vmem>>)
          tpu.yield
        }) : () -> ()
        "tpu.trace_stop"() : () -> ()
        %ne3A_198 = arith.cmpi ne, %add3A_131, %add3A_149 : i32
        %or3A_199 = arith.constant false
        %or3A_200 = arith.ori %or3A_199, %ne3A_198 : i1
        %or3A_201 = arith.ori %or3A_200, %eq3A_130 : i1
        %convert_element_type3A_202 = arith.extui %or3A_201 : i1 to i32
        %cond3A_203 = arith.constant 0 : i32
        %cond3A_204 = arith.cmpi ne, %convert_element_type3A_202, %cond3A_203 : i32
        scf.if %cond3A_204 {
        } else {
        }
        %and3A_205 = arith.constant false
        %and3A_206 = arith.andi %or3A_201, %and3A_205 : i1
        %ne3A_207 = arith.cmpi ne, %add3A_131, %add3A_149 : i32
        %or3A_208 = arith.constant false
        %or3A_209 = arith.ori %or3A_208, %ne3A_207 : i1
        %or3A_210 = arith.constant false
        %or3A_211 = arith.ori %or3A_209, %or3A_210 : i1
        %or3A_212 = arith.ori %or3A_211, %eq3A_130 : i1
        %convert_element_type3A_213 = arith.extui %or3A_212 : i1 to i32
        %cond3A_214 = arith.constant 0 : i32
        %cond3A_215 = arith.cmpi ne, %convert_element_type3A_213, %cond3A_214 : i32
        scf.if %cond3A_215 {
          "tpu.trace_start"() <{level = 10 : i32, message = "ep_copy_out"}> : () -> ()
          %rem3A_263 = arith.constant 2 : i32
          %rem3A_264 = arith.remui %scan3A_124, %rem3A_263 : i32
          %mul3A_265 = arith.constant 128 : i32
          %mul3A_266 = arith.muli %mul3A_265, %add3A_131 : i32
          %dma_start3A_267 = arith.constant 0 : i32
          %dma_start3A_268 = arith.constant 0 : i32
          %dma_start3A_269 = tpu.memref_slice %run_scoped3A_8[%rem3A_264, %dma_start3A_267, %dma_start3A_268] : memref<2x128x256xf32, #tpu.memory_space<vmem>> -> memref<1x128x256xf32, #tpu.memory_space<vmem>>
          %dma_start3A_270 = tpu.memref_squeeze %dma_start3A_269 : memref<1x128x256xf32, #tpu.memory_space<vmem>> -> memref<128x256xf32, #tpu.memory_space<vmem>>
          %dma_start3A_271 = arith.constant 0 : i32
          %dma_start3A_272 = tpu.memref_slice %arg4[%mul3A_266, %dma_start3A_271] : memref<81920x256xf32, #tpu.memory_space<hbm>> -> memref<128x256xf32, #tpu.memory_space<hbm>>
          %dma_start3A_273 = tpu.memref_slice %run_scoped3A_9[%rem3A_264] : memref<2x!tpu.dma_semaphore, #tpu.memory_space<semaphore_mem>> -> memref<1x!tpu.dma_semaphore, #tpu.memory_space<semaphore_mem>>
          %dma_start3A_274 = tpu.memref_squeeze %dma_start3A_273 : memref<1x!tpu.dma_semaphore, #tpu.memory_space<semaphore_mem>> -> memref<!tpu.dma_semaphore, #tpu.memory_space<semaphore_mem>>
          %dma_start3A_275 = arith.constant 0 : i32
          %dma_start3A_276 = tpu.memref_slice %arg4[%mul3A_266, %dma_start3A_275] : memref<81920x256xf32, #tpu.memory_space<hbm>> -> memref<128x256xf32, #tpu.memory_space<hbm>>
          %dma_start3A_277 = arith.constant 0 : i32
          %dma_start3A_278 = arith.constant 0 : i32
          %dma_start3A_279 = tpu.memref_slice %run_scoped3A_8[%rem3A_264, %dma_start3A_277, %dma_start3A_278] : memref<2x128x256xf32, #tpu.memory_space<vmem>> -> memref<1x128x256xf32, #tpu.memory_space<vmem>>
          %dma_start3A_280 = tpu.memref_squeeze %dma_start3A_279 : memref<1x128x256xf32, #tpu.memory_space<vmem>> -> memref<128x256xf32, #tpu.memory_space<vmem>>
          tpu.enqueue_dma source(%dma_start3A_280 : memref<128x256xf32, #tpu.memory_space<vmem>>) target(%dma_start3A_276 : memref<128x256xf32, #tpu.memory_space<hbm>>) target_semaphore(%dma_start3A_274 : memref<!tpu.dma_semaphore, #tpu.memory_space<semaphore_mem>>)
          "tpu.trace_stop"() : () -> ()
        } else {
        }
        %and3A_216 = arith.constant true
        %and3A_217 = arith.andi %or3A_212, %and3A_216 : i1
        %add3A_218 = arith.constant 1 : i32
        %add3A_219 = arith.addi %scan3A_124, %add3A_218 : i32
        %select_n3A_220 = arith.select %and3A_217, %add3A_219, %scan3A_124 : i32
        %ne3A_221 = arith.cmpi ne, %add3A_131, %add3A_140 : i32
        %or3A_222 = arith.constant false
        %or3A_223 = arith.ori %or3A_222, %ne3A_221 : i1
        %not3A_224 = arith.constant true
        %not3A_225 = arith.xori %eq3A_128, %not3A_224 : i1
        %and3A_226 = arith.andi %or3A_223, %not3A_225 : i1
        %convert_element_type3A_227 = arith.extui %and3A_226 : i1 to i32
        %cond3A_228 = arith.constant 0 : i32
        %cond3A_229 = arith.cmpi ne, %convert_element_type3A_227, %cond3A_228 : i32
        scf.if %cond3A_229 {
        } else {
        }
        %and3A_230 = arith.constant false
        %and3A_231 = arith.andi %and3A_226, %and3A_230 : i1
        %ne3A_232 = arith.cmpi ne, %add3A_131, %add3A_140 : i32
        %or3A_233 = arith.constant false
        %or3A_234 = arith.ori %or3A_233, %ne3A_232 : i1
        %or3A_235 = arith.constant false
        %or3A_236 = arith.ori %or3A_234, %or3A_235 : i1
        %not3A_237 = arith.constant true
        %not3A_238 = arith.xori %eq3A_128, %not3A_237 : i1
        %and3A_239 = arith.andi %or3A_236, %not3A_238 : i1
        %convert_element_type3A_240 = arith.extui %and3A_239 : i1 to i32
        %cond3A_241 = arith.constant 0 : i32
        %cond3A_242 = arith.cmpi ne, %convert_element_type3A_240, %cond3A_241 : i32
        scf.if %cond3A_242 {
          "tpu.trace_start"() <{level = 10 : i32, message = "ep_wait_out"}> : () -> ()
          %rem3A_263 = arith.constant 2 : i32
          %rem3A_264 = arith.remui %scan3A_125, %rem3A_263 : i32
          %mul3A_265 = arith.constant 128 : i32
          %mul3A_266 = arith.muli %mul3A_265, %add3A_140 : i32
          %dma_wait3A_267 = arith.constant 0 : i32
          %dma_wait3A_268 = arith.constant 0 : i32
          %dma_wait3A_269 = tpu.memref_slice %run_scoped3A_8[%rem3A_264, %dma_wait3A_267, %dma_wait3A_268] : memref<2x128x256xf32, #tpu.memory_space<vmem>> -> memref<1x128x256xf32, #tpu.memory_space<vmem>>
          %dma_wait3A_270 = tpu.memref_squeeze %dma_wait3A_269 : memref<1x128x256xf32, #tpu.memory_space<vmem>> -> memref<128x256xf32, #tpu.memory_space<vmem>>
          %dma_wait3A_271 = arith.constant 0 : i32
          %dma_wait3A_272 = tpu.memref_slice %arg4[%mul3A_266, %dma_wait3A_271] : memref<81920x256xf32, #tpu.memory_space<hbm>> -> memref<128x256xf32, #tpu.memory_space<hbm>>
          %dma_wait3A_273 = tpu.memref_slice %run_scoped3A_9[%rem3A_264] : memref<2x!tpu.dma_semaphore, #tpu.memory_space<semaphore_mem>> -> memref<1x!tpu.dma_semaphore, #tpu.memory_space<semaphore_mem>>
          %dma_wait3A_274 = tpu.memref_squeeze %dma_wait3A_273 : memref<1x!tpu.dma_semaphore, #tpu.memory_space<semaphore_mem>> -> memref<!tpu.dma_semaphore, #tpu.memory_space<semaphore_mem>>
          %dma_wait3A_275 = arith.constant 0 : i32
          %dma_wait3A_276 = tpu.memref_slice %arg4[%mul3A_266, %dma_wait3A_275] : memref<81920x256xf32, #tpu.memory_space<hbm>> -> memref<128x256xf32, #tpu.memory_space<hbm>>
          %dma_wait3A_277 = arith.constant 0 : i32
          %dma_wait3A_278 = arith.constant 0 : i32
          %dma_wait3A_279 = tpu.memref_slice %run_scoped3A_8[%rem3A_264, %dma_wait3A_277, %dma_wait3A_278] : memref<2x128x256xf32, #tpu.memory_space<vmem>> -> memref<1x128x256xf32, #tpu.memory_space<vmem>>
          %dma_wait3A_280 = tpu.memref_squeeze %dma_wait3A_279 : memref<1x128x256xf32, #tpu.memory_space<vmem>> -> memref<128x256xf32, #tpu.memory_space<vmem>>
          tpu.wait_dma2 semaphore(%dma_wait3A_274 : memref<!tpu.dma_semaphore, #tpu.memory_space<semaphore_mem>>) src(%dma_wait3A_280 : memref<128x256xf32, #tpu.memory_space<vmem>>) dst(%dma_wait3A_276 : memref<128x256xf32, #tpu.memory_space<hbm>>)
          "tpu.trace_stop"() : () -> ()
        } else {
        }
        %and3A_243 = arith.constant true
        %and3A_244 = arith.andi %and3A_239, %and3A_243 : i1
        %add3A_245 = arith.constant 1 : i32
        %add3A_246 = arith.addi %scan3A_125, %add3A_245 : i32
        %select_n3A_247 = arith.select %and3A_244, %add3A_246, %scan3A_125 : i32
        %ne3A_248 = arith.cmpi ne, %add3A_131, %add3A_149 : i32
        %or3A_249 = arith.constant false
        %or3A_250 = arith.ori %or3A_249, %ne3A_248 : i1
        %or3A_251 = arith.ori %or3A_250, %eq3A_130 : i1
        %add3A_252 = arith.constant 1 : i32
        %add3A_253 = arith.addi %scan3A_123, %add3A_252 : i32
        %select_n3A_254 = arith.select %or3A_251, %add3A_253, %scan3A_123 : i32
        %add3A_255 = arith.constant 1 : i32
        %add3A_256 = arith.addi %scan3A_126, %add3A_255 : i32
        %select_n3A_257 = arith.constant true
        %select_n3A_258 = arith.select %select_n3A_257, %add3A_256, %scan3A_126 : i32
        %eq3A_259 = arith.constant 20 : i32
        %eq3A_260 = arith.cmpi eq, %select_n3A_258, %eq3A_259 : i32
        %select_n3A_261 = arith.constant 0 : i32
        %select_n3A_262 = arith.select %eq3A_260, %select_n3A_261, %select_n3A_258 : i32
        scf.yield %select_n3A_167, %select_n3A_254, %select_n3A_220, %select_n3A_247, %select_n3A_262 : i32, i32, i32, i32, i32
      }
      %scan3A_68 = arith.constant 20 : i32
      %sub3A = arith.constant 1 : i32
      %sub3A_69 = arith.subi %scan3A_67#4, %sub3A : i32
      %select_n3A_70 = arith.constant true
      %select_n3A_71 = arith.select %select_n3A_70, %sub3A_69, %scan3A_67#4 : i32
      %eq3A_72 = arith.constant -1 : i32
      %eq3A_73 = arith.cmpi eq, %select_n3A_71, %eq3A_72 : i32
      %select_n3A_74 = arith.constant 19 : i32
      %select_n3A_75 = arith.select %eq3A_73, %select_n3A_74, %select_n3A_71 : i32
      %add3A_76 = arith.addi %select_n3A_75, %mul3A_6 : i32
      %sub3A_77 = arith.constant 1 : i32
      %sub3A_78 = arith.subi %select_n3A_75, %sub3A_77 : i32
      %select_n3A_79 = arith.constant true
      %select_n3A_80 = arith.select %select_n3A_79, %sub3A_78, %select_n3A_75 : i32
      %eq3A_81 = arith.constant -1 : i32
      %eq3A_82 = arith.cmpi eq, %select_n3A_80, %eq3A_81 : i32
      %select_n3A_83 = arith.constant 19 : i32
      %select_n3A_84 = arith.select %eq3A_82, %select_n3A_83, %select_n3A_80 : i32
      %add3A_85 = arith.addi %select_n3A_84, %mul3A_6 : i32
      %add3A_86 = arith.constant 1 : i32
      %add3A_87 = arith.addi %select_n3A_75, %add3A_86 : i32
      %select_n3A_88 = arith.constant true
      %select_n3A_89 = arith.select %select_n3A_88, %add3A_87, %select_n3A_75 : i32
      %eq3A_90 = arith.constant 20 : i32
      %eq3A_91 = arith.cmpi eq, %select_n3A_89, %eq3A_90 : i32
      %select_n3A_92 = arith.constant 0 : i32
      %select_n3A_93 = arith.select %eq3A_91, %select_n3A_92, %select_n3A_89 : i32
      %add3A_94 = arith.addi %select_n3A_93, %mul3A_6 : i32
      %add3A_95 = arith.constant 1 : i32
      %add3A_96 = arith.addi %select_n3A_93, %add3A_95 : i32
      %select_n3A_97 = arith.constant true
      %select_n3A_98 = arith.select %select_n3A_97, %add3A_96, %select_n3A_93 : i32
      %eq3A_99 = arith.constant 20 : i32
      %eq3A_100 = arith.cmpi eq, %select_n3A_98, %eq3A_99 : i32
      %select_n3A_101 = arith.constant 0 : i32
      %select_n3A_102 = arith.select %eq3A_100, %select_n3A_101, %select_n3A_98 : i32
      %add3A_103 = arith.addi %select_n3A_102, %mul3A_6 : i32
      "tpu.trace_start"() <{level = 10 : i32, message = "ep_finalize"}> : () -> ()
      %rem3A_104 = arith.constant 2 : i32
      %rem3A_105 = arith.remui %scan3A_67#3, %rem3A_104 : i32
      %mul3A_106 = arith.constant 128 : i32
      %mul3A_107 = arith.muli %mul3A_106, %add3A_76 : i32
      %dma_wait3A = arith.constant 0 : i32
      %dma_wait3A_108 = arith.constant 0 : i32
      %dma_wait3A_109 = tpu.memref_slice %run_scoped3A_8[%rem3A_105, %dma_wait3A, %dma_wait3A_108] : memref<2x128x256xf32, #tpu.memory_space<vmem>> -> memref<1x128x256xf32, #tpu.memory_space<vmem>>
      %dma_wait3A_110 = tpu.memref_squeeze %dma_wait3A_109 : memref<1x128x256xf32, #tpu.memory_space<vmem>> -> memref<128x256xf32, #tpu.memory_space<vmem>>
      %dma_wait3A_111 = arith.constant 0 : i32
      %dma_wait3A_112 = tpu.memref_slice %arg4[%mul3A_107, %dma_wait3A_111] : memref<81920x256xf32, #tpu.memory_space<hbm>> -> memref<128x256xf32, #tpu.memory_space<hbm>>
      %dma_wait3A_113 = tpu.memref_slice %run_scoped3A_9[%rem3A_105] : memref<2x!tpu.dma_semaphore, #tpu.memory_space<semaphore_mem>> -> memref<1x!tpu.dma_semaphore, #tpu.memory_space<semaphore_mem>>
      %dma_wait3A_114 = tpu.memref_squeeze %dma_wait3A_113 : memref<1x!tpu.dma_semaphore, #tpu.memory_space<semaphore_mem>> -> memref<!tpu.dma_semaphore, #tpu.memory_space<semaphore_mem>>
      %dma_wait3A_115 = arith.constant 0 : i32
      %dma_wait3A_116 = tpu.memref_slice %arg4[%mul3A_107, %dma_wait3A_115] : memref<81920x256xf32, #tpu.memory_space<hbm>> -> memref<128x256xf32, #tpu.memory_space<hbm>>
      %dma_wait3A_117 = arith.constant 0 : i32
      %dma_wait3A_118 = arith.constant 0 : i32
      %dma_wait3A_119 = tpu.memref_slice %run_scoped3A_8[%rem3A_105, %dma_wait3A_117, %dma_wait3A_118] : memref<2x128x256xf32, #tpu.memory_space<vmem>> -> memref<1x128x256xf32, #tpu.memory_space<vmem>>
      %dma_wait3A_120 = tpu.memref_squeeze %dma_wait3A_119 : memref<1x128x256xf32, #tpu.memory_space<vmem>> -> memref<128x256xf32, #tpu.memory_space<vmem>>
      tpu.wait_dma2 semaphore(%dma_wait3A_114 : memref<!tpu.dma_semaphore, #tpu.memory_space<semaphore_mem>>) src(%dma_wait3A_120 : memref<128x256xf32, #tpu.memory_space<vmem>>) dst(%dma_wait3A_116 : memref<128x256xf32, #tpu.memory_space<hbm>>)
      "tpu.trace_stop"() : () -> ()
      tpu.yield
    }) : () -> ()
    return
  }
}

#map = affine_map<(d0, d1) -> (0, 0)>
module attributes {stable_mosaic.version = 14 : i64} {
  func.func @gk(%arg0: i32, %arg1: i32, %arg2: memref<10000x256xf32, #tpu.memory_space<hbm>>, %arg3: memref<1x81920xi32, #tpu.memory_space<hbm>>, %arg4: memref<81920x256xf32, #tpu.memory_space<hbm>>) attributes {dimension_semantics = [#tpu.dimension_semantics<core_parallel>, #tpu.dimension_semantics<subcore_parallel>], iteration_bounds = array<i64: 2, 16>, scalar_prefetch = 0 : i64, scratch_operands = 0 : i64, tpu.core_type = #tpu.core_type<sc_vector_subcore>, window_params = [{transform_indices = #map}, {transform_indices = #map}, {transform_indices = #map}]} {
    %mul3A = arith.constant 1 : i32
    %mul3A_0 = arith.muli %arg1, %mul3A : i32
    %add3A = arith.constant 0 : i32
    %add3A_1 = arith.addi %add3A, %mul3A_0 : i32
    %mul3A_2 = arith.constant 16 : i32
    %mul3A_3 = arith.muli %arg0, %mul3A_2 : i32
    %add3A_4 = arith.addi %add3A_1, %mul3A_3 : i32
    %mul3A_5 = arith.constant 20 : i32
    %mul3A_6 = arith.muli %add3A_4, %mul3A_5 : i32
    "tpu.region"() ({
      %run_scoped3A = memref.alloca() : memref<2x1x128xi32, #tpu.memory_space<vmem>>
      %run_scoped3A_7 = tpu.sem_alloc : memref<2x!tpu.dma_semaphore, #tpu.memory_space<semaphore_mem>>
      %run_scoped3A_8 = memref.alloca() : memref<2x128x256xf32, #tpu.memory_space<vmem>>
      %run_scoped3A_9 = tpu.sem_alloc : memref<2x!tpu.dma_semaphore, #tpu.memory_space<semaphore_mem>>
      %add3A_10 = arith.constant 0 : i32
      %add3A_11 = arith.addi %add3A_10, %mul3A_6 : i32
      %select_n3A = arith.constant true
      %select_n3A_12 = arith.constant 0 : i32
      %select_n3A_13 = arith.constant -1 : i32
      %select_n3A_14 = arith.select %select_n3A, %select_n3A_13, %select_n3A_12 : i32
      %eq3A = arith.constant -1 : i32
      %eq3A_15 = arith.cmpi eq, %select_n3A_14, %eq3A : i32
      %select_n3A_16 = arith.constant 19 : i32
      %select_n3A_17 = arith.select %eq3A_15, %select_n3A_16, %select_n3A_14 : i32
      %add3A_18 = arith.addi %select_n3A_17, %mul3A_6 : i32
      %select_n3A_19 = arith.constant true
      %select_n3A_20 = arith.constant 0 : i32
      %select_n3A_21 = arith.constant 1 : i32
      %select_n3A_22 = arith.select %select_n3A_19, %select_n3A_21, %select_n3A_20 : i32
      %eq3A_23 = arith.constant 20 : i32
      %eq3A_24 = arith.cmpi eq, %select_n3A_22, %eq3A_23 : i32
      %select_n3A_25 = arith.constant 0 : i32
      %select_n3A_26 = arith.select %eq3A_24, %select_n3A_25, %select_n3A_22 : i32
      %add3A_27 = arith.addi %select_n3A_26, %mul3A_6 : i32
      %add3A_28 = arith.constant 1 : i32
      %add3A_29 = arith.addi %select_n3A_26, %add3A_28 : i32
      %select_n3A_30 = arith.constant true
      %select_n3A_31 = arith.select %select_n3A_30, %add3A_29, %select_n3A_26 : i32
      %eq3A_32 = arith.constant 20 : i32
      %eq3A_33 = arith.cmpi eq, %select_n3A_31, %eq3A_32 : i32
      %select_n3A_34 = arith.constant 0 : i32
      %select_n3A_35 = arith.select %eq3A_33, %select_n3A_34, %select_n3A_31 : i32
      %add3A_36 = arith.addi %select_n3A_35, %mul3A_6 : i32
      "tpu.trace_start"() <{level = 10 : i32, message = "ep_initialize_0"}> : () -> ()
      %rem3A = arith.constant 0 : i32
      %rem3A_37 = arith.constant 2 : i32
      %rem3A_38 = arith.remui %rem3A, %rem3A_37 : i32
      %mul3A_39 = arith.constant 128 : i32
      %mul3A_40 = arith.muli %mul3A_39, %add3A_11 : i32
      %dma_start3A = arith.constant 0 : i32
      %dma_start3A_41 = arith.constant 0 : i32
      %dma_start3A_42 = tpu.memref_slice %run_scoped3A[%rem3A_38, %dma_start3A, %dma_start3A_41] : memref<2x1x128xi32, #tpu.memory_space<vmem>> -> memref<1x1x128xi32, #tpu.memory_space<vmem>>
      %dma_start3A_43 = tpu.memref_squeeze %dma_start3A_42 : memref<1x1x128xi32, #tpu.memory_space<vmem>> -> memref<1x128xi32, #tpu.memory_space<vmem>>
      %dma_start3A_44 = arith.constant 0 : i32
      %dma_start3A_45 = tpu.memref_slice %arg3[%dma_start3A_44, %mul3A_40] : memref<1x81920xi32, #tpu.memory_space<hbm>> -> memref<1x128xi32, #tpu.memory_space<hbm>>
      %dma_start3A_46 = tpu.memref_slice %run_scoped3A_7[%rem3A_38] : memref<2x!tpu.dma_semaphore, #tpu.memory_space<semaphore_mem>> -> memref<1x!tpu.dma_semaphore, #tpu.memory_space<semaphore_mem>>
      %dma_start3A_47 = tpu.memref_squeeze %dma_start3A_46 : memref<1x!tpu.dma_semaphore, #tpu.memory_space<semaphore_mem>> -> memref<!tpu.dma_semaphore, #tpu.memory_space<semaphore_mem>>
      %dma_start3A_48 = arith.constant 0 : i32
      %dma_start3A_49 = arith.constant 0 : i32
      %dma_start3A_50 = tpu.memref_slice %run_scoped3A[%rem3A_38, %dma_start3A_48, %dma_start3A_49] : memref<2x1x128xi32, #tpu.memory_space<vmem>> -> memref<1x1x128xi32, #tpu.memory_space<vmem>>
      %dma_start3A_51 = tpu.memref_squeeze %dma_start3A_50 : memref<1x1x128xi32, #tpu.memory_space<vmem>> -> memref<1x128xi32, #tpu.memory_space<vmem>>
      %dma_start3A_52 = arith.constant 0 : i32
      %dma_start3A_53 = tpu.memref_slice %arg3[%dma_start3A_52, %mul3A_40] : memref<1x81920xi32, #tpu.memory_space<hbm>> -> memref<1x128xi32, #tpu.memory_space<hbm>>
      tpu.enqueue_dma source(%dma_start3A_53 : memref<1x128xi32, #tpu.memory_space<hbm>>) target(%dma_start3A_51 : memref<1x128xi32, #tpu.memory_space<vmem>>) target_semaphore(%dma_start3A_47 : memref<!tpu.dma_semaphore, #tpu.memory_space<semaphore_mem>>)
      %add3A_54 = arith.constant 0 : i32
      %add3A_55 = arith.constant 1 : i32
      %add3A_56 = arith.addi %add3A_54, %add3A_55 : i32
      %select_n3A_57 = arith.constant true
      %select_n3A_58 = arith.constant 0 : i32
      %select_n3A_59 = arith.select %select_n3A_57, %add3A_56, %select_n3A_58 : i32
      "tpu.trace_stop"() : () -> ()
      %scan3A = arith.constant 0 : i32
      %scan3A_60 = arith.constant 0 : i32
      %scan3A_61 = arith.constant 0 : i32
      %scan3A_62 = arith.constant 0 : i32
      %scan3A_63 = arith.constant 0 : i32
      %scan3A_64 = arith.constant 20 : i32
      %scan3A_65 = arith.addi %scan3A_63, %scan3A_64 : i32
      %scan3A_66 = arith.constant 1 : i32
      %scan3A_67:5 = scf.for %scan3A_121 = %scan3A_63 to %scan3A_65 step %scan3A_66 iter_args(%scan3A_122 = %select_n3A_59, %scan3A_123 = %scan3A, %scan3A_124 = %scan3A_60, %scan3A_125 = %scan3A_61, %scan3A_126 = %scan3A_62) -> (i32, i32, i32, i32, i32)  : i32 {
        %eq3A_127 = arith.constant 0 : i32
        %eq3A_128 = arith.cmpi eq, %scan3A_121, %eq3A_127 : i32
        %eq3A_129 = arith.constant 19 : i32
        %eq3A_130 = arith.cmpi eq, %scan3A_121, %eq3A_129 : i32
        %add3A_131 = arith.addi %scan3A_126, %mul3A_6 : i32
        %sub3A_132 = arith.constant 1 : i32
        %sub3A_133 = arith.subi %scan3A_126, %sub3A_132 : i32
        %select_n3A_134 = arith.constant true
        %select_n3A_135 = arith.select %select_n3A_134, %sub3A_133, %scan3A_126 : i32
        %eq3A_136 = arith.constant -1 : i32
        %eq3A_137 = arith.cmpi eq, %select_n3A_135, %eq3A_136 : i32
        %select_n3A_138 = arith.constant 19 : i32
        %select_n3A_139 = arith.select %eq3A_137, %select_n3A_138, %select_n3A_135 : i32
        %add3A_140 = arith.addi %select_n3A_139, %mul3A_6 : i32
        %add3A_141 = arith.constant 1 : i32
        %add3A_142 = arith.addi %scan3A_126, %add3A_141 : i32
        %select_n3A_143 = arith.constant true
        %select_n3A_144 = arith.select %select_n3A_143, %add3A_142, %scan3A_126 : i32
        %eq3A_145 = arith.constant 20 : i32
        %eq3A_146 = arith.cmpi eq, %select_n3A_144, %eq3A_145 : i32
        %select_n3A_147 = arith.constant 0 : i32
        %select_n3A_148 = arith.select %eq3A_146, %select_n3A_147, %select_n3A_144 : i32
        %add3A_149 = arith.addi %select_n3A_148, %mul3A_6 : i32
        %add3A_150 = arith.constant 1 : i32
        %add3A_151 = arith.addi %select_n3A_148, %add3A_150 : i32
        %select_n3A_152 = arith.constant true
        %select_n3A_153 = arith.select %select_n3A_152, %add3A_151, %select_n3A_148 : i32
        %eq3A_154 = arith.constant 20 : i32
        %eq3A_155 = arith.cmpi eq, %select_n3A_153, %eq3A_154 : i32
        %select_n3A_156 = arith.constant 0 : i32
        %select_n3A_157 = arith.select %eq3A_155, %select_n3A_156, %select_n3A_153 : i32
        %add3A_158 = arith.addi %select_n3A_157, %mul3A_6 : i32
        %ne3A = arith.cmpi ne, %add3A_131, %add3A_149 : i32
        %or3A = arith.constant false
        %or3A_159 = arith.ori %or3A, %ne3A : i1
        %ge3A = arith.constant 19 : i32
        %ge3A_160 = arith.cmpi sge, %scan3A_121, %ge3A : i32
        %not3A = arith.constant true
        %not3A_161 = arith.xori %ge3A_160, %not3A : i1
        %and3A = arith.andi %or3A_159, %not3A_161 : i1
        %convert_element_type3A = arith.extui %and3A : i1 to i32
        %cond3A = arith.constant 0 : i32
        %cond3A_162 = arith.cmpi ne, %convert_element_type3A, %cond3A : i32
        scf.if %cond3A_162 {
          "tpu.trace_start"() <{level = 10 : i32, message = "ep_copy_in"}> : () -> ()
          %rem3A_263 = arith.constant 2 : i32
          %rem3A_264 = arith.remui %scan3A_122, %rem3A_263 : i32
          %mul3A_265 = arith.constant 128 : i32
          %mul3A_266 = arith.muli %mul3A_265, %add3A_149 : i32
          %dma_start3A_267 = arith.constant 0 : i32
          %dma_start3A_268 = arith.constant 0 : i32
          %dma_start3A_269 = tpu.memref_slice %run_scoped3A[%rem3A_264, %dma_start3A_267, %dma_start3A_268] : memref<2x1x128xi32, #tpu.memory_space<vmem>> -> memref<1x1x128xi32, #tpu.memory_space<vmem>>
          %dma_start3A_270 = tpu.memref_squeeze %dma_start3A_269 : memref<1x1x128xi32, #tpu.memory_space<vmem>> -> memref<1x128xi32, #tpu.memory_space<vmem>>
          %dma_start3A_271 = arith.constant 0 : i32
          %dma_start3A_272 = tpu.memref_slice %arg3[%dma_start3A_271, %mul3A_266] : memref<1x81920xi32, #tpu.memory_space<hbm>> -> memref<1x128xi32, #tpu.memory_space<hbm>>
          %dma_start3A_273 = tpu.memref_slice %run_scoped3A_7[%rem3A_264] : memref<2x!tpu.dma_semaphore, #tpu.memory_space<semaphore_mem>> -> memref<1x!tpu.dma_semaphore, #tpu.memory_space<semaphore_mem>>
          %dma_start3A_274 = tpu.memref_squeeze %dma_start3A_273 : memref<1x!tpu.dma_semaphore, #tpu.memory_space<semaphore_mem>> -> memref<!tpu.dma_semaphore, #tpu.memory_space<semaphore_mem>>
          %dma_start3A_275 = arith.constant 0 : i32
          %dma_start3A_276 = arith.constant 0 : i32
          %dma_start3A_277 = tpu.memref_slice %run_scoped3A[%rem3A_264, %dma_start3A_275, %dma_start3A_276] : memref<2x1x128xi32, #tpu.memory_space<vmem>> -> memref<1x1x128xi32, #tpu.memory_space<vmem>>
          %dma_start3A_278 = tpu.memref_squeeze %dma_start3A_277 : memref<1x1x128xi32, #tpu.memory_space<vmem>> -> memref<1x128xi32, #tpu.memory_space<vmem>>
          %dma_start3A_279 = arith.constant 0 : i32
          %dma_start3A_280 = tpu.memref_slice %arg3[%dma_start3A_279, %mul3A_266] : memref<1x81920xi32, #tpu.memory_space<hbm>> -> memref<1x128xi32, #tpu.memory_space<hbm>>
          tpu.enqueue_dma source(%dma_start3A_280 : memref<1x128xi32, #tpu.memory_space<hbm>>) target(%dma_start3A_278 : memref<1x128xi32, #tpu.memory_space<vmem>>) target_semaphore(%dma_start3A_274 : memref<!tpu.dma_semaphore, #tpu.memory_space<semaphore_mem>>)
          "tpu.trace_stop"() : () -> ()
        } else {
        }
        %and3A_163 = arith.constant true
        %and3A_164 = arith.andi %and3A, %and3A_163 : i1
        %add3A_165 = arith.constant 1 : i32
        %add3A_166 = arith.addi %scan3A_122, %add3A_165 : i32
        %select_n3A_167 = arith.select %and3A_164, %add3A_166, %scan3A_122 : i32
        %ne3A_168 = arith.cmpi ne, %add3A_131, %add3A_149 : i32
        %or3A_169 = arith.constant false
        %or3A_170 = arith.ori %or3A_169, %ne3A_168 : i1
        %or3A_171 = arith.constant false
        %or3A_172 = arith.ori %or3A_170, %or3A_171 : i1
        %ge3A_173 = arith.constant 19 : i32
        %ge3A_174 = arith.cmpi sge, %scan3A_121, %ge3A_173 : i32
        %not3A_175 = arith.constant true
        %not3A_176 = arith.xori %ge3A_174, %not3A_175 : i1
        %and3A_177 = arith.andi %or3A_172, %not3A_176 : i1
        %ne3A_178 = arith.cmpi ne, %add3A_131, %add3A_140 : i32
        %or3A_179 = arith.constant false
        %or3A_180 = arith.ori %or3A_179, %ne3A_178 : i1
        %or3A_181 = arith.ori %or3A_180, %eq3A_128 : i1
        %convert_element_type3A_182 = arith.extui %or3A_181 : i1 to i32
        %cond3A_183 = arith.constant 0 : i32
        %cond3A_184 = arith.cmpi ne, %convert_element_type3A_182, %cond3A_183 : i32
        scf.if %cond3A_184 {
          "tpu.trace_start"() <{level = 10 : i32, message = "ep_wait_in"}> : () -> ()
          %mul3A_263 = arith.constant 128 : i32
          %mul3A_264 = arith.muli %mul3A_263, %add3A_131 : i32
          %rem3A_265 = arith.constant 2 : i32
          %rem3A_266 = arith.remui %scan3A_123, %rem3A_265 : i32
          %dma_wait3A_267 = arith.constant 0 : i32
          %dma_wait3A_268 = arith.constant 0 : i32
          %dma_wait3A_269 = tpu.memref_slice %run_scoped3A[%rem3A_266, %dma_wait3A_267, %dma_wait3A_268] : memref<2x1x128xi32, #tpu.memory_space<vmem>> -> memref<1x1x128xi32, #tpu.memory_space<vmem>>
          %dma_wait3A_270 = tpu.memref_squeeze %dma_wait3A_269 : memref<1x1x128xi32, #tpu.memory_space<vmem>> -> memref<1x128xi32, #tpu.memory_space<vmem>>
          %dma_wait3A_271 = arith.constant 0 : i32
          %dma_wait3A_272 = tpu.memref_slice %arg3[%dma_wait3A_271, %mul3A_264] : memref<1x81920xi32, #tpu.memory_space<hbm>> -> memref<1x128xi32, #tpu.memory_space<hbm>>
          %dma_wait3A_273 = tpu.memref_slice %run_scoped3A_7[%rem3A_266] : memref<2x!tpu.dma_semaphore, #tpu.memory_space<semaphore_mem>> -> memref<1x!tpu.dma_semaphore, #tpu.memory_space<semaphore_mem>>
          %dma_wait3A_274 = tpu.memref_squeeze %dma_wait3A_273 : memref<1x!tpu.dma_semaphore, #tpu.memory_space<semaphore_mem>> -> memref<!tpu.dma_semaphore, #tpu.memory_space<semaphore_mem>>
          %dma_wait3A_275 = arith.constant 0 : i32
          %dma_wait3A_276 = arith.constant 0 : i32
          %dma_wait3A_277 = tpu.memref_slice %run_scoped3A[%rem3A_266, %dma_wait3A_275, %dma_wait3A_276] : memref<2x1x128xi32, #tpu.memory_space<vmem>> -> memref<1x1x128xi32, #tpu.memory_space<vmem>>
          %dma_wait3A_278 = tpu.memref_squeeze %dma_wait3A_277 : memref<1x1x128xi32, #tpu.memory_space<vmem>> -> memref<1x128xi32, #tpu.memory_space<vmem>>
          %dma_wait3A_279 = arith.constant 0 : i32
          %dma_wait3A_280 = tpu.memref_slice %arg3[%dma_wait3A_279, %mul3A_264] : memref<1x81920xi32, #tpu.memory_space<hbm>> -> memref<1x128xi32, #tpu.memory_space<hbm>>
          tpu.wait_dma2 semaphore(%dma_wait3A_274 : memref<!tpu.dma_semaphore, #tpu.memory_space<semaphore_mem>>) src(%dma_wait3A_280 : memref<1x128xi32, #tpu.memory_space<hbm>>) dst(%dma_wait3A_278 : memref<1x128xi32, #tpu.memory_space<vmem>>)
          "tpu.trace_stop"() : () -> ()
        } else {
        }
        %ne3A_185 = arith.cmpi ne, %add3A_131, %add3A_140 : i32
        %or3A_186 = arith.constant false
        %or3A_187 = arith.ori %or3A_186, %ne3A_185 : i1
        %or3A_188 = arith.constant false
        %or3A_189 = arith.ori %or3A_187, %or3A_188 : i1
        %or3A_190 = arith.ori %or3A_189, %eq3A_128 : i1
        %convert_element_type3A_191 = arith.extui %or3A_190 : i1 to i32
        %cond3A_192 = arith.constant 0 : i32
        %cond3A_193 = arith.cmpi ne, %convert_element_type3A_191, %cond3A_192 : i32
        scf.if %cond3A_193 {
        } else {
        }
        %rem3A_194 = arith.constant 2 : i32
        %rem3A_195 = arith.remui %scan3A_123, %rem3A_194 : i32
        %rem3A_196 = arith.constant 2 : i32
        %rem3A_197 = arith.remui %scan3A_124, %rem3A_196 : i32
        "tpu.trace_start"() <{level = 10 : i32, message = "ep_run_kernel"}> : () -> ()
        "tpu.region"() ({
          %run_scoped3A_263 = tpu.sem_alloc : memref<!tpu.dma_semaphore, #tpu.memory_space<semaphore_mem>>
          %run_scoped3A_264 = tpu.sem_alloc : memref<!tpu.dma_semaphore, #tpu.memory_space<semaphore_mem>>
          %dma_start3A_265 = arith.constant 0 : i32
          %dma_start3A_266 = arith.constant 0 : i32
          %dma_start3A_267 = arith.constant 0 : i32
          %dma_start3A_268 = tpu.memref_slice %run_scoped3A_8[%rem3A_197, %dma_start3A_266, %dma_start3A_267] : memref<2x128x256xf32, #tpu.memory_space<vmem>> -> memref<1x128x256xf32, #tpu.memory_space<vmem>>
          %dma_start3A_269 = tpu.memref_squeeze %dma_start3A_268 : memref<1x128x256xf32, #tpu.memory_space<vmem>> -> memref<128x256xf32, #tpu.memory_space<vmem>>
          %dma_start3A_270 = arith.constant 0 : i32
          %dma_start3A_271 = arith.constant 0 : i32
          %dma_start3A_272 = tpu.memref_slice %dma_start3A_269[%dma_start3A_270, %dma_start3A_271] : memref<128x256xf32, #tpu.memory_space<vmem>> -> memref<64x256xf32, #tpu.memory_space<vmem>>
          %dma_start3A_273 = arith.constant 0 : i32
          %dma_start3A_274 = arith.constant 0 : i32
          %dma_start3A_275 = tpu.memref_slice %run_scoped3A[%rem3A_195, %dma_start3A_273, %dma_start3A_274] : memref<2x1x128xi32, #tpu.memory_space<vmem>> -> memref<1x1x128xi32, #tpu.memory_space<vmem>>
          %dma_start3A_276 = tpu.memref_squeeze %dma_start3A_275 : memref<1x1x128xi32, #tpu.memory_space<vmem>> -> memref<1x128xi32, #tpu.memory_space<vmem>>
          %dma_start3A_277 = arith.constant 0 : i32
          %dma_start3A_278 = tpu.memref_slice %dma_start3A_276[%dma_start3A_265, %dma_start3A_277] : memref<1x128xi32, #tpu.memory_space<vmem>> -> memref<1x64xi32, #tpu.memory_space<vmem>>
          %dma_start3A_279 = tpu.memref_squeeze %dma_start3A_278 : memref<1x64xi32, #tpu.memory_space<vmem>> -> memref<64xi32, #tpu.memory_space<vmem>>
          %dma_start3A_280 = arith.constant 0 : i32
          %dma_start3A_281 = arith.constant 0 : i32
          %dma_start3A_282 = tpu.memref_slice %arg2[%dma_start3A_280, %dma_start3A_281] : memref<10000x256xf32, #tpu.memory_space<hbm>> -> memref<10000x256xf32, #tpu.memory_space<hbm>>
          tpu.enqueue_indirect_dma source(%dma_start3A_282 : memref<10000x256xf32, #tpu.memory_space<hbm>>) target(%dma_start3A_272 : memref<64x256xf32, #tpu.memory_space<vmem>>) offsets(%dma_start3A_279 : memref<64xi32, #tpu.memory_space<vmem>>) semaphore(%run_scoped3A_263 : memref<!tpu.dma_semaphore, #tpu.memory_space<semaphore_mem>>)
          %dma_start3A_283 = arith.constant 0 : i32
          %dma_start3A_284 = arith.constant 0 : i32
          %dma_start3A_285 = arith.constant 0 : i32
          %dma_start3A_286 = tpu.memref_slice %run_scoped3A_8[%rem3A_197, %dma_start3A_284, %dma_start3A_285] : memref<2x128x256xf32, #tpu.memory_space<vmem>> -> memref<1x128x256xf32, #tpu.memory_space<vmem>>
          %dma_start3A_287 = tpu.memref_squeeze %dma_start3A_286 : memref<1x128x256xf32, #tpu.memory_space<vmem>> -> memref<128x256xf32, #tpu.memory_space<vmem>>
          %dma_start3A_288 = arith.constant 64 : i32
          %dma_start3A_289 = arith.constant 0 : i32
          %dma_start3A_290 = tpu.memref_slice %dma_start3A_287[%dma_start3A_288, %dma_start3A_289] : memref<128x256xf32, #tpu.memory_space<vmem>> -> memref<64x256xf32, #tpu.memory_space<vmem>>
          %dma_start3A_291 = arith.constant 0 : i32
          %dma_start3A_292 = arith.constant 0 : i32
          %dma_start3A_293 = tpu.memref_slice %run_scoped3A[%rem3A_195, %dma_start3A_291, %dma_start3A_292] : memref<2x1x128xi32, #tpu.memory_space<vmem>> -> memref<1x1x128xi32, #tpu.memory_space<vmem>>
          %dma_start3A_294 = tpu.memref_squeeze %dma_start3A_293 : memref<1x1x128xi32, #tpu.memory_space<vmem>> -> memref<1x128xi32, #tpu.memory_space<vmem>>
          %dma_start3A_295 = arith.constant 64 : i32
          %dma_start3A_296 = tpu.memref_slice %dma_start3A_294[%dma_start3A_283, %dma_start3A_295] : memref<1x128xi32, #tpu.memory_space<vmem>> -> memref<1x64xi32, #tpu.memory_space<vmem>>
          %dma_start3A_297 = tpu.memref_squeeze %dma_start3A_296 : memref<1x64xi32, #tpu.memory_space<vmem>> -> memref<64xi32, #tpu.memory_space<vmem>>
          %dma_start3A_298 = arith.constant 0 : i32
          %dma_start3A_299 = arith.constant 0 : i32
          %dma_start3A_300 = tpu.memref_slice %arg2[%dma_start3A_298, %dma_start3A_299] : memref<10000x256xf32, #tpu.memory_space<hbm>> -> memref<10000x256xf32, #tpu.memory_space<hbm>>
          tpu.enqueue_indirect_dma source(%dma_start3A_300 : memref<10000x256xf32, #tpu.memory_space<hbm>>) target(%dma_start3A_290 : memref<64x256xf32, #tpu.memory_space<vmem>>) offsets(%dma_start3A_297 : memref<64xi32, #tpu.memory_space<vmem>>) semaphore(%run_scoped3A_264 : memref<!tpu.dma_semaphore, #tpu.memory_space<semaphore_mem>>)
          %dma_wait3A_301 = arith.constant 0 : i32
          %dma_wait3A_302 = arith.constant 0 : i32
          %dma_wait3A_303 = arith.constant 0 : i32
          %dma_wait3A_304 = tpu.memref_slice %run_scoped3A_8[%rem3A_197, %dma_wait3A_302, %dma_wait3A_303] : memref<2x128x256xf32, #tpu.memory_space<vmem>> -> memref<1x128x256xf32, #tpu.memory_space<vmem>>
          %dma_wait3A_305 = tpu.memref_squeeze %dma_wait3A_304 : memref<1x128x256xf32, #tpu.memory_space<vmem>> -> memref<128x256xf32, #tpu.memory_space<vmem>>
          %dma_wait3A_306 = arith.constant 0 : i32
          %dma_wait3A_307 = arith.constant 0 : i32
          %dma_wait3A_308 = tpu.memref_slice %dma_wait3A_305[%dma_wait3A_306, %dma_wait3A_307] : memref<128x256xf32, #tpu.memory_space<vmem>> -> memref<64x256xf32, #tpu.memory_space<vmem>>
          %dma_wait3A_309 = arith.constant 0 : i32
          %dma_wait3A_310 = arith.constant 0 : i32
          %dma_wait3A_311 = tpu.memref_slice %run_scoped3A[%rem3A_195, %dma_wait3A_309, %dma_wait3A_310] : memref<2x1x128xi32, #tpu.memory_space<vmem>> -> memref<1x1x128xi32, #tpu.memory_space<vmem>>
          %dma_wait3A_312 = tpu.memref_squeeze %dma_wait3A_311 : memref<1x1x128xi32, #tpu.memory_space<vmem>> -> memref<1x128xi32, #tpu.memory_space<vmem>>
          %dma_wait3A_313 = arith.constant 0 : i32
          %dma_wait3A_314 = tpu.memref_slice %dma_wait3A_312[%dma_wait3A_301, %dma_wait3A_313] : memref<1x128xi32, #tpu.memory_space<vmem>> -> memref<1x64xi32, #tpu.memory_space<vmem>>
          %dma_wait3A_315 = tpu.memref_squeeze %dma_wait3A_314 : memref<1x64xi32, #tpu.memory_space<vmem>> -> memref<64xi32, #tpu.memory_space<vmem>>
          %dma_wait3A_316 = arith.constant 0 : i32
          %dma_wait3A_317 = arith.constant 0 : i32
          %dma_wait3A_318 = tpu.memref_slice %arg2[%dma_wait3A_316, %dma_wait3A_317] : memref<10000x256xf32, #tpu.memory_space<hbm>> -> memref<10000x256xf32, #tpu.memory_space<hbm>>
          tpu.wait_indirect_dma semaphore(%run_scoped3A_263 : memref<!tpu.dma_semaphore, #tpu.memory_space<semaphore_mem>>) src(%dma_wait3A_318 : memref<10000x256xf32, #tpu.memory_space<hbm>>) dst(%dma_wait3A_308 : memref<64x256xf32, #tpu.memory_space<vmem>>)
          %dma_wait3A_319 = arith.constant 0 : i32
          %dma_wait3A_320 = arith.constant 0 : i32
          %dma_wait3A_321 = arith.constant 0 : i32
          %dma_wait3A_322 = tpu.memref_slice %run_scoped3A_8[%rem3A_197, %dma_wait3A_320, %dma_wait3A_321] : memref<2x128x256xf32, #tpu.memory_space<vmem>> -> memref<1x128x256xf32, #tpu.memory_space<vmem>>
          %dma_wait3A_323 = tpu.memref_squeeze %dma_wait3A_322 : memref<1x128x256xf32, #tpu.memory_space<vmem>> -> memref<128x256xf32, #tpu.memory_space<vmem>>
          %dma_wait3A_324 = arith.constant 64 : i32
          %dma_wait3A_325 = arith.constant 0 : i32
          %dma_wait3A_326 = tpu.memref_slice %dma_wait3A_323[%dma_wait3A_324, %dma_wait3A_325] : memref<128x256xf32, #tpu.memory_space<vmem>> -> memref<64x256xf32, #tpu.memory_space<vmem>>
          %dma_wait3A_327 = arith.constant 0 : i32
          %dma_wait3A_328 = arith.constant 0 : i32
          %dma_wait3A_329 = tpu.memref_slice %run_scoped3A[%rem3A_195, %dma_wait3A_327, %dma_wait3A_328] : memref<2x1x128xi32, #tpu.memory_space<vmem>> -> memref<1x1x128xi32, #tpu.memory_space<vmem>>
          %dma_wait3A_330 = tpu.memref_squeeze %dma_wait3A_329 : memref<1x1x128xi32, #tpu.memory_space<vmem>> -> memref<1x128xi32, #tpu.memory_space<vmem>>
          %dma_wait3A_331 = arith.constant 64 : i32
          %dma_wait3A_332 = tpu.memref_slice %dma_wait3A_330[%dma_wait3A_319, %dma_wait3A_331] : memref<1x128xi32, #tpu.memory_space<vmem>> -> memref<1x64xi32, #tpu.memory_space<vmem>>
          %dma_wait3A_333 = tpu.memref_squeeze %dma_wait3A_332 : memref<1x64xi32, #tpu.memory_space<vmem>> -> memref<64xi32, #tpu.memory_space<vmem>>
          %dma_wait3A_334 = arith.constant 0 : i32
          %dma_wait3A_335 = arith.constant 0 : i32
          %dma_wait3A_336 = tpu.memref_slice %arg2[%dma_wait3A_334, %dma_wait3A_335] : memref<10000x256xf32, #tpu.memory_space<hbm>> -> memref<10000x256xf32, #tpu.memory_space<hbm>>
          tpu.wait_indirect_dma semaphore(%run_scoped3A_264 : memref<!tpu.dma_semaphore, #tpu.memory_space<semaphore_mem>>) src(%dma_wait3A_336 : memref<10000x256xf32, #tpu.memory_space<hbm>>) dst(%dma_wait3A_326 : memref<64x256xf32, #tpu.memory_space<vmem>>)
          tpu.yield
        }) : () -> ()
        "tpu.trace_stop"() : () -> ()
        %ne3A_198 = arith.cmpi ne, %add3A_131, %add3A_149 : i32
        %or3A_199 = arith.constant false
        %or3A_200 = arith.ori %or3A_199, %ne3A_198 : i1
        %or3A_201 = arith.ori %or3A_200, %eq3A_130 : i1
        %convert_element_type3A_202 = arith.extui %or3A_201 : i1 to i32
        %cond3A_203 = arith.constant 0 : i32
        %cond3A_204 = arith.cmpi ne, %convert_element_type3A_202, %cond3A_203 : i32
        scf.if %cond3A_204 {
        } else {
        }
        %and3A_205 = arith.constant false
        %and3A_206 = arith.andi %or3A_201, %and3A_205 : i1
        %ne3A_207 = arith.cmpi ne, %add3A_131, %add3A_149 : i32
        %or3A_208 = arith.constant false
        %or3A_209 = arith.ori %or3A_208, %ne3A_207 : i1
        %or3A_210 = arith.constant false
        %or3A_211 = arith.ori %or3A_209, %or3A_210 : i1
        %or3A_212 = arith.ori %or3A_211, %eq3A_130 : i1
        %convert_element_type3A_213 = arith.extui %or3A_212 : i1 to i32
        %cond3A_214 = arith.constant 0 : i32
        %cond3A_215 = arith.cmpi ne, %convert_element_type3A_213, %cond3A_214 : i32
        scf.if %cond3A_215 {
          "tpu.trace_start"() <{level = 10 : i32, message = "ep_copy_out"}> : () -> ()
          %rem3A_263 = arith.constant 2 : i32
          %rem3A_264 = arith.remui %scan3A_124, %rem3A_263 : i32
          %mul3A_265 = arith.constant 128 : i32
          %mul3A_266 = arith.muli %mul3A_265, %add3A_131 : i32
          %dma_start3A_267 = arith.constant 0 : i32
          %dma_start3A_268 = arith.constant 0 : i32
          %dma_start3A_269 = tpu.memref_slice %run_scoped3A_8[%rem3A_264, %dma_start3A_267, %dma_start3A_268] : memref<2x128x256xf32, #tpu.memory_space<vmem>> -> memref<1x128x256xf32, #tpu.memory_space<vmem>>
          %dma_start3A_270 = tpu.memref_squeeze %dma_start3A_269 : memref<1x128x256xf32, #tpu.memory_space<vmem>> -> memref<128x256xf32, #tpu.memory_space<vmem>>
          %dma_start3A_271 = arith.constant 0 : i32
          %dma_start3A_272 = tpu.memref_slice %arg4[%mul3A_266, %dma_start3A_271] : memref<81920x256xf32, #tpu.memory_space<hbm>> -> memref<128x256xf32, #tpu.memory_space<hbm>>
          %dma_start3A_273 = tpu.memref_slice %run_scoped3A_9[%rem3A_264] : memref<2x!tpu.dma_semaphore, #tpu.memory_space<semaphore_mem>> -> memref<1x!tpu.dma_semaphore, #tpu.memory_space<semaphore_mem>>
          %dma_start3A_274 = tpu.memref_squeeze %dma_start3A_273 : memref<1x!tpu.dma_semaphore, #tpu.memory_space<semaphore_mem>> -> memref<!tpu.dma_semaphore, #tpu.memory_space<semaphore_mem>>
          %dma_start3A_275 = arith.constant 0 : i32
          %dma_start3A_276 = tpu.memref_slice %arg4[%mul3A_266, %dma_start3A_275] : memref<81920x256xf32, #tpu.memory_space<hbm>> -> memref<128x256xf32, #tpu.memory_space<hbm>>
          %dma_start3A_277 = arith.constant 0 : i32
          %dma_start3A_278 = arith.constant 0 : i32
          %dma_start3A_279 = tpu.memref_slice %run_scoped3A_8[%rem3A_264, %dma_start3A_277, %dma_start3A_278] : memref<2x128x256xf32, #tpu.memory_space<vmem>> -> memref<1x128x256xf32, #tpu.memory_space<vmem>>
          %dma_start3A_280 = tpu.memref_squeeze %dma_start3A_279 : memref<1x128x256xf32, #tpu.memory_space<vmem>> -> memref<128x256xf32, #tpu.memory_space<vmem>>
          tpu.enqueue_dma source(%dma_start3A_280 : memref<128x256xf32, #tpu.memory_space<vmem>>) target(%dma_start3A_276 : memref<128x256xf32, #tpu.memory_space<hbm>>) target_semaphore(%dma_start3A_274 : memref<!tpu.dma_semaphore, #tpu.memory_space<semaphore_mem>>)
          "tpu.trace_stop"() : () -> ()
        } else {
        }
        %and3A_216 = arith.constant true
        %and3A_217 = arith.andi %or3A_212, %and3A_216 : i1
        %add3A_218 = arith.constant 1 : i32
        %add3A_219 = arith.addi %scan3A_124, %add3A_218 : i32
        %select_n3A_220 = arith.select %and3A_217, %add3A_219, %scan3A_124 : i32
        %ne3A_221 = arith.cmpi ne, %add3A_131, %add3A_140 : i32
        %or3A_222 = arith.constant false
        %or3A_223 = arith.ori %or3A_222, %ne3A_221 : i1
        %not3A_224 = arith.constant true
        %not3A_225 = arith.xori %eq3A_128, %not3A_224 : i1
        %and3A_226 = arith.andi %or3A_223, %not3A_225 : i1
        %convert_element_type3A_227 = arith.extui %and3A_226 : i1 to i32
        %cond3A_228 = arith.constant 0 : i32
        %cond3A_229 = arith.cmpi ne, %convert_element_type3A_227, %cond3A_228 : i32
        scf.if %cond3A_229 {
        } else {
        }
        %and3A_230 = arith.constant false
        %and3A_231 = arith.andi %and3A_226, %and3A_230 : i1
        %ne3A_232 = arith.cmpi ne, %add3A_131, %add3A_140 : i32
        %or3A_233 = arith.constant false
        %or3A_234 = arith.ori %or3A_233, %ne3A_232 : i1
        %or3A_235 = arith.constant false
        %or3A_236 = arith.ori %or3A_234, %or3A_235 : i1
        %not3A_237 = arith.constant true
        %not3A_238 = arith.xori %eq3A_128, %not3A_237 : i1
        %and3A_239 = arith.andi %or3A_236, %not3A_238 : i1
        %convert_element_type3A_240 = arith.extui %and3A_239 : i1 to i32
        %cond3A_241 = arith.constant 0 : i32
        %cond3A_242 = arith.cmpi ne, %convert_element_type3A_240, %cond3A_241 : i32
        scf.if %cond3A_242 {
          "tpu.trace_start"() <{level = 10 : i32, message = "ep_wait_out"}> : () -> ()
          %rem3A_263 = arith.constant 2 : i32
          %rem3A_264 = arith.remui %scan3A_125, %rem3A_263 : i32
          %mul3A_265 = arith.constant 128 : i32
          %mul3A_266 = arith.muli %mul3A_265, %add3A_140 : i32
          %dma_wait3A_267 = arith.constant 0 : i32
          %dma_wait3A_268 = arith.constant 0 : i32
          %dma_wait3A_269 = tpu.memref_slice %run_scoped3A_8[%rem3A_264, %dma_wait3A_267, %dma_wait3A_268] : memref<2x128x256xf32, #tpu.memory_space<vmem>> -> memref<1x128x256xf32, #tpu.memory_space<vmem>>
          %dma_wait3A_270 = tpu.memref_squeeze %dma_wait3A_269 : memref<1x128x256xf32, #tpu.memory_space<vmem>> -> memref<128x256xf32, #tpu.memory_space<vmem>>
          %dma_wait3A_271 = arith.constant 0 : i32
          %dma_wait3A_272 = tpu.memref_slice %arg4[%mul3A_266, %dma_wait3A_271] : memref<81920x256xf32, #tpu.memory_space<hbm>> -> memref<128x256xf32, #tpu.memory_space<hbm>>
          %dma_wait3A_273 = tpu.memref_slice %run_scoped3A_9[%rem3A_264] : memref<2x!tpu.dma_semaphore, #tpu.memory_space<semaphore_mem>> -> memref<1x!tpu.dma_semaphore, #tpu.memory_space<semaphore_mem>>
          %dma_wait3A_274 = tpu.memref_squeeze %dma_wait3A_273 : memref<1x!tpu.dma_semaphore, #tpu.memory_space<semaphore_mem>> -> memref<!tpu.dma_semaphore, #tpu.memory_space<semaphore_mem>>
          %dma_wait3A_275 = arith.constant 0 : i32
          %dma_wait3A_276 = tpu.memref_slice %arg4[%mul3A_266, %dma_wait3A_275] : memref<81920x256xf32, #tpu.memory_space<hbm>> -> memref<128x256xf32, #tpu.memory_space<hbm>>
          %dma_wait3A_277 = arith.constant 0 : i32
          %dma_wait3A_278 = arith.constant 0 : i32
          %dma_wait3A_279 = tpu.memref_slice %run_scoped3A_8[%rem3A_264, %dma_wait3A_277, %dma_wait3A_278] : memref<2x128x256xf32, #tpu.memory_space<vmem>> -> memref<1x128x256xf32, #tpu.memory_space<vmem>>
          %dma_wait3A_280 = tpu.memref_squeeze %dma_wait3A_279 : memref<1x128x256xf32, #tpu.memory_space<vmem>> -> memref<128x256xf32, #tpu.memory_space<vmem>>
          tpu.wait_dma2 semaphore(%dma_wait3A_274 : memref<!tpu.dma_semaphore, #tpu.memory_space<semaphore_mem>>) src(%dma_wait3A_280 : memref<128x256xf32, #tpu.memory_space<vmem>>) dst(%dma_wait3A_276 : memref<128x256xf32, #tpu.memory_space<hbm>>)
          "tpu.trace_stop"() : () -> ()
        } else {
        }
        %and3A_243 = arith.constant true
        %and3A_244 = arith.andi %and3A_239, %and3A_243 : i1
        %add3A_245 = arith.constant 1 : i32
        %add3A_246 = arith.addi %scan3A_125, %add3A_245 : i32
        %select_n3A_247 = arith.select %and3A_244, %add3A_246, %scan3A_125 : i32
        %ne3A_248 = arith.cmpi ne, %add3A_131, %add3A_149 : i32
        %or3A_249 = arith.constant false
        %or3A_250 = arith.ori %or3A_249, %ne3A_248 : i1
        %or3A_251 = arith.ori %or3A_250, %eq3A_130 : i1
        %add3A_252 = arith.constant 1 : i32
        %add3A_253 = arith.addi %scan3A_123, %add3A_252 : i32
        %select_n3A_254 = arith.select %or3A_251, %add3A_253, %scan3A_123 : i32
        %add3A_255 = arith.constant 1 : i32
        %add3A_256 = arith.addi %scan3A_126, %add3A_255 : i32
        %select_n3A_257 = arith.constant true
        %select_n3A_258 = arith.select %select_n3A_257, %add3A_256, %scan3A_126 : i32
        %eq3A_259 = arith.constant 20 : i32
        %eq3A_260 = arith.cmpi eq, %select_n3A_258, %eq3A_259 : i32
        %select_n3A_261 = arith.constant 0 : i32
        %select_n3A_262 = arith.select %eq3A_260, %select_n3A_261, %select_n3A_258 : i32
        scf.yield %select_n3A_167, %select_n3A_254, %select_n3A_220, %select_n3A_247, %select_n3A_262 : i32, i32, i32, i32, i32
      }
      %scan3A_68 = arith.constant 20 : i32
      %sub3A = arith.constant 1 : i32
      %sub3A_69 = arith.subi %scan3A_67#4, %sub3A : i32
      %select_n3A_70 = arith.constant true
      %select_n3A_71 = arith.select %select_n3A_70, %sub3A_69, %scan3A_67#4 : i32
      %eq3A_72 = arith.constant -1 : i32
      %eq3A_73 = arith.cmpi eq, %select_n3A_71, %eq3A_72 : i32
      %select_n3A_74 = arith.constant 19 : i32
      %select_n3A_75 = arith.select %eq3A_73, %select_n3A_74, %select_n3A_71 : i32
      %add3A_76 = arith.addi %select_n3A_75, %mul3A_6 : i32
      %sub3A_77 = arith.constant 1 : i32
      %sub3A_78 = arith.subi %select_n3A_75, %sub3A_77 : i32
      %select_n3A_79 = arith.constant true
      %select_n3A_80 = arith.select %select_n3A_79, %sub3A_78, %select_n3A_75 : i32
      %eq3A_81 = arith.constant -1 : i32
      %eq3A_82 = arith.cmpi eq, %select_n3A_80, %eq3A_81 : i32
      %select_n3A_83 = arith.constant 19 : i32
      %select_n3A_84 = arith.select %eq3A_82, %select_n3A_83, %select_n3A_80 : i32
      %add3A_85 = arith.addi %select_n3A_84, %mul3A_6 : i32
      %add3A_86 = arith.constant 1 : i32
      %add3A_87 = arith.addi %select_n3A_75, %add3A_86 : i32
      %select_n3A_88 = arith.constant true
      %select_n3A_89 = arith.select %select_n3A_88, %add3A_87, %select_n3A_75 : i32
      %eq3A_90 = arith.constant 20 : i32
      %eq3A_91 = arith.cmpi eq, %select_n3A_89, %eq3A_90 : i32
      %select_n3A_92 = arith.constant 0 : i32
      %select_n3A_93 = arith.select %eq3A_91, %select_n3A_92, %select_n3A_89 : i32
      %add3A_94 = arith.addi %select_n3A_93, %mul3A_6 : i32
      %add3A_95 = arith.constant 1 : i32
      %add3A_96 = arith.addi %select_n3A_93, %add3A_95 : i32
      %select_n3A_97 = arith.constant true
      %select_n3A_98 = arith.select %select_n3A_97, %add3A_96, %select_n3A_93 : i32
      %eq3A_99 = arith.constant 20 : i32
      %eq3A_100 = arith.cmpi eq, %select_n3A_98, %eq3A_99 : i32
      %select_n3A_101 = arith.constant 0 : i32
      %select_n3A_102 = arith.select %eq3A_100, %select_n3A_101, %select_n3A_98 : i32
      %add3A_103 = arith.addi %select_n3A_102, %mul3A_6 : i32
      "tpu.trace_start"() <{level = 10 : i32, message = "ep_finalize"}> : () -> ()
      %rem3A_104 = arith.constant 2 : i32
      %rem3A_105 = arith.remui %scan3A_67#3, %rem3A_104 : i32
      %mul3A_106 = arith.constant 128 : i32
      %mul3A_107 = arith.muli %mul3A_106, %add3A_76 : i32
      %dma_wait3A = arith.constant 0 : i32
      %dma_wait3A_108 = arith.constant 0 : i32
      %dma_wait3A_109 = tpu.memref_slice %run_scoped3A_8[%rem3A_105, %dma_wait3A, %dma_wait3A_108] : memref<2x128x256xf32, #tpu.memory_space<vmem>> -> memref<1x128x256xf32, #tpu.memory_space<vmem>>
      %dma_wait3A_110 = tpu.memref_squeeze %dma_wait3A_109 : memref<1x128x256xf32, #tpu.memory_space<vmem>> -> memref<128x256xf32, #tpu.memory_space<vmem>>
      %dma_wait3A_111 = arith.constant 0 : i32
      %dma_wait3A_112 = tpu.memref_slice %arg4[%mul3A_107, %dma_wait3A_111] : memref<81920x256xf32, #tpu.memory_space<hbm>> -> memref<128x256xf32, #tpu.memory_space<hbm>>
      %dma_wait3A_113 = tpu.memref_slice %run_scoped3A_9[%rem3A_105] : memref<2x!tpu.dma_semaphore, #tpu.memory_space<semaphore_mem>> -> memref<1x!tpu.dma_semaphore, #tpu.memory_space<semaphore_mem>>
      %dma_wait3A_114 = tpu.memref_squeeze %dma_wait3A_113 : memref<1x!tpu.dma_semaphore, #tpu.memory_space<semaphore_mem>> -> memref<!tpu.dma_semaphore, #tpu.memory_space<semaphore_mem>>
      %dma_wait3A_115 = arith.constant 0 : i32
      %dma_wait3A_116 = tpu.memref_slice %arg4[%mul3A_107, %dma_wait3A_115] : memref<81920x256xf32, #tpu.memory_space<hbm>> -> memref<128x256xf32, #tpu.memory_space<hbm>>
      %dma_wait3A_117 = arith.constant 0 : i32
      %dma_wait3A_118 = arith.constant 0 : i32
      %dma_wait3A_119 = tpu.memref_slice %run_scoped3A_8[%rem3A_105, %dma_wait3A_117, %dma_wait3A_118] : memref<2x128x256xf32, #tpu.memory_space<vmem>> -> memref<1x128x256xf32, #tpu.memory_space<vmem>>
      %dma_wait3A_120 = tpu.memref_squeeze %dma_wait3A_119 : memref<1x128x256xf32, #tpu.memory_space<vmem>> -> memref<128x256xf32, #tpu.memory_space<vmem>>
      tpu.wait_dma2 semaphore(%dma_wait3A_114 : memref<!tpu.dma_semaphore, #tpu.memory_space<semaphore_mem>>) src(%dma_wait3A_120 : memref<128x256xf32, #tpu.memory_space<vmem>>) dst(%dma_wait3A_116 : memref<128x256xf32, #tpu.memory_space<hbm>>)
      "tpu.trace_stop"() : () -> ()
      tpu.yield
    }) : () -> ()
    return
  }
}

#map = affine_map<(d0, d1) -> (0, 0)>
module attributes {stable_mosaic.version = 14 : i64} {
  func.func @gk(%arg0: i32, %arg1: i32, %arg2: memref<10000x256xf32, #tpu.memory_space<hbm>>, %arg3: memref<1x81920xi32, #tpu.memory_space<hbm>>, %arg4: memref<81920x256xf32, #tpu.memory_space<hbm>>) attributes {dimension_semantics = [#tpu.dimension_semantics<core_parallel>, #tpu.dimension_semantics<subcore_parallel>], iteration_bounds = array<i64: 2, 16>, scalar_prefetch = 0 : i64, scratch_operands = 0 : i64, tpu.core_type = #tpu.core_type<sc_vector_subcore>, window_params = [{transform_indices = #map}, {transform_indices = #map}, {transform_indices = #map}]} {
    %mul3A = arith.constant 1 : i32
    %mul3A_0 = arith.muli %arg1, %mul3A : i32
    %add3A = arith.constant 0 : i32
    %add3A_1 = arith.addi %add3A, %mul3A_0 : i32
    %mul3A_2 = arith.constant 16 : i32
    %mul3A_3 = arith.muli %arg0, %mul3A_2 : i32
    %add3A_4 = arith.addi %add3A_1, %mul3A_3 : i32
    %mul3A_5 = arith.constant 20 : i32
    %mul3A_6 = arith.muli %add3A_4, %mul3A_5 : i32
    "tpu.region"() ({
      %run_scoped3A = memref.alloca() : memref<2x1x128xi32, #tpu.memory_space<vmem>>
      %run_scoped3A_7 = tpu.sem_alloc : memref<2x!tpu.dma_semaphore, #tpu.memory_space<semaphore_mem>>
      %run_scoped3A_8 = memref.alloca() : memref<2x128x256xf32, #tpu.memory_space<vmem>>
      %run_scoped3A_9 = tpu.sem_alloc : memref<2x!tpu.dma_semaphore, #tpu.memory_space<semaphore_mem>>
      %add3A_10 = arith.constant 0 : i32
      %add3A_11 = arith.addi %add3A_10, %mul3A_6 : i32
      %select_n3A = arith.constant true
      %select_n3A_12 = arith.constant 0 : i32
      %select_n3A_13 = arith.constant -1 : i32
      %select_n3A_14 = arith.select %select_n3A, %select_n3A_13, %select_n3A_12 : i32
      %eq3A = arith.constant -1 : i32
      %eq3A_15 = arith.cmpi eq, %select_n3A_14, %eq3A : i32
      %select_n3A_16 = arith.constant 19 : i32
      %select_n3A_17 = arith.select %eq3A_15, %select_n3A_16, %select_n3A_14 : i32
      %add3A_18 = arith.addi %select_n3A_17, %mul3A_6 : i32
      %select_n3A_19 = arith.constant true
      %select_n3A_20 = arith.constant 0 : i32
      %select_n3A_21 = arith.constant 1 : i32
      %select_n3A_22 = arith.select %select_n3A_19, %select_n3A_21, %select_n3A_20 : i32
      %eq3A_23 = arith.constant 20 : i32
      %eq3A_24 = arith.cmpi eq, %select_n3A_22, %eq3A_23 : i32
      %select_n3A_25 = arith.constant 0 : i32
      %select_n3A_26 = arith.select %eq3A_24, %select_n3A_25, %select_n3A_22 : i32
      %add3A_27 = arith.addi %select_n3A_26, %mul3A_6 : i32
      %add3A_28 = arith.constant 1 : i32
      %add3A_29 = arith.addi %select_n3A_26, %add3A_28 : i32
      %select_n3A_30 = arith.constant true
      %select_n3A_31 = arith.select %select_n3A_30, %add3A_29, %select_n3A_26 : i32
      %eq3A_32 = arith.constant 20 : i32
      %eq3A_33 = arith.cmpi eq, %select_n3A_31, %eq3A_32 : i32
      %select_n3A_34 = arith.constant 0 : i32
      %select_n3A_35 = arith.select %eq3A_33, %select_n3A_34, %select_n3A_31 : i32
      %add3A_36 = arith.addi %select_n3A_35, %mul3A_6 : i32
      "tpu.trace_start"() <{level = 10 : i32, message = "ep_initialize_0"}> : () -> ()
      %rem3A = arith.constant 0 : i32
      %rem3A_37 = arith.constant 2 : i32
      %rem3A_38 = arith.remui %rem3A, %rem3A_37 : i32
      %mul3A_39 = arith.constant 128 : i32
      %mul3A_40 = arith.muli %mul3A_39, %add3A_11 : i32
      %dma_start3A = arith.constant 0 : i32
      %dma_start3A_41 = arith.constant 0 : i32
      %dma_start3A_42 = tpu.memref_slice %run_scoped3A[%rem3A_38, %dma_start3A, %dma_start3A_41] : memref<2x1x128xi32, #tpu.memory_space<vmem>> -> memref<1x1x128xi32, #tpu.memory_space<vmem>>
      %dma_start3A_43 = tpu.memref_squeeze %dma_start3A_42 : memref<1x1x128xi32, #tpu.memory_space<vmem>> -> memref<1x128xi32, #tpu.memory_space<vmem>>
      %dma_start3A_44 = arith.constant 0 : i32
      %dma_start3A_45 = tpu.memref_slice %arg3[%dma_start3A_44, %mul3A_40] : memref<1x81920xi32, #tpu.memory_space<hbm>> -> memref<1x128xi32, #tpu.memory_space<hbm>>
      %dma_start3A_46 = tpu.memref_slice %run_scoped3A_7[%rem3A_38] : memref<2x!tpu.dma_semaphore, #tpu.memory_space<semaphore_mem>> -> memref<1x!tpu.dma_semaphore, #tpu.memory_space<semaphore_mem>>
      %dma_start3A_47 = tpu.memref_squeeze %dma_start3A_46 : memref<1x!tpu.dma_semaphore, #tpu.memory_space<semaphore_mem>> -> memref<!tpu.dma_semaphore, #tpu.memory_space<semaphore_mem>>
      %dma_start3A_48 = arith.constant 0 : i32
      %dma_start3A_49 = arith.constant 0 : i32
      %dma_start3A_50 = tpu.memref_slice %run_scoped3A[%rem3A_38, %dma_start3A_48, %dma_start3A_49] : memref<2x1x128xi32, #tpu.memory_space<vmem>> -> memref<1x1x128xi32, #tpu.memory_space<vmem>>
      %dma_start3A_51 = tpu.memref_squeeze %dma_start3A_50 : memref<1x1x128xi32, #tpu.memory_space<vmem>> -> memref<1x128xi32, #tpu.memory_space<vmem>>
      %dma_start3A_52 = arith.constant 0 : i32
      %dma_start3A_53 = tpu.memref_slice %arg3[%dma_start3A_52, %mul3A_40] : memref<1x81920xi32, #tpu.memory_space<hbm>> -> memref<1x128xi32, #tpu.memory_space<hbm>>
      tpu.enqueue_dma source(%dma_start3A_53 : memref<1x128xi32, #tpu.memory_space<hbm>>) target(%dma_start3A_51 : memref<1x128xi32, #tpu.memory_space<vmem>>) target_semaphore(%dma_start3A_47 : memref<!tpu.dma_semaphore, #tpu.memory_space<semaphore_mem>>)
      %add3A_54 = arith.constant 0 : i32
      %add3A_55 = arith.constant 1 : i32
      %add3A_56 = arith.addi %add3A_54, %add3A_55 : i32
      %select_n3A_57 = arith.constant true
      %select_n3A_58 = arith.constant 0 : i32
      %select_n3A_59 = arith.select %select_n3A_57, %add3A_56, %select_n3A_58 : i32
      "tpu.trace_stop"() : () -> ()
      %scan3A = arith.constant 0 : i32
      %scan3A_60 = arith.constant 0 : i32
      %scan3A_61 = arith.constant 0 : i32
      %scan3A_62 = arith.constant 0 : i32
      %scan3A_63 = arith.constant 0 : i32
      %scan3A_64 = arith.constant 20 : i32
      %scan3A_65 = arith.addi %scan3A_63, %scan3A_64 : i32
      %scan3A_66 = arith.constant 1 : i32
      %scan3A_67:5 = scf.for %scan3A_121 = %scan3A_63 to %scan3A_65 step %scan3A_66 iter_args(%scan3A_122 = %select_n3A_59, %scan3A_123 = %scan3A, %scan3A_124 = %scan3A_60, %scan3A_125 = %scan3A_61, %scan3A_126 = %scan3A_62) -> (i32, i32, i32, i32, i32)  : i32 {
        %eq3A_127 = arith.constant 0 : i32
        %eq3A_128 = arith.cmpi eq, %scan3A_121, %eq3A_127 : i32
        %eq3A_129 = arith.constant 19 : i32
        %eq3A_130 = arith.cmpi eq, %scan3A_121, %eq3A_129 : i32
        %add3A_131 = arith.addi %scan3A_126, %mul3A_6 : i32
        %sub3A_132 = arith.constant 1 : i32
        %sub3A_133 = arith.subi %scan3A_126, %sub3A_132 : i32
        %select_n3A_134 = arith.constant true
        %select_n3A_135 = arith.select %select_n3A_134, %sub3A_133, %scan3A_126 : i32
        %eq3A_136 = arith.constant -1 : i32
        %eq3A_137 = arith.cmpi eq, %select_n3A_135, %eq3A_136 : i32
        %select_n3A_138 = arith.constant 19 : i32
        %select_n3A_139 = arith.select %eq3A_137, %select_n3A_138, %select_n3A_135 : i32
        %add3A_140 = arith.addi %select_n3A_139, %mul3A_6 : i32
        %add3A_141 = arith.constant 1 : i32
        %add3A_142 = arith.addi %scan3A_126, %add3A_141 : i32
        %select_n3A_143 = arith.constant true
        %select_n3A_144 = arith.select %select_n3A_143, %add3A_142, %scan3A_126 : i32
        %eq3A_145 = arith.constant 20 : i32
        %eq3A_146 = arith.cmpi eq, %select_n3A_144, %eq3A_145 : i32
        %select_n3A_147 = arith.constant 0 : i32
        %select_n3A_148 = arith.select %eq3A_146, %select_n3A_147, %select_n3A_144 : i32
        %add3A_149 = arith.addi %select_n3A_148, %mul3A_6 : i32
        %add3A_150 = arith.constant 1 : i32
        %add3A_151 = arith.addi %select_n3A_148, %add3A_150 : i32
        %select_n3A_152 = arith.constant true
        %select_n3A_153 = arith.select %select_n3A_152, %add3A_151, %select_n3A_148 : i32
        %eq3A_154 = arith.constant 20 : i32
        %eq3A_155 = arith.cmpi eq, %select_n3A_153, %eq3A_154 : i32
        %select_n3A_156 = arith.constant 0 : i32
        %select_n3A_157 = arith.select %eq3A_155, %select_n3A_156, %select_n3A_153 : i32
        %add3A_158 = arith.addi %select_n3A_157, %mul3A_6 : i32
        %ne3A = arith.cmpi ne, %add3A_131, %add3A_149 : i32
        %or3A = arith.constant false
        %or3A_159 = arith.ori %or3A, %ne3A : i1
        %ge3A = arith.constant 19 : i32
        %ge3A_160 = arith.cmpi sge, %scan3A_121, %ge3A : i32
        %not3A = arith.constant true
        %not3A_161 = arith.xori %ge3A_160, %not3A : i1
        %and3A = arith.andi %or3A_159, %not3A_161 : i1
        %convert_element_type3A = arith.extui %and3A : i1 to i32
        %cond3A = arith.constant 0 : i32
        %cond3A_162 = arith.cmpi ne, %convert_element_type3A, %cond3A : i32
        scf.if %cond3A_162 {
          "tpu.trace_start"() <{level = 10 : i32, message = "ep_copy_in"}> : () -> ()
          %rem3A_263 = arith.constant 2 : i32
          %rem3A_264 = arith.remui %scan3A_122, %rem3A_263 : i32
          %mul3A_265 = arith.constant 128 : i32
          %mul3A_266 = arith.muli %mul3A_265, %add3A_149 : i32
          %dma_start3A_267 = arith.constant 0 : i32
          %dma_start3A_268 = arith.constant 0 : i32
          %dma_start3A_269 = tpu.memref_slice %run_scoped3A[%rem3A_264, %dma_start3A_267, %dma_start3A_268] : memref<2x1x128xi32, #tpu.memory_space<vmem>> -> memref<1x1x128xi32, #tpu.memory_space<vmem>>
          %dma_start3A_270 = tpu.memref_squeeze %dma_start3A_269 : memref<1x1x128xi32, #tpu.memory_space<vmem>> -> memref<1x128xi32, #tpu.memory_space<vmem>>
          %dma_start3A_271 = arith.constant 0 : i32
          %dma_start3A_272 = tpu.memref_slice %arg3[%dma_start3A_271, %mul3A_266] : memref<1x81920xi32, #tpu.memory_space<hbm>> -> memref<1x128xi32, #tpu.memory_space<hbm>>
          %dma_start3A_273 = tpu.memref_slice %run_scoped3A_7[%rem3A_264] : memref<2x!tpu.dma_semaphore, #tpu.memory_space<semaphore_mem>> -> memref<1x!tpu.dma_semaphore, #tpu.memory_space<semaphore_mem>>
          %dma_start3A_274 = tpu.memref_squeeze %dma_start3A_273 : memref<1x!tpu.dma_semaphore, #tpu.memory_space<semaphore_mem>> -> memref<!tpu.dma_semaphore, #tpu.memory_space<semaphore_mem>>
          %dma_start3A_275 = arith.constant 0 : i32
          %dma_start3A_276 = arith.constant 0 : i32
          %dma_start3A_277 = tpu.memref_slice %run_scoped3A[%rem3A_264, %dma_start3A_275, %dma_start3A_276] : memref<2x1x128xi32, #tpu.memory_space<vmem>> -> memref<1x1x128xi32, #tpu.memory_space<vmem>>
          %dma_start3A_278 = tpu.memref_squeeze %dma_start3A_277 : memref<1x1x128xi32, #tpu.memory_space<vmem>> -> memref<1x128xi32, #tpu.memory_space<vmem>>
          %dma_start3A_279 = arith.constant 0 : i32
          %dma_start3A_280 = tpu.memref_slice %arg3[%dma_start3A_279, %mul3A_266] : memref<1x81920xi32, #tpu.memory_space<hbm>> -> memref<1x128xi32, #tpu.memory_space<hbm>>
          tpu.enqueue_dma source(%dma_start3A_280 : memref<1x128xi32, #tpu.memory_space<hbm>>) target(%dma_start3A_278 : memref<1x128xi32, #tpu.memory_space<vmem>>) target_semaphore(%dma_start3A_274 : memref<!tpu.dma_semaphore, #tpu.memory_space<semaphore_mem>>)
          "tpu.trace_stop"() : () -> ()
        } else {
        }
        %and3A_163 = arith.constant true
        %and3A_164 = arith.andi %and3A, %and3A_163 : i1
        %add3A_165 = arith.constant 1 : i32
        %add3A_166 = arith.addi %scan3A_122, %add3A_165 : i32
        %select_n3A_167 = arith.select %and3A_164, %add3A_166, %scan3A_122 : i32
        %ne3A_168 = arith.cmpi ne, %add3A_131, %add3A_149 : i32
        %or3A_169 = arith.constant false
        %or3A_170 = arith.ori %or3A_169, %ne3A_168 : i1
        %or3A_171 = arith.constant false
        %or3A_172 = arith.ori %or3A_170, %or3A_171 : i1
        %ge3A_173 = arith.constant 19 : i32
        %ge3A_174 = arith.cmpi sge, %scan3A_121, %ge3A_173 : i32
        %not3A_175 = arith.constant true
        %not3A_176 = arith.xori %ge3A_174, %not3A_175 : i1
        %and3A_177 = arith.andi %or3A_172, %not3A_176 : i1
        %ne3A_178 = arith.cmpi ne, %add3A_131, %add3A_140 : i32
        %or3A_179 = arith.constant false
        %or3A_180 = arith.ori %or3A_179, %ne3A_178 : i1
        %or3A_181 = arith.ori %or3A_180, %eq3A_128 : i1
        %convert_element_type3A_182 = arith.extui %or3A_181 : i1 to i32
        %cond3A_183 = arith.constant 0 : i32
        %cond3A_184 = arith.cmpi ne, %convert_element_type3A_182, %cond3A_183 : i32
        scf.if %cond3A_184 {
          "tpu.trace_start"() <{level = 10 : i32, message = "ep_wait_in"}> : () -> ()
          %mul3A_263 = arith.constant 128 : i32
          %mul3A_264 = arith.muli %mul3A_263, %add3A_131 : i32
          %rem3A_265 = arith.constant 2 : i32
          %rem3A_266 = arith.remui %scan3A_123, %rem3A_265 : i32
          %dma_wait3A_267 = arith.constant 0 : i32
          %dma_wait3A_268 = arith.constant 0 : i32
          %dma_wait3A_269 = tpu.memref_slice %run_scoped3A[%rem3A_266, %dma_wait3A_267, %dma_wait3A_268] : memref<2x1x128xi32, #tpu.memory_space<vmem>> -> memref<1x1x128xi32, #tpu.memory_space<vmem>>
          %dma_wait3A_270 = tpu.memref_squeeze %dma_wait3A_269 : memref<1x1x128xi32, #tpu.memory_space<vmem>> -> memref<1x128xi32, #tpu.memory_space<vmem>>
          %dma_wait3A_271 = arith.constant 0 : i32
          %dma_wait3A_272 = tpu.memref_slice %arg3[%dma_wait3A_271, %mul3A_264] : memref<1x81920xi32, #tpu.memory_space<hbm>> -> memref<1x128xi32, #tpu.memory_space<hbm>>
          %dma_wait3A_273 = tpu.memref_slice %run_scoped3A_7[%rem3A_266] : memref<2x!tpu.dma_semaphore, #tpu.memory_space<semaphore_mem>> -> memref<1x!tpu.dma_semaphore, #tpu.memory_space<semaphore_mem>>
          %dma_wait3A_274 = tpu.memref_squeeze %dma_wait3A_273 : memref<1x!tpu.dma_semaphore, #tpu.memory_space<semaphore_mem>> -> memref<!tpu.dma_semaphore, #tpu.memory_space<semaphore_mem>>
          %dma_wait3A_275 = arith.constant 0 : i32
          %dma_wait3A_276 = arith.constant 0 : i32
          %dma_wait3A_277 = tpu.memref_slice %run_scoped3A[%rem3A_266, %dma_wait3A_275, %dma_wait3A_276] : memref<2x1x128xi32, #tpu.memory_space<vmem>> -> memref<1x1x128xi32, #tpu.memory_space<vmem>>
          %dma_wait3A_278 = tpu.memref_squeeze %dma_wait3A_277 : memref<1x1x128xi32, #tpu.memory_space<vmem>> -> memref<1x128xi32, #tpu.memory_space<vmem>>
          %dma_wait3A_279 = arith.constant 0 : i32
          %dma_wait3A_280 = tpu.memref_slice %arg3[%dma_wait3A_279, %mul3A_264] : memref<1x81920xi32, #tpu.memory_space<hbm>> -> memref<1x128xi32, #tpu.memory_space<hbm>>
          tpu.wait_dma2 semaphore(%dma_wait3A_274 : memref<!tpu.dma_semaphore, #tpu.memory_space<semaphore_mem>>) src(%dma_wait3A_280 : memref<1x128xi32, #tpu.memory_space<hbm>>) dst(%dma_wait3A_278 : memref<1x128xi32, #tpu.memory_space<vmem>>)
          "tpu.trace_stop"() : () -> ()
        } else {
        }
        %ne3A_185 = arith.cmpi ne, %add3A_131, %add3A_140 : i32
        %or3A_186 = arith.constant false
        %or3A_187 = arith.ori %or3A_186, %ne3A_185 : i1
        %or3A_188 = arith.constant false
        %or3A_189 = arith.ori %or3A_187, %or3A_188 : i1
        %or3A_190 = arith.ori %or3A_189, %eq3A_128 : i1
        %convert_element_type3A_191 = arith.extui %or3A_190 : i1 to i32
        %cond3A_192 = arith.constant 0 : i32
        %cond3A_193 = arith.cmpi ne, %convert_element_type3A_191, %cond3A_192 : i32
        scf.if %cond3A_193 {
        } else {
        }
        %rem3A_194 = arith.constant 2 : i32
        %rem3A_195 = arith.remui %scan3A_123, %rem3A_194 : i32
        %rem3A_196 = arith.constant 2 : i32
        %rem3A_197 = arith.remui %scan3A_124, %rem3A_196 : i32
        "tpu.trace_start"() <{level = 10 : i32, message = "ep_run_kernel"}> : () -> ()
        "tpu.region"() ({
          %run_scoped3A_263 = tpu.sem_alloc : memref<!tpu.dma_semaphore, #tpu.memory_space<semaphore_mem>>
          %run_scoped3A_264 = tpu.sem_alloc : memref<!tpu.dma_semaphore, #tpu.memory_space<semaphore_mem>>
          %dma_start3A_265 = arith.constant 0 : i32
          %dma_start3A_266 = arith.constant 0 : i32
          %dma_start3A_267 = arith.constant 0 : i32
          %dma_start3A_268 = tpu.memref_slice %run_scoped3A_8[%rem3A_197, %dma_start3A_266, %dma_start3A_267] : memref<2x128x256xf32, #tpu.memory_space<vmem>> -> memref<1x128x256xf32, #tpu.memory_space<vmem>>
          %dma_start3A_269 = tpu.memref_squeeze %dma_start3A_268 : memref<1x128x256xf32, #tpu.memory_space<vmem>> -> memref<128x256xf32, #tpu.memory_space<vmem>>
          %dma_start3A_270 = arith.constant 0 : i32
          %dma_start3A_271 = arith.constant 0 : i32
          %dma_start3A_272 = tpu.memref_slice %dma_start3A_269[%dma_start3A_270, %dma_start3A_271] : memref<128x256xf32, #tpu.memory_space<vmem>> -> memref<64x256xf32, #tpu.memory_space<vmem>>
          %dma_start3A_273 = arith.constant 0 : i32
          %dma_start3A_274 = arith.constant 0 : i32
          %dma_start3A_275 = tpu.memref_slice %run_scoped3A[%rem3A_195, %dma_start3A_273, %dma_start3A_274] : memref<2x1x128xi32, #tpu.memory_space<vmem>> -> memref<1x1x128xi32, #tpu.memory_space<vmem>>
          %dma_start3A_276 = tpu.memref_squeeze %dma_start3A_275 : memref<1x1x128xi32, #tpu.memory_space<vmem>> -> memref<1x128xi32, #tpu.memory_space<vmem>>
          %dma_start3A_277 = arith.constant 0 : i32
          %dma_start3A_278 = tpu.memref_slice %dma_start3A_276[%dma_start3A_265, %dma_start3A_277] : memref<1x128xi32, #tpu.memory_space<vmem>> -> memref<1x64xi32, #tpu.memory_space<vmem>>
          %dma_start3A_279 = tpu.memref_squeeze %dma_start3A_278 : memref<1x64xi32, #tpu.memory_space<vmem>> -> memref<64xi32, #tpu.memory_space<vmem>>
          %dma_start3A_280 = arith.constant 0 : i32
          %dma_start3A_281 = arith.constant 0 : i32
          %dma_start3A_282 = tpu.memref_slice %arg2[%dma_start3A_280, %dma_start3A_281] : memref<10000x256xf32, #tpu.memory_space<hbm>> -> memref<10000x256xf32, #tpu.memory_space<hbm>>
          tpu.enqueue_indirect_dma source(%dma_start3A_282 : memref<10000x256xf32, #tpu.memory_space<hbm>>) target(%dma_start3A_272 : memref<64x256xf32, #tpu.memory_space<vmem>>) offsets(%dma_start3A_279 : memref<64xi32, #tpu.memory_space<vmem>>) semaphore(%run_scoped3A_263 : memref<!tpu.dma_semaphore, #tpu.memory_space<semaphore_mem>>)
          %dma_start3A_283 = arith.constant 0 : i32
          %dma_start3A_284 = arith.constant 0 : i32
          %dma_start3A_285 = arith.constant 0 : i32
          %dma_start3A_286 = tpu.memref_slice %run_scoped3A_8[%rem3A_197, %dma_start3A_284, %dma_start3A_285] : memref<2x128x256xf32, #tpu.memory_space<vmem>> -> memref<1x128x256xf32, #tpu.memory_space<vmem>>
          %dma_start3A_287 = tpu.memref_squeeze %dma_start3A_286 : memref<1x128x256xf32, #tpu.memory_space<vmem>> -> memref<128x256xf32, #tpu.memory_space<vmem>>
          %dma_start3A_288 = arith.constant 64 : i32
          %dma_start3A_289 = arith.constant 0 : i32
          %dma_start3A_290 = tpu.memref_slice %dma_start3A_287[%dma_start3A_288, %dma_start3A_289] : memref<128x256xf32, #tpu.memory_space<vmem>> -> memref<64x256xf32, #tpu.memory_space<vmem>>
          %dma_start3A_291 = arith.constant 0 : i32
          %dma_start3A_292 = arith.constant 0 : i32
          %dma_start3A_293 = tpu.memref_slice %run_scoped3A[%rem3A_195, %dma_start3A_291, %dma_start3A_292] : memref<2x1x128xi32, #tpu.memory_space<vmem>> -> memref<1x1x128xi32, #tpu.memory_space<vmem>>
          %dma_start3A_294 = tpu.memref_squeeze %dma_start3A_293 : memref<1x1x128xi32, #tpu.memory_space<vmem>> -> memref<1x128xi32, #tpu.memory_space<vmem>>
          %dma_start3A_295 = arith.constant 64 : i32
          %dma_start3A_296 = tpu.memref_slice %dma_start3A_294[%dma_start3A_283, %dma_start3A_295] : memref<1x128xi32, #tpu.memory_space<vmem>> -> memref<1x64xi32, #tpu.memory_space<vmem>>
          %dma_start3A_297 = tpu.memref_squeeze %dma_start3A_296 : memref<1x64xi32, #tpu.memory_space<vmem>> -> memref<64xi32, #tpu.memory_space<vmem>>
          %dma_start3A_298 = arith.constant 0 : i32
          %dma_start3A_299 = arith.constant 0 : i32
          %dma_start3A_300 = tpu.memref_slice %arg2[%dma_start3A_298, %dma_start3A_299] : memref<10000x256xf32, #tpu.memory_space<hbm>> -> memref<10000x256xf32, #tpu.memory_space<hbm>>
          tpu.enqueue_indirect_dma source(%dma_start3A_300 : memref<10000x256xf32, #tpu.memory_space<hbm>>) target(%dma_start3A_290 : memref<64x256xf32, #tpu.memory_space<vmem>>) offsets(%dma_start3A_297 : memref<64xi32, #tpu.memory_space<vmem>>) semaphore(%run_scoped3A_264 : memref<!tpu.dma_semaphore, #tpu.memory_space<semaphore_mem>>)
          %dma_wait3A_301 = arith.constant 0 : i32
          %dma_wait3A_302 = arith.constant 0 : i32
          %dma_wait3A_303 = arith.constant 0 : i32
          %dma_wait3A_304 = tpu.memref_slice %run_scoped3A_8[%rem3A_197, %dma_wait3A_302, %dma_wait3A_303] : memref<2x128x256xf32, #tpu.memory_space<vmem>> -> memref<1x128x256xf32, #tpu.memory_space<vmem>>
          %dma_wait3A_305 = tpu.memref_squeeze %dma_wait3A_304 : memref<1x128x256xf32, #tpu.memory_space<vmem>> -> memref<128x256xf32, #tpu.memory_space<vmem>>
          %dma_wait3A_306 = arith.constant 0 : i32
          %dma_wait3A_307 = arith.constant 0 : i32
          %dma_wait3A_308 = tpu.memref_slice %dma_wait3A_305[%dma_wait3A_306, %dma_wait3A_307] : memref<128x256xf32, #tpu.memory_space<vmem>> -> memref<64x256xf32, #tpu.memory_space<vmem>>
          %dma_wait3A_309 = arith.constant 0 : i32
          %dma_wait3A_310 = arith.constant 0 : i32
          %dma_wait3A_311 = tpu.memref_slice %run_scoped3A[%rem3A_195, %dma_wait3A_309, %dma_wait3A_310] : memref<2x1x128xi32, #tpu.memory_space<vmem>> -> memref<1x1x128xi32, #tpu.memory_space<vmem>>
          %dma_wait3A_312 = tpu.memref_squeeze %dma_wait3A_311 : memref<1x1x128xi32, #tpu.memory_space<vmem>> -> memref<1x128xi32, #tpu.memory_space<vmem>>
          %dma_wait3A_313 = arith.constant 0 : i32
          %dma_wait3A_314 = tpu.memref_slice %dma_wait3A_312[%dma_wait3A_301, %dma_wait3A_313] : memref<1x128xi32, #tpu.memory_space<vmem>> -> memref<1x64xi32, #tpu.memory_space<vmem>>
          %dma_wait3A_315 = tpu.memref_squeeze %dma_wait3A_314 : memref<1x64xi32, #tpu.memory_space<vmem>> -> memref<64xi32, #tpu.memory_space<vmem>>
          %dma_wait3A_316 = arith.constant 0 : i32
          %dma_wait3A_317 = arith.constant 0 : i32
          %dma_wait3A_318 = tpu.memref_slice %arg2[%dma_wait3A_316, %dma_wait3A_317] : memref<10000x256xf32, #tpu.memory_space<hbm>> -> memref<10000x256xf32, #tpu.memory_space<hbm>>
          tpu.wait_indirect_dma semaphore(%run_scoped3A_263 : memref<!tpu.dma_semaphore, #tpu.memory_space<semaphore_mem>>) src(%dma_wait3A_318 : memref<10000x256xf32, #tpu.memory_space<hbm>>) dst(%dma_wait3A_308 : memref<64x256xf32, #tpu.memory_space<vmem>>)
          %dma_wait3A_319 = arith.constant 0 : i32
          %dma_wait3A_320 = arith.constant 0 : i32
          %dma_wait3A_321 = arith.constant 0 : i32
          %dma_wait3A_322 = tpu.memref_slice %run_scoped3A_8[%rem3A_197, %dma_wait3A_320, %dma_wait3A_321] : memref<2x128x256xf32, #tpu.memory_space<vmem>> -> memref<1x128x256xf32, #tpu.memory_space<vmem>>
          %dma_wait3A_323 = tpu.memref_squeeze %dma_wait3A_322 : memref<1x128x256xf32, #tpu.memory_space<vmem>> -> memref<128x256xf32, #tpu.memory_space<vmem>>
          %dma_wait3A_324 = arith.constant 64 : i32
          %dma_wait3A_325 = arith.constant 0 : i32
          %dma_wait3A_326 = tpu.memref_slice %dma_wait3A_323[%dma_wait3A_324, %dma_wait3A_325] : memref<128x256xf32, #tpu.memory_space<vmem>> -> memref<64x256xf32, #tpu.memory_space<vmem>>
          %dma_wait3A_327 = arith.constant 0 : i32
          %dma_wait3A_328 = arith.constant 0 : i32
          %dma_wait3A_329 = tpu.memref_slice %run_scoped3A[%rem3A_195, %dma_wait3A_327, %dma_wait3A_328] : memref<2x1x128xi32, #tpu.memory_space<vmem>> -> memref<1x1x128xi32, #tpu.memory_space<vmem>>
          %dma_wait3A_330 = tpu.memref_squeeze %dma_wait3A_329 : memref<1x1x128xi32, #tpu.memory_space<vmem>> -> memref<1x128xi32, #tpu.memory_space<vmem>>
          %dma_wait3A_331 = arith.constant 64 : i32
          %dma_wait3A_332 = tpu.memref_slice %dma_wait3A_330[%dma_wait3A_319, %dma_wait3A_331] : memref<1x128xi32, #tpu.memory_space<vmem>> -> memref<1x64xi32, #tpu.memory_space<vmem>>
          %dma_wait3A_333 = tpu.memref_squeeze %dma_wait3A_332 : memref<1x64xi32, #tpu.memory_space<vmem>> -> memref<64xi32, #tpu.memory_space<vmem>>
          %dma_wait3A_334 = arith.constant 0 : i32
          %dma_wait3A_335 = arith.constant 0 : i32
          %dma_wait3A_336 = tpu.memref_slice %arg2[%dma_wait3A_334, %dma_wait3A_335] : memref<10000x256xf32, #tpu.memory_space<hbm>> -> memref<10000x256xf32, #tpu.memory_space<hbm>>
          tpu.wait_indirect_dma semaphore(%run_scoped3A_264 : memref<!tpu.dma_semaphore, #tpu.memory_space<semaphore_mem>>) src(%dma_wait3A_336 : memref<10000x256xf32, #tpu.memory_space<hbm>>) dst(%dma_wait3A_326 : memref<64x256xf32, #tpu.memory_space<vmem>>)
          tpu.yield
        }) : () -> ()
        "tpu.trace_stop"() : () -> ()
        %ne3A_198 = arith.cmpi ne, %add3A_131, %add3A_149 : i32
        %or3A_199 = arith.constant false
        %or3A_200 = arith.ori %or3A_199, %ne3A_198 : i1
        %or3A_201 = arith.ori %or3A_200, %eq3A_130 : i1
        %convert_element_type3A_202 = arith.extui %or3A_201 : i1 to i32
        %cond3A_203 = arith.constant 0 : i32
        %cond3A_204 = arith.cmpi ne, %convert_element_type3A_202, %cond3A_203 : i32
        scf.if %cond3A_204 {
        } else {
        }
        %and3A_205 = arith.constant false
        %and3A_206 = arith.andi %or3A_201, %and3A_205 : i1
        %ne3A_207 = arith.cmpi ne, %add3A_131, %add3A_149 : i32
        %or3A_208 = arith.constant false
        %or3A_209 = arith.ori %or3A_208, %ne3A_207 : i1
        %or3A_210 = arith.constant false
        %or3A_211 = arith.ori %or3A_209, %or3A_210 : i1
        %or3A_212 = arith.ori %or3A_211, %eq3A_130 : i1
        %convert_element_type3A_213 = arith.extui %or3A_212 : i1 to i32
        %cond3A_214 = arith.constant 0 : i32
        %cond3A_215 = arith.cmpi ne, %convert_element_type3A_213, %cond3A_214 : i32
        scf.if %cond3A_215 {
          "tpu.trace_start"() <{level = 10 : i32, message = "ep_copy_out"}> : () -> ()
          %rem3A_263 = arith.constant 2 : i32
          %rem3A_264 = arith.remui %scan3A_124, %rem3A_263 : i32
          %mul3A_265 = arith.constant 128 : i32
          %mul3A_266 = arith.muli %mul3A_265, %add3A_131 : i32
          %dma_start3A_267 = arith.constant 0 : i32
          %dma_start3A_268 = arith.constant 0 : i32
          %dma_start3A_269 = tpu.memref_slice %run_scoped3A_8[%rem3A_264, %dma_start3A_267, %dma_start3A_268] : memref<2x128x256xf32, #tpu.memory_space<vmem>> -> memref<1x128x256xf32, #tpu.memory_space<vmem>>
          %dma_start3A_270 = tpu.memref_squeeze %dma_start3A_269 : memref<1x128x256xf32, #tpu.memory_space<vmem>> -> memref<128x256xf32, #tpu.memory_space<vmem>>
          %dma_start3A_271 = arith.constant 0 : i32
          %dma_start3A_272 = tpu.memref_slice %arg4[%mul3A_266, %dma_start3A_271] : memref<81920x256xf32, #tpu.memory_space<hbm>> -> memref<128x256xf32, #tpu.memory_space<hbm>>
          %dma_start3A_273 = tpu.memref_slice %run_scoped3A_9[%rem3A_264] : memref<2x!tpu.dma_semaphore, #tpu.memory_space<semaphore_mem>> -> memref<1x!tpu.dma_semaphore, #tpu.memory_space<semaphore_mem>>
          %dma_start3A_274 = tpu.memref_squeeze %dma_start3A_273 : memref<1x!tpu.dma_semaphore, #tpu.memory_space<semaphore_mem>> -> memref<!tpu.dma_semaphore, #tpu.memory_space<semaphore_mem>>
          %dma_start3A_275 = arith.constant 0 : i32
          %dma_start3A_276 = tpu.memref_slice %arg4[%mul3A_266, %dma_start3A_275] : memref<81920x256xf32, #tpu.memory_space<hbm>> -> memref<128x256xf32, #tpu.memory_space<hbm>>
          %dma_start3A_277 = arith.constant 0 : i32
          %dma_start3A_278 = arith.constant 0 : i32
          %dma_start3A_279 = tpu.memref_slice %run_scoped3A_8[%rem3A_264, %dma_start3A_277, %dma_start3A_278] : memref<2x128x256xf32, #tpu.memory_space<vmem>> -> memref<1x128x256xf32, #tpu.memory_space<vmem>>
          %dma_start3A_280 = tpu.memref_squeeze %dma_start3A_279 : memref<1x128x256xf32, #tpu.memory_space<vmem>> -> memref<128x256xf32, #tpu.memory_space<vmem>>
          tpu.enqueue_dma source(%dma_start3A_280 : memref<128x256xf32, #tpu.memory_space<vmem>>) target(%dma_start3A_276 : memref<128x256xf32, #tpu.memory_space<hbm>>) target_semaphore(%dma_start3A_274 : memref<!tpu.dma_semaphore, #tpu.memory_space<semaphore_mem>>)
          "tpu.trace_stop"() : () -> ()
        } else {
        }
        %and3A_216 = arith.constant true
        %and3A_217 = arith.andi %or3A_212, %and3A_216 : i1
        %add3A_218 = arith.constant 1 : i32
        %add3A_219 = arith.addi %scan3A_124, %add3A_218 : i32
        %select_n3A_220 = arith.select %and3A_217, %add3A_219, %scan3A_124 : i32
        %ne3A_221 = arith.cmpi ne, %add3A_131, %add3A_140 : i32
        %or3A_222 = arith.constant false
        %or3A_223 = arith.ori %or3A_222, %ne3A_221 : i1
        %not3A_224 = arith.constant true
        %not3A_225 = arith.xori %eq3A_128, %not3A_224 : i1
        %and3A_226 = arith.andi %or3A_223, %not3A_225 : i1
        %convert_element_type3A_227 = arith.extui %and3A_226 : i1 to i32
        %cond3A_228 = arith.constant 0 : i32
        %cond3A_229 = arith.cmpi ne, %convert_element_type3A_227, %cond3A_228 : i32
        scf.if %cond3A_229 {
        } else {
        }
        %and3A_230 = arith.constant false
        %and3A_231 = arith.andi %and3A_226, %and3A_230 : i1
        %ne3A_232 = arith.cmpi ne, %add3A_131, %add3A_140 : i32
        %or3A_233 = arith.constant false
        %or3A_234 = arith.ori %or3A_233, %ne3A_232 : i1
        %or3A_235 = arith.constant false
        %or3A_236 = arith.ori %or3A_234, %or3A_235 : i1
        %not3A_237 = arith.constant true
        %not3A_238 = arith.xori %eq3A_128, %not3A_237 : i1
        %and3A_239 = arith.andi %or3A_236, %not3A_238 : i1
        %convert_element_type3A_240 = arith.extui %and3A_239 : i1 to i32
        %cond3A_241 = arith.constant 0 : i32
        %cond3A_242 = arith.cmpi ne, %convert_element_type3A_240, %cond3A_241 : i32
        scf.if %cond3A_242 {
          "tpu.trace_start"() <{level = 10 : i32, message = "ep_wait_out"}> : () -> ()
          %rem3A_263 = arith.constant 2 : i32
          %rem3A_264 = arith.remui %scan3A_125, %rem3A_263 : i32
          %mul3A_265 = arith.constant 128 : i32
          %mul3A_266 = arith.muli %mul3A_265, %add3A_140 : i32
          %dma_wait3A_267 = arith.constant 0 : i32
          %dma_wait3A_268 = arith.constant 0 : i32
          %dma_wait3A_269 = tpu.memref_slice %run_scoped3A_8[%rem3A_264, %dma_wait3A_267, %dma_wait3A_268] : memref<2x128x256xf32, #tpu.memory_space<vmem>> -> memref<1x128x256xf32, #tpu.memory_space<vmem>>
          %dma_wait3A_270 = tpu.memref_squeeze %dma_wait3A_269 : memref<1x128x256xf32, #tpu.memory_space<vmem>> -> memref<128x256xf32, #tpu.memory_space<vmem>>
          %dma_wait3A_271 = arith.constant 0 : i32
          %dma_wait3A_272 = tpu.memref_slice %arg4[%mul3A_266, %dma_wait3A_271] : memref<81920x256xf32, #tpu.memory_space<hbm>> -> memref<128x256xf32, #tpu.memory_space<hbm>>
          %dma_wait3A_273 = tpu.memref_slice %run_scoped3A_9[%rem3A_264] : memref<2x!tpu.dma_semaphore, #tpu.memory_space<semaphore_mem>> -> memref<1x!tpu.dma_semaphore, #tpu.memory_space<semaphore_mem>>
          %dma_wait3A_274 = tpu.memref_squeeze %dma_wait3A_273 : memref<1x!tpu.dma_semaphore, #tpu.memory_space<semaphore_mem>> -> memref<!tpu.dma_semaphore, #tpu.memory_space<semaphore_mem>>
          %dma_wait3A_275 = arith.constant 0 : i32
          %dma_wait3A_276 = tpu.memref_slice %arg4[%mul3A_266, %dma_wait3A_275] : memref<81920x256xf32, #tpu.memory_space<hbm>> -> memref<128x256xf32, #tpu.memory_space<hbm>>
          %dma_wait3A_277 = arith.constant 0 : i32
          %dma_wait3A_278 = arith.constant 0 : i32
          %dma_wait3A_279 = tpu.memref_slice %run_scoped3A_8[%rem3A_264, %dma_wait3A_277, %dma_wait3A_278] : memref<2x128x256xf32, #tpu.memory_space<vmem>> -> memref<1x128x256xf32, #tpu.memory_space<vmem>>
          %dma_wait3A_280 = tpu.memref_squeeze %dma_wait3A_279 : memref<1x128x256xf32, #tpu.memory_space<vmem>> -> memref<128x256xf32, #tpu.memory_space<vmem>>
          tpu.wait_dma2 semaphore(%dma_wait3A_274 : memref<!tpu.dma_semaphore, #tpu.memory_space<semaphore_mem>>) src(%dma_wait3A_280 : memref<128x256xf32, #tpu.memory_space<vmem>>) dst(%dma_wait3A_276 : memref<128x256xf32, #tpu.memory_space<hbm>>)
          "tpu.trace_stop"() : () -> ()
        } else {
        }
        %and3A_243 = arith.constant true
        %and3A_244 = arith.andi %and3A_239, %and3A_243 : i1
        %add3A_245 = arith.constant 1 : i32
        %add3A_246 = arith.addi %scan3A_125, %add3A_245 : i32
        %select_n3A_247 = arith.select %and3A_244, %add3A_246, %scan3A_125 : i32
        %ne3A_248 = arith.cmpi ne, %add3A_131, %add3A_149 : i32
        %or3A_249 = arith.constant false
        %or3A_250 = arith.ori %or3A_249, %ne3A_248 : i1
        %or3A_251 = arith.ori %or3A_250, %eq3A_130 : i1
        %add3A_252 = arith.constant 1 : i32
        %add3A_253 = arith.addi %scan3A_123, %add3A_252 : i32
        %select_n3A_254 = arith.select %or3A_251, %add3A_253, %scan3A_123 : i32
        %add3A_255 = arith.constant 1 : i32
        %add3A_256 = arith.addi %scan3A_126, %add3A_255 : i32
        %select_n3A_257 = arith.constant true
        %select_n3A_258 = arith.select %select_n3A_257, %add3A_256, %scan3A_126 : i32
        %eq3A_259 = arith.constant 20 : i32
        %eq3A_260 = arith.cmpi eq, %select_n3A_258, %eq3A_259 : i32
        %select_n3A_261 = arith.constant 0 : i32
        %select_n3A_262 = arith.select %eq3A_260, %select_n3A_261, %select_n3A_258 : i32
        scf.yield %select_n3A_167, %select_n3A_254, %select_n3A_220, %select_n3A_247, %select_n3A_262 : i32, i32, i32, i32, i32
      }
      %scan3A_68 = arith.constant 20 : i32
      %sub3A = arith.constant 1 : i32
      %sub3A_69 = arith.subi %scan3A_67#4, %sub3A : i32
      %select_n3A_70 = arith.constant true
      %select_n3A_71 = arith.select %select_n3A_70, %sub3A_69, %scan3A_67#4 : i32
      %eq3A_72 = arith.constant -1 : i32
      %eq3A_73 = arith.cmpi eq, %select_n3A_71, %eq3A_72 : i32
      %select_n3A_74 = arith.constant 19 : i32
      %select_n3A_75 = arith.select %eq3A_73, %select_n3A_74, %select_n3A_71 : i32
      %add3A_76 = arith.addi %select_n3A_75, %mul3A_6 : i32
      %sub3A_77 = arith.constant 1 : i32
      %sub3A_78 = arith.subi %select_n3A_75, %sub3A_77 : i32
      %select_n3A_79 = arith.constant true
      %select_n3A_80 = arith.select %select_n3A_79, %sub3A_78, %select_n3A_75 : i32
      %eq3A_81 = arith.constant -1 : i32
      %eq3A_82 = arith.cmpi eq, %select_n3A_80, %eq3A_81 : i32
      %select_n3A_83 = arith.constant 19 : i32
      %select_n3A_84 = arith.select %eq3A_82, %select_n3A_83, %select_n3A_80 : i32
      %add3A_85 = arith.addi %select_n3A_84, %mul3A_6 : i32
      %add3A_86 = arith.constant 1 : i32
      %add3A_87 = arith.addi %select_n3A_75, %add3A_86 : i32
      %select_n3A_88 = arith.constant true
      %select_n3A_89 = arith.select %select_n3A_88, %add3A_87, %select_n3A_75 : i32
      %eq3A_90 = arith.constant 20 : i32
      %eq3A_91 = arith.cmpi eq, %select_n3A_89, %eq3A_90 : i32
      %select_n3A_92 = arith.constant 0 : i32
      %select_n3A_93 = arith.select %eq3A_91, %select_n3A_92, %select_n3A_89 : i32
      %add3A_94 = arith.addi %select_n3A_93, %mul3A_6 : i32
      %add3A_95 = arith.constant 1 : i32
      %add3A_96 = arith.addi %select_n3A_93, %add3A_95 : i32
      %select_n3A_97 = arith.constant true
      %select_n3A_98 = arith.select %select_n3A_97, %add3A_96, %select_n3A_93 : i32
      %eq3A_99 = arith.constant 20 : i32
      %eq3A_100 = arith.cmpi eq, %select_n3A_98, %eq3A_99 : i32
      %select_n3A_101 = arith.constant 0 : i32
      %select_n3A_102 = arith.select %eq3A_100, %select_n3A_101, %select_n3A_98 : i32
      %add3A_103 = arith.addi %select_n3A_102, %mul3A_6 : i32
      "tpu.trace_start"() <{level = 10 : i32, message = "ep_finalize"}> : () -> ()
      %rem3A_104 = arith.constant 2 : i32
      %rem3A_105 = arith.remui %scan3A_67#3, %rem3A_104 : i32
      %mul3A_106 = arith.constant 128 : i32
      %mul3A_107 = arith.muli %mul3A_106, %add3A_76 : i32
      %dma_wait3A = arith.constant 0 : i32
      %dma_wait3A_108 = arith.constant 0 : i32
      %dma_wait3A_109 = tpu.memref_slice %run_scoped3A_8[%rem3A_105, %dma_wait3A, %dma_wait3A_108] : memref<2x128x256xf32, #tpu.memory_space<vmem>> -> memref<1x128x256xf32, #tpu.memory_space<vmem>>
      %dma_wait3A_110 = tpu.memref_squeeze %dma_wait3A_109 : memref<1x128x256xf32, #tpu.memory_space<vmem>> -> memref<128x256xf32, #tpu.memory_space<vmem>>
      %dma_wait3A_111 = arith.constant 0 : i32
      %dma_wait3A_112 = tpu.memref_slice %arg4[%mul3A_107, %dma_wait3A_111] : memref<81920x256xf32, #tpu.memory_space<hbm>> -> memref<128x256xf32, #tpu.memory_space<hbm>>
      %dma_wait3A_113 = tpu.memref_slice %run_scoped3A_9[%rem3A_105] : memref<2x!tpu.dma_semaphore, #tpu.memory_space<semaphore_mem>> -> memref<1x!tpu.dma_semaphore, #tpu.memory_space<semaphore_mem>>
      %dma_wait3A_114 = tpu.memref_squeeze %dma_wait3A_113 : memref<1x!tpu.dma_semaphore, #tpu.memory_space<semaphore_mem>> -> memref<!tpu.dma_semaphore, #tpu.memory_space<semaphore_mem>>
      %dma_wait3A_115 = arith.constant 0 : i32
      %dma_wait3A_116 = tpu.memref_slice %arg4[%mul3A_107, %dma_wait3A_115] : memref<81920x256xf32, #tpu.memory_space<hbm>> -> memref<128x256xf32, #tpu.memory_space<hbm>>
      %dma_wait3A_117 = arith.constant 0 : i32
      %dma_wait3A_118 = arith.constant 0 : i32
      %dma_wait3A_119 = tpu.memref_slice %run_scoped3A_8[%rem3A_105, %dma_wait3A_117, %dma_wait3A_118] : memref<2x128x256xf32, #tpu.memory_space<vmem>> -> memref<1x128x256xf32, #tpu.memory_space<vmem>>
      %dma_wait3A_120 = tpu.memref_squeeze %dma_wait3A_119 : memref<1x128x256xf32, #tpu.memory_space<vmem>> -> memref<128x256xf32, #tpu.memory_space<vmem>>
      tpu.wait_dma2 semaphore(%dma_wait3A_114 : memref<!tpu.dma_semaphore, #tpu.memory_space<semaphore_mem>>) src(%dma_wait3A_120 : memref<128x256xf32, #tpu.memory_space<vmem>>) dst(%dma_wait3A_116 : memref<128x256xf32, #tpu.memory_space<hbm>>)
      "tpu.trace_stop"() : () -> ()
      tpu.yield
    }) : () -> ()
    return
  }
}

#map = affine_map<(d0, d1) -> (0, 0)>
module attributes {stable_mosaic.version = 14 : i64} {
  func.func @gk(%arg0: i32, %arg1: i32, %arg2: memref<10000x256xf32, #tpu.memory_space<hbm>>, %arg3: memref<1x81920xi32, #tpu.memory_space<hbm>>, %arg4: memref<81920x256xf32, #tpu.memory_space<hbm>>) attributes {dimension_semantics = [#tpu.dimension_semantics<core_parallel>, #tpu.dimension_semantics<subcore_parallel>], iteration_bounds = array<i64: 2, 16>, scalar_prefetch = 0 : i64, scratch_operands = 0 : i64, tpu.core_type = #tpu.core_type<sc_vector_subcore>, window_params = [{transform_indices = #map}, {transform_indices = #map}, {transform_indices = #map}]} {
    %mul3A = arith.constant 1 : i32
    %mul3A_0 = arith.muli %arg1, %mul3A : i32
    %add3A = arith.constant 0 : i32
    %add3A_1 = arith.addi %add3A, %mul3A_0 : i32
    %mul3A_2 = arith.constant 16 : i32
    %mul3A_3 = arith.muli %arg0, %mul3A_2 : i32
    %add3A_4 = arith.addi %add3A_1, %mul3A_3 : i32
    %mul3A_5 = arith.constant 20 : i32
    %mul3A_6 = arith.muli %add3A_4, %mul3A_5 : i32
    "tpu.region"() ({
      %run_scoped3A = memref.alloca() : memref<2x1x128xi32, #tpu.memory_space<vmem>>
      %run_scoped3A_7 = tpu.sem_alloc : memref<2x!tpu.dma_semaphore, #tpu.memory_space<semaphore_mem>>
      %run_scoped3A_8 = memref.alloca() : memref<2x128x256xf32, #tpu.memory_space<vmem>>
      %run_scoped3A_9 = tpu.sem_alloc : memref<2x!tpu.dma_semaphore, #tpu.memory_space<semaphore_mem>>
      %add3A_10 = arith.constant 0 : i32
      %add3A_11 = arith.addi %add3A_10, %mul3A_6 : i32
      %select_n3A = arith.constant true
      %select_n3A_12 = arith.constant 0 : i32
      %select_n3A_13 = arith.constant -1 : i32
      %select_n3A_14 = arith.select %select_n3A, %select_n3A_13, %select_n3A_12 : i32
      %eq3A = arith.constant -1 : i32
      %eq3A_15 = arith.cmpi eq, %select_n3A_14, %eq3A : i32
      %select_n3A_16 = arith.constant 19 : i32
      %select_n3A_17 = arith.select %eq3A_15, %select_n3A_16, %select_n3A_14 : i32
      %add3A_18 = arith.addi %select_n3A_17, %mul3A_6 : i32
      %select_n3A_19 = arith.constant true
      %select_n3A_20 = arith.constant 0 : i32
      %select_n3A_21 = arith.constant 1 : i32
      %select_n3A_22 = arith.select %select_n3A_19, %select_n3A_21, %select_n3A_20 : i32
      %eq3A_23 = arith.constant 20 : i32
      %eq3A_24 = arith.cmpi eq, %select_n3A_22, %eq3A_23 : i32
      %select_n3A_25 = arith.constant 0 : i32
      %select_n3A_26 = arith.select %eq3A_24, %select_n3A_25, %select_n3A_22 : i32
      %add3A_27 = arith.addi %select_n3A_26, %mul3A_6 : i32
      %add3A_28 = arith.constant 1 : i32
      %add3A_29 = arith.addi %select_n3A_26, %add3A_28 : i32
      %select_n3A_30 = arith.constant true
      %select_n3A_31 = arith.select %select_n3A_30, %add3A_29, %select_n3A_26 : i32
      %eq3A_32 = arith.constant 20 : i32
      %eq3A_33 = arith.cmpi eq, %select_n3A_31, %eq3A_32 : i32
      %select_n3A_34 = arith.constant 0 : i32
      %select_n3A_35 = arith.select %eq3A_33, %select_n3A_34, %select_n3A_31 : i32
      %add3A_36 = arith.addi %select_n3A_35, %mul3A_6 : i32
      "tpu.trace_start"() <{level = 10 : i32, message = "ep_initialize_0"}> : () -> ()
      %rem3A = arith.constant 0 : i32
      %rem3A_37 = arith.constant 2 : i32
      %rem3A_38 = arith.remui %rem3A, %rem3A_37 : i32
      %mul3A_39 = arith.constant 128 : i32
      %mul3A_40 = arith.muli %mul3A_39, %add3A_11 : i32
      %dma_start3A = arith.constant 0 : i32
      %dma_start3A_41 = arith.constant 0 : i32
      %dma_start3A_42 = tpu.memref_slice %run_scoped3A[%rem3A_38, %dma_start3A, %dma_start3A_41] : memref<2x1x128xi32, #tpu.memory_space<vmem>> -> memref<1x1x128xi32, #tpu.memory_space<vmem>>
      %dma_start3A_43 = tpu.memref_squeeze %dma_start3A_42 : memref<1x1x128xi32, #tpu.memory_space<vmem>> -> memref<1x128xi32, #tpu.memory_space<vmem>>
      %dma_start3A_44 = arith.constant 0 : i32
      %dma_start3A_45 = tpu.memref_slice %arg3[%dma_start3A_44, %mul3A_40] : memref<1x81920xi32, #tpu.memory_space<hbm>> -> memref<1x128xi32, #tpu.memory_space<hbm>>
      %dma_start3A_46 = tpu.memref_slice %run_scoped3A_7[%rem3A_38] : memref<2x!tpu.dma_semaphore, #tpu.memory_space<semaphore_mem>> -> memref<1x!tpu.dma_semaphore, #tpu.memory_space<semaphore_mem>>
      %dma_start3A_47 = tpu.memref_squeeze %dma_start3A_46 : memref<1x!tpu.dma_semaphore, #tpu.memory_space<semaphore_mem>> -> memref<!tpu.dma_semaphore, #tpu.memory_space<semaphore_mem>>
      %dma_start3A_48 = arith.constant 0 : i32
      %dma_start3A_49 = arith.constant 0 : i32
      %dma_start3A_50 = tpu.memref_slice %run_scoped3A[%rem3A_38, %dma_start3A_48, %dma_start3A_49] : memref<2x1x128xi32, #tpu.memory_space<vmem>> -> memref<1x1x128xi32, #tpu.memory_space<vmem>>
      %dma_start3A_51 = tpu.memref_squeeze %dma_start3A_50 : memref<1x1x128xi32, #tpu.memory_space<vmem>> -> memref<1x128xi32, #tpu.memory_space<vmem>>
      %dma_start3A_52 = arith.constant 0 : i32
      %dma_start3A_53 = tpu.memref_slice %arg3[%dma_start3A_52, %mul3A_40] : memref<1x81920xi32, #tpu.memory_space<hbm>> -> memref<1x128xi32, #tpu.memory_space<hbm>>
      tpu.enqueue_dma source(%dma_start3A_53 : memref<1x128xi32, #tpu.memory_space<hbm>>) target(%dma_start3A_51 : memref<1x128xi32, #tpu.memory_space<vmem>>) target_semaphore(%dma_start3A_47 : memref<!tpu.dma_semaphore, #tpu.memory_space<semaphore_mem>>)
      %add3A_54 = arith.constant 0 : i32
      %add3A_55 = arith.constant 1 : i32
      %add3A_56 = arith.addi %add3A_54, %add3A_55 : i32
      %select_n3A_57 = arith.constant true
      %select_n3A_58 = arith.constant 0 : i32
      %select_n3A_59 = arith.select %select_n3A_57, %add3A_56, %select_n3A_58 : i32
      "tpu.trace_stop"() : () -> ()
      %scan3A = arith.constant 0 : i32
      %scan3A_60 = arith.constant 0 : i32
      %scan3A_61 = arith.constant 0 : i32
      %scan3A_62 = arith.constant 0 : i32
      %scan3A_63 = arith.constant 0 : i32
      %scan3A_64 = arith.constant 20 : i32
      %scan3A_65 = arith.addi %scan3A_63, %scan3A_64 : i32
      %scan3A_66 = arith.constant 1 : i32
      %scan3A_67:5 = scf.for %scan3A_121 = %scan3A_63 to %scan3A_65 step %scan3A_66 iter_args(%scan3A_122 = %select_n3A_59, %scan3A_123 = %scan3A, %scan3A_124 = %scan3A_60, %scan3A_125 = %scan3A_61, %scan3A_126 = %scan3A_62) -> (i32, i32, i32, i32, i32)  : i32 {
        %eq3A_127 = arith.constant 0 : i32
        %eq3A_128 = arith.cmpi eq, %scan3A_121, %eq3A_127 : i32
        %eq3A_129 = arith.constant 19 : i32
        %eq3A_130 = arith.cmpi eq, %scan3A_121, %eq3A_129 : i32
        %add3A_131 = arith.addi %scan3A_126, %mul3A_6 : i32
        %sub3A_132 = arith.constant 1 : i32
        %sub3A_133 = arith.subi %scan3A_126, %sub3A_132 : i32
        %select_n3A_134 = arith.constant true
        %select_n3A_135 = arith.select %select_n3A_134, %sub3A_133, %scan3A_126 : i32
        %eq3A_136 = arith.constant -1 : i32
        %eq3A_137 = arith.cmpi eq, %select_n3A_135, %eq3A_136 : i32
        %select_n3A_138 = arith.constant 19 : i32
        %select_n3A_139 = arith.select %eq3A_137, %select_n3A_138, %select_n3A_135 : i32
        %add3A_140 = arith.addi %select_n3A_139, %mul3A_6 : i32
        %add3A_141 = arith.constant 1 : i32
        %add3A_142 = arith.addi %scan3A_126, %add3A_141 : i32
        %select_n3A_143 = arith.constant true
        %select_n3A_144 = arith.select %select_n3A_143, %add3A_142, %scan3A_126 : i32
        %eq3A_145 = arith.constant 20 : i32
        %eq3A_146 = arith.cmpi eq, %select_n3A_144, %eq3A_145 : i32
        %select_n3A_147 = arith.constant 0 : i32
        %select_n3A_148 = arith.select %eq3A_146, %select_n3A_147, %select_n3A_144 : i32
        %add3A_149 = arith.addi %select_n3A_148, %mul3A_6 : i32
        %add3A_150 = arith.constant 1 : i32
        %add3A_151 = arith.addi %select_n3A_148, %add3A_150 : i32
        %select_n3A_152 = arith.constant true
        %select_n3A_153 = arith.select %select_n3A_152, %add3A_151, %select_n3A_148 : i32
        %eq3A_154 = arith.constant 20 : i32
        %eq3A_155 = arith.cmpi eq, %select_n3A_153, %eq3A_154 : i32
        %select_n3A_156 = arith.constant 0 : i32
        %select_n3A_157 = arith.select %eq3A_155, %select_n3A_156, %select_n3A_153 : i32
        %add3A_158 = arith.addi %select_n3A_157, %mul3A_6 : i32
        %ne3A = arith.cmpi ne, %add3A_131, %add3A_149 : i32
        %or3A = arith.constant false
        %or3A_159 = arith.ori %or3A, %ne3A : i1
        %ge3A = arith.constant 19 : i32
        %ge3A_160 = arith.cmpi sge, %scan3A_121, %ge3A : i32
        %not3A = arith.constant true
        %not3A_161 = arith.xori %ge3A_160, %not3A : i1
        %and3A = arith.andi %or3A_159, %not3A_161 : i1
        %convert_element_type3A = arith.extui %and3A : i1 to i32
        %cond3A = arith.constant 0 : i32
        %cond3A_162 = arith.cmpi ne, %convert_element_type3A, %cond3A : i32
        scf.if %cond3A_162 {
          "tpu.trace_start"() <{level = 10 : i32, message = "ep_copy_in"}> : () -> ()
          %rem3A_263 = arith.constant 2 : i32
          %rem3A_264 = arith.remui %scan3A_122, %rem3A_263 : i32
          %mul3A_265 = arith.constant 128 : i32
          %mul3A_266 = arith.muli %mul3A_265, %add3A_149 : i32
          %dma_start3A_267 = arith.constant 0 : i32
          %dma_start3A_268 = arith.constant 0 : i32
          %dma_start3A_269 = tpu.memref_slice %run_scoped3A[%rem3A_264, %dma_start3A_267, %dma_start3A_268] : memref<2x1x128xi32, #tpu.memory_space<vmem>> -> memref<1x1x128xi32, #tpu.memory_space<vmem>>
          %dma_start3A_270 = tpu.memref_squeeze %dma_start3A_269 : memref<1x1x128xi32, #tpu.memory_space<vmem>> -> memref<1x128xi32, #tpu.memory_space<vmem>>
          %dma_start3A_271 = arith.constant 0 : i32
          %dma_start3A_272 = tpu.memref_slice %arg3[%dma_start3A_271, %mul3A_266] : memref<1x81920xi32, #tpu.memory_space<hbm>> -> memref<1x128xi32, #tpu.memory_space<hbm>>
          %dma_start3A_273 = tpu.memref_slice %run_scoped3A_7[%rem3A_264] : memref<2x!tpu.dma_semaphore, #tpu.memory_space<semaphore_mem>> -> memref<1x!tpu.dma_semaphore, #tpu.memory_space<semaphore_mem>>
          %dma_start3A_274 = tpu.memref_squeeze %dma_start3A_273 : memref<1x!tpu.dma_semaphore, #tpu.memory_space<semaphore_mem>> -> memref<!tpu.dma_semaphore, #tpu.memory_space<semaphore_mem>>
          %dma_start3A_275 = arith.constant 0 : i32
          %dma_start3A_276 = arith.constant 0 : i32
          %dma_start3A_277 = tpu.memref_slice %run_scoped3A[%rem3A_264, %dma_start3A_275, %dma_start3A_276] : memref<2x1x128xi32, #tpu.memory_space<vmem>> -> memref<1x1x128xi32, #tpu.memory_space<vmem>>
          %dma_start3A_278 = tpu.memref_squeeze %dma_start3A_277 : memref<1x1x128xi32, #tpu.memory_space<vmem>> -> memref<1x128xi32, #tpu.memory_space<vmem>>
          %dma_start3A_279 = arith.constant 0 : i32
          %dma_start3A_280 = tpu.memref_slice %arg3[%dma_start3A_279, %mul3A_266] : memref<1x81920xi32, #tpu.memory_space<hbm>> -> memref<1x128xi32, #tpu.memory_space<hbm>>
          tpu.enqueue_dma source(%dma_start3A_280 : memref<1x128xi32, #tpu.memory_space<hbm>>) target(%dma_start3A_278 : memref<1x128xi32, #tpu.memory_space<vmem>>) target_semaphore(%dma_start3A_274 : memref<!tpu.dma_semaphore, #tpu.memory_space<semaphore_mem>>)
          "tpu.trace_stop"() : () -> ()
        } else {
        }
        %and3A_163 = arith.constant true
        %and3A_164 = arith.andi %and3A, %and3A_163 : i1
        %add3A_165 = arith.constant 1 : i32
        %add3A_166 = arith.addi %scan3A_122, %add3A_165 : i32
        %select_n3A_167 = arith.select %and3A_164, %add3A_166, %scan3A_122 : i32
        %ne3A_168 = arith.cmpi ne, %add3A_131, %add3A_149 : i32
        %or3A_169 = arith.constant false
        %or3A_170 = arith.ori %or3A_169, %ne3A_168 : i1
        %or3A_171 = arith.constant false
        %or3A_172 = arith.ori %or3A_170, %or3A_171 : i1
        %ge3A_173 = arith.constant 19 : i32
        %ge3A_174 = arith.cmpi sge, %scan3A_121, %ge3A_173 : i32
        %not3A_175 = arith.constant true
        %not3A_176 = arith.xori %ge3A_174, %not3A_175 : i1
        %and3A_177 = arith.andi %or3A_172, %not3A_176 : i1
        %ne3A_178 = arith.cmpi ne, %add3A_131, %add3A_140 : i32
        %or3A_179 = arith.constant false
        %or3A_180 = arith.ori %or3A_179, %ne3A_178 : i1
        %or3A_181 = arith.ori %or3A_180, %eq3A_128 : i1
        %convert_element_type3A_182 = arith.extui %or3A_181 : i1 to i32
        %cond3A_183 = arith.constant 0 : i32
        %cond3A_184 = arith.cmpi ne, %convert_element_type3A_182, %cond3A_183 : i32
        scf.if %cond3A_184 {
          "tpu.trace_start"() <{level = 10 : i32, message = "ep_wait_in"}> : () -> ()
          %mul3A_263 = arith.constant 128 : i32
          %mul3A_264 = arith.muli %mul3A_263, %add3A_131 : i32
          %rem3A_265 = arith.constant 2 : i32
          %rem3A_266 = arith.remui %scan3A_123, %rem3A_265 : i32
          %dma_wait3A_267 = arith.constant 0 : i32
          %dma_wait3A_268 = arith.constant 0 : i32
          %dma_wait3A_269 = tpu.memref_slice %run_scoped3A[%rem3A_266, %dma_wait3A_267, %dma_wait3A_268] : memref<2x1x128xi32, #tpu.memory_space<vmem>> -> memref<1x1x128xi32, #tpu.memory_space<vmem>>
          %dma_wait3A_270 = tpu.memref_squeeze %dma_wait3A_269 : memref<1x1x128xi32, #tpu.memory_space<vmem>> -> memref<1x128xi32, #tpu.memory_space<vmem>>
          %dma_wait3A_271 = arith.constant 0 : i32
          %dma_wait3A_272 = tpu.memref_slice %arg3[%dma_wait3A_271, %mul3A_264] : memref<1x81920xi32, #tpu.memory_space<hbm>> -> memref<1x128xi32, #tpu.memory_space<hbm>>
          %dma_wait3A_273 = tpu.memref_slice %run_scoped3A_7[%rem3A_266] : memref<2x!tpu.dma_semaphore, #tpu.memory_space<semaphore_mem>> -> memref<1x!tpu.dma_semaphore, #tpu.memory_space<semaphore_mem>>
          %dma_wait3A_274 = tpu.memref_squeeze %dma_wait3A_273 : memref<1x!tpu.dma_semaphore, #tpu.memory_space<semaphore_mem>> -> memref<!tpu.dma_semaphore, #tpu.memory_space<semaphore_mem>>
          %dma_wait3A_275 = arith.constant 0 : i32
          %dma_wait3A_276 = arith.constant 0 : i32
          %dma_wait3A_277 = tpu.memref_slice %run_scoped3A[%rem3A_266, %dma_wait3A_275, %dma_wait3A_276] : memref<2x1x128xi32, #tpu.memory_space<vmem>> -> memref<1x1x128xi32, #tpu.memory_space<vmem>>
          %dma_wait3A_278 = tpu.memref_squeeze %dma_wait3A_277 : memref<1x1x128xi32, #tpu.memory_space<vmem>> -> memref<1x128xi32, #tpu.memory_space<vmem>>
          %dma_wait3A_279 = arith.constant 0 : i32
          %dma_wait3A_280 = tpu.memref_slice %arg3[%dma_wait3A_279, %mul3A_264] : memref<1x81920xi32, #tpu.memory_space<hbm>> -> memref<1x128xi32, #tpu.memory_space<hbm>>
          tpu.wait_dma2 semaphore(%dma_wait3A_274 : memref<!tpu.dma_semaphore, #tpu.memory_space<semaphore_mem>>) src(%dma_wait3A_280 : memref<1x128xi32, #tpu.memory_space<hbm>>) dst(%dma_wait3A_278 : memref<1x128xi32, #tpu.memory_space<vmem>>)
          "tpu.trace_stop"() : () -> ()
        } else {
        }
        %ne3A_185 = arith.cmpi ne, %add3A_131, %add3A_140 : i32
        %or3A_186 = arith.constant false
        %or3A_187 = arith.ori %or3A_186, %ne3A_185 : i1
        %or3A_188 = arith.constant false
        %or3A_189 = arith.ori %or3A_187, %or3A_188 : i1
        %or3A_190 = arith.ori %or3A_189, %eq3A_128 : i1
        %convert_element_type3A_191 = arith.extui %or3A_190 : i1 to i32
        %cond3A_192 = arith.constant 0 : i32
        %cond3A_193 = arith.cmpi ne, %convert_element_type3A_191, %cond3A_192 : i32
        scf.if %cond3A_193 {
        } else {
        }
        %rem3A_194 = arith.constant 2 : i32
        %rem3A_195 = arith.remui %scan3A_123, %rem3A_194 : i32
        %rem3A_196 = arith.constant 2 : i32
        %rem3A_197 = arith.remui %scan3A_124, %rem3A_196 : i32
        "tpu.trace_start"() <{level = 10 : i32, message = "ep_run_kernel"}> : () -> ()
        "tpu.region"() ({
          %run_scoped3A_263 = tpu.sem_alloc : memref<!tpu.dma_semaphore, #tpu.memory_space<semaphore_mem>>
          %run_scoped3A_264 = tpu.sem_alloc : memref<!tpu.dma_semaphore, #tpu.memory_space<semaphore_mem>>
          %dma_start3A_265 = arith.constant 0 : i32
          %dma_start3A_266 = arith.constant 0 : i32
          %dma_start3A_267 = arith.constant 0 : i32
          %dma_start3A_268 = tpu.memref_slice %run_scoped3A_8[%rem3A_197, %dma_start3A_266, %dma_start3A_267] : memref<2x128x256xf32, #tpu.memory_space<vmem>> -> memref<1x128x256xf32, #tpu.memory_space<vmem>>
          %dma_start3A_269 = tpu.memref_squeeze %dma_start3A_268 : memref<1x128x256xf32, #tpu.memory_space<vmem>> -> memref<128x256xf32, #tpu.memory_space<vmem>>
          %dma_start3A_270 = arith.constant 0 : i32
          %dma_start3A_271 = arith.constant 0 : i32
          %dma_start3A_272 = tpu.memref_slice %dma_start3A_269[%dma_start3A_270, %dma_start3A_271] : memref<128x256xf32, #tpu.memory_space<vmem>> -> memref<64x256xf32, #tpu.memory_space<vmem>>
          %dma_start3A_273 = arith.constant 0 : i32
          %dma_start3A_274 = arith.constant 0 : i32
          %dma_start3A_275 = tpu.memref_slice %run_scoped3A[%rem3A_195, %dma_start3A_273, %dma_start3A_274] : memref<2x1x128xi32, #tpu.memory_space<vmem>> -> memref<1x1x128xi32, #tpu.memory_space<vmem>>
          %dma_start3A_276 = tpu.memref_squeeze %dma_start3A_275 : memref<1x1x128xi32, #tpu.memory_space<vmem>> -> memref<1x128xi32, #tpu.memory_space<vmem>>
          %dma_start3A_277 = arith.constant 0 : i32
          %dma_start3A_278 = tpu.memref_slice %dma_start3A_276[%dma_start3A_265, %dma_start3A_277] : memref<1x128xi32, #tpu.memory_space<vmem>> -> memref<1x64xi32, #tpu.memory_space<vmem>>
          %dma_start3A_279 = tpu.memref_squeeze %dma_start3A_278 : memref<1x64xi32, #tpu.memory_space<vmem>> -> memref<64xi32, #tpu.memory_space<vmem>>
          %dma_start3A_280 = arith.constant 0 : i32
          %dma_start3A_281 = arith.constant 0 : i32
          %dma_start3A_282 = tpu.memref_slice %arg2[%dma_start3A_280, %dma_start3A_281] : memref<10000x256xf32, #tpu.memory_space<hbm>> -> memref<10000x256xf32, #tpu.memory_space<hbm>>
          tpu.enqueue_indirect_dma source(%dma_start3A_282 : memref<10000x256xf32, #tpu.memory_space<hbm>>) target(%dma_start3A_272 : memref<64x256xf32, #tpu.memory_space<vmem>>) offsets(%dma_start3A_279 : memref<64xi32, #tpu.memory_space<vmem>>) semaphore(%run_scoped3A_263 : memref<!tpu.dma_semaphore, #tpu.memory_space<semaphore_mem>>)
          %dma_start3A_283 = arith.constant 0 : i32
          %dma_start3A_284 = arith.constant 0 : i32
          %dma_start3A_285 = arith.constant 0 : i32
          %dma_start3A_286 = tpu.memref_slice %run_scoped3A_8[%rem3A_197, %dma_start3A_284, %dma_start3A_285] : memref<2x128x256xf32, #tpu.memory_space<vmem>> -> memref<1x128x256xf32, #tpu.memory_space<vmem>>
          %dma_start3A_287 = tpu.memref_squeeze %dma_start3A_286 : memref<1x128x256xf32, #tpu.memory_space<vmem>> -> memref<128x256xf32, #tpu.memory_space<vmem>>
          %dma_start3A_288 = arith.constant 64 : i32
          %dma_start3A_289 = arith.constant 0 : i32
          %dma_start3A_290 = tpu.memref_slice %dma_start3A_287[%dma_start3A_288, %dma_start3A_289] : memref<128x256xf32, #tpu.memory_space<vmem>> -> memref<64x256xf32, #tpu.memory_space<vmem>>
          %dma_start3A_291 = arith.constant 0 : i32
          %dma_start3A_292 = arith.constant 0 : i32
          %dma_start3A_293 = tpu.memref_slice %run_scoped3A[%rem3A_195, %dma_start3A_291, %dma_start3A_292] : memref<2x1x128xi32, #tpu.memory_space<vmem>> -> memref<1x1x128xi32, #tpu.memory_space<vmem>>
          %dma_start3A_294 = tpu.memref_squeeze %dma_start3A_293 : memref<1x1x128xi32, #tpu.memory_space<vmem>> -> memref<1x128xi32, #tpu.memory_space<vmem>>
          %dma_start3A_295 = arith.constant 64 : i32
          %dma_start3A_296 = tpu.memref_slice %dma_start3A_294[%dma_start3A_283, %dma_start3A_295] : memref<1x128xi32, #tpu.memory_space<vmem>> -> memref<1x64xi32, #tpu.memory_space<vmem>>
          %dma_start3A_297 = tpu.memref_squeeze %dma_start3A_296 : memref<1x64xi32, #tpu.memory_space<vmem>> -> memref<64xi32, #tpu.memory_space<vmem>>
          %dma_start3A_298 = arith.constant 0 : i32
          %dma_start3A_299 = arith.constant 0 : i32
          %dma_start3A_300 = tpu.memref_slice %arg2[%dma_start3A_298, %dma_start3A_299] : memref<10000x256xf32, #tpu.memory_space<hbm>> -> memref<10000x256xf32, #tpu.memory_space<hbm>>
          tpu.enqueue_indirect_dma source(%dma_start3A_300 : memref<10000x256xf32, #tpu.memory_space<hbm>>) target(%dma_start3A_290 : memref<64x256xf32, #tpu.memory_space<vmem>>) offsets(%dma_start3A_297 : memref<64xi32, #tpu.memory_space<vmem>>) semaphore(%run_scoped3A_264 : memref<!tpu.dma_semaphore, #tpu.memory_space<semaphore_mem>>)
          %dma_wait3A_301 = arith.constant 0 : i32
          %dma_wait3A_302 = arith.constant 0 : i32
          %dma_wait3A_303 = arith.constant 0 : i32
          %dma_wait3A_304 = tpu.memref_slice %run_scoped3A_8[%rem3A_197, %dma_wait3A_302, %dma_wait3A_303] : memref<2x128x256xf32, #tpu.memory_space<vmem>> -> memref<1x128x256xf32, #tpu.memory_space<vmem>>
          %dma_wait3A_305 = tpu.memref_squeeze %dma_wait3A_304 : memref<1x128x256xf32, #tpu.memory_space<vmem>> -> memref<128x256xf32, #tpu.memory_space<vmem>>
          %dma_wait3A_306 = arith.constant 0 : i32
          %dma_wait3A_307 = arith.constant 0 : i32
          %dma_wait3A_308 = tpu.memref_slice %dma_wait3A_305[%dma_wait3A_306, %dma_wait3A_307] : memref<128x256xf32, #tpu.memory_space<vmem>> -> memref<64x256xf32, #tpu.memory_space<vmem>>
          %dma_wait3A_309 = arith.constant 0 : i32
          %dma_wait3A_310 = arith.constant 0 : i32
          %dma_wait3A_311 = tpu.memref_slice %run_scoped3A[%rem3A_195, %dma_wait3A_309, %dma_wait3A_310] : memref<2x1x128xi32, #tpu.memory_space<vmem>> -> memref<1x1x128xi32, #tpu.memory_space<vmem>>
          %dma_wait3A_312 = tpu.memref_squeeze %dma_wait3A_311 : memref<1x1x128xi32, #tpu.memory_space<vmem>> -> memref<1x128xi32, #tpu.memory_space<vmem>>
          %dma_wait3A_313 = arith.constant 0 : i32
          %dma_wait3A_314 = tpu.memref_slice %dma_wait3A_312[%dma_wait3A_301, %dma_wait3A_313] : memref<1x128xi32, #tpu.memory_space<vmem>> -> memref<1x64xi32, #tpu.memory_space<vmem>>
          %dma_wait3A_315 = tpu.memref_squeeze %dma_wait3A_314 : memref<1x64xi32, #tpu.memory_space<vmem>> -> memref<64xi32, #tpu.memory_space<vmem>>
          %dma_wait3A_316 = arith.constant 0 : i32
          %dma_wait3A_317 = arith.constant 0 : i32
          %dma_wait3A_318 = tpu.memref_slice %arg2[%dma_wait3A_316, %dma_wait3A_317] : memref<10000x256xf32, #tpu.memory_space<hbm>> -> memref<10000x256xf32, #tpu.memory_space<hbm>>
          tpu.wait_indirect_dma semaphore(%run_scoped3A_263 : memref<!tpu.dma_semaphore, #tpu.memory_space<semaphore_mem>>) src(%dma_wait3A_318 : memref<10000x256xf32, #tpu.memory_space<hbm>>) dst(%dma_wait3A_308 : memref<64x256xf32, #tpu.memory_space<vmem>>)
          %dma_wait3A_319 = arith.constant 0 : i32
          %dma_wait3A_320 = arith.constant 0 : i32
          %dma_wait3A_321 = arith.constant 0 : i32
          %dma_wait3A_322 = tpu.memref_slice %run_scoped3A_8[%rem3A_197, %dma_wait3A_320, %dma_wait3A_321] : memref<2x128x256xf32, #tpu.memory_space<vmem>> -> memref<1x128x256xf32, #tpu.memory_space<vmem>>
          %dma_wait3A_323 = tpu.memref_squeeze %dma_wait3A_322 : memref<1x128x256xf32, #tpu.memory_space<vmem>> -> memref<128x256xf32, #tpu.memory_space<vmem>>
          %dma_wait3A_324 = arith.constant 64 : i32
          %dma_wait3A_325 = arith.constant 0 : i32
          %dma_wait3A_326 = tpu.memref_slice %dma_wait3A_323[%dma_wait3A_324, %dma_wait3A_325] : memref<128x256xf32, #tpu.memory_space<vmem>> -> memref<64x256xf32, #tpu.memory_space<vmem>>
          %dma_wait3A_327 = arith.constant 0 : i32
          %dma_wait3A_328 = arith.constant 0 : i32
          %dma_wait3A_329 = tpu.memref_slice %run_scoped3A[%rem3A_195, %dma_wait3A_327, %dma_wait3A_328] : memref<2x1x128xi32, #tpu.memory_space<vmem>> -> memref<1x1x128xi32, #tpu.memory_space<vmem>>
          %dma_wait3A_330 = tpu.memref_squeeze %dma_wait3A_329 : memref<1x1x128xi32, #tpu.memory_space<vmem>> -> memref<1x128xi32, #tpu.memory_space<vmem>>
          %dma_wait3A_331 = arith.constant 64 : i32
          %dma_wait3A_332 = tpu.memref_slice %dma_wait3A_330[%dma_wait3A_319, %dma_wait3A_331] : memref<1x128xi32, #tpu.memory_space<vmem>> -> memref<1x64xi32, #tpu.memory_space<vmem>>
          %dma_wait3A_333 = tpu.memref_squeeze %dma_wait3A_332 : memref<1x64xi32, #tpu.memory_space<vmem>> -> memref<64xi32, #tpu.memory_space<vmem>>
          %dma_wait3A_334 = arith.constant 0 : i32
          %dma_wait3A_335 = arith.constant 0 : i32
          %dma_wait3A_336 = tpu.memref_slice %arg2[%dma_wait3A_334, %dma_wait3A_335] : memref<10000x256xf32, #tpu.memory_space<hbm>> -> memref<10000x256xf32, #tpu.memory_space<hbm>>
          tpu.wait_indirect_dma semaphore(%run_scoped3A_264 : memref<!tpu.dma_semaphore, #tpu.memory_space<semaphore_mem>>) src(%dma_wait3A_336 : memref<10000x256xf32, #tpu.memory_space<hbm>>) dst(%dma_wait3A_326 : memref<64x256xf32, #tpu.memory_space<vmem>>)
          tpu.yield
        }) : () -> ()
        "tpu.trace_stop"() : () -> ()
        %ne3A_198 = arith.cmpi ne, %add3A_131, %add3A_149 : i32
        %or3A_199 = arith.constant false
        %or3A_200 = arith.ori %or3A_199, %ne3A_198 : i1
        %or3A_201 = arith.ori %or3A_200, %eq3A_130 : i1
        %convert_element_type3A_202 = arith.extui %or3A_201 : i1 to i32
        %cond3A_203 = arith.constant 0 : i32
        %cond3A_204 = arith.cmpi ne, %convert_element_type3A_202, %cond3A_203 : i32
        scf.if %cond3A_204 {
        } else {
        }
        %and3A_205 = arith.constant false
        %and3A_206 = arith.andi %or3A_201, %and3A_205 : i1
        %ne3A_207 = arith.cmpi ne, %add3A_131, %add3A_149 : i32
        %or3A_208 = arith.constant false
        %or3A_209 = arith.ori %or3A_208, %ne3A_207 : i1
        %or3A_210 = arith.constant false
        %or3A_211 = arith.ori %or3A_209, %or3A_210 : i1
        %or3A_212 = arith.ori %or3A_211, %eq3A_130 : i1
        %convert_element_type3A_213 = arith.extui %or3A_212 : i1 to i32
        %cond3A_214 = arith.constant 0 : i32
        %cond3A_215 = arith.cmpi ne, %convert_element_type3A_213, %cond3A_214 : i32
        scf.if %cond3A_215 {
          "tpu.trace_start"() <{level = 10 : i32, message = "ep_copy_out"}> : () -> ()
          %rem3A_263 = arith.constant 2 : i32
          %rem3A_264 = arith.remui %scan3A_124, %rem3A_263 : i32
          %mul3A_265 = arith.constant 128 : i32
          %mul3A_266 = arith.muli %mul3A_265, %add3A_131 : i32
          %dma_start3A_267 = arith.constant 0 : i32
          %dma_start3A_268 = arith.constant 0 : i32
          %dma_start3A_269 = tpu.memref_slice %run_scoped3A_8[%rem3A_264, %dma_start3A_267, %dma_start3A_268] : memref<2x128x256xf32, #tpu.memory_space<vmem>> -> memref<1x128x256xf32, #tpu.memory_space<vmem>>
          %dma_start3A_270 = tpu.memref_squeeze %dma_start3A_269 : memref<1x128x256xf32, #tpu.memory_space<vmem>> -> memref<128x256xf32, #tpu.memory_space<vmem>>
          %dma_start3A_271 = arith.constant 0 : i32
          %dma_start3A_272 = tpu.memref_slice %arg4[%mul3A_266, %dma_start3A_271] : memref<81920x256xf32, #tpu.memory_space<hbm>> -> memref<128x256xf32, #tpu.memory_space<hbm>>
          %dma_start3A_273 = tpu.memref_slice %run_scoped3A_9[%rem3A_264] : memref<2x!tpu.dma_semaphore, #tpu.memory_space<semaphore_mem>> -> memref<1x!tpu.dma_semaphore, #tpu.memory_space<semaphore_mem>>
          %dma_start3A_274 = tpu.memref_squeeze %dma_start3A_273 : memref<1x!tpu.dma_semaphore, #tpu.memory_space<semaphore_mem>> -> memref<!tpu.dma_semaphore, #tpu.memory_space<semaphore_mem>>
          %dma_start3A_275 = arith.constant 0 : i32
          %dma_start3A_276 = tpu.memref_slice %arg4[%mul3A_266, %dma_start3A_275] : memref<81920x256xf32, #tpu.memory_space<hbm>> -> memref<128x256xf32, #tpu.memory_space<hbm>>
          %dma_start3A_277 = arith.constant 0 : i32
          %dma_start3A_278 = arith.constant 0 : i32
          %dma_start3A_279 = tpu.memref_slice %run_scoped3A_8[%rem3A_264, %dma_start3A_277, %dma_start3A_278] : memref<2x128x256xf32, #tpu.memory_space<vmem>> -> memref<1x128x256xf32, #tpu.memory_space<vmem>>
          %dma_start3A_280 = tpu.memref_squeeze %dma_start3A_279 : memref<1x128x256xf32, #tpu.memory_space<vmem>> -> memref<128x256xf32, #tpu.memory_space<vmem>>
          tpu.enqueue_dma source(%dma_start3A_280 : memref<128x256xf32, #tpu.memory_space<vmem>>) target(%dma_start3A_276 : memref<128x256xf32, #tpu.memory_space<hbm>>) target_semaphore(%dma_start3A_274 : memref<!tpu.dma_semaphore, #tpu.memory_space<semaphore_mem>>)
          "tpu.trace_stop"() : () -> ()
        } else {
        }
        %and3A_216 = arith.constant true
        %and3A_217 = arith.andi %or3A_212, %and3A_216 : i1
        %add3A_218 = arith.constant 1 : i32
        %add3A_219 = arith.addi %scan3A_124, %add3A_218 : i32
        %select_n3A_220 = arith.select %and3A_217, %add3A_219, %scan3A_124 : i32
        %ne3A_221 = arith.cmpi ne, %add3A_131, %add3A_140 : i32
        %or3A_222 = arith.constant false
        %or3A_223 = arith.ori %or3A_222, %ne3A_221 : i1
        %not3A_224 = arith.constant true
        %not3A_225 = arith.xori %eq3A_128, %not3A_224 : i1
        %and3A_226 = arith.andi %or3A_223, %not3A_225 : i1
        %convert_element_type3A_227 = arith.extui %and3A_226 : i1 to i32
        %cond3A_228 = arith.constant 0 : i32
        %cond3A_229 = arith.cmpi ne, %convert_element_type3A_227, %cond3A_228 : i32
        scf.if %cond3A_229 {
        } else {
        }
        %and3A_230 = arith.constant false
        %and3A_231 = arith.andi %and3A_226, %and3A_230 : i1
        %ne3A_232 = arith.cmpi ne, %add3A_131, %add3A_140 : i32
        %or3A_233 = arith.constant false
        %or3A_234 = arith.ori %or3A_233, %ne3A_232 : i1
        %or3A_235 = arith.constant false
        %or3A_236 = arith.ori %or3A_234, %or3A_235 : i1
        %not3A_237 = arith.constant true
        %not3A_238 = arith.xori %eq3A_128, %not3A_237 : i1
        %and3A_239 = arith.andi %or3A_236, %not3A_238 : i1
        %convert_element_type3A_240 = arith.extui %and3A_239 : i1 to i32
        %cond3A_241 = arith.constant 0 : i32
        %cond3A_242 = arith.cmpi ne, %convert_element_type3A_240, %cond3A_241 : i32
        scf.if %cond3A_242 {
          "tpu.trace_start"() <{level = 10 : i32, message = "ep_wait_out"}> : () -> ()
          %rem3A_263 = arith.constant 2 : i32
          %rem3A_264 = arith.remui %scan3A_125, %rem3A_263 : i32
          %mul3A_265 = arith.constant 128 : i32
          %mul3A_266 = arith.muli %mul3A_265, %add3A_140 : i32
          %dma_wait3A_267 = arith.constant 0 : i32
          %dma_wait3A_268 = arith.constant 0 : i32
          %dma_wait3A_269 = tpu.memref_slice %run_scoped3A_8[%rem3A_264, %dma_wait3A_267, %dma_wait3A_268] : memref<2x128x256xf32, #tpu.memory_space<vmem>> -> memref<1x128x256xf32, #tpu.memory_space<vmem>>
          %dma_wait3A_270 = tpu.memref_squeeze %dma_wait3A_269 : memref<1x128x256xf32, #tpu.memory_space<vmem>> -> memref<128x256xf32, #tpu.memory_space<vmem>>
          %dma_wait3A_271 = arith.constant 0 : i32
          %dma_wait3A_272 = tpu.memref_slice %arg4[%mul3A_266, %dma_wait3A_271] : memref<81920x256xf32, #tpu.memory_space<hbm>> -> memref<128x256xf32, #tpu.memory_space<hbm>>
          %dma_wait3A_273 = tpu.memref_slice %run_scoped3A_9[%rem3A_264] : memref<2x!tpu.dma_semaphore, #tpu.memory_space<semaphore_mem>> -> memref<1x!tpu.dma_semaphore, #tpu.memory_space<semaphore_mem>>
          %dma_wait3A_274 = tpu.memref_squeeze %dma_wait3A_273 : memref<1x!tpu.dma_semaphore, #tpu.memory_space<semaphore_mem>> -> memref<!tpu.dma_semaphore, #tpu.memory_space<semaphore_mem>>
          %dma_wait3A_275 = arith.constant 0 : i32
          %dma_wait3A_276 = tpu.memref_slice %arg4[%mul3A_266, %dma_wait3A_275] : memref<81920x256xf32, #tpu.memory_space<hbm>> -> memref<128x256xf32, #tpu.memory_space<hbm>>
          %dma_wait3A_277 = arith.constant 0 : i32
          %dma_wait3A_278 = arith.constant 0 : i32
          %dma_wait3A_279 = tpu.memref_slice %run_scoped3A_8[%rem3A_264, %dma_wait3A_277, %dma_wait3A_278] : memref<2x128x256xf32, #tpu.memory_space<vmem>> -> memref<1x128x256xf32, #tpu.memory_space<vmem>>
          %dma_wait3A_280 = tpu.memref_squeeze %dma_wait3A_279 : memref<1x128x256xf32, #tpu.memory_space<vmem>> -> memref<128x256xf32, #tpu.memory_space<vmem>>
          tpu.wait_dma2 semaphore(%dma_wait3A_274 : memref<!tpu.dma_semaphore, #tpu.memory_space<semaphore_mem>>) src(%dma_wait3A_280 : memref<128x256xf32, #tpu.memory_space<vmem>>) dst(%dma_wait3A_276 : memref<128x256xf32, #tpu.memory_space<hbm>>)
          "tpu.trace_stop"() : () -> ()
        } else {
        }
        %and3A_243 = arith.constant true
        %and3A_244 = arith.andi %and3A_239, %and3A_243 : i1
        %add3A_245 = arith.constant 1 : i32
        %add3A_246 = arith.addi %scan3A_125, %add3A_245 : i32
        %select_n3A_247 = arith.select %and3A_244, %add3A_246, %scan3A_125 : i32
        %ne3A_248 = arith.cmpi ne, %add3A_131, %add3A_149 : i32
        %or3A_249 = arith.constant false
        %or3A_250 = arith.ori %or3A_249, %ne3A_248 : i1
        %or3A_251 = arith.ori %or3A_250, %eq3A_130 : i1
        %add3A_252 = arith.constant 1 : i32
        %add3A_253 = arith.addi %scan3A_123, %add3A_252 : i32
        %select_n3A_254 = arith.select %or3A_251, %add3A_253, %scan3A_123 : i32
        %add3A_255 = arith.constant 1 : i32
        %add3A_256 = arith.addi %scan3A_126, %add3A_255 : i32
        %select_n3A_257 = arith.constant true
        %select_n3A_258 = arith.select %select_n3A_257, %add3A_256, %scan3A_126 : i32
        %eq3A_259 = arith.constant 20 : i32
        %eq3A_260 = arith.cmpi eq, %select_n3A_258, %eq3A_259 : i32
        %select_n3A_261 = arith.constant 0 : i32
        %select_n3A_262 = arith.select %eq3A_260, %select_n3A_261, %select_n3A_258 : i32
        scf.yield %select_n3A_167, %select_n3A_254, %select_n3A_220, %select_n3A_247, %select_n3A_262 : i32, i32, i32, i32, i32
      }
      %scan3A_68 = arith.constant 20 : i32
      %sub3A = arith.constant 1 : i32
      %sub3A_69 = arith.subi %scan3A_67#4, %sub3A : i32
      %select_n3A_70 = arith.constant true
      %select_n3A_71 = arith.select %select_n3A_70, %sub3A_69, %scan3A_67#4 : i32
      %eq3A_72 = arith.constant -1 : i32
      %eq3A_73 = arith.cmpi eq, %select_n3A_71, %eq3A_72 : i32
      %select_n3A_74 = arith.constant 19 : i32
      %select_n3A_75 = arith.select %eq3A_73, %select_n3A_74, %select_n3A_71 : i32
      %add3A_76 = arith.addi %select_n3A_75, %mul3A_6 : i32
      %sub3A_77 = arith.constant 1 : i32
      %sub3A_78 = arith.subi %select_n3A_75, %sub3A_77 : i32
      %select_n3A_79 = arith.constant true
      %select_n3A_80 = arith.select %select_n3A_79, %sub3A_78, %select_n3A_75 : i32
      %eq3A_81 = arith.constant -1 : i32
      %eq3A_82 = arith.cmpi eq, %select_n3A_80, %eq3A_81 : i32
      %select_n3A_83 = arith.constant 19 : i32
      %select_n3A_84 = arith.select %eq3A_82, %select_n3A_83, %select_n3A_80 : i32
      %add3A_85 = arith.addi %select_n3A_84, %mul3A_6 : i32
      %add3A_86 = arith.constant 1 : i32
      %add3A_87 = arith.addi %select_n3A_75, %add3A_86 : i32
      %select_n3A_88 = arith.constant true
      %select_n3A_89 = arith.select %select_n3A_88, %add3A_87, %select_n3A_75 : i32
      %eq3A_90 = arith.constant 20 : i32
      %eq3A_91 = arith.cmpi eq, %select_n3A_89, %eq3A_90 : i32
      %select_n3A_92 = arith.constant 0 : i32
      %select_n3A_93 = arith.select %eq3A_91, %select_n3A_92, %select_n3A_89 : i32
      %add3A_94 = arith.addi %select_n3A_93, %mul3A_6 : i32
      %add3A_95 = arith.constant 1 : i32
      %add3A_96 = arith.addi %select_n3A_93, %add3A_95 : i32
      %select_n3A_97 = arith.constant true
      %select_n3A_98 = arith.select %select_n3A_97, %add3A_96, %select_n3A_93 : i32
      %eq3A_99 = arith.constant 20 : i32
      %eq3A_100 = arith.cmpi eq, %select_n3A_98, %eq3A_99 : i32
      %select_n3A_101 = arith.constant 0 : i32
      %select_n3A_102 = arith.select %eq3A_100, %select_n3A_101, %select_n3A_98 : i32
      %add3A_103 = arith.addi %select_n3A_102, %mul3A_6 : i32
      "tpu.trace_start"() <{level = 10 : i32, message = "ep_finalize"}> : () -> ()
      %rem3A_104 = arith.constant 2 : i32
      %rem3A_105 = arith.remui %scan3A_67#3, %rem3A_104 : i32
      %mul3A_106 = arith.constant 128 : i32
      %mul3A_107 = arith.muli %mul3A_106, %add3A_76 : i32
      %dma_wait3A = arith.constant 0 : i32
      %dma_wait3A_108 = arith.constant 0 : i32
      %dma_wait3A_109 = tpu.memref_slice %run_scoped3A_8[%rem3A_105, %dma_wait3A, %dma_wait3A_108] : memref<2x128x256xf32, #tpu.memory_space<vmem>> -> memref<1x128x256xf32, #tpu.memory_space<vmem>>
      %dma_wait3A_110 = tpu.memref_squeeze %dma_wait3A_109 : memref<1x128x256xf32, #tpu.memory_space<vmem>> -> memref<128x256xf32, #tpu.memory_space<vmem>>
      %dma_wait3A_111 = arith.constant 0 : i32
      %dma_wait3A_112 = tpu.memref_slice %arg4[%mul3A_107, %dma_wait3A_111] : memref<81920x256xf32, #tpu.memory_space<hbm>> -> memref<128x256xf32, #tpu.memory_space<hbm>>
      %dma_wait3A_113 = tpu.memref_slice %run_scoped3A_9[%rem3A_105] : memref<2x!tpu.dma_semaphore, #tpu.memory_space<semaphore_mem>> -> memref<1x!tpu.dma_semaphore, #tpu.memory_space<semaphore_mem>>
      %dma_wait3A_114 = tpu.memref_squeeze %dma_wait3A_113 : memref<1x!tpu.dma_semaphore, #tpu.memory_space<semaphore_mem>> -> memref<!tpu.dma_semaphore, #tpu.memory_space<semaphore_mem>>
      %dma_wait3A_115 = arith.constant 0 : i32
      %dma_wait3A_116 = tpu.memref_slice %arg4[%mul3A_107, %dma_wait3A_115] : memref<81920x256xf32, #tpu.memory_space<hbm>> -> memref<128x256xf32, #tpu.memory_space<hbm>>
      %dma_wait3A_117 = arith.constant 0 : i32
      %dma_wait3A_118 = arith.constant 0 : i32
      %dma_wait3A_119 = tpu.memref_slice %run_scoped3A_8[%rem3A_105, %dma_wait3A_117, %dma_wait3A_118] : memref<2x128x256xf32, #tpu.memory_space<vmem>> -> memref<1x128x256xf32, #tpu.memory_space<vmem>>
      %dma_wait3A_120 = tpu.memref_squeeze %dma_wait3A_119 : memref<1x128x256xf32, #tpu.memory_space<vmem>> -> memref<128x256xf32, #tpu.memory_space<vmem>>
      tpu.wait_dma2 semaphore(%dma_wait3A_114 : memref<!tpu.dma_semaphore, #tpu.memory_space<semaphore_mem>>) src(%dma_wait3A_120 : memref<128x256xf32, #tpu.memory_space<vmem>>) dst(%dma_wait3A_116 : memref<128x256xf32, #tpu.memory_space<hbm>>)
      "tpu.trace_stop"() : () -> ()
      tpu.yield
    }) : () -> ()
    return
  }
}

#map = affine_map<(d0, d1) -> (0, 0)>
#map1 = affine_map<(d0, d1) -> (0, 0, 0)>
module attributes {stable_mosaic.version = 14 : i64} {
  func.func @ck(%arg0: i32, %arg1: i32, %arg2: memref<1x163840xi32, #tpu.memory_space<hbm>>, %arg3: memref<10112x128xf32, #tpu.memory_space<hbm>>, %arg4: memref<128x128xf32, #tpu.memory_space<hbm>>, %arg5: memref<2x10112x128xf32, #tpu.memory_space<hbm>>, %arg6: memref<10112x128xf32, #tpu.memory_space<vmem_shared>>, %arg7: memref<1x128xi32, #tpu.memory_space<vmem>>, %arg8: memref<128x128xf32, #tpu.memory_space<vmem>>) attributes {dimension_semantics = [#tpu.dimension_semantics<core_parallel>, #tpu.dimension_semantics<subcore_parallel>], iteration_bounds = array<i64: 2, 16>, scalar_prefetch = 0 : i64, scratch_operands = 3 : i64, tpu.core_type = #tpu.core_type<sc_vector_subcore>, window_params = [{transform_indices = #map}, {transform_indices = #map}, {transform_indices = #map}, {transform_indices = #map1}]} {
    %mul3A = arith.constant 632 : i32
    %mul3A_0 = arith.muli %arg1, %mul3A : i32
    %mul3A_1 = arith.constant 16 : i32
    %mul3A_2 = arith.muli %arg0, %mul3A_1 : i32
    %add3A = arith.addi %mul3A_2, %arg1 : i32
    %mul3A_3 = arith.constant 5120 : i32
    %mul3A_4 = arith.muli %add3A, %mul3A_3 : i32
    "tpu.region"() ({
      %run_scoped3A = tpu.sem_alloc : memref<!tpu.dma_semaphore, #tpu.memory_space<semaphore_mem>>
      tpu.enqueue_dma source(%arg4 : memref<128x128xf32, #tpu.memory_space<hbm>>) target(%arg8 : memref<128x128xf32, #tpu.memory_space<vmem>>) target_semaphore(%run_scoped3A : memref<!tpu.dma_semaphore, #tpu.memory_space<semaphore_mem>>)
      tpu.wait_dma2 semaphore(%run_scoped3A : memref<!tpu.dma_semaphore, #tpu.memory_space<semaphore_mem>>) src(%arg4 : memref<128x128xf32, #tpu.memory_space<hbm>>) dst(%arg8 : memref<128x128xf32, #tpu.memory_space<vmem>>)
      tpu.yield
    }) : () -> ()
    "tpu.region"() ({
      %run_scoped3A = tpu.sem_alloc : memref<!tpu.dma_semaphore, #tpu.memory_space<semaphore_mem>>
      %dma_start3A = arith.constant 0 : i32
      %dma_start3A_10 = tpu.memref_slice %arg6[%mul3A_0, %dma_start3A] : memref<10112x128xf32, #tpu.memory_space<vmem_shared>> -> memref<632x128xf32, #tpu.memory_space<vmem_shared>>
      %dma_start3A_11 = arith.constant 0 : i32
      %dma_start3A_12 = tpu.memref_slice %arg3[%mul3A_0, %dma_start3A_11] : memref<10112x128xf32, #tpu.memory_space<hbm>> -> memref<632x128xf32, #tpu.memory_space<hbm>>
      tpu.enqueue_dma source(%dma_start3A_12 : memref<632x128xf32, #tpu.memory_space<hbm>>) target(%dma_start3A_10 : memref<632x128xf32, #tpu.memory_space<vmem_shared>>) target_semaphore(%run_scoped3A : memref<!tpu.dma_semaphore, #tpu.memory_space<semaphore_mem>>)
      %dma_wait3A = arith.constant 0 : i32
      %dma_wait3A_13 = tpu.memref_slice %arg6[%mul3A_0, %dma_wait3A] : memref<10112x128xf32, #tpu.memory_space<vmem_shared>> -> memref<632x128xf32, #tpu.memory_space<vmem_shared>>
      %dma_wait3A_14 = arith.constant 0 : i32
      %dma_wait3A_15 = tpu.memref_slice %arg3[%mul3A_0, %dma_wait3A_14] : memref<10112x128xf32, #tpu.memory_space<hbm>> -> memref<632x128xf32, #tpu.memory_space<hbm>>
      tpu.wait_dma2 semaphore(%run_scoped3A : memref<!tpu.dma_semaphore, #tpu.memory_space<semaphore_mem>>) src(%dma_wait3A_15 : memref<632x128xf32, #tpu.memory_space<hbm>>) dst(%dma_wait3A_13 : memref<632x128xf32, #tpu.memory_space<vmem_shared>>)
      tpu.yield
    }) : () -> ()
    %barrier3A = arith.constant 0 : index
    tpu.barrier barrier_id(%barrier3A)
    %scan3A = arith.constant 0 : i32
    %scan3A_5 = arith.constant 40 : i32
    %scan3A_6 = arith.addi %scan3A, %scan3A_5 : i32
    %scan3A_7 = arith.constant 1 : i32
    scf.for %scan3A_10 = %scan3A to %scan3A_6 step %scan3A_7  : i32 {
      %mul3A_11 = arith.constant 1 : i32
      %mul3A_12 = arith.muli %scan3A_10, %mul3A_11 : i32
      %add3A_13 = arith.constant 0 : i32
      %add3A_14 = arith.addi %add3A_13, %mul3A_12 : i32
      %mul3A_15 = arith.constant 128 : i32
      %mul3A_16 = arith.muli %add3A_14, %mul3A_15 : i32
      %add3A_17 = arith.addi %mul3A_4, %mul3A_16 : i32
      "tpu.region"() ({
        %run_scoped3A_18 = tpu.sem_alloc : memref<!tpu.dma_semaphore, #tpu.memory_space<semaphore_mem>>
        %dma_start3A = arith.constant 0 : i32
        %dma_start3A_19 = tpu.memref_slice %arg2[%dma_start3A, %add3A_17] : memref<1x163840xi32, #tpu.memory_space<hbm>> -> memref<1x128xi32, #tpu.memory_space<hbm>>
        %dma_start3A_20 = arith.constant 0 : i32
        %dma_start3A_21 = tpu.memref_slice %arg2[%dma_start3A_20, %add3A_17] : memref<1x163840xi32, #tpu.memory_space<hbm>> -> memref<1x128xi32, #tpu.memory_space<hbm>>
        tpu.enqueue_dma source(%dma_start3A_21 : memref<1x128xi32, #tpu.memory_space<hbm>>) target(%arg7 : memref<1x128xi32, #tpu.memory_space<vmem>>) target_semaphore(%run_scoped3A_18 : memref<!tpu.dma_semaphore, #tpu.memory_space<semaphore_mem>>)
        %dma_wait3A = arith.constant 0 : i32
        %dma_wait3A_22 = tpu.memref_slice %arg2[%dma_wait3A, %add3A_17] : memref<1x163840xi32, #tpu.memory_space<hbm>> -> memref<1x128xi32, #tpu.memory_space<hbm>>
        %dma_wait3A_23 = arith.constant 0 : i32
        %dma_wait3A_24 = tpu.memref_slice %arg2[%dma_wait3A_23, %add3A_17] : memref<1x163840xi32, #tpu.memory_space<hbm>> -> memref<1x128xi32, #tpu.memory_space<hbm>>
        tpu.wait_dma2 semaphore(%run_scoped3A_18 : memref<!tpu.dma_semaphore, #tpu.memory_space<semaphore_mem>>) src(%dma_wait3A_24 : memref<1x128xi32, #tpu.memory_space<hbm>>) dst(%arg7 : memref<1x128xi32, #tpu.memory_space<vmem>>)
        tpu.yield
      }) : () -> ()
      %run_scoped3A = arith.constant 0 : i32
      "tpu.region"() ({
        %run_scoped3A_18 = tpu.sem_alloc : memref<!tpu.dma_semaphore, #tpu.memory_space<semaphore_mem>>
        %dma_start3A = arith.constant 0 : i32
        %dma_start3A_19 = tpu.memref_slice %arg7[%run_scoped3A, %dma_start3A] : memref<1x128xi32, #tpu.memory_space<vmem>> -> memref<1x128xi32, #tpu.memory_space<vmem>>
        %dma_start3A_20 = tpu.memref_squeeze %dma_start3A_19 : memref<1x128xi32, #tpu.memory_space<vmem>> -> memref<128xi32, #tpu.memory_space<vmem>>
        %dma_start3A_21 = arith.constant 0 : i32
        %dma_start3A_22 = arith.constant 0 : i32
        %dma_start3A_23 = tpu.memref_slice %arg6[%dma_start3A_21, %dma_start3A_22] : memref<10112x128xf32, #tpu.memory_space<vmem_shared>> -> memref<10112x128xf32, #tpu.memory_space<vmem_shared>>
        tpu.enqueue_indirect_dma source(%arg8 : memref<128x128xf32, #tpu.memory_space<vmem>>) target(%dma_start3A_23 : memref<10112x128xf32, #tpu.memory_space<vmem_shared>>) offsets(%dma_start3A_20 : memref<128xi32, #tpu.memory_space<vmem>>) semaphore(%run_scoped3A_18 : memref<!tpu.dma_semaphore, #tpu.memory_space<semaphore_mem>>) {add = true}
        %dma_wait3A = arith.constant 0 : i32
        %dma_wait3A_24 = tpu.memref_slice %arg7[%run_scoped3A, %dma_wait3A] : memref<1x128xi32, #tpu.memory_space<vmem>> -> memref<1x128xi32, #tpu.memory_space<vmem>>
        %dma_wait3A_25 = tpu.memref_squeeze %dma_wait3A_24 : memref<1x128xi32, #tpu.memory_space<vmem>> -> memref<128xi32, #tpu.memory_space<vmem>>
        %dma_wait3A_26 = arith.constant 0 : i32
        %dma_wait3A_27 = arith.constant 0 : i32
        %dma_wait3A_28 = tpu.memref_slice %arg6[%dma_wait3A_26, %dma_wait3A_27] : memref<10112x128xf32, #tpu.memory_space<vmem_shared>> -> memref<10112x128xf32, #tpu.memory_space<vmem_shared>>
        tpu.wait_indirect_dma semaphore(%run_scoped3A_18 : memref<!tpu.dma_semaphore, #tpu.memory_space<semaphore_mem>>) src(%arg8 : memref<128x128xf32, #tpu.memory_space<vmem>>) dst(%dma_wait3A_28 : memref<10112x128xf32, #tpu.memory_space<vmem_shared>>)
        tpu.yield
      }) : () -> ()
    }
    %scan3A_8 = arith.constant 40 : i32
    %barrier3A_9 = arith.constant 0 : index
    tpu.barrier barrier_id(%barrier3A_9)
    "tpu.region"() ({
      %run_scoped3A = tpu.sem_alloc : memref<!tpu.dma_semaphore, #tpu.memory_space<semaphore_mem>>
      %dma_start3A = arith.constant 0 : i32
      %dma_start3A_10 = tpu.memref_slice %arg5[%arg0, %mul3A_0, %dma_start3A] : memref<2x10112x128xf32, #tpu.memory_space<hbm>> -> memref<1x632x128xf32, #tpu.memory_space<hbm>>
      %dma_start3A_11 = tpu.memref_squeeze %dma_start3A_10 : memref<1x632x128xf32, #tpu.memory_space<hbm>> -> memref<632x128xf32, #tpu.memory_space<hbm>>
      %dma_start3A_12 = arith.constant 0 : i32
      %dma_start3A_13 = tpu.memref_slice %arg6[%mul3A_0, %dma_start3A_12] : memref<10112x128xf32, #tpu.memory_space<vmem_shared>> -> memref<632x128xf32, #tpu.memory_space<vmem_shared>>
      tpu.enqueue_dma source(%dma_start3A_13 : memref<632x128xf32, #tpu.memory_space<vmem_shared>>) target(%dma_start3A_11 : memref<632x128xf32, #tpu.memory_space<hbm>>) target_semaphore(%run_scoped3A : memref<!tpu.dma_semaphore, #tpu.memory_space<semaphore_mem>>)
      %dma_wait3A = arith.constant 0 : i32
      %dma_wait3A_14 = tpu.memref_slice %arg5[%arg0, %mul3A_0, %dma_wait3A] : memref<2x10112x128xf32, #tpu.memory_space<hbm>> -> memref<1x632x128xf32, #tpu.memory_space<hbm>>
      %dma_wait3A_15 = tpu.memref_squeeze %dma_wait3A_14 : memref<1x632x128xf32, #tpu.memory_space<hbm>> -> memref<632x128xf32, #tpu.memory_space<hbm>>
      %dma_wait3A_16 = arith.constant 0 : i32
      %dma_wait3A_17 = tpu.memref_slice %arg6[%mul3A_0, %dma_wait3A_16] : memref<10112x128xf32, #tpu.memory_space<vmem_shared>> -> memref<632x128xf32, #tpu.memory_space<vmem_shared>>
      tpu.wait_dma2 semaphore(%run_scoped3A : memref<!tpu.dma_semaphore, #tpu.memory_space<semaphore_mem>>) src(%dma_wait3A_17 : memref<632x128xf32, #tpu.memory_space<vmem_shared>>) dst(%dma_wait3A_15 : memref<632x128xf32, #tpu.memory_space<hbm>>)
      tpu.yield
    }) : () -> ()
    return
  }
}

#map = affine_map<(d0, d1) -> (0, 0)>
module attributes {stable_mosaic.version = 14 : i64} {
  func.func @sk(%arg0: i32, %arg1: i32, %arg2: memref<40960x512xf32, #tpu.memory_space<hbm>>, %arg3: memref<1x40960xi32, #tpu.memory_space<hbm>>, %arg4: memref<10112x128xf32, #tpu.memory_space<hbm>>, %arg5: memref<10112x512xf32, #tpu.memory_space<hbm>>, %arg6: memref<10112x128xf32, #tpu.memory_space<vmem_shared>>, %arg7: memref<128x128xf32, #tpu.memory_space<vmem>>, %arg8: memref<1x128xi32, #tpu.memory_space<vmem>>) attributes {dimension_semantics = [#tpu.dimension_semantics<core_parallel>, #tpu.dimension_semantics<subcore_parallel>], iteration_bounds = array<i64: 2, 16>, scalar_prefetch = 0 : i64, scratch_operands = 3 : i64, tpu.core_type = #tpu.core_type<sc_vector_subcore>, window_params = [{transform_indices = #map}, {transform_indices = #map}, {transform_indices = #map}, {transform_indices = #map}]} {
    %mul3A = arith.constant 632 : i32
    %mul3A_0 = arith.muli %arg1, %mul3A : i32
    %mul3A_1 = arith.constant 2560 : i32
    %mul3A_2 = arith.muli %arg1, %mul3A_1 : i32
    %mul3A_3 = arith.constant 2 : i32
    %mul3A_4 = arith.muli %arg0, %mul3A_3 : i32
    %add3A = arith.constant 0 : i32
    %add3A_5 = arith.addi %mul3A_4, %add3A : i32
    %mul3A_6 = arith.constant 128 : i32
    %mul3A_7 = arith.muli %add3A_5, %mul3A_6 : i32
    "tpu.region"() ({
      %run_scoped3A = tpu.sem_alloc : memref<!tpu.dma_semaphore, #tpu.memory_space<semaphore_mem>>
      %dma_start3A = arith.constant 0 : i32
      %dma_start3A_26 = tpu.memref_slice %arg6[%mul3A_0, %dma_start3A] : memref<10112x128xf32, #tpu.memory_space<vmem_shared>> -> memref<632x128xf32, #tpu.memory_space<vmem_shared>>
      %dma_start3A_27 = arith.constant 0 : i32
      %dma_start3A_28 = tpu.memref_slice %arg4[%mul3A_0, %dma_start3A_27] : memref<10112x128xf32, #tpu.memory_space<hbm>> -> memref<632x128xf32, #tpu.memory_space<hbm>>
      tpu.enqueue_dma source(%dma_start3A_28 : memref<632x128xf32, #tpu.memory_space<hbm>>) target(%dma_start3A_26 : memref<632x128xf32, #tpu.memory_space<vmem_shared>>) target_semaphore(%run_scoped3A : memref<!tpu.dma_semaphore, #tpu.memory_space<semaphore_mem>>)
      %dma_wait3A = arith.constant 0 : i32
      %dma_wait3A_29 = tpu.memref_slice %arg6[%mul3A_0, %dma_wait3A] : memref<10112x128xf32, #tpu.memory_space<vmem_shared>> -> memref<632x128xf32, #tpu.memory_space<vmem_shared>>
      %dma_wait3A_30 = arith.constant 0 : i32
      %dma_wait3A_31 = tpu.memref_slice %arg4[%mul3A_0, %dma_wait3A_30] : memref<10112x128xf32, #tpu.memory_space<hbm>> -> memref<632x128xf32, #tpu.memory_space<hbm>>
      tpu.wait_dma2 semaphore(%run_scoped3A : memref<!tpu.dma_semaphore, #tpu.memory_space<semaphore_mem>>) src(%dma_wait3A_31 : memref<632x128xf32, #tpu.memory_space<hbm>>) dst(%dma_wait3A_29 : memref<632x128xf32, #tpu.memory_space<vmem_shared>>)
      tpu.yield
    }) : () -> ()
    %barrier3A = arith.constant 0 : index
    tpu.barrier barrier_id(%barrier3A)
    %scan3A = arith.constant 0 : i32
    %scan3A_8 = arith.constant 20 : i32
    %scan3A_9 = arith.addi %scan3A, %scan3A_8 : i32
    %scan3A_10 = arith.constant 1 : i32
    scf.for %scan3A_26 = %scan3A to %scan3A_9 step %scan3A_10  : i32 {
      %mul3A_27 = arith.constant 1 : i32
      %mul3A_28 = arith.muli %scan3A_26, %mul3A_27 : i32
      %add3A_29 = arith.constant 0 : i32
      %add3A_30 = arith.addi %add3A_29, %mul3A_28 : i32
      %mul3A_31 = arith.constant 128 : i32
      %mul3A_32 = arith.muli %add3A_30, %mul3A_31 : i32
      %add3A_33 = arith.addi %mul3A_2, %mul3A_32 : i32
      "tpu.region"() ({
        %run_scoped3A_34 = tpu.sem_alloc : memref<!tpu.dma_semaphore, #tpu.memory_space<semaphore_mem>>
        %dma_start3A = arith.constant 0 : i32
        %dma_start3A_35 = tpu.memref_slice %arg3[%dma_start3A, %add3A_33] : memref<1x40960xi32, #tpu.memory_space<hbm>> -> memref<1x128xi32, #tpu.memory_space<hbm>>
        %dma_start3A_36 = arith.constant 0 : i32
        %dma_start3A_37 = tpu.memref_slice %arg3[%dma_start3A_36, %add3A_33] : memref<1x40960xi32, #tpu.memory_space<hbm>> -> memref<1x128xi32, #tpu.memory_space<hbm>>
        tpu.enqueue_dma source(%dma_start3A_37 : memref<1x128xi32, #tpu.memory_space<hbm>>) target(%arg8 : memref<1x128xi32, #tpu.memory_space<vmem>>) target_semaphore(%run_scoped3A_34 : memref<!tpu.dma_semaphore, #tpu.memory_space<semaphore_mem>>)
        %dma_wait3A = arith.constant 0 : i32
        %dma_wait3A_38 = tpu.memref_slice %arg3[%dma_wait3A, %add3A_33] : memref<1x40960xi32, #tpu.memory_space<hbm>> -> memref<1x128xi32, #tpu.memory_space<hbm>>
        %dma_wait3A_39 = arith.constant 0 : i32
        %dma_wait3A_40 = tpu.memref_slice %arg3[%dma_wait3A_39, %add3A_33] : memref<1x40960xi32, #tpu.memory_space<hbm>> -> memref<1x128xi32, #tpu.memory_space<hbm>>
        tpu.wait_dma2 semaphore(%run_scoped3A_34 : memref<!tpu.dma_semaphore, #tpu.memory_space<semaphore_mem>>) src(%dma_wait3A_40 : memref<1x128xi32, #tpu.memory_space<hbm>>) dst(%arg8 : memref<1x128xi32, #tpu.memory_space<vmem>>)
        tpu.yield
      }) : () -> ()
      "tpu.region"() ({
        %run_scoped3A_34 = tpu.sem_alloc : memref<!tpu.dma_semaphore, #tpu.memory_space<semaphore_mem>>
        %dma_start3A = tpu.memref_slice %arg2[%add3A_33, %mul3A_7] : memref<40960x512xf32, #tpu.memory_space<hbm>> -> memref<128x128xf32, #tpu.memory_space<hbm>>
        %dma_start3A_35 = tpu.memref_slice %arg2[%add3A_33, %mul3A_7] : memref<40960x512xf32, #tpu.memory_space<hbm>> -> memref<128x128xf32, #tpu.memory_space<hbm>>
        tpu.enqueue_dma source(%dma_start3A_35 : memref<128x128xf32, #tpu.memory_space<hbm>>) target(%arg7 : memref<128x128xf32, #tpu.memory_space<vmem>>) target_semaphore(%run_scoped3A_34 : memref<!tpu.dma_semaphore, #tpu.memory_space<semaphore_mem>>)
        %dma_wait3A = tpu.memref_slice %arg2[%add3A_33, %mul3A_7] : memref<40960x512xf32, #tpu.memory_space<hbm>> -> memref<128x128xf32, #tpu.memory_space<hbm>>
        %dma_wait3A_36 = tpu.memref_slice %arg2[%add3A_33, %mul3A_7] : memref<40960x512xf32, #tpu.memory_space<hbm>> -> memref<128x128xf32, #tpu.memory_space<hbm>>
        tpu.wait_dma2 semaphore(%run_scoped3A_34 : memref<!tpu.dma_semaphore, #tpu.memory_space<semaphore_mem>>) src(%dma_wait3A_36 : memref<128x128xf32, #tpu.memory_space<hbm>>) dst(%arg7 : memref<128x128xf32, #tpu.memory_space<vmem>>)
        tpu.yield
      }) : () -> ()
      %run_scoped3A = arith.constant 0 : i32
      "tpu.region"() ({
        %run_scoped3A_34 = tpu.sem_alloc : memref<!tpu.dma_semaphore, #tpu.memory_space<semaphore_mem>>
        %dma_start3A = arith.constant 0 : i32
        %dma_start3A_35 = tpu.memref_slice %arg8[%run_scoped3A, %dma_start3A] : memref<1x128xi32, #tpu.memory_space<vmem>> -> memref<1x128xi32, #tpu.memory_space<vmem>>
        %dma_start3A_36 = tpu.memref_squeeze %dma_start3A_35 : memref<1x128xi32, #tpu.memory_space<vmem>> -> memref<128xi32, #tpu.memory_space<vmem>>
        %dma_start3A_37 = arith.constant 0 : i32
        %dma_start3A_38 = arith.constant 0 : i32
        %dma_start3A_39 = tpu.memref_slice %arg6[%dma_start3A_37, %dma_start3A_38] : memref<10112x128xf32, #tpu.memory_space<vmem_shared>> -> memref<10112x128xf32, #tpu.memory_space<vmem_shared>>
        tpu.enqueue_indirect_dma source(%arg7 : memref<128x128xf32, #tpu.memory_space<vmem>>) target(%dma_start3A_39 : memref<10112x128xf32, #tpu.memory_space<vmem_shared>>) offsets(%dma_start3A_36 : memref<128xi32, #tpu.memory_space<vmem>>) semaphore(%run_scoped3A_34 : memref<!tpu.dma_semaphore, #tpu.memory_space<semaphore_mem>>) {add = true}
        %dma_wait3A = arith.constant 0 : i32
        %dma_wait3A_40 = tpu.memref_slice %arg8[%run_scoped3A, %dma_wait3A] : memref<1x128xi32, #tpu.memory_space<vmem>> -> memref<1x128xi32, #tpu.memory_space<vmem>>
        %dma_wait3A_41 = tpu.memref_squeeze %dma_wait3A_40 : memref<1x128xi32, #tpu.memory_space<vmem>> -> memref<128xi32, #tpu.memory_space<vmem>>
        %dma_wait3A_42 = arith.constant 0 : i32
        %dma_wait3A_43 = arith.constant 0 : i32
        %dma_wait3A_44 = tpu.memref_slice %arg6[%dma_wait3A_42, %dma_wait3A_43] : memref<10112x128xf32, #tpu.memory_space<vmem_shared>> -> memref<10112x128xf32, #tpu.memory_space<vmem_shared>>
        tpu.wait_indirect_dma semaphore(%run_scoped3A_34 : memref<!tpu.dma_semaphore, #tpu.memory_space<semaphore_mem>>) src(%arg7 : memref<128x128xf32, #tpu.memory_space<vmem>>) dst(%dma_wait3A_44 : memref<10112x128xf32, #tpu.memory_space<vmem_shared>>)
        tpu.yield
      }) : () -> ()
    }
    %scan3A_11 = arith.constant 20 : i32
    %barrier3A_12 = arith.constant 0 : index
    tpu.barrier barrier_id(%barrier3A_12)
    "tpu.region"() ({
      %run_scoped3A = tpu.sem_alloc : memref<!tpu.dma_semaphore, #tpu.memory_space<semaphore_mem>>
      %dma_start3A = tpu.memref_slice %arg5[%mul3A_0, %mul3A_7] : memref<10112x512xf32, #tpu.memory_space<hbm>> -> memref<632x128xf32, #tpu.memory_space<hbm>>
      %dma_start3A_26 = arith.constant 0 : i32
      %dma_start3A_27 = tpu.memref_slice %arg6[%mul3A_0, %dma_start3A_26] : memref<10112x128xf32, #tpu.memory_space<vmem_shared>> -> memref<632x128xf32, #tpu.memory_space<vmem_shared>>
      tpu.enqueue_dma source(%dma_start3A_27 : memref<632x128xf32, #tpu.memory_space<vmem_shared>>) target(%dma_start3A : memref<632x128xf32, #tpu.memory_space<hbm>>) target_semaphore(%run_scoped3A : memref<!tpu.dma_semaphore, #tpu.memory_space<semaphore_mem>>)
      %dma_wait3A = tpu.memref_slice %arg5[%mul3A_0, %mul3A_7] : memref<10112x512xf32, #tpu.memory_space<hbm>> -> memref<632x128xf32, #tpu.memory_space<hbm>>
      %dma_wait3A_28 = arith.constant 0 : i32
      %dma_wait3A_29 = tpu.memref_slice %arg6[%mul3A_0, %dma_wait3A_28] : memref<10112x128xf32, #tpu.memory_space<vmem_shared>> -> memref<632x128xf32, #tpu.memory_space<vmem_shared>>
      tpu.wait_dma2 semaphore(%run_scoped3A : memref<!tpu.dma_semaphore, #tpu.memory_space<semaphore_mem>>) src(%dma_wait3A_29 : memref<632x128xf32, #tpu.memory_space<vmem_shared>>) dst(%dma_wait3A : memref<632x128xf32, #tpu.memory_space<hbm>>)
      tpu.yield
    }) : () -> ()
    %mul3A_13 = arith.constant 2 : i32
    %mul3A_14 = arith.muli %arg0, %mul3A_13 : i32
    %add3A_15 = arith.constant 1 : i32
    %add3A_16 = arith.addi %mul3A_14, %add3A_15 : i32
    %mul3A_17 = arith.constant 128 : i32
    %mul3A_18 = arith.muli %add3A_16, %mul3A_17 : i32
    "tpu.region"() ({
      %run_scoped3A = tpu.sem_alloc : memref<!tpu.dma_semaphore, #tpu.memory_space<semaphore_mem>>
      %dma_start3A = arith.constant 0 : i32
      %dma_start3A_26 = tpu.memref_slice %arg6[%mul3A_0, %dma_start3A] : memref<10112x128xf32, #tpu.memory_space<vmem_shared>> -> memref<632x128xf32, #tpu.memory_space<vmem_shared>>
      %dma_start3A_27 = arith.constant 0 : i32
      %dma_start3A_28 = tpu.memref_slice %arg4[%mul3A_0, %dma_start3A_27] : memref<10112x128xf32, #tpu.memory_space<hbm>> -> memref<632x128xf32, #tpu.memory_space<hbm>>
      tpu.enqueue_dma source(%dma_start3A_28 : memref<632x128xf32, #tpu.memory_space<hbm>>) target(%dma_start3A_26 : memref<632x128xf32, #tpu.memory_space<vmem_shared>>) target_semaphore(%run_scoped3A : memref<!tpu.dma_semaphore, #tpu.memory_space<semaphore_mem>>)
      %dma_wait3A = arith.constant 0 : i32
      %dma_wait3A_29 = tpu.memref_slice %arg6[%mul3A_0, %dma_wait3A] : memref<10112x128xf32, #tpu.memory_space<vmem_shared>> -> memref<632x128xf32, #tpu.memory_space<vmem_shared>>
      %dma_wait3A_30 = arith.constant 0 : i32
      %dma_wait3A_31 = tpu.memref_slice %arg4[%mul3A_0, %dma_wait3A_30] : memref<10112x128xf32, #tpu.memory_space<hbm>> -> memref<632x128xf32, #tpu.memory_space<hbm>>
      tpu.wait_dma2 semaphore(%run_scoped3A : memref<!tpu.dma_semaphore, #tpu.memory_space<semaphore_mem>>) src(%dma_wait3A_31 : memref<632x128xf32, #tpu.memory_space<hbm>>) dst(%dma_wait3A_29 : memref<632x128xf32, #tpu.memory_space<vmem_shared>>)
      tpu.yield
    }) : () -> ()
    %barrier3A_19 = arith.constant 0 : index
    tpu.barrier barrier_id(%barrier3A_19)
    %scan3A_20 = arith.constant 0 : i32
    %scan3A_21 = arith.constant 20 : i32
    %scan3A_22 = arith.addi %scan3A_20, %scan3A_21 : i32
    %scan3A_23 = arith.constant 1 : i32
    scf.for %scan3A_26 = %scan3A_20 to %scan3A_22 step %scan3A_23  : i32 {
      %mul3A_27 = arith.constant 1 : i32
      %mul3A_28 = arith.muli %scan3A_26, %mul3A_27 : i32
      %add3A_29 = arith.constant 0 : i32
      %add3A_30 = arith.addi %add3A_29, %mul3A_28 : i32
      %mul3A_31 = arith.constant 128 : i32
      %mul3A_32 = arith.muli %add3A_30, %mul3A_31 : i32
      %add3A_33 = arith.addi %mul3A_2, %mul3A_32 : i32
      "tpu.region"() ({
        %run_scoped3A_34 = tpu.sem_alloc : memref<!tpu.dma_semaphore, #tpu.memory_space<semaphore_mem>>
        %dma_start3A = arith.constant 0 : i32
        %dma_start3A_35 = tpu.memref_slice %arg3[%dma_start3A, %add3A_33] : memref<1x40960xi32, #tpu.memory_space<hbm>> -> memref<1x128xi32, #tpu.memory_space<hbm>>
        %dma_start3A_36 = arith.constant 0 : i32
        %dma_start3A_37 = tpu.memref_slice %arg3[%dma_start3A_36, %add3A_33] : memref<1x40960xi32, #tpu.memory_space<hbm>> -> memref<1x128xi32, #tpu.memory_space<hbm>>
        tpu.enqueue_dma source(%dma_start3A_37 : memref<1x128xi32, #tpu.memory_space<hbm>>) target(%arg8 : memref<1x128xi32, #tpu.memory_space<vmem>>) target_semaphore(%run_scoped3A_34 : memref<!tpu.dma_semaphore, #tpu.memory_space<semaphore_mem>>)
        %dma_wait3A = arith.constant 0 : i32
        %dma_wait3A_38 = tpu.memref_slice %arg3[%dma_wait3A, %add3A_33] : memref<1x40960xi32, #tpu.memory_space<hbm>> -> memref<1x128xi32, #tpu.memory_space<hbm>>
        %dma_wait3A_39 = arith.constant 0 : i32
        %dma_wait3A_40 = tpu.memref_slice %arg3[%dma_wait3A_39, %add3A_33] : memref<1x40960xi32, #tpu.memory_space<hbm>> -> memref<1x128xi32, #tpu.memory_space<hbm>>
        tpu.wait_dma2 semaphore(%run_scoped3A_34 : memref<!tpu.dma_semaphore, #tpu.memory_space<semaphore_mem>>) src(%dma_wait3A_40 : memref<1x128xi32, #tpu.memory_space<hbm>>) dst(%arg8 : memref<1x128xi32, #tpu.memory_space<vmem>>)
        tpu.yield
      }) : () -> ()
      "tpu.region"() ({
        %run_scoped3A_34 = tpu.sem_alloc : memref<!tpu.dma_semaphore, #tpu.memory_space<semaphore_mem>>
        %dma_start3A = tpu.memref_slice %arg2[%add3A_33, %mul3A_18] : memref<40960x512xf32, #tpu.memory_space<hbm>> -> memref<128x128xf32, #tpu.memory_space<hbm>>
        %dma_start3A_35 = tpu.memref_slice %arg2[%add3A_33, %mul3A_18] : memref<40960x512xf32, #tpu.memory_space<hbm>> -> memref<128x128xf32, #tpu.memory_space<hbm>>
        tpu.enqueue_dma source(%dma_start3A_35 : memref<128x128xf32, #tpu.memory_space<hbm>>) target(%arg7 : memref<128x128xf32, #tpu.memory_space<vmem>>) target_semaphore(%run_scoped3A_34 : memref<!tpu.dma_semaphore, #tpu.memory_space<semaphore_mem>>)
        %dma_wait3A = tpu.memref_slice %arg2[%add3A_33, %mul3A_18] : memref<40960x512xf32, #tpu.memory_space<hbm>> -> memref<128x128xf32, #tpu.memory_space<hbm>>
        %dma_wait3A_36 = tpu.memref_slice %arg2[%add3A_33, %mul3A_18] : memref<40960x512xf32, #tpu.memory_space<hbm>> -> memref<128x128xf32, #tpu.memory_space<hbm>>
        tpu.wait_dma2 semaphore(%run_scoped3A_34 : memref<!tpu.dma_semaphore, #tpu.memory_space<semaphore_mem>>) src(%dma_wait3A_36 : memref<128x128xf32, #tpu.memory_space<hbm>>) dst(%arg7 : memref<128x128xf32, #tpu.memory_space<vmem>>)
        tpu.yield
      }) : () -> ()
      %run_scoped3A = arith.constant 0 : i32
      "tpu.region"() ({
        %run_scoped3A_34 = tpu.sem_alloc : memref<!tpu.dma_semaphore, #tpu.memory_space<semaphore_mem>>
        %dma_start3A = arith.constant 0 : i32
        %dma_start3A_35 = tpu.memref_slice %arg8[%run_scoped3A, %dma_start3A] : memref<1x128xi32, #tpu.memory_space<vmem>> -> memref<1x128xi32, #tpu.memory_space<vmem>>
        %dma_start3A_36 = tpu.memref_squeeze %dma_start3A_35 : memref<1x128xi32, #tpu.memory_space<vmem>> -> memref<128xi32, #tpu.memory_space<vmem>>
        %dma_start3A_37 = arith.constant 0 : i32
        %dma_start3A_38 = arith.constant 0 : i32
        %dma_start3A_39 = tpu.memref_slice %arg6[%dma_start3A_37, %dma_start3A_38] : memref<10112x128xf32, #tpu.memory_space<vmem_shared>> -> memref<10112x128xf32, #tpu.memory_space<vmem_shared>>
        tpu.enqueue_indirect_dma source(%arg7 : memref<128x128xf32, #tpu.memory_space<vmem>>) target(%dma_start3A_39 : memref<10112x128xf32, #tpu.memory_space<vmem_shared>>) offsets(%dma_start3A_36 : memref<128xi32, #tpu.memory_space<vmem>>) semaphore(%run_scoped3A_34 : memref<!tpu.dma_semaphore, #tpu.memory_space<semaphore_mem>>) {add = true}
        %dma_wait3A = arith.constant 0 : i32
        %dma_wait3A_40 = tpu.memref_slice %arg8[%run_scoped3A, %dma_wait3A] : memref<1x128xi32, #tpu.memory_space<vmem>> -> memref<1x128xi32, #tpu.memory_space<vmem>>
        %dma_wait3A_41 = tpu.memref_squeeze %dma_wait3A_40 : memref<1x128xi32, #tpu.memory_space<vmem>> -> memref<128xi32, #tpu.memory_space<vmem>>
        %dma_wait3A_42 = arith.constant 0 : i32
        %dma_wait3A_43 = arith.constant 0 : i32
        %dma_wait3A_44 = tpu.memref_slice %arg6[%dma_wait3A_42, %dma_wait3A_43] : memref<10112x128xf32, #tpu.memory_space<vmem_shared>> -> memref<10112x128xf32, #tpu.memory_space<vmem_shared>>
        tpu.wait_indirect_dma semaphore(%run_scoped3A_34 : memref<!tpu.dma_semaphore, #tpu.memory_space<semaphore_mem>>) src(%arg7 : memref<128x128xf32, #tpu.memory_space<vmem>>) dst(%dma_wait3A_44 : memref<10112x128xf32, #tpu.memory_space<vmem_shared>>)
        tpu.yield
      }) : () -> ()
    }
    %scan3A_24 = arith.constant 20 : i32
    %barrier3A_25 = arith.constant 0 : index
    tpu.barrier barrier_id(%barrier3A_25)
    "tpu.region"() ({
      %run_scoped3A = tpu.sem_alloc : memref<!tpu.dma_semaphore, #tpu.memory_space<semaphore_mem>>
      %dma_start3A = tpu.memref_slice %arg5[%mul3A_0, %mul3A_18] : memref<10112x512xf32, #tpu.memory_space<hbm>> -> memref<632x128xf32, #tpu.memory_space<hbm>>
      %dma_start3A_26 = arith.constant 0 : i32
      %dma_start3A_27 = tpu.memref_slice %arg6[%mul3A_0, %dma_start3A_26] : memref<10112x128xf32, #tpu.memory_space<vmem_shared>> -> memref<632x128xf32, #tpu.memory_space<vmem_shared>>
      tpu.enqueue_dma source(%dma_start3A_27 : memref<632x128xf32, #tpu.memory_space<vmem_shared>>) target(%dma_start3A : memref<632x128xf32, #tpu.memory_space<hbm>>) target_semaphore(%run_scoped3A : memref<!tpu.dma_semaphore, #tpu.memory_space<semaphore_mem>>)
      %dma_wait3A = tpu.memref_slice %arg5[%mul3A_0, %mul3A_18] : memref<10112x512xf32, #tpu.memory_space<hbm>> -> memref<632x128xf32, #tpu.memory_space<hbm>>
      %dma_wait3A_28 = arith.constant 0 : i32
      %dma_wait3A_29 = tpu.memref_slice %arg6[%mul3A_0, %dma_wait3A_28] : memref<10112x128xf32, #tpu.memory_space<vmem_shared>> -> memref<632x128xf32, #tpu.memory_space<vmem_shared>>
      tpu.wait_dma2 semaphore(%run_scoped3A : memref<!tpu.dma_semaphore, #tpu.memory_space<semaphore_mem>>) src(%dma_wait3A_29 : memref<632x128xf32, #tpu.memory_space<vmem_shared>>) dst(%dma_wait3A : memref<632x128xf32, #tpu.memory_space<hbm>>)
      tpu.yield
    }) : () -> ()
    return
  }
}

#map = affine_map<(d0, d1) -> (0, 0)>
module attributes {stable_mosaic.version = 14 : i64} {
  func.func @sk(%arg0: i32, %arg1: i32, %arg2: memref<40960x512xf32, #tpu.memory_space<hbm>>, %arg3: memref<1x40960xi32, #tpu.memory_space<hbm>>, %arg4: memref<10112x128xf32, #tpu.memory_space<hbm>>, %arg5: memref<10112x512xf32, #tpu.memory_space<hbm>>, %arg6: memref<10112x128xf32, #tpu.memory_space<vmem_shared>>, %arg7: memref<128x128xf32, #tpu.memory_space<vmem>>, %arg8: memref<1x128xi32, #tpu.memory_space<vmem>>) attributes {dimension_semantics = [#tpu.dimension_semantics<core_parallel>, #tpu.dimension_semantics<subcore_parallel>], iteration_bounds = array<i64: 2, 16>, scalar_prefetch = 0 : i64, scratch_operands = 3 : i64, tpu.core_type = #tpu.core_type<sc_vector_subcore>, window_params = [{transform_indices = #map}, {transform_indices = #map}, {transform_indices = #map}, {transform_indices = #map}]} {
    %mul3A = arith.constant 632 : i32
    %mul3A_0 = arith.muli %arg1, %mul3A : i32
    %mul3A_1 = arith.constant 2560 : i32
    %mul3A_2 = arith.muli %arg1, %mul3A_1 : i32
    %mul3A_3 = arith.constant 2 : i32
    %mul3A_4 = arith.muli %arg0, %mul3A_3 : i32
    %add3A = arith.constant 0 : i32
    %add3A_5 = arith.addi %mul3A_4, %add3A : i32
    %mul3A_6 = arith.constant 128 : i32
    %mul3A_7 = arith.muli %add3A_5, %mul3A_6 : i32
    "tpu.region"() ({
      %run_scoped3A = tpu.sem_alloc : memref<!tpu.dma_semaphore, #tpu.memory_space<semaphore_mem>>
      %dma_start3A = arith.constant 0 : i32
      %dma_start3A_26 = tpu.memref_slice %arg6[%mul3A_0, %dma_start3A] : memref<10112x128xf32, #tpu.memory_space<vmem_shared>> -> memref<632x128xf32, #tpu.memory_space<vmem_shared>>
      %dma_start3A_27 = arith.constant 0 : i32
      %dma_start3A_28 = tpu.memref_slice %arg4[%mul3A_0, %dma_start3A_27] : memref<10112x128xf32, #tpu.memory_space<hbm>> -> memref<632x128xf32, #tpu.memory_space<hbm>>
      tpu.enqueue_dma source(%dma_start3A_28 : memref<632x128xf32, #tpu.memory_space<hbm>>) target(%dma_start3A_26 : memref<632x128xf32, #tpu.memory_space<vmem_shared>>) target_semaphore(%run_scoped3A : memref<!tpu.dma_semaphore, #tpu.memory_space<semaphore_mem>>)
      %dma_wait3A = arith.constant 0 : i32
      %dma_wait3A_29 = tpu.memref_slice %arg6[%mul3A_0, %dma_wait3A] : memref<10112x128xf32, #tpu.memory_space<vmem_shared>> -> memref<632x128xf32, #tpu.memory_space<vmem_shared>>
      %dma_wait3A_30 = arith.constant 0 : i32
      %dma_wait3A_31 = tpu.memref_slice %arg4[%mul3A_0, %dma_wait3A_30] : memref<10112x128xf32, #tpu.memory_space<hbm>> -> memref<632x128xf32, #tpu.memory_space<hbm>>
      tpu.wait_dma2 semaphore(%run_scoped3A : memref<!tpu.dma_semaphore, #tpu.memory_space<semaphore_mem>>) src(%dma_wait3A_31 : memref<632x128xf32, #tpu.memory_space<hbm>>) dst(%dma_wait3A_29 : memref<632x128xf32, #tpu.memory_space<vmem_shared>>)
      tpu.yield
    }) : () -> ()
    %barrier3A = arith.constant 0 : index
    tpu.barrier barrier_id(%barrier3A)
    %scan3A = arith.constant 0 : i32
    %scan3A_8 = arith.constant 20 : i32
    %scan3A_9 = arith.addi %scan3A, %scan3A_8 : i32
    %scan3A_10 = arith.constant 1 : i32
    scf.for %scan3A_26 = %scan3A to %scan3A_9 step %scan3A_10  : i32 {
      %mul3A_27 = arith.constant 1 : i32
      %mul3A_28 = arith.muli %scan3A_26, %mul3A_27 : i32
      %add3A_29 = arith.constant 0 : i32
      %add3A_30 = arith.addi %add3A_29, %mul3A_28 : i32
      %mul3A_31 = arith.constant 128 : i32
      %mul3A_32 = arith.muli %add3A_30, %mul3A_31 : i32
      %add3A_33 = arith.addi %mul3A_2, %mul3A_32 : i32
      "tpu.region"() ({
        %run_scoped3A_34 = tpu.sem_alloc : memref<!tpu.dma_semaphore, #tpu.memory_space<semaphore_mem>>
        %dma_start3A = arith.constant 0 : i32
        %dma_start3A_35 = tpu.memref_slice %arg3[%dma_start3A, %add3A_33] : memref<1x40960xi32, #tpu.memory_space<hbm>> -> memref<1x128xi32, #tpu.memory_space<hbm>>
        %dma_start3A_36 = arith.constant 0 : i32
        %dma_start3A_37 = tpu.memref_slice %arg3[%dma_start3A_36, %add3A_33] : memref<1x40960xi32, #tpu.memory_space<hbm>> -> memref<1x128xi32, #tpu.memory_space<hbm>>
        tpu.enqueue_dma source(%dma_start3A_37 : memref<1x128xi32, #tpu.memory_space<hbm>>) target(%arg8 : memref<1x128xi32, #tpu.memory_space<vmem>>) target_semaphore(%run_scoped3A_34 : memref<!tpu.dma_semaphore, #tpu.memory_space<semaphore_mem>>)
        %dma_wait3A = arith.constant 0 : i32
        %dma_wait3A_38 = tpu.memref_slice %arg3[%dma_wait3A, %add3A_33] : memref<1x40960xi32, #tpu.memory_space<hbm>> -> memref<1x128xi32, #tpu.memory_space<hbm>>
        %dma_wait3A_39 = arith.constant 0 : i32
        %dma_wait3A_40 = tpu.memref_slice %arg3[%dma_wait3A_39, %add3A_33] : memref<1x40960xi32, #tpu.memory_space<hbm>> -> memref<1x128xi32, #tpu.memory_space<hbm>>
        tpu.wait_dma2 semaphore(%run_scoped3A_34 : memref<!tpu.dma_semaphore, #tpu.memory_space<semaphore_mem>>) src(%dma_wait3A_40 : memref<1x128xi32, #tpu.memory_space<hbm>>) dst(%arg8 : memref<1x128xi32, #tpu.memory_space<vmem>>)
        tpu.yield
      }) : () -> ()
      "tpu.region"() ({
        %run_scoped3A_34 = tpu.sem_alloc : memref<!tpu.dma_semaphore, #tpu.memory_space<semaphore_mem>>
        %dma_start3A = tpu.memref_slice %arg2[%add3A_33, %mul3A_7] : memref<40960x512xf32, #tpu.memory_space<hbm>> -> memref<128x128xf32, #tpu.memory_space<hbm>>
        %dma_start3A_35 = tpu.memref_slice %arg2[%add3A_33, %mul3A_7] : memref<40960x512xf32, #tpu.memory_space<hbm>> -> memref<128x128xf32, #tpu.memory_space<hbm>>
        tpu.enqueue_dma source(%dma_start3A_35 : memref<128x128xf32, #tpu.memory_space<hbm>>) target(%arg7 : memref<128x128xf32, #tpu.memory_space<vmem>>) target_semaphore(%run_scoped3A_34 : memref<!tpu.dma_semaphore, #tpu.memory_space<semaphore_mem>>)
        %dma_wait3A = tpu.memref_slice %arg2[%add3A_33, %mul3A_7] : memref<40960x512xf32, #tpu.memory_space<hbm>> -> memref<128x128xf32, #tpu.memory_space<hbm>>
        %dma_wait3A_36 = tpu.memref_slice %arg2[%add3A_33, %mul3A_7] : memref<40960x512xf32, #tpu.memory_space<hbm>> -> memref<128x128xf32, #tpu.memory_space<hbm>>
        tpu.wait_dma2 semaphore(%run_scoped3A_34 : memref<!tpu.dma_semaphore, #tpu.memory_space<semaphore_mem>>) src(%dma_wait3A_36 : memref<128x128xf32, #tpu.memory_space<hbm>>) dst(%arg7 : memref<128x128xf32, #tpu.memory_space<vmem>>)
        tpu.yield
      }) : () -> ()
      %run_scoped3A = arith.constant 0 : i32
      "tpu.region"() ({
        %run_scoped3A_34 = tpu.sem_alloc : memref<!tpu.dma_semaphore, #tpu.memory_space<semaphore_mem>>
        %dma_start3A = arith.constant 0 : i32
        %dma_start3A_35 = tpu.memref_slice %arg8[%run_scoped3A, %dma_start3A] : memref<1x128xi32, #tpu.memory_space<vmem>> -> memref<1x128xi32, #tpu.memory_space<vmem>>
        %dma_start3A_36 = tpu.memref_squeeze %dma_start3A_35 : memref<1x128xi32, #tpu.memory_space<vmem>> -> memref<128xi32, #tpu.memory_space<vmem>>
        %dma_start3A_37 = arith.constant 0 : i32
        %dma_start3A_38 = arith.constant 0 : i32
        %dma_start3A_39 = tpu.memref_slice %arg6[%dma_start3A_37, %dma_start3A_38] : memref<10112x128xf32, #tpu.memory_space<vmem_shared>> -> memref<10112x128xf32, #tpu.memory_space<vmem_shared>>
        tpu.enqueue_indirect_dma source(%arg7 : memref<128x128xf32, #tpu.memory_space<vmem>>) target(%dma_start3A_39 : memref<10112x128xf32, #tpu.memory_space<vmem_shared>>) offsets(%dma_start3A_36 : memref<128xi32, #tpu.memory_space<vmem>>) semaphore(%run_scoped3A_34 : memref<!tpu.dma_semaphore, #tpu.memory_space<semaphore_mem>>) {add = true}
        %dma_wait3A = arith.constant 0 : i32
        %dma_wait3A_40 = tpu.memref_slice %arg8[%run_scoped3A, %dma_wait3A] : memref<1x128xi32, #tpu.memory_space<vmem>> -> memref<1x128xi32, #tpu.memory_space<vmem>>
        %dma_wait3A_41 = tpu.memref_squeeze %dma_wait3A_40 : memref<1x128xi32, #tpu.memory_space<vmem>> -> memref<128xi32, #tpu.memory_space<vmem>>
        %dma_wait3A_42 = arith.constant 0 : i32
        %dma_wait3A_43 = arith.constant 0 : i32
        %dma_wait3A_44 = tpu.memref_slice %arg6[%dma_wait3A_42, %dma_wait3A_43] : memref<10112x128xf32, #tpu.memory_space<vmem_shared>> -> memref<10112x128xf32, #tpu.memory_space<vmem_shared>>
        tpu.wait_indirect_dma semaphore(%run_scoped3A_34 : memref<!tpu.dma_semaphore, #tpu.memory_space<semaphore_mem>>) src(%arg7 : memref<128x128xf32, #tpu.memory_space<vmem>>) dst(%dma_wait3A_44 : memref<10112x128xf32, #tpu.memory_space<vmem_shared>>)
        tpu.yield
      }) : () -> ()
    }
    %scan3A_11 = arith.constant 20 : i32
    %barrier3A_12 = arith.constant 0 : index
    tpu.barrier barrier_id(%barrier3A_12)
    "tpu.region"() ({
      %run_scoped3A = tpu.sem_alloc : memref<!tpu.dma_semaphore, #tpu.memory_space<semaphore_mem>>
      %dma_start3A = tpu.memref_slice %arg5[%mul3A_0, %mul3A_7] : memref<10112x512xf32, #tpu.memory_space<hbm>> -> memref<632x128xf32, #tpu.memory_space<hbm>>
      %dma_start3A_26 = arith.constant 0 : i32
      %dma_start3A_27 = tpu.memref_slice %arg6[%mul3A_0, %dma_start3A_26] : memref<10112x128xf32, #tpu.memory_space<vmem_shared>> -> memref<632x128xf32, #tpu.memory_space<vmem_shared>>
      tpu.enqueue_dma source(%dma_start3A_27 : memref<632x128xf32, #tpu.memory_space<vmem_shared>>) target(%dma_start3A : memref<632x128xf32, #tpu.memory_space<hbm>>) target_semaphore(%run_scoped3A : memref<!tpu.dma_semaphore, #tpu.memory_space<semaphore_mem>>)
      %dma_wait3A = tpu.memref_slice %arg5[%mul3A_0, %mul3A_7] : memref<10112x512xf32, #tpu.memory_space<hbm>> -> memref<632x128xf32, #tpu.memory_space<hbm>>
      %dma_wait3A_28 = arith.constant 0 : i32
      %dma_wait3A_29 = tpu.memref_slice %arg6[%mul3A_0, %dma_wait3A_28] : memref<10112x128xf32, #tpu.memory_space<vmem_shared>> -> memref<632x128xf32, #tpu.memory_space<vmem_shared>>
      tpu.wait_dma2 semaphore(%run_scoped3A : memref<!tpu.dma_semaphore, #tpu.memory_space<semaphore_mem>>) src(%dma_wait3A_29 : memref<632x128xf32, #tpu.memory_space<vmem_shared>>) dst(%dma_wait3A : memref<632x128xf32, #tpu.memory_space<hbm>>)
      tpu.yield
    }) : () -> ()
    %mul3A_13 = arith.constant 2 : i32
    %mul3A_14 = arith.muli %arg0, %mul3A_13 : i32
    %add3A_15 = arith.constant 1 : i32
    %add3A_16 = arith.addi %mul3A_14, %add3A_15 : i32
    %mul3A_17 = arith.constant 128 : i32
    %mul3A_18 = arith.muli %add3A_16, %mul3A_17 : i32
    "tpu.region"() ({
      %run_scoped3A = tpu.sem_alloc : memref<!tpu.dma_semaphore, #tpu.memory_space<semaphore_mem>>
      %dma_start3A = arith.constant 0 : i32
      %dma_start3A_26 = tpu.memref_slice %arg6[%mul3A_0, %dma_start3A] : memref<10112x128xf32, #tpu.memory_space<vmem_shared>> -> memref<632x128xf32, #tpu.memory_space<vmem_shared>>
      %dma_start3A_27 = arith.constant 0 : i32
      %dma_start3A_28 = tpu.memref_slice %arg4[%mul3A_0, %dma_start3A_27] : memref<10112x128xf32, #tpu.memory_space<hbm>> -> memref<632x128xf32, #tpu.memory_space<hbm>>
      tpu.enqueue_dma source(%dma_start3A_28 : memref<632x128xf32, #tpu.memory_space<hbm>>) target(%dma_start3A_26 : memref<632x128xf32, #tpu.memory_space<vmem_shared>>) target_semaphore(%run_scoped3A : memref<!tpu.dma_semaphore, #tpu.memory_space<semaphore_mem>>)
      %dma_wait3A = arith.constant 0 : i32
      %dma_wait3A_29 = tpu.memref_slice %arg6[%mul3A_0, %dma_wait3A] : memref<10112x128xf32, #tpu.memory_space<vmem_shared>> -> memref<632x128xf32, #tpu.memory_space<vmem_shared>>
      %dma_wait3A_30 = arith.constant 0 : i32
      %dma_wait3A_31 = tpu.memref_slice %arg4[%mul3A_0, %dma_wait3A_30] : memref<10112x128xf32, #tpu.memory_space<hbm>> -> memref<632x128xf32, #tpu.memory_space<hbm>>
      tpu.wait_dma2 semaphore(%run_scoped3A : memref<!tpu.dma_semaphore, #tpu.memory_space<semaphore_mem>>) src(%dma_wait3A_31 : memref<632x128xf32, #tpu.memory_space<hbm>>) dst(%dma_wait3A_29 : memref<632x128xf32, #tpu.memory_space<vmem_shared>>)
      tpu.yield
    }) : () -> ()
    %barrier3A_19 = arith.constant 0 : index
    tpu.barrier barrier_id(%barrier3A_19)
    %scan3A_20 = arith.constant 0 : i32
    %scan3A_21 = arith.constant 20 : i32
    %scan3A_22 = arith.addi %scan3A_20, %scan3A_21 : i32
    %scan3A_23 = arith.constant 1 : i32
    scf.for %scan3A_26 = %scan3A_20 to %scan3A_22 step %scan3A_23  : i32 {
      %mul3A_27 = arith.constant 1 : i32
      %mul3A_28 = arith.muli %scan3A_26, %mul3A_27 : i32
      %add3A_29 = arith.constant 0 : i32
      %add3A_30 = arith.addi %add3A_29, %mul3A_28 : i32
      %mul3A_31 = arith.constant 128 : i32
      %mul3A_32 = arith.muli %add3A_30, %mul3A_31 : i32
      %add3A_33 = arith.addi %mul3A_2, %mul3A_32 : i32
      "tpu.region"() ({
        %run_scoped3A_34 = tpu.sem_alloc : memref<!tpu.dma_semaphore, #tpu.memory_space<semaphore_mem>>
        %dma_start3A = arith.constant 0 : i32
        %dma_start3A_35 = tpu.memref_slice %arg3[%dma_start3A, %add3A_33] : memref<1x40960xi32, #tpu.memory_space<hbm>> -> memref<1x128xi32, #tpu.memory_space<hbm>>
        %dma_start3A_36 = arith.constant 0 : i32
        %dma_start3A_37 = tpu.memref_slice %arg3[%dma_start3A_36, %add3A_33] : memref<1x40960xi32, #tpu.memory_space<hbm>> -> memref<1x128xi32, #tpu.memory_space<hbm>>
        tpu.enqueue_dma source(%dma_start3A_37 : memref<1x128xi32, #tpu.memory_space<hbm>>) target(%arg8 : memref<1x128xi32, #tpu.memory_space<vmem>>) target_semaphore(%run_scoped3A_34 : memref<!tpu.dma_semaphore, #tpu.memory_space<semaphore_mem>>)
        %dma_wait3A = arith.constant 0 : i32
        %dma_wait3A_38 = tpu.memref_slice %arg3[%dma_wait3A, %add3A_33] : memref<1x40960xi32, #tpu.memory_space<hbm>> -> memref<1x128xi32, #tpu.memory_space<hbm>>
        %dma_wait3A_39 = arith.constant 0 : i32
        %dma_wait3A_40 = tpu.memref_slice %arg3[%dma_wait3A_39, %add3A_33] : memref<1x40960xi32, #tpu.memory_space<hbm>> -> memref<1x128xi32, #tpu.memory_space<hbm>>
        tpu.wait_dma2 semaphore(%run_scoped3A_34 : memref<!tpu.dma_semaphore, #tpu.memory_space<semaphore_mem>>) src(%dma_wait3A_40 : memref<1x128xi32, #tpu.memory_space<hbm>>) dst(%arg8 : memref<1x128xi32, #tpu.memory_space<vmem>>)
        tpu.yield
      }) : () -> ()
      "tpu.region"() ({
        %run_scoped3A_34 = tpu.sem_alloc : memref<!tpu.dma_semaphore, #tpu.memory_space<semaphore_mem>>
        %dma_start3A = tpu.memref_slice %arg2[%add3A_33, %mul3A_18] : memref<40960x512xf32, #tpu.memory_space<hbm>> -> memref<128x128xf32, #tpu.memory_space<hbm>>
        %dma_start3A_35 = tpu.memref_slice %arg2[%add3A_33, %mul3A_18] : memref<40960x512xf32, #tpu.memory_space<hbm>> -> memref<128x128xf32, #tpu.memory_space<hbm>>
        tpu.enqueue_dma source(%dma_start3A_35 : memref<128x128xf32, #tpu.memory_space<hbm>>) target(%arg7 : memref<128x128xf32, #tpu.memory_space<vmem>>) target_semaphore(%run_scoped3A_34 : memref<!tpu.dma_semaphore, #tpu.memory_space<semaphore_mem>>)
        %dma_wait3A = tpu.memref_slice %arg2[%add3A_33, %mul3A_18] : memref<40960x512xf32, #tpu.memory_space<hbm>> -> memref<128x128xf32, #tpu.memory_space<hbm>>
        %dma_wait3A_36 = tpu.memref_slice %arg2[%add3A_33, %mul3A_18] : memref<40960x512xf32, #tpu.memory_space<hbm>> -> memref<128x128xf32, #tpu.memory_space<hbm>>
        tpu.wait_dma2 semaphore(%run_scoped3A_34 : memref<!tpu.dma_semaphore, #tpu.memory_space<semaphore_mem>>) src(%dma_wait3A_36 : memref<128x128xf32, #tpu.memory_space<hbm>>) dst(%arg7 : memref<128x128xf32, #tpu.memory_space<vmem>>)
        tpu.yield
      }) : () -> ()
      %run_scoped3A = arith.constant 0 : i32
      "tpu.region"() ({
        %run_scoped3A_34 = tpu.sem_alloc : memref<!tpu.dma_semaphore, #tpu.memory_space<semaphore_mem>>
        %dma_start3A = arith.constant 0 : i32
        %dma_start3A_35 = tpu.memref_slice %arg8[%run_scoped3A, %dma_start3A] : memref<1x128xi32, #tpu.memory_space<vmem>> -> memref<1x128xi32, #tpu.memory_space<vmem>>
        %dma_start3A_36 = tpu.memref_squeeze %dma_start3A_35 : memref<1x128xi32, #tpu.memory_space<vmem>> -> memref<128xi32, #tpu.memory_space<vmem>>
        %dma_start3A_37 = arith.constant 0 : i32
        %dma_start3A_38 = arith.constant 0 : i32
        %dma_start3A_39 = tpu.memref_slice %arg6[%dma_start3A_37, %dma_start3A_38] : memref<10112x128xf32, #tpu.memory_space<vmem_shared>> -> memref<10112x128xf32, #tpu.memory_space<vmem_shared>>
        tpu.enqueue_indirect_dma source(%arg7 : memref<128x128xf32, #tpu.memory_space<vmem>>) target(%dma_start3A_39 : memref<10112x128xf32, #tpu.memory_space<vmem_shared>>) offsets(%dma_start3A_36 : memref<128xi32, #tpu.memory_space<vmem>>) semaphore(%run_scoped3A_34 : memref<!tpu.dma_semaphore, #tpu.memory_space<semaphore_mem>>) {add = true}
        %dma_wait3A = arith.constant 0 : i32
        %dma_wait3A_40 = tpu.memref_slice %arg8[%run_scoped3A, %dma_wait3A] : memref<1x128xi32, #tpu.memory_space<vmem>> -> memref<1x128xi32, #tpu.memory_space<vmem>>
        %dma_wait3A_41 = tpu.memref_squeeze %dma_wait3A_40 : memref<1x128xi32, #tpu.memory_space<vmem>> -> memref<128xi32, #tpu.memory_space<vmem>>
        %dma_wait3A_42 = arith.constant 0 : i32
        %dma_wait3A_43 = arith.constant 0 : i32
        %dma_wait3A_44 = tpu.memref_slice %arg6[%dma_wait3A_42, %dma_wait3A_43] : memref<10112x128xf32, #tpu.memory_space<vmem_shared>> -> memref<10112x128xf32, #tpu.memory_space<vmem_shared>>
        tpu.wait_indirect_dma semaphore(%run_scoped3A_34 : memref<!tpu.dma_semaphore, #tpu.memory_space<semaphore_mem>>) src(%arg7 : memref<128x128xf32, #tpu.memory_space<vmem>>) dst(%dma_wait3A_44 : memref<10112x128xf32, #tpu.memory_space<vmem_shared>>)
        tpu.yield
      }) : () -> ()
    }
    %scan3A_24 = arith.constant 20 : i32
    %barrier3A_25 = arith.constant 0 : index
    tpu.barrier barrier_id(%barrier3A_25)
    "tpu.region"() ({
      %run_scoped3A = tpu.sem_alloc : memref<!tpu.dma_semaphore, #tpu.memory_space<semaphore_mem>>
      %dma_start3A = tpu.memref_slice %arg5[%mul3A_0, %mul3A_18] : memref<10112x512xf32, #tpu.memory_space<hbm>> -> memref<632x128xf32, #tpu.memory_space<hbm>>
      %dma_start3A_26 = arith.constant 0 : i32
      %dma_start3A_27 = tpu.memref_slice %arg6[%mul3A_0, %dma_start3A_26] : memref<10112x128xf32, #tpu.memory_space<vmem_shared>> -> memref<632x128xf32, #tpu.memory_space<vmem_shared>>
      tpu.enqueue_dma source(%dma_start3A_27 : memref<632x128xf32, #tpu.memory_space<vmem_shared>>) target(%dma_start3A : memref<632x128xf32, #tpu.memory_space<hbm>>) target_semaphore(%run_scoped3A : memref<!tpu.dma_semaphore, #tpu.memory_space<semaphore_mem>>)
      %dma_wait3A = tpu.memref_slice %arg5[%mul3A_0, %mul3A_18] : memref<10112x512xf32, #tpu.memory_space<hbm>> -> memref<632x128xf32, #tpu.memory_space<hbm>>
      %dma_wait3A_28 = arith.constant 0 : i32
      %dma_wait3A_29 = tpu.memref_slice %arg6[%mul3A_0, %dma_wait3A_28] : memref<10112x128xf32, #tpu.memory_space<vmem_shared>> -> memref<632x128xf32, #tpu.memory_space<vmem_shared>>
      tpu.wait_dma2 semaphore(%run_scoped3A : memref<!tpu.dma_semaphore, #tpu.memory_space<semaphore_mem>>) src(%dma_wait3A_29 : memref<632x128xf32, #tpu.memory_space<vmem_shared>>) dst(%dma_wait3A : memref<632x128xf32, #tpu.memory_space<hbm>>)
      tpu.yield
    }) : () -> ()
    return
  }
}

#map = affine_map<(d0, d1) -> (0, 0)>
module attributes {stable_mosaic.version = 14 : i64} {
  func.func @sk(%arg0: i32, %arg1: i32, %arg2: memref<40960x512xf32, #tpu.memory_space<hbm>>, %arg3: memref<1x40960xi32, #tpu.memory_space<hbm>>, %arg4: memref<10112x128xf32, #tpu.memory_space<hbm>>, %arg5: memref<10112x512xf32, #tpu.memory_space<hbm>>, %arg6: memref<10112x128xf32, #tpu.memory_space<vmem_shared>>, %arg7: memref<128x128xf32, #tpu.memory_space<vmem>>, %arg8: memref<1x128xi32, #tpu.memory_space<vmem>>) attributes {dimension_semantics = [#tpu.dimension_semantics<core_parallel>, #tpu.dimension_semantics<subcore_parallel>], iteration_bounds = array<i64: 2, 16>, scalar_prefetch = 0 : i64, scratch_operands = 3 : i64, tpu.core_type = #tpu.core_type<sc_vector_subcore>, window_params = [{transform_indices = #map}, {transform_indices = #map}, {transform_indices = #map}, {transform_indices = #map}]} {
    %mul3A = arith.constant 632 : i32
    %mul3A_0 = arith.muli %arg1, %mul3A : i32
    %mul3A_1 = arith.constant 2560 : i32
    %mul3A_2 = arith.muli %arg1, %mul3A_1 : i32
    %mul3A_3 = arith.constant 2 : i32
    %mul3A_4 = arith.muli %arg0, %mul3A_3 : i32
    %add3A = arith.constant 0 : i32
    %add3A_5 = arith.addi %mul3A_4, %add3A : i32
    %mul3A_6 = arith.constant 128 : i32
    %mul3A_7 = arith.muli %add3A_5, %mul3A_6 : i32
    "tpu.region"() ({
      %run_scoped3A = tpu.sem_alloc : memref<!tpu.dma_semaphore, #tpu.memory_space<semaphore_mem>>
      %dma_start3A = arith.constant 0 : i32
      %dma_start3A_26 = tpu.memref_slice %arg6[%mul3A_0, %dma_start3A] : memref<10112x128xf32, #tpu.memory_space<vmem_shared>> -> memref<632x128xf32, #tpu.memory_space<vmem_shared>>
      %dma_start3A_27 = arith.constant 0 : i32
      %dma_start3A_28 = tpu.memref_slice %arg4[%mul3A_0, %dma_start3A_27] : memref<10112x128xf32, #tpu.memory_space<hbm>> -> memref<632x128xf32, #tpu.memory_space<hbm>>
      tpu.enqueue_dma source(%dma_start3A_28 : memref<632x128xf32, #tpu.memory_space<hbm>>) target(%dma_start3A_26 : memref<632x128xf32, #tpu.memory_space<vmem_shared>>) target_semaphore(%run_scoped3A : memref<!tpu.dma_semaphore, #tpu.memory_space<semaphore_mem>>)
      %dma_wait3A = arith.constant 0 : i32
      %dma_wait3A_29 = tpu.memref_slice %arg6[%mul3A_0, %dma_wait3A] : memref<10112x128xf32, #tpu.memory_space<vmem_shared>> -> memref<632x128xf32, #tpu.memory_space<vmem_shared>>
      %dma_wait3A_30 = arith.constant 0 : i32
      %dma_wait3A_31 = tpu.memref_slice %arg4[%mul3A_0, %dma_wait3A_30] : memref<10112x128xf32, #tpu.memory_space<hbm>> -> memref<632x128xf32, #tpu.memory_space<hbm>>
      tpu.wait_dma2 semaphore(%run_scoped3A : memref<!tpu.dma_semaphore, #tpu.memory_space<semaphore_mem>>) src(%dma_wait3A_31 : memref<632x128xf32, #tpu.memory_space<hbm>>) dst(%dma_wait3A_29 : memref<632x128xf32, #tpu.memory_space<vmem_shared>>)
      tpu.yield
    }) : () -> ()
    %barrier3A = arith.constant 0 : index
    tpu.barrier barrier_id(%barrier3A)
    %scan3A = arith.constant 0 : i32
    %scan3A_8 = arith.constant 20 : i32
    %scan3A_9 = arith.addi %scan3A, %scan3A_8 : i32
    %scan3A_10 = arith.constant 1 : i32
    scf.for %scan3A_26 = %scan3A to %scan3A_9 step %scan3A_10  : i32 {
      %mul3A_27 = arith.constant 1 : i32
      %mul3A_28 = arith.muli %scan3A_26, %mul3A_27 : i32
      %add3A_29 = arith.constant 0 : i32
      %add3A_30 = arith.addi %add3A_29, %mul3A_28 : i32
      %mul3A_31 = arith.constant 128 : i32
      %mul3A_32 = arith.muli %add3A_30, %mul3A_31 : i32
      %add3A_33 = arith.addi %mul3A_2, %mul3A_32 : i32
      "tpu.region"() ({
        %run_scoped3A_34 = tpu.sem_alloc : memref<!tpu.dma_semaphore, #tpu.memory_space<semaphore_mem>>
        %dma_start3A = arith.constant 0 : i32
        %dma_start3A_35 = tpu.memref_slice %arg3[%dma_start3A, %add3A_33] : memref<1x40960xi32, #tpu.memory_space<hbm>> -> memref<1x128xi32, #tpu.memory_space<hbm>>
        %dma_start3A_36 = arith.constant 0 : i32
        %dma_start3A_37 = tpu.memref_slice %arg3[%dma_start3A_36, %add3A_33] : memref<1x40960xi32, #tpu.memory_space<hbm>> -> memref<1x128xi32, #tpu.memory_space<hbm>>
        tpu.enqueue_dma source(%dma_start3A_37 : memref<1x128xi32, #tpu.memory_space<hbm>>) target(%arg8 : memref<1x128xi32, #tpu.memory_space<vmem>>) target_semaphore(%run_scoped3A_34 : memref<!tpu.dma_semaphore, #tpu.memory_space<semaphore_mem>>)
        %dma_wait3A = arith.constant 0 : i32
        %dma_wait3A_38 = tpu.memref_slice %arg3[%dma_wait3A, %add3A_33] : memref<1x40960xi32, #tpu.memory_space<hbm>> -> memref<1x128xi32, #tpu.memory_space<hbm>>
        %dma_wait3A_39 = arith.constant 0 : i32
        %dma_wait3A_40 = tpu.memref_slice %arg3[%dma_wait3A_39, %add3A_33] : memref<1x40960xi32, #tpu.memory_space<hbm>> -> memref<1x128xi32, #tpu.memory_space<hbm>>
        tpu.wait_dma2 semaphore(%run_scoped3A_34 : memref<!tpu.dma_semaphore, #tpu.memory_space<semaphore_mem>>) src(%dma_wait3A_40 : memref<1x128xi32, #tpu.memory_space<hbm>>) dst(%arg8 : memref<1x128xi32, #tpu.memory_space<vmem>>)
        tpu.yield
      }) : () -> ()
      "tpu.region"() ({
        %run_scoped3A_34 = tpu.sem_alloc : memref<!tpu.dma_semaphore, #tpu.memory_space<semaphore_mem>>
        %dma_start3A = tpu.memref_slice %arg2[%add3A_33, %mul3A_7] : memref<40960x512xf32, #tpu.memory_space<hbm>> -> memref<128x128xf32, #tpu.memory_space<hbm>>
        %dma_start3A_35 = tpu.memref_slice %arg2[%add3A_33, %mul3A_7] : memref<40960x512xf32, #tpu.memory_space<hbm>> -> memref<128x128xf32, #tpu.memory_space<hbm>>
        tpu.enqueue_dma source(%dma_start3A_35 : memref<128x128xf32, #tpu.memory_space<hbm>>) target(%arg7 : memref<128x128xf32, #tpu.memory_space<vmem>>) target_semaphore(%run_scoped3A_34 : memref<!tpu.dma_semaphore, #tpu.memory_space<semaphore_mem>>)
        %dma_wait3A = tpu.memref_slice %arg2[%add3A_33, %mul3A_7] : memref<40960x512xf32, #tpu.memory_space<hbm>> -> memref<128x128xf32, #tpu.memory_space<hbm>>
        %dma_wait3A_36 = tpu.memref_slice %arg2[%add3A_33, %mul3A_7] : memref<40960x512xf32, #tpu.memory_space<hbm>> -> memref<128x128xf32, #tpu.memory_space<hbm>>
        tpu.wait_dma2 semaphore(%run_scoped3A_34 : memref<!tpu.dma_semaphore, #tpu.memory_space<semaphore_mem>>) src(%dma_wait3A_36 : memref<128x128xf32, #tpu.memory_space<hbm>>) dst(%arg7 : memref<128x128xf32, #tpu.memory_space<vmem>>)
        tpu.yield
      }) : () -> ()
      %run_scoped3A = arith.constant 0 : i32
      "tpu.region"() ({
        %run_scoped3A_34 = tpu.sem_alloc : memref<!tpu.dma_semaphore, #tpu.memory_space<semaphore_mem>>
        %dma_start3A = arith.constant 0 : i32
        %dma_start3A_35 = tpu.memref_slice %arg8[%run_scoped3A, %dma_start3A] : memref<1x128xi32, #tpu.memory_space<vmem>> -> memref<1x128xi32, #tpu.memory_space<vmem>>
        %dma_start3A_36 = tpu.memref_squeeze %dma_start3A_35 : memref<1x128xi32, #tpu.memory_space<vmem>> -> memref<128xi32, #tpu.memory_space<vmem>>
        %dma_start3A_37 = arith.constant 0 : i32
        %dma_start3A_38 = arith.constant 0 : i32
        %dma_start3A_39 = tpu.memref_slice %arg6[%dma_start3A_37, %dma_start3A_38] : memref<10112x128xf32, #tpu.memory_space<vmem_shared>> -> memref<10112x128xf32, #tpu.memory_space<vmem_shared>>
        tpu.enqueue_indirect_dma source(%arg7 : memref<128x128xf32, #tpu.memory_space<vmem>>) target(%dma_start3A_39 : memref<10112x128xf32, #tpu.memory_space<vmem_shared>>) offsets(%dma_start3A_36 : memref<128xi32, #tpu.memory_space<vmem>>) semaphore(%run_scoped3A_34 : memref<!tpu.dma_semaphore, #tpu.memory_space<semaphore_mem>>) {add = true}
        %dma_wait3A = arith.constant 0 : i32
        %dma_wait3A_40 = tpu.memref_slice %arg8[%run_scoped3A, %dma_wait3A] : memref<1x128xi32, #tpu.memory_space<vmem>> -> memref<1x128xi32, #tpu.memory_space<vmem>>
        %dma_wait3A_41 = tpu.memref_squeeze %dma_wait3A_40 : memref<1x128xi32, #tpu.memory_space<vmem>> -> memref<128xi32, #tpu.memory_space<vmem>>
        %dma_wait3A_42 = arith.constant 0 : i32
        %dma_wait3A_43 = arith.constant 0 : i32
        %dma_wait3A_44 = tpu.memref_slice %arg6[%dma_wait3A_42, %dma_wait3A_43] : memref<10112x128xf32, #tpu.memory_space<vmem_shared>> -> memref<10112x128xf32, #tpu.memory_space<vmem_shared>>
        tpu.wait_indirect_dma semaphore(%run_scoped3A_34 : memref<!tpu.dma_semaphore, #tpu.memory_space<semaphore_mem>>) src(%arg7 : memref<128x128xf32, #tpu.memory_space<vmem>>) dst(%dma_wait3A_44 : memref<10112x128xf32, #tpu.memory_space<vmem_shared>>)
        tpu.yield
      }) : () -> ()
    }
    %scan3A_11 = arith.constant 20 : i32
    %barrier3A_12 = arith.constant 0 : index
    tpu.barrier barrier_id(%barrier3A_12)
    "tpu.region"() ({
      %run_scoped3A = tpu.sem_alloc : memref<!tpu.dma_semaphore, #tpu.memory_space<semaphore_mem>>
      %dma_start3A = tpu.memref_slice %arg5[%mul3A_0, %mul3A_7] : memref<10112x512xf32, #tpu.memory_space<hbm>> -> memref<632x128xf32, #tpu.memory_space<hbm>>
      %dma_start3A_26 = arith.constant 0 : i32
      %dma_start3A_27 = tpu.memref_slice %arg6[%mul3A_0, %dma_start3A_26] : memref<10112x128xf32, #tpu.memory_space<vmem_shared>> -> memref<632x128xf32, #tpu.memory_space<vmem_shared>>
      tpu.enqueue_dma source(%dma_start3A_27 : memref<632x128xf32, #tpu.memory_space<vmem_shared>>) target(%dma_start3A : memref<632x128xf32, #tpu.memory_space<hbm>>) target_semaphore(%run_scoped3A : memref<!tpu.dma_semaphore, #tpu.memory_space<semaphore_mem>>)
      %dma_wait3A = tpu.memref_slice %arg5[%mul3A_0, %mul3A_7] : memref<10112x512xf32, #tpu.memory_space<hbm>> -> memref<632x128xf32, #tpu.memory_space<hbm>>
      %dma_wait3A_28 = arith.constant 0 : i32
      %dma_wait3A_29 = tpu.memref_slice %arg6[%mul3A_0, %dma_wait3A_28] : memref<10112x128xf32, #tpu.memory_space<vmem_shared>> -> memref<632x128xf32, #tpu.memory_space<vmem_shared>>
      tpu.wait_dma2 semaphore(%run_scoped3A : memref<!tpu.dma_semaphore, #tpu.memory_space<semaphore_mem>>) src(%dma_wait3A_29 : memref<632x128xf32, #tpu.memory_space<vmem_shared>>) dst(%dma_wait3A : memref<632x128xf32, #tpu.memory_space<hbm>>)
      tpu.yield
    }) : () -> ()
    %mul3A_13 = arith.constant 2 : i32
    %mul3A_14 = arith.muli %arg0, %mul3A_13 : i32
    %add3A_15 = arith.constant 1 : i32
    %add3A_16 = arith.addi %mul3A_14, %add3A_15 : i32
    %mul3A_17 = arith.constant 128 : i32
    %mul3A_18 = arith.muli %add3A_16, %mul3A_17 : i32
    "tpu.region"() ({
      %run_scoped3A = tpu.sem_alloc : memref<!tpu.dma_semaphore, #tpu.memory_space<semaphore_mem>>
      %dma_start3A = arith.constant 0 : i32
      %dma_start3A_26 = tpu.memref_slice %arg6[%mul3A_0, %dma_start3A] : memref<10112x128xf32, #tpu.memory_space<vmem_shared>> -> memref<632x128xf32, #tpu.memory_space<vmem_shared>>
      %dma_start3A_27 = arith.constant 0 : i32
      %dma_start3A_28 = tpu.memref_slice %arg4[%mul3A_0, %dma_start3A_27] : memref<10112x128xf32, #tpu.memory_space<hbm>> -> memref<632x128xf32, #tpu.memory_space<hbm>>
      tpu.enqueue_dma source(%dma_start3A_28 : memref<632x128xf32, #tpu.memory_space<hbm>>) target(%dma_start3A_26 : memref<632x128xf32, #tpu.memory_space<vmem_shared>>) target_semaphore(%run_scoped3A : memref<!tpu.dma_semaphore, #tpu.memory_space<semaphore_mem>>)
      %dma_wait3A = arith.constant 0 : i32
      %dma_wait3A_29 = tpu.memref_slice %arg6[%mul3A_0, %dma_wait3A] : memref<10112x128xf32, #tpu.memory_space<vmem_shared>> -> memref<632x128xf32, #tpu.memory_space<vmem_shared>>
      %dma_wait3A_30 = arith.constant 0 : i32
      %dma_wait3A_31 = tpu.memref_slice %arg4[%mul3A_0, %dma_wait3A_30] : memref<10112x128xf32, #tpu.memory_space<hbm>> -> memref<632x128xf32, #tpu.memory_space<hbm>>
      tpu.wait_dma2 semaphore(%run_scoped3A : memref<!tpu.dma_semaphore, #tpu.memory_space<semaphore_mem>>) src(%dma_wait3A_31 : memref<632x128xf32, #tpu.memory_space<hbm>>) dst(%dma_wait3A_29 : memref<632x128xf32, #tpu.memory_space<vmem_shared>>)
      tpu.yield
    }) : () -> ()
    %barrier3A_19 = arith.constant 0 : index
    tpu.barrier barrier_id(%barrier3A_19)
    %scan3A_20 = arith.constant 0 : i32
    %scan3A_21 = arith.constant 20 : i32
    %scan3A_22 = arith.addi %scan3A_20, %scan3A_21 : i32
    %scan3A_23 = arith.constant 1 : i32
    scf.for %scan3A_26 = %scan3A_20 to %scan3A_22 step %scan3A_23  : i32 {
      %mul3A_27 = arith.constant 1 : i32
      %mul3A_28 = arith.muli %scan3A_26, %mul3A_27 : i32
      %add3A_29 = arith.constant 0 : i32
      %add3A_30 = arith.addi %add3A_29, %mul3A_28 : i32
      %mul3A_31 = arith.constant 128 : i32
      %mul3A_32 = arith.muli %add3A_30, %mul3A_31 : i32
      %add3A_33 = arith.addi %mul3A_2, %mul3A_32 : i32
      "tpu.region"() ({
        %run_scoped3A_34 = tpu.sem_alloc : memref<!tpu.dma_semaphore, #tpu.memory_space<semaphore_mem>>
        %dma_start3A = arith.constant 0 : i32
        %dma_start3A_35 = tpu.memref_slice %arg3[%dma_start3A, %add3A_33] : memref<1x40960xi32, #tpu.memory_space<hbm>> -> memref<1x128xi32, #tpu.memory_space<hbm>>
        %dma_start3A_36 = arith.constant 0 : i32
        %dma_start3A_37 = tpu.memref_slice %arg3[%dma_start3A_36, %add3A_33] : memref<1x40960xi32, #tpu.memory_space<hbm>> -> memref<1x128xi32, #tpu.memory_space<hbm>>
        tpu.enqueue_dma source(%dma_start3A_37 : memref<1x128xi32, #tpu.memory_space<hbm>>) target(%arg8 : memref<1x128xi32, #tpu.memory_space<vmem>>) target_semaphore(%run_scoped3A_34 : memref<!tpu.dma_semaphore, #tpu.memory_space<semaphore_mem>>)
        %dma_wait3A = arith.constant 0 : i32
        %dma_wait3A_38 = tpu.memref_slice %arg3[%dma_wait3A, %add3A_33] : memref<1x40960xi32, #tpu.memory_space<hbm>> -> memref<1x128xi32, #tpu.memory_space<hbm>>
        %dma_wait3A_39 = arith.constant 0 : i32
        %dma_wait3A_40 = tpu.memref_slice %arg3[%dma_wait3A_39, %add3A_33] : memref<1x40960xi32, #tpu.memory_space<hbm>> -> memref<1x128xi32, #tpu.memory_space<hbm>>
        tpu.wait_dma2 semaphore(%run_scoped3A_34 : memref<!tpu.dma_semaphore, #tpu.memory_space<semaphore_mem>>) src(%dma_wait3A_40 : memref<1x128xi32, #tpu.memory_space<hbm>>) dst(%arg8 : memref<1x128xi32, #tpu.memory_space<vmem>>)
        tpu.yield
      }) : () -> ()
      "tpu.region"() ({
        %run_scoped3A_34 = tpu.sem_alloc : memref<!tpu.dma_semaphore, #tpu.memory_space<semaphore_mem>>
        %dma_start3A = tpu.memref_slice %arg2[%add3A_33, %mul3A_18] : memref<40960x512xf32, #tpu.memory_space<hbm>> -> memref<128x128xf32, #tpu.memory_space<hbm>>
        %dma_start3A_35 = tpu.memref_slice %arg2[%add3A_33, %mul3A_18] : memref<40960x512xf32, #tpu.memory_space<hbm>> -> memref<128x128xf32, #tpu.memory_space<hbm>>
        tpu.enqueue_dma source(%dma_start3A_35 : memref<128x128xf32, #tpu.memory_space<hbm>>) target(%arg7 : memref<128x128xf32, #tpu.memory_space<vmem>>) target_semaphore(%run_scoped3A_34 : memref<!tpu.dma_semaphore, #tpu.memory_space<semaphore_mem>>)
        %dma_wait3A = tpu.memref_slice %arg2[%add3A_33, %mul3A_18] : memref<40960x512xf32, #tpu.memory_space<hbm>> -> memref<128x128xf32, #tpu.memory_space<hbm>>
        %dma_wait3A_36 = tpu.memref_slice %arg2[%add3A_33, %mul3A_18] : memref<40960x512xf32, #tpu.memory_space<hbm>> -> memref<128x128xf32, #tpu.memory_space<hbm>>
        tpu.wait_dma2 semaphore(%run_scoped3A_34 : memref<!tpu.dma_semaphore, #tpu.memory_space<semaphore_mem>>) src(%dma_wait3A_36 : memref<128x128xf32, #tpu.memory_space<hbm>>) dst(%arg7 : memref<128x128xf32, #tpu.memory_space<vmem>>)
        tpu.yield
      }) : () -> ()
      %run_scoped3A = arith.constant 0 : i32
      "tpu.region"() ({
        %run_scoped3A_34 = tpu.sem_alloc : memref<!tpu.dma_semaphore, #tpu.memory_space<semaphore_mem>>
        %dma_start3A = arith.constant 0 : i32
        %dma_start3A_35 = tpu.memref_slice %arg8[%run_scoped3A, %dma_start3A] : memref<1x128xi32, #tpu.memory_space<vmem>> -> memref<1x128xi32, #tpu.memory_space<vmem>>
        %dma_start3A_36 = tpu.memref_squeeze %dma_start3A_35 : memref<1x128xi32, #tpu.memory_space<vmem>> -> memref<128xi32, #tpu.memory_space<vmem>>
        %dma_start3A_37 = arith.constant 0 : i32
        %dma_start3A_38 = arith.constant 0 : i32
        %dma_start3A_39 = tpu.memref_slice %arg6[%dma_start3A_37, %dma_start3A_38] : memref<10112x128xf32, #tpu.memory_space<vmem_shared>> -> memref<10112x128xf32, #tpu.memory_space<vmem_shared>>
        tpu.enqueue_indirect_dma source(%arg7 : memref<128x128xf32, #tpu.memory_space<vmem>>) target(%dma_start3A_39 : memref<10112x128xf32, #tpu.memory_space<vmem_shared>>) offsets(%dma_start3A_36 : memref<128xi32, #tpu.memory_space<vmem>>) semaphore(%run_scoped3A_34 : memref<!tpu.dma_semaphore, #tpu.memory_space<semaphore_mem>>) {add = true}
        %dma_wait3A = arith.constant 0 : i32
        %dma_wait3A_40 = tpu.memref_slice %arg8[%run_scoped3A, %dma_wait3A] : memref<1x128xi32, #tpu.memory_space<vmem>> -> memref<1x128xi32, #tpu.memory_space<vmem>>
        %dma_wait3A_41 = tpu.memref_squeeze %dma_wait3A_40 : memref<1x128xi32, #tpu.memory_space<vmem>> -> memref<128xi32, #tpu.memory_space<vmem>>
        %dma_wait3A_42 = arith.constant 0 : i32
        %dma_wait3A_43 = arith.constant 0 : i32
        %dma_wait3A_44 = tpu.memref_slice %arg6[%dma_wait3A_42, %dma_wait3A_43] : memref<10112x128xf32, #tpu.memory_space<vmem_shared>> -> memref<10112x128xf32, #tpu.memory_space<vmem_shared>>
        tpu.wait_indirect_dma semaphore(%run_scoped3A_34 : memref<!tpu.dma_semaphore, #tpu.memory_space<semaphore_mem>>) src(%arg7 : memref<128x128xf32, #tpu.memory_space<vmem>>) dst(%dma_wait3A_44 : memref<10112x128xf32, #tpu.memory_space<vmem_shared>>)
        tpu.yield
      }) : () -> ()
    }
    %scan3A_24 = arith.constant 20 : i32
    %barrier3A_25 = arith.constant 0 : index
    tpu.barrier barrier_id(%barrier3A_25)
    "tpu.region"() ({
      %run_scoped3A = tpu.sem_alloc : memref<!tpu.dma_semaphore, #tpu.memory_space<semaphore_mem>>
      %dma_start3A = tpu.memref_slice %arg5[%mul3A_0, %mul3A_18] : memref<10112x512xf32, #tpu.memory_space<hbm>> -> memref<632x128xf32, #tpu.memory_space<hbm>>
      %dma_start3A_26 = arith.constant 0 : i32
      %dma_start3A_27 = tpu.memref_slice %arg6[%mul3A_0, %dma_start3A_26] : memref<10112x128xf32, #tpu.memory_space<vmem_shared>> -> memref<632x128xf32, #tpu.memory_space<vmem_shared>>
      tpu.enqueue_dma source(%dma_start3A_27 : memref<632x128xf32, #tpu.memory_space<vmem_shared>>) target(%dma_start3A : memref<632x128xf32, #tpu.memory_space<hbm>>) target_semaphore(%run_scoped3A : memref<!tpu.dma_semaphore, #tpu.memory_space<semaphore_mem>>)
      %dma_wait3A = tpu.memref_slice %arg5[%mul3A_0, %mul3A_18] : memref<10112x512xf32, #tpu.memory_space<hbm>> -> memref<632x128xf32, #tpu.memory_space<hbm>>
      %dma_wait3A_28 = arith.constant 0 : i32
      %dma_wait3A_29 = tpu.memref_slice %arg6[%mul3A_0, %dma_wait3A_28] : memref<10112x128xf32, #tpu.memory_space<vmem_shared>> -> memref<632x128xf32, #tpu.memory_space<vmem_shared>>
      tpu.wait_dma2 semaphore(%run_scoped3A : memref<!tpu.dma_semaphore, #tpu.memory_space<semaphore_mem>>) src(%dma_wait3A_29 : memref<632x128xf32, #tpu.memory_space<vmem_shared>>) dst(%dma_wait3A : memref<632x128xf32, #tpu.memory_space<hbm>>)
      tpu.yield
    }) : () -> ()
    return
  }
}

#map = affine_map<(d0, d1) -> (0, 0)>
module attributes {stable_mosaic.version = 14 : i64} {
  func.func @sk(%arg0: i32, %arg1: i32, %arg2: memref<40960x512xf32, #tpu.memory_space<hbm>>, %arg3: memref<1x40960xi32, #tpu.memory_space<hbm>>, %arg4: memref<10112x128xf32, #tpu.memory_space<hbm>>, %arg5: memref<10112x512xf32, #tpu.memory_space<hbm>>, %arg6: memref<10112x128xf32, #tpu.memory_space<vmem_shared>>, %arg7: memref<128x128xf32, #tpu.memory_space<vmem>>, %arg8: memref<1x128xi32, #tpu.memory_space<vmem>>) attributes {dimension_semantics = [#tpu.dimension_semantics<core_parallel>, #tpu.dimension_semantics<subcore_parallel>], iteration_bounds = array<i64: 2, 16>, scalar_prefetch = 0 : i64, scratch_operands = 3 : i64, tpu.core_type = #tpu.core_type<sc_vector_subcore>, window_params = [{transform_indices = #map}, {transform_indices = #map}, {transform_indices = #map}, {transform_indices = #map}]} {
    %mul3A = arith.constant 632 : i32
    %mul3A_0 = arith.muli %arg1, %mul3A : i32
    %mul3A_1 = arith.constant 2560 : i32
    %mul3A_2 = arith.muli %arg1, %mul3A_1 : i32
    %mul3A_3 = arith.constant 2 : i32
    %mul3A_4 = arith.muli %arg0, %mul3A_3 : i32
    %add3A = arith.constant 0 : i32
    %add3A_5 = arith.addi %mul3A_4, %add3A : i32
    %mul3A_6 = arith.constant 128 : i32
    %mul3A_7 = arith.muli %add3A_5, %mul3A_6 : i32
    "tpu.region"() ({
      %run_scoped3A = tpu.sem_alloc : memref<!tpu.dma_semaphore, #tpu.memory_space<semaphore_mem>>
      %dma_start3A = arith.constant 0 : i32
      %dma_start3A_26 = tpu.memref_slice %arg6[%mul3A_0, %dma_start3A] : memref<10112x128xf32, #tpu.memory_space<vmem_shared>> -> memref<632x128xf32, #tpu.memory_space<vmem_shared>>
      %dma_start3A_27 = arith.constant 0 : i32
      %dma_start3A_28 = tpu.memref_slice %arg4[%mul3A_0, %dma_start3A_27] : memref<10112x128xf32, #tpu.memory_space<hbm>> -> memref<632x128xf32, #tpu.memory_space<hbm>>
      tpu.enqueue_dma source(%dma_start3A_28 : memref<632x128xf32, #tpu.memory_space<hbm>>) target(%dma_start3A_26 : memref<632x128xf32, #tpu.memory_space<vmem_shared>>) target_semaphore(%run_scoped3A : memref<!tpu.dma_semaphore, #tpu.memory_space<semaphore_mem>>)
      %dma_wait3A = arith.constant 0 : i32
      %dma_wait3A_29 = tpu.memref_slice %arg6[%mul3A_0, %dma_wait3A] : memref<10112x128xf32, #tpu.memory_space<vmem_shared>> -> memref<632x128xf32, #tpu.memory_space<vmem_shared>>
      %dma_wait3A_30 = arith.constant 0 : i32
      %dma_wait3A_31 = tpu.memref_slice %arg4[%mul3A_0, %dma_wait3A_30] : memref<10112x128xf32, #tpu.memory_space<hbm>> -> memref<632x128xf32, #tpu.memory_space<hbm>>
      tpu.wait_dma2 semaphore(%run_scoped3A : memref<!tpu.dma_semaphore, #tpu.memory_space<semaphore_mem>>) src(%dma_wait3A_31 : memref<632x128xf32, #tpu.memory_space<hbm>>) dst(%dma_wait3A_29 : memref<632x128xf32, #tpu.memory_space<vmem_shared>>)
      tpu.yield
    }) : () -> ()
    %barrier3A = arith.constant 0 : index
    tpu.barrier barrier_id(%barrier3A)
    %scan3A = arith.constant 0 : i32
    %scan3A_8 = arith.constant 20 : i32
    %scan3A_9 = arith.addi %scan3A, %scan3A_8 : i32
    %scan3A_10 = arith.constant 1 : i32
    scf.for %scan3A_26 = %scan3A to %scan3A_9 step %scan3A_10  : i32 {
      %mul3A_27 = arith.constant 1 : i32
      %mul3A_28 = arith.muli %scan3A_26, %mul3A_27 : i32
      %add3A_29 = arith.constant 0 : i32
      %add3A_30 = arith.addi %add3A_29, %mul3A_28 : i32
      %mul3A_31 = arith.constant 128 : i32
      %mul3A_32 = arith.muli %add3A_30, %mul3A_31 : i32
      %add3A_33 = arith.addi %mul3A_2, %mul3A_32 : i32
      "tpu.region"() ({
        %run_scoped3A_34 = tpu.sem_alloc : memref<!tpu.dma_semaphore, #tpu.memory_space<semaphore_mem>>
        %dma_start3A = arith.constant 0 : i32
        %dma_start3A_35 = tpu.memref_slice %arg3[%dma_start3A, %add3A_33] : memref<1x40960xi32, #tpu.memory_space<hbm>> -> memref<1x128xi32, #tpu.memory_space<hbm>>
        %dma_start3A_36 = arith.constant 0 : i32
        %dma_start3A_37 = tpu.memref_slice %arg3[%dma_start3A_36, %add3A_33] : memref<1x40960xi32, #tpu.memory_space<hbm>> -> memref<1x128xi32, #tpu.memory_space<hbm>>
        tpu.enqueue_dma source(%dma_start3A_37 : memref<1x128xi32, #tpu.memory_space<hbm>>) target(%arg8 : memref<1x128xi32, #tpu.memory_space<vmem>>) target_semaphore(%run_scoped3A_34 : memref<!tpu.dma_semaphore, #tpu.memory_space<semaphore_mem>>)
        %dma_wait3A = arith.constant 0 : i32
        %dma_wait3A_38 = tpu.memref_slice %arg3[%dma_wait3A, %add3A_33] : memref<1x40960xi32, #tpu.memory_space<hbm>> -> memref<1x128xi32, #tpu.memory_space<hbm>>
        %dma_wait3A_39 = arith.constant 0 : i32
        %dma_wait3A_40 = tpu.memref_slice %arg3[%dma_wait3A_39, %add3A_33] : memref<1x40960xi32, #tpu.memory_space<hbm>> -> memref<1x128xi32, #tpu.memory_space<hbm>>
        tpu.wait_dma2 semaphore(%run_scoped3A_34 : memref<!tpu.dma_semaphore, #tpu.memory_space<semaphore_mem>>) src(%dma_wait3A_40 : memref<1x128xi32, #tpu.memory_space<hbm>>) dst(%arg8 : memref<1x128xi32, #tpu.memory_space<vmem>>)
        tpu.yield
      }) : () -> ()
      "tpu.region"() ({
        %run_scoped3A_34 = tpu.sem_alloc : memref<!tpu.dma_semaphore, #tpu.memory_space<semaphore_mem>>
        %dma_start3A = tpu.memref_slice %arg2[%add3A_33, %mul3A_7] : memref<40960x512xf32, #tpu.memory_space<hbm>> -> memref<128x128xf32, #tpu.memory_space<hbm>>
        %dma_start3A_35 = tpu.memref_slice %arg2[%add3A_33, %mul3A_7] : memref<40960x512xf32, #tpu.memory_space<hbm>> -> memref<128x128xf32, #tpu.memory_space<hbm>>
        tpu.enqueue_dma source(%dma_start3A_35 : memref<128x128xf32, #tpu.memory_space<hbm>>) target(%arg7 : memref<128x128xf32, #tpu.memory_space<vmem>>) target_semaphore(%run_scoped3A_34 : memref<!tpu.dma_semaphore, #tpu.memory_space<semaphore_mem>>)
        %dma_wait3A = tpu.memref_slice %arg2[%add3A_33, %mul3A_7] : memref<40960x512xf32, #tpu.memory_space<hbm>> -> memref<128x128xf32, #tpu.memory_space<hbm>>
        %dma_wait3A_36 = tpu.memref_slice %arg2[%add3A_33, %mul3A_7] : memref<40960x512xf32, #tpu.memory_space<hbm>> -> memref<128x128xf32, #tpu.memory_space<hbm>>
        tpu.wait_dma2 semaphore(%run_scoped3A_34 : memref<!tpu.dma_semaphore, #tpu.memory_space<semaphore_mem>>) src(%dma_wait3A_36 : memref<128x128xf32, #tpu.memory_space<hbm>>) dst(%arg7 : memref<128x128xf32, #tpu.memory_space<vmem>>)
        tpu.yield
      }) : () -> ()
      %run_scoped3A = arith.constant 0 : i32
      "tpu.region"() ({
        %run_scoped3A_34 = tpu.sem_alloc : memref<!tpu.dma_semaphore, #tpu.memory_space<semaphore_mem>>
        %dma_start3A = arith.constant 0 : i32
        %dma_start3A_35 = tpu.memref_slice %arg8[%run_scoped3A, %dma_start3A] : memref<1x128xi32, #tpu.memory_space<vmem>> -> memref<1x128xi32, #tpu.memory_space<vmem>>
        %dma_start3A_36 = tpu.memref_squeeze %dma_start3A_35 : memref<1x128xi32, #tpu.memory_space<vmem>> -> memref<128xi32, #tpu.memory_space<vmem>>
        %dma_start3A_37 = arith.constant 0 : i32
        %dma_start3A_38 = arith.constant 0 : i32
        %dma_start3A_39 = tpu.memref_slice %arg6[%dma_start3A_37, %dma_start3A_38] : memref<10112x128xf32, #tpu.memory_space<vmem_shared>> -> memref<10112x128xf32, #tpu.memory_space<vmem_shared>>
        tpu.enqueue_indirect_dma source(%arg7 : memref<128x128xf32, #tpu.memory_space<vmem>>) target(%dma_start3A_39 : memref<10112x128xf32, #tpu.memory_space<vmem_shared>>) offsets(%dma_start3A_36 : memref<128xi32, #tpu.memory_space<vmem>>) semaphore(%run_scoped3A_34 : memref<!tpu.dma_semaphore, #tpu.memory_space<semaphore_mem>>) {add = true}
        %dma_wait3A = arith.constant 0 : i32
        %dma_wait3A_40 = tpu.memref_slice %arg8[%run_scoped3A, %dma_wait3A] : memref<1x128xi32, #tpu.memory_space<vmem>> -> memref<1x128xi32, #tpu.memory_space<vmem>>
        %dma_wait3A_41 = tpu.memref_squeeze %dma_wait3A_40 : memref<1x128xi32, #tpu.memory_space<vmem>> -> memref<128xi32, #tpu.memory_space<vmem>>
        %dma_wait3A_42 = arith.constant 0 : i32
        %dma_wait3A_43 = arith.constant 0 : i32
        %dma_wait3A_44 = tpu.memref_slice %arg6[%dma_wait3A_42, %dma_wait3A_43] : memref<10112x128xf32, #tpu.memory_space<vmem_shared>> -> memref<10112x128xf32, #tpu.memory_space<vmem_shared>>
        tpu.wait_indirect_dma semaphore(%run_scoped3A_34 : memref<!tpu.dma_semaphore, #tpu.memory_space<semaphore_mem>>) src(%arg7 : memref<128x128xf32, #tpu.memory_space<vmem>>) dst(%dma_wait3A_44 : memref<10112x128xf32, #tpu.memory_space<vmem_shared>>)
        tpu.yield
      }) : () -> ()
    }
    %scan3A_11 = arith.constant 20 : i32
    %barrier3A_12 = arith.constant 0 : index
    tpu.barrier barrier_id(%barrier3A_12)
    "tpu.region"() ({
      %run_scoped3A = tpu.sem_alloc : memref<!tpu.dma_semaphore, #tpu.memory_space<semaphore_mem>>
      %dma_start3A = tpu.memref_slice %arg5[%mul3A_0, %mul3A_7] : memref<10112x512xf32, #tpu.memory_space<hbm>> -> memref<632x128xf32, #tpu.memory_space<hbm>>
      %dma_start3A_26 = arith.constant 0 : i32
      %dma_start3A_27 = tpu.memref_slice %arg6[%mul3A_0, %dma_start3A_26] : memref<10112x128xf32, #tpu.memory_space<vmem_shared>> -> memref<632x128xf32, #tpu.memory_space<vmem_shared>>
      tpu.enqueue_dma source(%dma_start3A_27 : memref<632x128xf32, #tpu.memory_space<vmem_shared>>) target(%dma_start3A : memref<632x128xf32, #tpu.memory_space<hbm>>) target_semaphore(%run_scoped3A : memref<!tpu.dma_semaphore, #tpu.memory_space<semaphore_mem>>)
      %dma_wait3A = tpu.memref_slice %arg5[%mul3A_0, %mul3A_7] : memref<10112x512xf32, #tpu.memory_space<hbm>> -> memref<632x128xf32, #tpu.memory_space<hbm>>
      %dma_wait3A_28 = arith.constant 0 : i32
      %dma_wait3A_29 = tpu.memref_slice %arg6[%mul3A_0, %dma_wait3A_28] : memref<10112x128xf32, #tpu.memory_space<vmem_shared>> -> memref<632x128xf32, #tpu.memory_space<vmem_shared>>
      tpu.wait_dma2 semaphore(%run_scoped3A : memref<!tpu.dma_semaphore, #tpu.memory_space<semaphore_mem>>) src(%dma_wait3A_29 : memref<632x128xf32, #tpu.memory_space<vmem_shared>>) dst(%dma_wait3A : memref<632x128xf32, #tpu.memory_space<hbm>>)
      tpu.yield
    }) : () -> ()
    %mul3A_13 = arith.constant 2 : i32
    %mul3A_14 = arith.muli %arg0, %mul3A_13 : i32
    %add3A_15 = arith.constant 1 : i32
    %add3A_16 = arith.addi %mul3A_14, %add3A_15 : i32
    %mul3A_17 = arith.constant 128 : i32
    %mul3A_18 = arith.muli %add3A_16, %mul3A_17 : i32
    "tpu.region"() ({
      %run_scoped3A = tpu.sem_alloc : memref<!tpu.dma_semaphore, #tpu.memory_space<semaphore_mem>>
      %dma_start3A = arith.constant 0 : i32
      %dma_start3A_26 = tpu.memref_slice %arg6[%mul3A_0, %dma_start3A] : memref<10112x128xf32, #tpu.memory_space<vmem_shared>> -> memref<632x128xf32, #tpu.memory_space<vmem_shared>>
      %dma_start3A_27 = arith.constant 0 : i32
      %dma_start3A_28 = tpu.memref_slice %arg4[%mul3A_0, %dma_start3A_27] : memref<10112x128xf32, #tpu.memory_space<hbm>> -> memref<632x128xf32, #tpu.memory_space<hbm>>
      tpu.enqueue_dma source(%dma_start3A_28 : memref<632x128xf32, #tpu.memory_space<hbm>>) target(%dma_start3A_26 : memref<632x128xf32, #tpu.memory_space<vmem_shared>>) target_semaphore(%run_scoped3A : memref<!tpu.dma_semaphore, #tpu.memory_space<semaphore_mem>>)
      %dma_wait3A = arith.constant 0 : i32
      %dma_wait3A_29 = tpu.memref_slice %arg6[%mul3A_0, %dma_wait3A] : memref<10112x128xf32, #tpu.memory_space<vmem_shared>> -> memref<632x128xf32, #tpu.memory_space<vmem_shared>>
      %dma_wait3A_30 = arith.constant 0 : i32
      %dma_wait3A_31 = tpu.memref_slice %arg4[%mul3A_0, %dma_wait3A_30] : memref<10112x128xf32, #tpu.memory_space<hbm>> -> memref<632x128xf32, #tpu.memory_space<hbm>>
      tpu.wait_dma2 semaphore(%run_scoped3A : memref<!tpu.dma_semaphore, #tpu.memory_space<semaphore_mem>>) src(%dma_wait3A_31 : memref<632x128xf32, #tpu.memory_space<hbm>>) dst(%dma_wait3A_29 : memref<632x128xf32, #tpu.memory_space<vmem_shared>>)
      tpu.yield
    }) : () -> ()
    %barrier3A_19 = arith.constant 0 : index
    tpu.barrier barrier_id(%barrier3A_19)
    %scan3A_20 = arith.constant 0 : i32
    %scan3A_21 = arith.constant 20 : i32
    %scan3A_22 = arith.addi %scan3A_20, %scan3A_21 : i32
    %scan3A_23 = arith.constant 1 : i32
    scf.for %scan3A_26 = %scan3A_20 to %scan3A_22 step %scan3A_23  : i32 {
      %mul3A_27 = arith.constant 1 : i32
      %mul3A_28 = arith.muli %scan3A_26, %mul3A_27 : i32
      %add3A_29 = arith.constant 0 : i32
      %add3A_30 = arith.addi %add3A_29, %mul3A_28 : i32
      %mul3A_31 = arith.constant 128 : i32
      %mul3A_32 = arith.muli %add3A_30, %mul3A_31 : i32
      %add3A_33 = arith.addi %mul3A_2, %mul3A_32 : i32
      "tpu.region"() ({
        %run_scoped3A_34 = tpu.sem_alloc : memref<!tpu.dma_semaphore, #tpu.memory_space<semaphore_mem>>
        %dma_start3A = arith.constant 0 : i32
        %dma_start3A_35 = tpu.memref_slice %arg3[%dma_start3A, %add3A_33] : memref<1x40960xi32, #tpu.memory_space<hbm>> -> memref<1x128xi32, #tpu.memory_space<hbm>>
        %dma_start3A_36 = arith.constant 0 : i32
        %dma_start3A_37 = tpu.memref_slice %arg3[%dma_start3A_36, %add3A_33] : memref<1x40960xi32, #tpu.memory_space<hbm>> -> memref<1x128xi32, #tpu.memory_space<hbm>>
        tpu.enqueue_dma source(%dma_start3A_37 : memref<1x128xi32, #tpu.memory_space<hbm>>) target(%arg8 : memref<1x128xi32, #tpu.memory_space<vmem>>) target_semaphore(%run_scoped3A_34 : memref<!tpu.dma_semaphore, #tpu.memory_space<semaphore_mem>>)
        %dma_wait3A = arith.constant 0 : i32
        %dma_wait3A_38 = tpu.memref_slice %arg3[%dma_wait3A, %add3A_33] : memref<1x40960xi32, #tpu.memory_space<hbm>> -> memref<1x128xi32, #tpu.memory_space<hbm>>
        %dma_wait3A_39 = arith.constant 0 : i32
        %dma_wait3A_40 = tpu.memref_slice %arg3[%dma_wait3A_39, %add3A_33] : memref<1x40960xi32, #tpu.memory_space<hbm>> -> memref<1x128xi32, #tpu.memory_space<hbm>>
        tpu.wait_dma2 semaphore(%run_scoped3A_34 : memref<!tpu.dma_semaphore, #tpu.memory_space<semaphore_mem>>) src(%dma_wait3A_40 : memref<1x128xi32, #tpu.memory_space<hbm>>) dst(%arg8 : memref<1x128xi32, #tpu.memory_space<vmem>>)
        tpu.yield
      }) : () -> ()
      "tpu.region"() ({
        %run_scoped3A_34 = tpu.sem_alloc : memref<!tpu.dma_semaphore, #tpu.memory_space<semaphore_mem>>
        %dma_start3A = tpu.memref_slice %arg2[%add3A_33, %mul3A_18] : memref<40960x512xf32, #tpu.memory_space<hbm>> -> memref<128x128xf32, #tpu.memory_space<hbm>>
        %dma_start3A_35 = tpu.memref_slice %arg2[%add3A_33, %mul3A_18] : memref<40960x512xf32, #tpu.memory_space<hbm>> -> memref<128x128xf32, #tpu.memory_space<hbm>>
        tpu.enqueue_dma source(%dma_start3A_35 : memref<128x128xf32, #tpu.memory_space<hbm>>) target(%arg7 : memref<128x128xf32, #tpu.memory_space<vmem>>) target_semaphore(%run_scoped3A_34 : memref<!tpu.dma_semaphore, #tpu.memory_space<semaphore_mem>>)
        %dma_wait3A = tpu.memref_slice %arg2[%add3A_33, %mul3A_18] : memref<40960x512xf32, #tpu.memory_space<hbm>> -> memref<128x128xf32, #tpu.memory_space<hbm>>
        %dma_wait3A_36 = tpu.memref_slice %arg2[%add3A_33, %mul3A_18] : memref<40960x512xf32, #tpu.memory_space<hbm>> -> memref<128x128xf32, #tpu.memory_space<hbm>>
        tpu.wait_dma2 semaphore(%run_scoped3A_34 : memref<!tpu.dma_semaphore, #tpu.memory_space<semaphore_mem>>) src(%dma_wait3A_36 : memref<128x128xf32, #tpu.memory_space<hbm>>) dst(%arg7 : memref<128x128xf32, #tpu.memory_space<vmem>>)
        tpu.yield
      }) : () -> ()
      %run_scoped3A = arith.constant 0 : i32
      "tpu.region"() ({
        %run_scoped3A_34 = tpu.sem_alloc : memref<!tpu.dma_semaphore, #tpu.memory_space<semaphore_mem>>
        %dma_start3A = arith.constant 0 : i32
        %dma_start3A_35 = tpu.memref_slice %arg8[%run_scoped3A, %dma_start3A] : memref<1x128xi32, #tpu.memory_space<vmem>> -> memref<1x128xi32, #tpu.memory_space<vmem>>
        %dma_start3A_36 = tpu.memref_squeeze %dma_start3A_35 : memref<1x128xi32, #tpu.memory_space<vmem>> -> memref<128xi32, #tpu.memory_space<vmem>>
        %dma_start3A_37 = arith.constant 0 : i32
        %dma_start3A_38 = arith.constant 0 : i32
        %dma_start3A_39 = tpu.memref_slice %arg6[%dma_start3A_37, %dma_start3A_38] : memref<10112x128xf32, #tpu.memory_space<vmem_shared>> -> memref<10112x128xf32, #tpu.memory_space<vmem_shared>>
        tpu.enqueue_indirect_dma source(%arg7 : memref<128x128xf32, #tpu.memory_space<vmem>>) target(%dma_start3A_39 : memref<10112x128xf32, #tpu.memory_space<vmem_shared>>) offsets(%dma_start3A_36 : memref<128xi32, #tpu.memory_space<vmem>>) semaphore(%run_scoped3A_34 : memref<!tpu.dma_semaphore, #tpu.memory_space<semaphore_mem>>) {add = true}
        %dma_wait3A = arith.constant 0 : i32
        %dma_wait3A_40 = tpu.memref_slice %arg8[%run_scoped3A, %dma_wait3A] : memref<1x128xi32, #tpu.memory_space<vmem>> -> memref<1x128xi32, #tpu.memory_space<vmem>>
        %dma_wait3A_41 = tpu.memref_squeeze %dma_wait3A_40 : memref<1x128xi32, #tpu.memory_space<vmem>> -> memref<128xi32, #tpu.memory_space<vmem>>
        %dma_wait3A_42 = arith.constant 0 : i32
        %dma_wait3A_43 = arith.constant 0 : i32
        %dma_wait3A_44 = tpu.memref_slice %arg6[%dma_wait3A_42, %dma_wait3A_43] : memref<10112x128xf32, #tpu.memory_space<vmem_shared>> -> memref<10112x128xf32, #tpu.memory_space<vmem_shared>>
        tpu.wait_indirect_dma semaphore(%run_scoped3A_34 : memref<!tpu.dma_semaphore, #tpu.memory_space<semaphore_mem>>) src(%arg7 : memref<128x128xf32, #tpu.memory_space<vmem>>) dst(%dma_wait3A_44 : memref<10112x128xf32, #tpu.memory_space<vmem_shared>>)
        tpu.yield
      }) : () -> ()
    }
    %scan3A_24 = arith.constant 20 : i32
    %barrier3A_25 = arith.constant 0 : index
    tpu.barrier barrier_id(%barrier3A_25)
    "tpu.region"() ({
      %run_scoped3A = tpu.sem_alloc : memref<!tpu.dma_semaphore, #tpu.memory_space<semaphore_mem>>
      %dma_start3A = tpu.memref_slice %arg5[%mul3A_0, %mul3A_18] : memref<10112x512xf32, #tpu.memory_space<hbm>> -> memref<632x128xf32, #tpu.memory_space<hbm>>
      %dma_start3A_26 = arith.constant 0 : i32
      %dma_start3A_27 = tpu.memref_slice %arg6[%mul3A_0, %dma_start3A_26] : memref<10112x128xf32, #tpu.memory_space<vmem_shared>> -> memref<632x128xf32, #tpu.memory_space<vmem_shared>>
      tpu.enqueue_dma source(%dma_start3A_27 : memref<632x128xf32, #tpu.memory_space<vmem_shared>>) target(%dma_start3A : memref<632x128xf32, #tpu.memory_space<hbm>>) target_semaphore(%run_scoped3A : memref<!tpu.dma_semaphore, #tpu.memory_space<semaphore_mem>>)
      %dma_wait3A = tpu.memref_slice %arg5[%mul3A_0, %mul3A_18] : memref<10112x512xf32, #tpu.memory_space<hbm>> -> memref<632x128xf32, #tpu.memory_space<hbm>>
      %dma_wait3A_28 = arith.constant 0 : i32
      %dma_wait3A_29 = tpu.memref_slice %arg6[%mul3A_0, %dma_wait3A_28] : memref<10112x128xf32, #tpu.memory_space<vmem_shared>> -> memref<632x128xf32, #tpu.memory_space<vmem_shared>>
      tpu.wait_dma2 semaphore(%run_scoped3A : memref<!tpu.dma_semaphore, #tpu.memory_space<semaphore_mem>>) src(%dma_wait3A_29 : memref<632x128xf32, #tpu.memory_space<vmem_shared>>) dst(%dma_wait3A : memref<632x128xf32, #tpu.memory_space<hbm>>)
      tpu.yield
    }) : () -> ()
    return
  }
}

module attributes {stable_mosaic.version = 14 : i64} {
  func.func @_mlp_body(%arg0: i32, %arg1: memref<512x256xf32, #tpu.memory_space<vmem>>, %arg2: memref<512x256xf32, #tpu.memory_space<vmem>>, %arg3: memref<512x512xbf16, #tpu.memory_space<vmem>>, %arg4: memref<512x512xbf16, #tpu.memory_space<vmem>>, %arg5: memref<1x512xf32, #tpu.memory_space<vmem>>, %arg6: memref<512x512xbf16, #tpu.memory_space<vmem>>, %arg7: memref<1x512xf32, #tpu.memory_space<vmem>>, %arg8: memref<512x512xbf16, #tpu.memory_space<vmem>>, %arg9: memref<1x512xf32, #tpu.memory_space<vmem>>, %arg10: memref<512x512xf32, #tpu.memory_space<vmem>>) attributes {dimension_semantics = [#tpu.dimension_semantics<arbitrary>], iteration_bounds = array<i64: 80>, scalar_prefetch = 0 : i64, scratch_operands = 0 : i64, tpu.core_type = #tpu.core_type<tc>, window_params = [{transform_indices = @transform_0, window_bounds = array<i64: 512, 256>}, {transform_indices = @transform_1, window_bounds = array<i64: 512, 256>}, {pipeline_mode = #tpu.pipeline_mode<synchronous>, transform_indices = @transform_2, window_bounds = array<i64: 512, 512>}, {pipeline_mode = #tpu.pipeline_mode<synchronous>, transform_indices = @transform_3, window_bounds = array<i64: 512, 512>}, {pipeline_mode = #tpu.pipeline_mode<synchronous>, transform_indices = @transform_4, window_bounds = array<i64: 1, 512>}, {pipeline_mode = #tpu.pipeline_mode<synchronous>, transform_indices = @transform_5, window_bounds = array<i64: 512, 512>}, {pipeline_mode = #tpu.pipeline_mode<synchronous>, transform_indices = @transform_6, window_bounds = array<i64: 1, 512>}, {pipeline_mode = #tpu.pipeline_mode<synchronous>, transform_indices = @transform_7, window_bounds = array<i64: 512, 512>}, {pipeline_mode = #tpu.pipeline_mode<synchronous>, transform_indices = @transform_8, window_bounds = array<i64: 1, 512>}, {transform_indices = @transform_9, window_bounds = array<i64: 512, 512>}]} {
    %get3A = arith.constant 0 : index
    %get3A_0 = arith.constant 0 : index
    %get3A_1 = vector.load %arg1[%get3A, %get3A_0] : memref<512x256xf32, #tpu.memory_space<vmem>>, vector<512x256xf32>
    %bitcast_convert_type3A = tpu.bitcast %get3A_1 : vector<512x256xf32> -> vector<512x256xi32>
    %shift_left3A = arith.constant 16 : i32
    %shift_left3A_2 = vector.broadcast %shift_left3A : i32 to vector<512x256xi32>
    %shift_left3A_3 = arith.shli %bitcast_convert_type3A, %shift_left3A_2 : vector<512x256xi32>
    %bitcast_convert_type3A_4 = tpu.bitcast %shift_left3A_3 : vector<512x256xi32> -> vector<512x256xf32>
    %and3A = arith.constant -65536 : i32
    %and3A_5 = vector.broadcast %and3A : i32 to vector<512x256xi32>
    %and3A_6 = arith.andi %bitcast_convert_type3A, %and3A_5 : vector<512x256xi32>
    %bitcast_convert_type3A_7 = tpu.bitcast %and3A_6 : vector<512x256xi32> -> vector<512x256xf32>
    %concatenate3A = tpu.concatenate %bitcast_convert_type3A_4, %bitcast_convert_type3A_7 in 1 : vector<512x256xf32>, vector<512x256xf32> -> vector<512x512xf32>
    %convert_element_type3A = arith.truncf %concatenate3A : vector<512x512xf32> to vector<512x512xbf16>
    %get3A_8 = arith.constant 0 : index
    %get3A_9 = arith.constant 0 : index
    %get3A_10 = vector.load %arg2[%get3A_8, %get3A_9] : memref<512x256xf32, #tpu.memory_space<vmem>>, vector<512x256xf32>
    %bitcast_convert_type3A_11 = tpu.bitcast %get3A_10 : vector<512x256xf32> -> vector<512x256xi32>
    %shift_left3A_12 = arith.constant 16 : i32
    %shift_left3A_13 = vector.broadcast %shift_left3A_12 : i32 to vector<512x256xi32>
    %shift_left3A_14 = arith.shli %bitcast_convert_type3A_11, %shift_left3A_13 : vector<512x256xi32>
    %bitcast_convert_type3A_15 = tpu.bitcast %shift_left3A_14 : vector<512x256xi32> -> vector<512x256xf32>
    %and3A_16 = arith.constant -65536 : i32
    %and3A_17 = vector.broadcast %and3A_16 : i32 to vector<512x256xi32>
    %and3A_18 = arith.andi %bitcast_convert_type3A_11, %and3A_17 : vector<512x256xi32>
    %bitcast_convert_type3A_19 = tpu.bitcast %and3A_18 : vector<512x256xi32> -> vector<512x256xf32>
    %concatenate3A_20 = tpu.concatenate %bitcast_convert_type3A_15, %bitcast_convert_type3A_19 in 1 : vector<512x256xf32>, vector<512x256xf32> -> vector<512x512xf32>
    %convert_element_type3A_21 = arith.truncf %concatenate3A_20 : vector<512x512xf32> to vector<512x512xbf16>
    %get3A_22 = arith.constant 0 : index
    %get3A_23 = arith.constant 0 : index
    %get3A_24 = vector.load %arg3[%get3A_22, %get3A_23] : memref<512x512xbf16, #tpu.memory_space<vmem>>, vector<512x512xbf16>
    %dot_general3A = arith.constant dense<0.000000e+00> : vector<512x512xf32>
    %dot_general3A_25 = tpu.matmul %convert_element_type3A, %get3A_24, %dot_general3A {dimension_numbers = #tpu.dot_dimension_numbers<[1], [0], [0], [1], [0, 0, 1, 1], [], []>, transpose_lhs_hint = false} : vector<512x512xbf16>, vector<512x512xbf16>, vector<512x512xf32> -> vector<512x512xf32>
    %get3A_26 = arith.constant 0 : index
    %get3A_27 = arith.constant 0 : index
    %get3A_28 = vector.load %arg4[%get3A_26, %get3A_27] : memref<512x512xbf16, #tpu.memory_space<vmem>>, vector<512x512xbf16>
    %dot_general3A_29 = arith.constant dense<0.000000e+00> : vector<512x512xf32>
    %dot_general3A_30 = tpu.matmul %convert_element_type3A_21, %get3A_28, %dot_general3A_29 {dimension_numbers = #tpu.dot_dimension_numbers<[1], [0], [0], [1], [0, 0, 1, 1], [], []>, transpose_lhs_hint = false} : vector<512x512xbf16>, vector<512x512xbf16>, vector<512x512xf32> -> vector<512x512xf32>
    %add3A = arith.addf %dot_general3A_25, %dot_general3A_30 : vector<512x512xf32>
    %get3A_31 = arith.constant 0 : index
    %get3A_32 = arith.constant 0 : index
    %get3A_33 = vector.load %arg5[%get3A_31, %get3A_32] : memref<1x512xf32, #tpu.memory_space<vmem>>, vector<1x512xf32>
    %add3A_34 = vector.broadcast %get3A_33 : vector<1x512xf32> to vector<512x512xf32>
    %add3A_35 = arith.addf %add3A, %add3A_34 : vector<512x512xf32>
    %mul3A = arith.constant 5.000000e-01 : f32
    %mul3A_36 = vector.broadcast %mul3A : f32 to vector<512x512xf32>
    %mul3A_37 = arith.mulf %mul3A_36, %add3A_35 : vector<512x512xf32>
    %mul3A_38 = arith.constant 0.707106769 : f32
    %mul3A_39 = vector.broadcast %mul3A_38 : f32 to vector<512x512xf32>
    %mul3A_40 = arith.mulf %add3A_35, %mul3A_39 : vector<512x512xf32>
    %erf3A = math.erf %mul3A_40 : vector<512x512xf32>
    %add3A_41 = arith.constant 1.000000e+00 : f32
    %add3A_42 = vector.broadcast %add3A_41 : f32 to vector<512x512xf32>
    %add3A_43 = arith.addf %add3A_42, %erf3A : vector<512x512xf32>
    %mul3A_44 = arith.mulf %mul3A_37, %add3A_43 : vector<512x512xf32>
    %convert_element_type3A_45 = arith.truncf %mul3A_44 : vector<512x512xf32> to vector<512x512xbf16>
    %get3A_46 = arith.constant 0 : index
    %get3A_47 = arith.constant 0 : index
    %get3A_48 = vector.load %arg6[%get3A_46, %get3A_47] : memref<512x512xbf16, #tpu.memory_space<vmem>>, vector<512x512xbf16>
    %dot_general3A_49 = arith.constant dense<0.000000e+00> : vector<512x512xf32>
    %dot_general3A_50 = tpu.matmul %convert_element_type3A_45, %get3A_48, %dot_general3A_49 {dimension_numbers = #tpu.dot_dimension_numbers<[1], [0], [0], [1], [0, 0, 1, 1], [], []>, transpose_lhs_hint = false} : vector<512x512xbf16>, vector<512x512xbf16>, vector<512x512xf32> -> vector<512x512xf32>
    %get3A_51 = arith.constant 0 : index
    %get3A_52 = arith.constant 0 : index
    %get3A_53 = vector.load %arg7[%get3A_51, %get3A_52] : memref<1x512xf32, #tpu.memory_space<vmem>>, vector<1x512xf32>
    %add3A_54 = vector.broadcast %get3A_53 : vector<1x512xf32> to vector<512x512xf32>
    %add3A_55 = arith.addf %dot_general3A_50, %add3A_54 : vector<512x512xf32>
    %mul3A_56 = arith.constant 5.000000e-01 : f32
    %mul3A_57 = vector.broadcast %mul3A_56 : f32 to vector<512x512xf32>
    %mul3A_58 = arith.mulf %mul3A_57, %add3A_55 : vector<512x512xf32>
    %mul3A_59 = arith.constant 0.707106769 : f32
    %mul3A_60 = vector.broadcast %mul3A_59 : f32 to vector<512x512xf32>
    %mul3A_61 = arith.mulf %add3A_55, %mul3A_60 : vector<512x512xf32>
    %erf3A_62 = math.erf %mul3A_61 : vector<512x512xf32>
    %add3A_63 = arith.constant 1.000000e+00 : f32
    %add3A_64 = vector.broadcast %add3A_63 : f32 to vector<512x512xf32>
    %add3A_65 = arith.addf %add3A_64, %erf3A_62 : vector<512x512xf32>
    %mul3A_66 = arith.mulf %mul3A_58, %add3A_65 : vector<512x512xf32>
    %convert_element_type3A_67 = arith.truncf %mul3A_66 : vector<512x512xf32> to vector<512x512xbf16>
    %get3A_68 = arith.constant 0 : index
    %get3A_69 = arith.constant 0 : index
    %get3A_70 = vector.load %arg8[%get3A_68, %get3A_69] : memref<512x512xbf16, #tpu.memory_space<vmem>>, vector<512x512xbf16>
    %dot_general3A_71 = arith.constant dense<0.000000e+00> : vector<512x512xf32>
    %dot_general3A_72 = tpu.matmul %convert_element_type3A_67, %get3A_70, %dot_general3A_71 {dimension_numbers = #tpu.dot_dimension_numbers<[1], [0], [0], [1], [0, 0, 1, 1], [], []>, transpose_lhs_hint = false} : vector<512x512xbf16>, vector<512x512xbf16>, vector<512x512xf32> -> vector<512x512xf32>
    %get3A_73 = arith.constant 0 : index
    %get3A_74 = arith.constant 0 : index
    %get3A_75 = vector.load %arg9[%get3A_73, %get3A_74] : memref<1x512xf32, #tpu.memory_space<vmem>>, vector<1x512xf32>
    %add3A_76 = vector.broadcast %get3A_75 : vector<1x512xf32> to vector<512x512xf32>
    %add3A_77 = arith.addf %dot_general3A_72, %add3A_76 : vector<512x512xf32>
    %mul3A_78 = arith.constant 5.000000e-01 : f32
    %mul3A_79 = vector.broadcast %mul3A_78 : f32 to vector<512x512xf32>
    %mul3A_80 = arith.mulf %mul3A_79, %add3A_77 : vector<512x512xf32>
    %mul3A_81 = arith.constant 0.707106769 : f32
    %mul3A_82 = vector.broadcast %mul3A_81 : f32 to vector<512x512xf32>
    %mul3A_83 = arith.mulf %add3A_77, %mul3A_82 : vector<512x512xf32>
    %erf3A_84 = math.erf %mul3A_83 : vector<512x512xf32>
    %add3A_85 = arith.constant 1.000000e+00 : f32
    %add3A_86 = vector.broadcast %add3A_85 : f32 to vector<512x512xf32>
    %add3A_87 = arith.addf %add3A_86, %erf3A_84 : vector<512x512xf32>
    %mul3A_88 = arith.mulf %mul3A_80, %add3A_87 : vector<512x512xf32>
    %swap3A = arith.constant 0 : index
    %swap3A_89 = arith.constant 0 : index
    %swap3A_90 = vector.load %arg10[%swap3A, %swap3A_89] : memref<512x512xf32, #tpu.memory_space<vmem>>, vector<512x512xf32>
    tpu.vector_store %arg10[%swap3A, %swap3A_89], %mul3A_88 {strides = array<i32>} : memref<512x512xf32, #tpu.memory_space<vmem>>, vector<512x512xf32>,
    return
  }
  func.func @transform_0(%arg0: i32) -> (i32, i32) {
    %c0_i32 = arith.constant 0 : i32
    %c0_i32_0 = arith.constant 0 : i32
    return %arg0, %c0_i32 : i32, i32
  }
  func.func @transform_1(%arg0: i32) -> (i32, i32) {
    %add3A = arith.constant 80 : i32
    %add3A_0 = arith.addi %arg0, %add3A : i32
    %c0_i32 = arith.constant 0 : i32
    %c0_i32_1 = arith.constant 0 : i32
    return %add3A_0, %c0_i32 : i32, i32
  }
  func.func @transform_2(%arg0: i32) -> (i32, i32) {
    %c0_i32 = arith.constant 0 : i32
    %c0_i32_0 = arith.constant 0 : i32
    %c0_i32_1 = arith.constant 0 : i32
    return %c0_i32, %c0_i32_0 : i32, i32
  }
  func.func @transform_3(%arg0: i32) -> (i32, i32) {
    %c0_i32 = arith.constant 0 : i32
    %c0_i32_0 = arith.constant 0 : i32
    %c0_i32_1 = arith.constant 0 : i32
    return %c0_i32, %c0_i32_0 : i32, i32
  }
  func.func @transform_4(%arg0: i32) -> (i32, i32) {
    %c0_i32 = arith.constant 0 : i32
    %c0_i32_0 = arith.constant 0 : i32
    %c0_i32_1 = arith.constant 0 : i32
    return %c0_i32, %c0_i32_0 : i32, i32
  }
  func.func @transform_5(%arg0: i32) -> (i32, i32) {
    %c0_i32 = arith.constant 0 : i32
    %c0_i32_0 = arith.constant 0 : i32
    %c0_i32_1 = arith.constant 0 : i32
    return %c0_i32, %c0_i32_0 : i32, i32
  }
  func.func @transform_6(%arg0: i32) -> (i32, i32) {
    %c0_i32 = arith.constant 0 : i32
    %c0_i32_0 = arith.constant 0 : i32
    %c0_i32_1 = arith.constant 0 : i32
    return %c0_i32, %c0_i32_0 : i32, i32
  }
  func.func @transform_7(%arg0: i32) -> (i32, i32) {
    %c0_i32 = arith.constant 0 : i32
    %c0_i32_0 = arith.constant 0 : i32
    %c0_i32_1 = arith.constant 0 : i32
    return %c0_i32, %c0_i32_0 : i32, i32
  }
  func.func @transform_8(%arg0: i32) -> (i32, i32) {
    %c0_i32 = arith.constant 0 : i32
    %c0_i32_0 = arith.constant 0 : i32
    %c0_i32_1 = arith.constant 0 : i32
    return %c0_i32, %c0_i32_0 : i32, i32
  }
  func.func @transform_9(%arg0: i32) -> (i32, i32) {
    %c0_i32 = arith.constant 0 : i32
    %c0_i32_0 = arith.constant 0 : i32
    return %arg0, %c0_i32 : i32, i32
  }
}

module attributes {stable_mosaic.version = 14 : i64} {
  func.func @_out_body(%arg0: i32, %arg1: memref<1000x512xf32, #tpu.memory_space<vmem>>, %arg2: memref<1000x512xf32, #tpu.memory_space<vmem>>, %arg3: memref<1000x512xf32, #tpu.memory_space<vmem>>, %arg4: memref<1000x512xf32, #tpu.memory_space<vmem>>, %arg5: memref<1x1000x128xf32, #tpu.memory_space<vmem>>, %arg6: memref<1x1000x128xf32, #tpu.memory_space<vmem>>, %arg7: memref<512x512xbf16, #tpu.memory_space<vmem>>, %arg8: memref<1x512xf32, #tpu.memory_space<vmem>>, %arg9: memref<512x256xbf16, #tpu.memory_space<vmem>>, %arg10: memref<1x256xf32, #tpu.memory_space<vmem>>, %arg11: memref<1000x256xf32, #tpu.memory_space<vmem>>) attributes {dimension_semantics = [#tpu.dimension_semantics<arbitrary>], iteration_bounds = array<i64: 10>, scalar_prefetch = 0 : i64, scratch_operands = 0 : i64, tpu.core_type = #tpu.core_type<tc>, window_params = [{transform_indices = @transform_0, window_bounds = array<i64: 1000, 512>}, {transform_indices = @transform_1, window_bounds = array<i64: 1000, 512>}, {transform_indices = @transform_2, window_bounds = array<i64: 1000, 512>}, {transform_indices = @transform_3, window_bounds = array<i64: 1000, 512>}, {transform_indices = @transform_4, window_bounds = array<i64: 1, 1000, 128>}, {transform_indices = @transform_5, window_bounds = array<i64: 1, 1000, 128>}, {pipeline_mode = #tpu.pipeline_mode<synchronous>, transform_indices = @transform_6, window_bounds = array<i64: 512, 512>}, {pipeline_mode = #tpu.pipeline_mode<synchronous>, transform_indices = @transform_7, window_bounds = array<i64: 1, 512>}, {pipeline_mode = #tpu.pipeline_mode<synchronous>, transform_indices = @transform_8, window_bounds = array<i64: 512, 256>}, {pipeline_mode = #tpu.pipeline_mode<synchronous>, transform_indices = @transform_9, window_bounds = array<i64: 1, 256>}, {transform_indices = @transform_10, window_bounds = array<i64: 1000, 256>}]} {
    %get3A = arith.constant 0 : index
    %get3A_0 = arith.constant 0 : index
    %get3A_1 = vector.load %arg1[%get3A, %get3A_0] : memref<1000x512xf32, #tpu.memory_space<vmem>>, vector<1000x512xf32>
    %get3A_2 = arith.constant 0 : index
    %get3A_3 = arith.constant 0 : index
    %get3A_4 = vector.load %arg2[%get3A_2, %get3A_3] : memref<1000x512xf32, #tpu.memory_space<vmem>>, vector<1000x512xf32>
    %add3A = arith.addf %get3A_1, %get3A_4 : vector<1000x512xf32>
    %get3A_5 = arith.constant 0 : index
    %get3A_6 = arith.constant 0 : index
    %get3A_7 = vector.load %arg3[%get3A_5, %get3A_6] : memref<1000x512xf32, #tpu.memory_space<vmem>>, vector<1000x512xf32>
    %get3A_8 = arith.constant 0 : index
    %get3A_9 = arith.constant 0 : index
    %get3A_10 = vector.load %arg4[%get3A_8, %get3A_9] : memref<1000x512xf32, #tpu.memory_space<vmem>>, vector<1000x512xf32>
    %add3A_11 = arith.addf %get3A_7, %get3A_10 : vector<1000x512xf32>
    %add3A_12 = arith.addf %add3A, %add3A_11 : vector<1000x512xf32>
    %get3A_13 = arith.constant 0 : index
    %get3A_14 = arith.constant 0 : index
    %get3A_15 = arith.constant 0 : index
    %get3A_16 = vector.load %arg5[%get3A_13, %get3A_14, %get3A_15] : memref<1x1000x128xf32, #tpu.memory_space<vmem>>, vector<1x1000x128xf32>
    %get3A_17 = vector.shape_cast %get3A_16 : vector<1x1000x128xf32> to vector<1000x128xf32>
    %get3A_18 = arith.constant 0 : index
    %get3A_19 = arith.constant 0 : index
    %get3A_20 = arith.constant 0 : index
    %get3A_21 = vector.load %arg6[%get3A_18, %get3A_19, %get3A_20] : memref<1x1000x128xf32, #tpu.memory_space<vmem>>, vector<1x1000x128xf32>
    %get3A_22 = vector.shape_cast %get3A_21 : vector<1x1000x128xf32> to vector<1000x128xf32>
    %add3A_23 = arith.addf %get3A_17, %get3A_22 : vector<1000x128xf32>
    %slice3A = vector.extract_strided_slice %add3A_23 {offsets = [0, 0], sizes = [1000, 1], strides = [1, 1]} : vector<1000x128xf32> to vector<1000x1xf32>
    %gt3A = arith.constant 0.000000e+00 : f32
    %gt3A_24 = vector.broadcast %gt3A : f32 to vector<1000x1xf32>
    %gt3A_25 = arith.cmpf ogt, %slice3A, %gt3A_24 : vector<1000x1xf32>
    %max3A = arith.constant 1.000000e+00 : f32
    %max3A_26 = vector.broadcast %max3A : f32 to vector<1000x1xf32>
    %max3A_27 = arith.maximumf %slice3A, %max3A_26 : vector<1000x1xf32>
    %div3A = vector.broadcast %max3A_27 : vector<1000x1xf32> to vector<1000x512xf32>
    %div3A_28 = arith.divf %add3A_12, %div3A : vector<1000x512xf32>
    %jit3A = arith.constant 0.000000e+00 : f32
    %broadcast_in_dim3A = vector.shape_cast %gt3A_25 : vector<1000x1xi1> to vector<1000x1xi1>
    %broadcast_in_dim3A_29 = vector.broadcast %broadcast_in_dim3A : vector<1000x1xi1> to vector<1000x512xi1>
    %broadcast_in_dim3A_30 = vector.broadcast %jit3A : f32 to vector<1000x512xf32>
    %select_n3A = arith.select %broadcast_in_dim3A_29, %div3A_28, %broadcast_in_dim3A_30 : vector<1000x512xi1>, vector<1000x512xf32>
    %convert_element_type3A = arith.truncf %select_n3A : vector<1000x512xf32> to vector<1000x512xbf16>
    %get3A_31 = arith.constant 0 : index
    %get3A_32 = arith.constant 0 : index
    %get3A_33 = vector.load %arg7[%get3A_31, %get3A_32] : memref<512x512xbf16, #tpu.memory_space<vmem>>, vector<512x512xbf16>
    %dot_general3A = arith.constant dense<0.000000e+00> : vector<1000x512xf32>
    %dot_general3A_34 = tpu.matmul %convert_element_type3A, %get3A_33, %dot_general3A {dimension_numbers = #tpu.dot_dimension_numbers<[1], [0], [0], [1], [0, 0, 1, 1], [], []>, transpose_lhs_hint = false} : vector<1000x512xbf16>, vector<512x512xbf16>, vector<1000x512xf32> -> vector<1000x512xf32>
    %get3A_35 = arith.constant 0 : index
    %get3A_36 = arith.constant 0 : index
    %get3A_37 = vector.load %arg8[%get3A_35, %get3A_36] : memref<1x512xf32, #tpu.memory_space<vmem>>, vector<1x512xf32>
    %add3A_38 = vector.broadcast %get3A_37 : vector<1x512xf32> to vector<1000x512xf32>
    %add3A_39 = arith.addf %dot_general3A_34, %add3A_38 : vector<1000x512xf32>
    %mul3A = arith.constant 5.000000e-01 : f32
    %mul3A_40 = vector.broadcast %mul3A : f32 to vector<1000x512xf32>
    %mul3A_41 = arith.mulf %mul3A_40, %add3A_39 : vector<1000x512xf32>
    %mul3A_42 = arith.constant 0.707106769 : f32
    %mul3A_43 = vector.broadcast %mul3A_42 : f32 to vector<1000x512xf32>
    %mul3A_44 = arith.mulf %add3A_39, %mul3A_43 : vector<1000x512xf32>
    %erf3A = math.erf %mul3A_44 : vector<1000x512xf32>
    %add3A_45 = arith.constant 1.000000e+00 : f32
    %add3A_46 = vector.broadcast %add3A_45 : f32 to vector<1000x512xf32>
    %add3A_47 = arith.addf %add3A_46, %erf3A : vector<1000x512xf32>
    %mul3A_48 = arith.mulf %mul3A_41, %add3A_47 : vector<1000x512xf32>
    %convert_element_type3A_49 = arith.truncf %mul3A_48 : vector<1000x512xf32> to vector<1000x512xbf16>
    %get3A_50 = arith.constant 0 : index
    %get3A_51 = arith.constant 0 : index
    %get3A_52 = vector.load %arg9[%get3A_50, %get3A_51] : memref<512x256xbf16, #tpu.memory_space<vmem>>, vector<512x256xbf16>
    %dot_general3A_53 = arith.constant dense<0.000000e+00> : vector<1000x256xf32>
    %dot_general3A_54 = tpu.matmul %convert_element_type3A_49, %get3A_52, %dot_general3A_53 {dimension_numbers = #tpu.dot_dimension_numbers<[1], [0], [0], [1], [0, 0, 1, 1], [], []>, transpose_lhs_hint = false} : vector<1000x512xbf16>, vector<512x256xbf16>, vector<1000x256xf32> -> vector<1000x256xf32>
    %get3A_55 = arith.constant 0 : index
    %get3A_56 = arith.constant 0 : index
    %get3A_57 = vector.load %arg10[%get3A_55, %get3A_56] : memref<1x256xf32, #tpu.memory_space<vmem>>, vector<1x256xf32>
    %add3A_58 = vector.broadcast %get3A_57 : vector<1x256xf32> to vector<1000x256xf32>
    %add3A_59 = arith.addf %dot_general3A_54, %add3A_58 : vector<1000x256xf32>
    %mul3A_60 = arith.constant 5.000000e-01 : f32
    %mul3A_61 = vector.broadcast %mul3A_60 : f32 to vector<1000x256xf32>
    %mul3A_62 = arith.mulf %mul3A_61, %add3A_59 : vector<1000x256xf32>
    %mul3A_63 = arith.constant 0.707106769 : f32
    %mul3A_64 = vector.broadcast %mul3A_63 : f32 to vector<1000x256xf32>
    %mul3A_65 = arith.mulf %add3A_59, %mul3A_64 : vector<1000x256xf32>
    %erf3A_66 = math.erf %mul3A_65 : vector<1000x256xf32>
    %add3A_67 = arith.constant 1.000000e+00 : f32
    %add3A_68 = vector.broadcast %add3A_67 : f32 to vector<1000x256xf32>
    %add3A_69 = arith.addf %add3A_68, %erf3A_66 : vector<1000x256xf32>
    %mul3A_70 = arith.mulf %mul3A_62, %add3A_69 : vector<1000x256xf32>
    %swap3A = arith.constant 0 : index
    %swap3A_71 = arith.constant 0 : index
    %swap3A_72 = vector.load %arg11[%swap3A, %swap3A_71] : memref<1000x256xf32, #tpu.memory_space<vmem>>, vector<1000x256xf32>
    tpu.vector_store %arg11[%swap3A, %swap3A_71], %mul3A_70 {strides = array<i32>} : memref<1000x256xf32, #tpu.memory_space<vmem>>, vector<1000x256xf32>,
    return
  }
  func.func @transform_0(%arg0: i32) -> (i32, i32) {
    %c0_i32 = arith.constant 0 : i32
    %c0_i32_0 = arith.constant 0 : i32
    return %arg0, %c0_i32 : i32, i32
  }
  func.func @transform_1(%arg0: i32) -> (i32, i32) {
    %c0_i32 = arith.constant 0 : i32
    %c0_i32_0 = arith.constant 0 : i32
    return %arg0, %c0_i32 : i32, i32
  }
  func.func @transform_2(%arg0: i32) -> (i32, i32) {
    %c0_i32 = arith.constant 0 : i32
    %c0_i32_0 = arith.constant 0 : i32
    return %arg0, %c0_i32 : i32, i32
  }
  func.func @transform_3(%arg0: i32) -> (i32, i32) {
    %c0_i32 = arith.constant 0 : i32
    %c0_i32_0 = arith.constant 0 : i32
    return %arg0, %c0_i32 : i32, i32
  }
  func.func @transform_4(%arg0: i32) -> (i32, i32, i32) {
    %c0_i32 = arith.constant 0 : i32
    %c0_i32_0 = arith.constant 0 : i32
    %c0_i32_1 = arith.constant 0 : i32
    return %c0_i32, %arg0, %c0_i32_0 : i32, i32, i32
  }
  func.func @transform_5(%arg0: i32) -> (i32, i32, i32) {
    %c1_i32 = arith.constant 1 : i32
    %c0_i32 = arith.constant 0 : i32
    %c0_i32_0 = arith.constant 0 : i32
    return %c1_i32, %arg0, %c0_i32 : i32, i32, i32
  }
  func.func @transform_6(%arg0: i32) -> (i32, i32) {
    %c0_i32 = arith.constant 0 : i32
    %c0_i32_0 = arith.constant 0 : i32
    %c0_i32_1 = arith.constant 0 : i32
    return %c0_i32, %c0_i32_0 : i32, i32
  }
  func.func @transform_7(%arg0: i32) -> (i32, i32) {
    %c0_i32 = arith.constant 0 : i32
    %c0_i32_0 = arith.constant 0 : i32
    %c0_i32_1 = arith.constant 0 : i32
    return %c0_i32, %c0_i32_0 : i32, i32
  }
  func.func @transform_8(%arg0: i32) -> (i32, i32) {
    %c0_i32 = arith.constant 0 : i32
    %c0_i32_0 = arith.constant 0 : i32
    %c0_i32_1 = arith.constant 0 : i32
    return %c0_i32, %c0_i32_0 : i32, i32
  }
  func.func @transform_9(%arg0: i32) -> (i32, i32) {
    %c0_i32 = arith.constant 0 : i32
    %c0_i32_0 = arith.constant 0 : i32
    %c0_i32_1 = arith.constant 0 : i32
    return %c0_i32, %c0_i32_0 : i32, i32
  }
  func.func @transform_10(%arg0: i32) -> (i32, i32) {
    %c0_i32 = arith.constant 0 : i32
    %c0_i32_0 = arith.constant 0 : i32
    return %arg0, %c0_i32 : i32, i32
  }
}

</mosaic_0001>

<sc_bundles>
// kernel: kernel.16.cloned.1.call-start
scs
__scs_entry_jumppad:
0x0: {  	(pc) =	sbr.rel $0x88, $3  }
0x1: {  	(tag) =	ssettag $0x0;
	lr =	simm.s32 $0x1  }
0x2: {  	[smem:$0x3F94] =	sst lr;
	_ =	strace $0xD0000000  }
0x3: {  	_ = 	snop  }
0x4: {  	_ = 	snop  }
0x5: {  	_ = 	snop  }
0x6: {  	_ = 	snop  }
0x7: {  	_ = 	snop  }
__scs_overlays_trampoline_lowered:
0x8: {  	[smem:$0x3FA3] =	sst s0  }
0x9: {  	[smem:$0x3FA4] =	sst s1  }
0xa: {  	[smem:$0x3FA5] =	sst s2  }
0xb: {  	[smem:$0x3FA6] =	sst s3  }
0xc: {  	[smem:$0x3FA7] =	sst s4  }
0xd: {  	[smem:$0x3FA8] =	sst s5  }
0xe: {  	[smem:$0x3FA9] =	sst s6  }
0xf: {  	[smem:$0x3FAA] =	sst s7  }
0x10: {  	[smem:$0x3FAB] =	sst s8  }
0x11: {  	[smem:$0x3FAC] =	sst s9;
	s0 =	simm.s32 @!p0 $0x0  }
0x12: {  	s1 =	sld [smem:$0x3F92];
	s0 =	simm.s32 @p0 $0x1  }
0x13: {  	[smem:$0x3FAD] =	sst s0;
	s0 =	simm.s32 @!p1 $0x0  }
0x14: {  	s2 =	sld [smem:$0x3F91];
	s0 =	simm.s32 @p1 $0x1  }
0x15: {  	[smem:$0x3FAE] =	sst s0;
	s0 =	simm.s32 @!p2 $0x0  }
0x16: {  	s3 =	sld [smem:$0x3FDB];
	s0 =	simm.s32 @p2 $0x1  }
0x17: {  	s4 =	simm.s32 $0x1BF5;
	[smem:$0x3FB0] =	sst s0  }
0x18: {  	s0 =	sld [smem:$0x3F93];
	_ =	swait.ge [sflag:s4], $0x0  }
0x19: {  	s7 =	sld [smem:$0x3F94]  }
0x1a: {  	s8 =	sadd.s32 $0xFFFFE003, lr  }
0x1b: {  	s9 =	sadd.s32 $0xFFFFFEF7, lr;
	s5 =	simm.s32 $0xFFFFFFFF;
	p2 =	slt.u32 s8, $0xFFFFF086  }
0x1c: {  	p1 =	slt.u32 s9, $0xF7A;
	s5 =	simm.s32 @!p2 $0x0  }
0x1d: {  	s5 =	simm.s32 @p1 $0x1;
	p0 =	seq.s32 s7, s2  }
0x1e: {  	s7 =	smul.u32 @!p0 $0xF7A, s2;
	p2 =	seq.s32 @!p0 s5, $0x0  }
0x1f: {  	s9 =	smul.u32 $0xF7A, s1;
	s8 =	simm.s32 @!p0 $0x1BF5;
	p2 =	por !p2, p0  }
0x20: {  	[sflag:s8] =	ssyncset.s32 @!p0 $0xFFFFF086;
	s6 =	sadd.s32 @!p0 s3, s7;
	s7 =	simm.s32 @!p0 $0x108  }
0x21: {  	s3 =	sadd.s32 s3, s9;
	s6 =	sadd.s32 @!p0 $0x88, s6;
	s7 =	simm.s32 @p2 $0x1082  }
0x22: {  	[simem:s7], [sflag:s8] =	dma.local @!p0 [hbm:s6], $0xF7A  }
0x23: {  	s9 =	sor.u32 $0xD0000000, s2;
	s6 =	simm.s32 $0x108;
	_ =	swait.ge @!p0 [sflag:s8], $0x0  }
0x24: {  	s3 =	sadd.s32 $0x88, s3;
	s6 =	simm.s32 @!p1 $0x1082;
	[sflag:s4] =	ssyncset.s32 $0xFFFFF086  }
0x25: {  	[simem:s6], [sflag:s4] =	dma.local [hbm:s3], $0xF7A  }
0x26: {  	[smem:$0x3F94] =	sst s1;
	(tag) =	ssettag s2;
	_ =	strace s9  }
0x27: {  	s1 =	sld [smem:$0x3FA4]  }
0x28: {  	s2 =	sld [smem:$0x3FA5]  }
0x29: {  	s4 =	sld [smem:$0x3FA7]  }
0x2a: {  	p0 =	seq.s32 s5, $0x0;
	s5 =	sld [smem:$0x3FA8]  }
0x2b: {  	s6 =	sld [smem:$0x3FA9]  }
0x2c: {  	s7 =	sld [smem:$0x3FAA]  }
0x2d: {  	s3 =	simm.s32 $0x108;
	s8 =	sld [smem:$0x3FAB]  }
0x2e: {  	s3 =	simm.s32 @!p0 $0x1082;
	s9 =	sld [smem:$0x3FAC]  }
0x2f: {  	lr =	sadd.s32 s0, s3;
	s0 =	sld [smem:$0x3FA3]  }
0x30: {  	s3 =	sld [smem:$0x3FA6]  }
0x31: {  	[smem:$0x3FAF] =	sst s10  }
0x32: {  	s10 =	sld [smem:$0x3FAD];
	_ =	sdelay $0x3  }
0x33: {  	p0 =	seq.s32 s10, $0x1;
	s10 =	sld [smem:$0x3FAF];
	_ =	sdelay $0x3  }
0x34: {  	[smem:$0x3FAF] =	sst s10  }
0x35: {  	s10 =	sld [smem:$0x3FAE];
	_ =	sdelay $0x3  }
0x36: {  	p1 =	seq.s32 s10, $0x1;
	s10 =	sld [smem:$0x3FAF];
	_ =	sdelay $0x3  }
0x37: {  	[smem:$0x3FAF] =	sst s10  }
0x38: {  	s10 =	sld [smem:$0x3FB0]  }
0x39: {  	_ = 	snop;
	(pc) =	sbr.ind lr, $3  }
0x3a: {  	_ = 	snop  }
0x3b: {  	_ = 	snop  }
0x3c: {  	p2 =	seq.s32 s10, $0x1;
	s10 =	sld [smem:$0x3FAF]  }
0x3d: {  	_ =	shalt  }
0x3e: {  	_ =	shalt  }
0x3f: {  	_ =	shalt  }
0x40: {  	_ =	shalt  }
0x41: {  	_ =	shalt  }
0x42: {  	_ =	shalt  }
0x43: {  	_ =	shalt  }
0x44: {  	_ =	shalt  }
0x45: {  	_ =	shalt  }
0x46: {  	_ =	shalt  }
0x47: {  	_ =	shalt  }
0x48: {  	_ =	shalt  }
0x49: {  	_ =	shalt  }
0x4a: {  	_ =	shalt  }
0x4b: {  	_ =	shalt  }
0x4c: {  	_ =	shalt  }
0x4d: {  	_ =	shalt  }
0x4e: {  	_ =	shalt  }
0x4f: {  	_ =	shalt  }
0x50: {  	_ =	shalt  }
0x51: {  	_ =	shalt  }
0x52: {  	_ =	shalt  }
0x53: {  	_ =	shalt  }
0x54: {  	_ =	shalt  }
0x55: {  	_ =	shalt  }
0x56: {  	_ =	shalt  }
0x57: {  	_ =	shalt  }
0x58: {  	_ =	shalt  }
0x59: {  	_ =	shalt  }
0x5a: {  	_ =	shalt  }
0x5b: {  	_ =	shalt  }
0x5c: {  	_ =	shalt  }
0x5d: {  	_ =	shalt  }
0x5e: {  	_ =	shalt  }
0x5f: {  	_ =	shalt  }
0x60: {  	_ =	shalt  }
0x61: {  	_ =	shalt  }
0x62: {  	_ =	shalt  }
0x63: {  	_ =	shalt  }
0x64: {  	_ =	shalt  }
0x65: {  	_ =	shalt  }
0x66: {  	_ =	shalt  }
0x67: {  	_ =	shalt  }
0x68: {  	_ =	shalt  }
0x69: {  	_ =	shalt  }
0x6a: {  	_ =	shalt  }
0x6b: {  	_ =	shalt  }
0x6c: {  	_ =	shalt  }
0x6d: {  	_ =	shalt  }
0x6e: {  	_ =	shalt  }
0x6f: {  	_ =	shalt  }
0x70: {  	_ =	shalt  }
0x71: {  	_ =	shalt  }
0x72: {  	_ =	shalt  }
0x73: {  	_ =	shalt  }
0x74: {  	_ =	shalt  }
0x75: {  	_ =	shalt  }
0x76: {  	_ =	shalt  }
0x77: {  	_ =	shalt  }
0x78: {  	_ =	shalt  }
0x79: {  	_ =	shalt  }
0x7a: {  	_ =	shalt  }
0x7b: {  	_ =	shalt  }
0x7c: {  	_ =	shalt  }
0x7d: {  	_ =	shalt  }
0x7e: {  	_ =	shalt  }
0x7f: {  	_ =	shalt  }
0x80: {  	_ =	shalt  }
0x81: {  	_ =	shalt  }
0x82: {  	_ =	shalt  }
0x83: {  	_ =	shalt  }
0x84: {  	_ =	shalt  }
0x85: {  	_ =	shalt  }
0x86: {  	_ =	shalt  }
0x87: {  	_ =	shalt  }
.Lfunc_end0:
.L_simem_size_0:
called_computation_lowered:
.L_overlay_start_0:
0x88: {  	s2 =	sld [smem:$0x3FD9]  }
0x89: {  	s3 =	sld [smem:$0x3FFE];
	_ =	sdelay $0x1  }
0x8a: {  	s1 =	srdreg.scid  }
0x8b: {  	s0 =	sand.u32 $0x1, s1  }
0x8c: {  	s17 =	sshll.u32 s0, $0xA;
	s2 =	sadd.s32 s3, s2  }
0x8d: {  	s2 =	sadd.s32 s2, s17  }
0x8e: {  	[smem:$0x3FBB] =	sst s2  }
0x8f: {  	_ = 	snop  }
0x90: {  	(tm) =	ssettm $0x1  }
0x91: {  	s18 =	sld [smem:$0x3FFB];
	_ =	sdelay $0x3  }
0x92: {  	_ =	strace s18  }
0x93: {  	s2 =	sld [smem:$0x3FFC];
	_ =	sdelay $0x3  }
0x94: {  	_ =	strace s2  }
0x95: {  	s2 =	sld [smem:$0x3FFD];
	_ =	sdelay $0x3  }
0x96: {  	_ =	strace s2  }
0x97: {  	_ =	strace $0x8FFFFFFF  }
0x98: {  	s19 =	sld [smem:$0x3FDB];
	_ =	sdelay $0x1  }
0x99: {  	s20 =	simm.s32 $_scs_section_size  }
0x9a: {  	s4 =	simm.s32 $_size__tile_overlayer_lowered;
	s5 =	simm.s32 $_tile_overlayer_lowered  }
0x9b: {  	s6 =	simm.s32 $0x1BFF;
	s21 =	sshll.u32 s5, $0x1;
	s3 =	sadd.s32 s20, s19  }
0x9c: {  	s22 =	simm.s32 $0x0;
	s4 =	sshll.u32 s4, $0x1;
	s5 =	sadd.s32 s21, s3  }
0x9d: {  	[timem:s22], [sflag:s6] =	dma.local [hbm:s5], s4  }
0x9e: {  	_ =	swait.ge [sflag:s6], s4  }
0x9f: {  	s4 =	ssub.s32 $0x0, s4;
	[sflag:s6] =	ssyncset.done $0x0  }
0xa0: {  	[sflag:s6] =	ssyncadd.s32 s4;
	_ =	sdelay $0x1  }
0xa1: {  	s23 =	simm.s32 $0x1B8B  }
0xa2: {  	_ =	swait.ge [sflag:s23], $0x1  }
0xa3: {  	[sflag:s23] =	ssyncset.done $0x0  }
0xa4: {  	[sflag:s23] =	ssyncadd.s32 $0xFFFFFFFF  }
0xa5: {  	s4 =	sld [smem:$0x0]  }
0xa6: {  	s5 =	sand.u32 $0xFFFFFFFE, s1  }
0xa7: {  	p0 =	sne.s32 s1, s5  }
0xa8: {  	s5 =	sshll.u32 @p0 s5, $0xE  }
0xa9: {  	s5 =	sadd.s32 @p0 $0x11B8D, s5;
	s6 =	sshll.u32 @p0 s4, $0x11  }
0xaa: {  	s5 =	sor.u32 @p0 s6, s5  }
0xab: {  	[sflag:s5] =	ssyncadd.remote.s32 @p0 $0x1;
	_ =	sdelay $0x1  }
0xac: {  	s5 =	simm.s32 @p0 $0x1B8D  }
0xad: {  	_ =	swait.eq @p0 [sflag:s5], $0x1  }
0xae: {  	[sflag:s5] =	ssyncadd.s32 @p0 $0xFFFFFFFF  }
0xaf: {  	s6 =	sshll.u32 @!p0 s1, $0xE  }
0xb0: {  	s6 =	sor.u32 @!p0 $0x4000, s6;
	s5 =	simm.s32 @!p0 $0x1B8D  }
0xb1: {  	s4 =	sshll.u32 @!p0 s4, $0x11;
	s6 =	sadd.s32 @!p0 $0x11B8D, s6;
	_ =	swait.eq @!p0 [sflag:s5], $0x1  }
0xb2: {  	s4 =	sor.u32 @!p0 s4, s6;
	[sflag:s5] =	ssyncadd.s32 @!p0 $0xFFFFFFFF  }
0xb3: {  	s25 =	simm.s32 $0x1B8E;
	s24 =	sld [smem:$0x3FFE];
	[sflag:s4] =	ssyncadd.remote.s32 @!p0 $0x1  }
0xb4: {  	s26 =	simm.s32 $execute0_lowered;
	[smem:$0x3FD2] =	sst s25  }
0xb5: {  	s5 =	sshll.u32 s26, $0x1;
	_ =	strace $0x8000006E;
	[dreg:$0x1] =	wrdreg $0xFFFFFFFF  }
0xb6: {  	s28 =	simm.s32 $_size_execute0_lowered;
	s3 =	sadd.s32 s3, s5;
	[dreg:$0x0] =	wrdreg $0x0  }
0xb7: {  	s5 =	sshll.u32 s28, $0x1;
	[dreg:$0x2] =	wrdreg s3  }
0xb8: {  	[dreg:$0x3] =	wrdreg s5  }
0xb9: {  	[dreg:$0x4] =	wrdreg $0xC0  }
0xba: {  	_ =	task [dreg:s22], $0x5FFFF  }
0xbb: {  	[dreg:$0x1] =	wrdreg $0xFFFFFFFF  }
0xbc: {  	[dreg:$0x0] =	wrdreg $0x60  }
0xbd: {  	[dreg:$0x2] =	wrdreg s24  }
0xbe: {  	[dreg:$0x3] =	wrdreg $0x0  }
0xbf: {  	[dreg:$0x4] =	wrdreg $0x9  }
0xc0: {  	_ =	task.clear_ibuf [dreg:s22], $0x5FFFF;
	_ =	strace $0x9000006E  }
0xc1: {  	s29 =	simm.s32 $0x9;
	_ =	strace $0x80000070  }
0xc2: {  	_ =	swait.ge [sflag:s29], $0x1  }
0xc3: {  	[sflag:s29] =	ssyncadd.s32 $0xFFFFFFFF  }
0xc4: {  	_ =	strace $0x90000070  }
0xc5: {  	_ =	sfence  }
0xc6: {  	s30 =	sld [smem:$0x0];
	_ =	sdelay $0x2  }
0xc7: {  	s31 =	sshll.u32 s1, $0xD;
	s1 =	sshrl.u32 s1, $0x2  }
0xc8: {  	s4 =	sand.u32 $0x4000, s31;
	s1 =	sadd.s32 s1, s30  }
0xc9: {  	s0 =	sor.u32 s4, s0;
	s1 =	sshll.u32 s1, $0x11  }
0xca: {  	s0 =	sor.u32 s1, s0  }
0xcb: {  	s0 =	sadd.s32 $0x8F2B, s0  }
0xcc: {  	[sflag:s0] =	ssyncadd.remote.s32 $0x1  }
0xcd: {  	_ =	sfence.sel $0xFFFF  }
0xce: {  	[dreg:$0x0] =	wrdreg $0xFFFFFFFF;
	(pc) =	sbr.abs _section_cstart, $3  }
0xcf: {  	[dreg:$0x1] =	wrdreg $0xFFFFFFFF  }
0xd0: {  	_ =	task.clear_ibuf [dreg:s22], $0x2FFFF;
	_ =	strace $0x9FFFFFFF  }
0xd1: {  	(tm) =	ssettm $0x7FFFFFFF  }
tec
execute0_lowered:
.L_overlay_start_1:
0x0: {  	(tag) =	ssettag $0x1  }
0x1: {  	s5 =	rddreg [dreg:$0x0]  }
0x2: {  	s0 =	srdreg.scid;
	s1 =	stileid.u32  }
0x3: {  	s2 =	rddreg [dreg:$0x1];
	s3 =	simm.s32 $0x0;
	s7 =	smul.u32 $0x13C00, s1  }
0x4: {  	s14 =	simm.s32 $0x80;
	s15 =	simm.s32 $0x0;
	s10 =	smul.u32 $0x4F000, s1  }
0x5: {  	s6 =	sand.u32 $0x1, s0;
	s0 =	rddreg [dreg:$0x2];
	s11 =	smul.u32 $0x280, s1  }
0x6: {  	[smem:$0x7FF] =	sst s3;
	s31 =	sshll.u32 s1, $0x6;
	s4 =	smul.u32 $0x2800, s6  }
0x7: {  	s8 =	smul.u32 $0x13C000, s6;
	_ =	strace $0x8000006F;
	s29 =	ssub.s32 $0x2, s6  }
0x8: {  	s26 =	sshrl.u32 s7, $0x3;
	s6 =	sshrl.u32 s29, $0x1;
	s10 =	sshrl.u32 s10, $0x2  }
0x9: {  	s9 =	sadd.s32 s4, s5;
	s7 =	sadd.s32 s7, s8;
	s28 =	sadd.s32 s26, s5  }
0xa: {  	s4 =	sadd.s32 $0xA3CA00, s5;
	s12 =	ssub.s32 s29, s6;
	s13 =	sadd.s32 s10, s2  }
0xb: {  	s10 =	simm.s32 $0x1;
	s7 =	sshrl.u32 s7, $0x3;
	s30 =	sadd.s32 s11, s9  }
0xc: {  	s9 =	simm.s32 $0x13C80;
	s7 =	sadd.s32 s7, s5;
	s5 =	sadd.s32 $0xA15200, s28  }
0xd: {  	s11 =	sor.u32 $0x1C01, s31;
	s8 =	sadd.s32 $0x4E00, s30;
	s6 =	sadd.s32 $0xA3D200, s7  }
0xe: {  	s7 =	smax.u32 s12, $0x1;
	s12 =	sshrl.u32 s13, $0x3;
	s13 =	simm.s32 $0x13C00  }
.LBB2_1:
0xf: {  	[tilespmem:s9], [sflag:$0x1] =	stream.linear.gather [hbm4b:s4+s3], $0x4000, $0x38;
	[tilespmem:$0x17C80] =	vst v63  }
0x10: {  	_ =	swait.ge [sflag:s10], $0x4000  }
0x11: {  	[sflag:s10] =	ssyncset.done $0x0  }
0x12: {  	[sflag:s10] =	ssyncadd.s32 $0xFFFFC000  }
0x13: {  	[spmem:s12], [sflag:s11] =	dma.local [hbm:s5], $0x2780  }
0x14: {  	_ =	swait.ge [sflag:s10], $0x2780  }
0x15: {  	[sflag:s10] =	ssyncset.done $0x0  }
0x16: {  	[sflag:s10] =	ssyncadd.s32 $0xFFFFD880  }
0x17: {  	s16 =	sadd.s32 $0x0, s8;
	[bflag:$0x0] =	sbarrier.arrive $0xFFFF  }
0x18: {  	[tilespmem:s13], [sflag:$0x1] =	stream.linear.gather [hbm4b:s16+s3], $0x80, $0x38;
	[tilespmem:$0x17C80] =	vst v63  }
0x19: {  	_ =	swait.ge [sflag:s10], $0x80  }
0x1a: {  	[sflag:s10] =	ssyncset.done $0x0  }
0x1b: {  	[sflag:s10] =	ssyncadd.s32 $0xFFFFFF80  }
0x1c: {  	[spmem:s2] =	stream.indirect.scatter.add.f32 [tilespmem:s9], [sflag:$0x1], $0x80, s13, s14, $0xb8;
	[tilespmem:$0x17C80] =	vst v63  }
0x1d: {  	_ =	swait.ge [sflag:s10], $0x4000  }
0x1e: {  	s17 =	simm.s32 $0x20;
	s16 =	simm.s32 $0x10;
	[sflag:s10] =	ssyncset.done $0x0  }
.LBB2_2:
0x1f: {  	s18 =	sadd.s32 s16, s8  }
0x20: {  	[sflag:s10] =	ssyncadd.s32 $0xFFFFC000;
	s16 =	smov.u32 s17;
	s19 =	sadd.s32 $0x10, s17  }
0x21: {  	[tilespmem:s13], [sflag:$0x1] =	stream.linear.gather [hbm4b:s18+s3], $0x80, $0x38;
	[tilespmem:$0x17C80] =	vst v63  }
0x22: {  	p0 =	sne.s32 s17, $0x270;
	_ =	swait.ge [sflag:s10], $0x80  }
.Ltmp0:
0x23: {  	[sflag:s10] =	ssyncset.done $0x0;
	(pc) =	sbr.rel @p0 .LBB2_2-.Ltmp0, $4  }
0x24: {  	[sflag:s10] =	ssyncadd.s32 $0xFFFFFF80  }
0x25: {  	[spmem:s2] =	stream.indirect.scatter.add.f32 [tilespmem:s9], [sflag:$0x1], $0x80, s13, s14, $0xb8;
	[tilespmem:$0x17C80] =	vst v63  }
0x26: {  	_ =	swait.ge [sflag:s10], $0x4000  }
0x27: {  	s17 =	smov.u32 s19;
	[sflag:s10] =	ssyncset.done $0x0  }
0x28: {  	s16 =	sadd.s32 s16, s8;
	[sflag:s10] =	ssyncadd.s32 $0xFFFFC000  }
0x29: {  	[tilespmem:s13], [sflag:$0x1] =	stream.linear.gather [hbm4b:s16+s3], $0x80, $0x38;
	[tilespmem:$0x17C80] =	vst v63  }
0x2a: {  	_ =	swait.ge [sflag:s10], $0x80  }
0x2b: {  	[sflag:s10] =	ssyncset.done $0x0  }
0x2c: {  	[sflag:s10] =	ssyncadd.s32 $0xFFFFFF80  }
0x2d: {  	[spmem:s2] =	stream.indirect.scatter.add.f32 [tilespmem:s9], [sflag:$0x1], $0x80, s13, s14, $0xb8;
	[tilespmem:$0x17C80] =	vst v63  }
0x2e: {  	_ =	swait.ge [sflag:s10], $0x4000  }
0x2f: {  	s15 =	sadd.s32 $0x1, s15;
	[sflag:s10] =	ssyncset.done $0x0  }
0x30: {  	p0 =	sne.s32 s15, s7;
	[sflag:s10] =	ssyncadd.s32 $0xFFFFC000  }
.Ltmp1:
0x31: {  	[bflag:$0x0] =	sbarrier.arrive $0xFFFF;
	(pc) =	sbr.rel @p0 .LBB2_1-.Ltmp1, $4  }
0x32: {  	[hbm:s6], [sflag:s11] =	dma.local [spmem:s12], $0x2780  }
0x33: {  	_ =	swait.ge [sflag:s10], $0x2780  }
0x34: {  	[sflag:s10] =	ssyncset.done $0x0  }
0x35: {  	[sflag:s10] =	ssyncadd.s32 $0xFFFFD880  }
0x36: {  	_ =	sfence.sel $0x180000  }
0x37: {  	[bflag:$0x0] =	sbarrier.arrive $0xFFFF  }
0x38: {  	p0 =	sne.s32 s1, $0x0;
	_ =	strace $0x9000006F  }
0x39: {  	s0 =	sadd.s32 @!p0 $0x100000, s0;
	[bflag:$0x2] =	sbarrier.arrive $0xFFFF  }
0x3a: {  	[sflag:s0] =	ssyncadd.tile.s32 @!p0 $0x1;
	_ =	shalt  }
.Lfunc_end2:
_tile_overlayer_lowered:
.L_overlay_start_2:
0x3b: {  	(tag) =	ssettag $0x2  }
0x3c: {  	s0 =	rddreg [dreg:$0x0];
	s2 =	stileid.u32  }
0x3d: {  	s1 =	rddreg [dreg:$0x1];
	p0 =	sne.s32 s2, $0x0  }
0x3e: {  	s3 =	rddreg [dreg:$0x2];
	[bflag:$0x3] =	sbarrier.arrive $0xFFFF;
	s2 =	simm.s32 @!p0 $0x1C01  }
0x3f: {  	[timem:s3], [sflag:s2] =	dma.local @!p0 [hbm:s0], s1  }
0x40: {  	s0 =	simm.s32 @!p0 $0x1  }
0x41: {  	_ =	swait.ge @!p0 [sflag:s0], s1  }
0x42: {  	s1 =	ssub.s32 @!p0 $0x0, s1;
	[sflag:s0] =	ssyncset.done @!p0 $0x0  }
0x43: {  	[sflag:s0] =	ssyncadd.s32 @!p0 s1  }
0x44: {  	[bflag:$0x3] =	sbarrier.arrive $0xFFFF  }
0x45: {  	_ =	shalt  }

// kernel: kernel.19.cloned.1.call-start
scs
__scs_entry_jumppad:
0x0: {  	(pc) =	sbr.rel $0x88, $3  }
0x1: {  	(tag) =	ssettag $0x0;
	lr =	simm.s32 $0x1  }
0x2: {  	[smem:$0x3F94] =	sst lr;
	_ =	strace $0xD0000000  }
0x3: {  	_ = 	snop  }
0x4: {  	_ = 	snop  }
0x5: {  	_ = 	snop  }
0x6: {  	_ = 	snop  }
0x7: {  	_ = 	snop  }
__scs_overlays_trampoline_lowered:
0x8: {  	[smem:$0x3FA3] =	sst s0  }
0x9: {  	[smem:$0x3FA4] =	sst s1  }
0xa: {  	[smem:$0x3FA5] =	sst s2  }
0xb: {  	[smem:$0x3FA6] =	sst s3  }
0xc: {  	[smem:$0x3FA7] =	sst s4  }
0xd: {  	[smem:$0x3FA8] =	sst s5  }
0xe: {  	[smem:$0x3FA9] =	sst s6  }
0xf: {  	[smem:$0x3FAA] =	sst s7  }
0x10: {  	[smem:$0x3FAB] =	sst s8  }
0x11: {  	[smem:$0x3FAC] =	sst s9;
	s0 =	simm.s32 @!p0 $0x0  }
0x12: {  	s1 =	sld [smem:$0x3F92];
	s0 =	simm.s32 @p0 $0x1  }
0x13: {  	[smem:$0x3FAD] =	sst s0;
	s0 =	simm.s32 @!p1 $0x0  }
0x14: {  	s2 =	sld [smem:$0x3F91];
	s0 =	simm.s32 @p1 $0x1  }
0x15: {  	[smem:$0x3FAE] =	sst s0;
	s0 =	simm.s32 @!p2 $0x0  }
0x16: {  	s3 =	sld [smem:$0x3FDB];
	s0 =	simm.s32 @p2 $0x1  }
0x17: {  	s4 =	simm.s32 $0x1BF5;
	[smem:$0x3FB0] =	sst s0  }
0x18: {  	s0 =	sld [smem:$0x3F93];
	_ =	swait.ge [sflag:s4], $0x0  }
0x19: {  	s7 =	sld [smem:$0x3F94]  }
0x1a: {  	s8 =	sadd.s32 $0xFFFFE003, lr  }
0x1b: {  	s9 =	sadd.s32 $0xFFFFFEF7, lr;
	s5 =	simm.s32 $0xFFFFFFFF;
	p2 =	slt.u32 s8, $0xFFFFF086  }
0x1c: {  	p1 =	slt.u32 s9, $0xF7A;
	s5 =	simm.s32 @!p2 $0x0  }
0x1d: {  	s5 =	simm.s32 @p1 $0x1;
	p0 =	seq.s32 s7, s2  }
0x1e: {  	s7 =	smul.u32 @!p0 $0xF7A, s2;
	p2 =	seq.s32 @!p0 s5, $0x0  }
0x1f: {  	s9 =	smul.u32 $0xF7A, s1;
	s8 =	simm.s32 @!p0 $0x1BF5;
	p2 =	por !p2, p0  }
0x20: {  	[sflag:s8] =	ssyncset.s32 @!p0 $0xFFFFF086;
	s6 =	sadd.s32 @!p0 s3, s7;
	s7 =	simm.s32 @!p0 $0x108  }
0x21: {  	s3 =	sadd.s32 s3, s9;
	s6 =	sadd.s32 @!p0 $0x88, s6;
	s7 =	simm.s32 @p2 $0x1082  }
0x22: {  	[simem:s7], [sflag:s8] =	dma.local @!p0 [hbm:s6], $0xF7A  }
0x23: {  	s9 =	sor.u32 $0xD0000000, s2;
	s6 =	simm.s32 $0x108;
	_ =	swait.ge @!p0 [sflag:s8], $0x0  }
0x24: {  	s3 =	sadd.s32 $0x88, s3;
	s6 =	simm.s32 @!p1 $0x1082;
	[sflag:s4] =	ssyncset.s32 $0xFFFFF086  }
0x25: {  	[simem:s6], [sflag:s4] =	dma.local [hbm:s3], $0xF7A  }
0x26: {  	[smem:$0x3F94] =	sst s1;
	(tag) =	ssettag s2;
	_ =	strace s9  }
0x27: {  	s1 =	sld [smem:$0x3FA4]  }
0x28: {  	s2 =	sld [smem:$0x3FA5]  }
0x29: {  	s4 =	sld [smem:$0x3FA7]  }
0x2a: {  	p0 =	seq.s32 s5, $0x0;
	s5 =	sld [smem:$0x3FA8]  }
0x2b: {  	s6 =	sld [smem:$0x3FA9]  }
0x2c: {  	s7 =	sld [smem:$0x3FAA]  }
0x2d: {  	s3 =	simm.s32 $0x108;
	s8 =	sld [smem:$0x3FAB]  }
0x2e: {  	s3 =	simm.s32 @!p0 $0x1082;
	s9 =	sld [smem:$0x3FAC]  }
0x2f: {  	lr =	sadd.s32 s0, s3;
	s0 =	sld [smem:$0x3FA3]  }
0x30: {  	s3 =	sld [smem:$0x3FA6]  }
0x31: {  	[smem:$0x3FAF] =	sst s10  }
0x32: {  	s10 =	sld [smem:$0x3FAD];
	_ =	sdelay $0x3  }
0x33: {  	p0 =	seq.s32 s10, $0x1;
	s10 =	sld [smem:$0x3FAF];
	_ =	sdelay $0x3  }
0x34: {  	[smem:$0x3FAF] =	sst s10  }
0x35: {  	s10 =	sld [smem:$0x3FAE];
	_ =	sdelay $0x3  }
0x36: {  	p1 =	seq.s32 s10, $0x1;
	s10 =	sld [smem:$0x3FAF];
	_ =	sdelay $0x3  }
0x37: {  	[smem:$0x3FAF] =	sst s10  }
0x38: {  	s10 =	sld [smem:$0x3FB0]  }
0x39: {  	_ = 	snop;
	(pc) =	sbr.ind lr, $3  }
0x3a: {  	_ = 	snop  }
0x3b: {  	_ = 	snop  }
0x3c: {  	p2 =	seq.s32 s10, $0x1;
	s10 =	sld [smem:$0x3FAF]  }
0x3d: {  	_ =	shalt  }
0x3e: {  	_ =	shalt  }
0x3f: {  	_ =	shalt  }
0x40: {  	_ =	shalt  }
0x41: {  	_ =	shalt  }
0x42: {  	_ =	shalt  }
0x43: {  	_ =	shalt  }
0x44: {  	_ =	shalt  }
0x45: {  	_ =	shalt  }
0x46: {  	_ =	shalt  }
0x47: {  	_ =	shalt  }
0x48: {  	_ =	shalt  }
0x49: {  	_ =	shalt  }
0x4a: {  	_ =	shalt  }
0x4b: {  	_ =	shalt  }
0x4c: {  	_ =	shalt  }
0x4d: {  	_ =	shalt  }
0x4e: {  	_ =	shalt  }
0x4f: {  	_ =	shalt  }
0x50: {  	_ =	shalt  }
0x51: {  	_ =	shalt  }
0x52: {  	_ =	shalt  }
0x53: {  	_ =	shalt  }
0x54: {  	_ =	shalt  }
0x55: {  	_ =	shalt  }
0x56: {  	_ =	shalt  }
0x57: {  	_ =	shalt  }
0x58: {  	_ =	shalt  }
0x59: {  	_ =	shalt  }
0x5a: {  	_ =	shalt  }
0x5b: {  	_ =	shalt  }
0x5c: {  	_ =	shalt  }
0x5d: {  	_ =	shalt  }
0x5e: {  	_ =	shalt  }
0x5f: {  	_ =	shalt  }
0x60: {  	_ =	shalt  }
0x61: {  	_ =	shalt  }
0x62: {  	_ =	shalt  }
0x63: {  	_ =	shalt  }
0x64: {  	_ =	shalt  }
0x65: {  	_ =	shalt  }
0x66: {  	_ =	shalt  }
0x67: {  	_ =	shalt  }
0x68: {  	_ =	shalt  }
0x69: {  	_ =	shalt  }
0x6a: {  	_ =	shalt  }
0x6b: {  	_ =	shalt  }
0x6c: {  	_ =	shalt  }
0x6d: {  	_ =	shalt  }
0x6e: {  	_ =	shalt  }
0x6f: {  	_ =	shalt  }
0x70: {  	_ =	shalt  }
0x71: {  	_ =	shalt  }
0x72: {  	_ =	shalt  }
0x73: {  	_ =	shalt  }
0x74: {  	_ =	shalt  }
0x75: {  	_ =	shalt  }
0x76: {  	_ =	shalt  }
0x77: {  	_ =	shalt  }
0x78: {  	_ =	shalt  }
0x79: {  	_ =	shalt  }
0x7a: {  	_ =	shalt  }
0x7b: {  	_ =	shalt  }
0x7c: {  	_ =	shalt  }
0x7d: {  	_ =	shalt  }
0x7e: {  	_ =	shalt  }
0x7f: {  	_ =	shalt  }
0x80: {  	_ =	shalt  }
0x81: {  	_ =	shalt  }
0x82: {  	_ =	shalt  }
0x83: {  	_ =	shalt  }
0x84: {  	_ =	shalt  }
0x85: {  	_ =	shalt  }
0x86: {  	_ =	shalt  }
0x87: {  	_ =	shalt  }
.Lfunc_end0:
.L_simem_size_0:
called_computation.1_lowered:
.L_overlay_start_0:
0x88: {  	s2 =	sld [smem:$0x3FD9]  }
0x89: {  	s3 =	sld [smem:$0x3FFE];
	_ =	sdelay $0x1  }
0x8a: {  	s1 =	srdreg.scid  }
0x8b: {  	s0 =	sand.u32 $0x1, s1  }
0x8c: {  	s17 =	sshll.u32 s0, $0xA;
	s2 =	sadd.s32 s3, s2  }
0x8d: {  	s2 =	sadd.s32 s2, s17  }
0x8e: {  	[smem:$0x3FBB] =	sst s2  }
0x8f: {  	_ = 	snop  }
0x90: {  	s18 =	sld [smem:$0x3FD0];
	(tm) =	ssettm $0x1  }
0x91: {  	s19 =	sld [smem:$0x3FFB];
	_ =	sdelay $0x3  }
0x92: {  	_ =	strace s19  }
0x93: {  	s2 =	sld [smem:$0x3FFC];
	_ =	sdelay $0x3  }
0x94: {  	_ =	strace s2  }
0x95: {  	s2 =	sld [smem:$0x3FFD];
	_ =	sdelay $0x3  }
0x96: {  	_ =	strace s2  }
0x97: {  	_ =	strace $0x8FFFFFFF  }
0x98: {  	s20 =	sld [smem:$0x3FDB];
	_ =	sdelay $0x1  }
0x99: {  	s4 =	simm.s32 $_scs_section_size  }
0x9a: {  	s5 =	simm.s32 $_size__tile_overlayer_lowered;
	s6 =	simm.s32 $_tile_overlayer_lowered  }
0x9b: {  	s7 =	simm.s32 $0x1BFF;
	s21 =	sshll.u32 s6, $0x1;
	s4 =	sadd.s32 s4, s20  }
0x9c: {  	s22 =	simm.s32 $0x0;
	s5 =	sshll.u32 s5, $0x1;
	s6 =	sadd.s32 s21, s4  }
0x9d: {  	[timem:s22], [sflag:s7] =	dma.local [hbm:s6], s5  }
0x9e: {  	_ =	swait.ge [sflag:s7], s5  }
0x9f: {  	s5 =	ssub.s32 $0x0, s5;
	[sflag:s7] =	ssyncset.done $0x0  }
0xa0: {  	[sflag:s7] =	ssyncadd.s32 s5;
	_ =	sdelay $0x1  }
0xa1: {  	s23 =	simm.s32 $0x1B8B  }
0xa2: {  	_ =	swait.ge [sflag:s23], $0x1  }
0xa3: {  	[sflag:s23] =	ssyncset.done $0x0  }
0xa4: {  	[sflag:s23] =	ssyncadd.s32 $0xFFFFFFFF  }
0xa5: {  	s5 =	sld [smem:$0x0]  }
0xa6: {  	s6 =	sand.u32 $0xFFFFFFFE, s1  }
0xa7: {  	p0 =	sne.s32 s1, s6  }
0xa8: {  	s6 =	sshll.u32 @p0 s6, $0xE  }
0xa9: {  	s6 =	sadd.s32 @p0 $0x11B8D, s6;
	s7 =	sshll.u32 @p0 s5, $0x11  }
0xaa: {  	s6 =	sor.u32 @p0 s7, s6  }
0xab: {  	[sflag:s6] =	ssyncadd.remote.s32 @p0 $0x1;
	_ =	sdelay $0x1  }
0xac: {  	s6 =	simm.s32 @p0 $0x1B8D  }
0xad: {  	_ =	swait.eq @p0 [sflag:s6], $0x1  }
0xae: {  	[sflag:s6] =	ssyncadd.s32 @p0 $0xFFFFFFFF  }
0xaf: {  	s7 =	sshll.u32 @!p0 s1, $0xE  }
0xb0: {  	s7 =	sor.u32 @!p0 $0x4000, s7;
	s6 =	simm.s32 @!p0 $0x1B8D  }
0xb1: {  	s5 =	sshll.u32 @!p0 s5, $0x11;
	s7 =	sadd.s32 @!p0 $0x11B8D, s7;
	_ =	swait.eq @!p0 [sflag:s6], $0x1  }
0xb2: {  	s5 =	sor.u32 @!p0 s5, s7;
	[sflag:s6] =	ssyncadd.s32 @!p0 $0xFFFFFFFF  }
0xb3: {  	s25 =	simm.s32 $0x1B8E;
	s24 =	sld [smem:$0x3FFE];
	[sflag:s5] =	ssyncadd.remote.s32 @!p0 $0x1  }
0xb4: {  	s26 =	simm.s32 $execute0_lowered;
	[smem:$0x3FD2] =	sst s25  }
0xb5: {  	s6 =	sshll.u32 s26, $0x1;
	_ =	strace $0x80000064;
	[dreg:$0x1] =	wrdreg $0xFFFFFFFF  }
0xb6: {  	s28 =	simm.s32 $_size_execute0_lowered;
	s4 =	sadd.s32 s4, s6;
	[dreg:$0x0] =	wrdreg $0x0  }
0xb7: {  	s6 =	sshll.u32 s28, $0x1;
	[dreg:$0x2] =	wrdreg s4  }
0xb8: {  	[dreg:$0x3] =	wrdreg s6  }
0xb9: {  	[dreg:$0x4] =	wrdreg $0xC0  }
0xba: {  	_ =	task [dreg:s22], $0x5FFFF  }
0xbb: {  	[dreg:$0x1] =	wrdreg $0xFFFFFFFF  }
0xbc: {  	[dreg:$0x0] =	wrdreg $0x60  }
0xbd: {  	[dreg:$0x2] =	wrdreg s18  }
0xbe: {  	[dreg:$0x3] =	wrdreg s24  }
0xbf: {  	[dreg:$0x4] =	wrdreg $0xA  }
0xc0: {  	_ =	task.clear_ibuf [dreg:s22], $0x5FFFF;
	_ =	strace $0x90000064  }
0xc1: {  	s29 =	simm.s32 $0xA;
	_ =	strace $0x8000006D  }
0xc2: {  	_ =	swait.ge [sflag:s29], $0x1  }
0xc3: {  	[sflag:s29] =	ssyncadd.s32 $0xFFFFFFFF  }
0xc4: {  	_ =	strace $0x9000006D  }
0xc5: {  	_ =	sfence  }
0xc6: {  	s30 =	sld [smem:$0x0];
	_ =	sdelay $0x2  }
0xc7: {  	s31 =	sshll.u32 s1, $0xD;
	s1 =	sshrl.u32 s1, $0x2  }
0xc8: {  	s4 =	sand.u32 $0x4000, s31;
	s1 =	sadd.s32 s1, s30  }
0xc9: {  	s0 =	sor.u32 s4, s0;
	s1 =	sshll.u32 s1, $0x11  }
0xca: {  	s0 =	sor.u32 s1, s0  }
0xcb: {  	s0 =	sadd.s32 $0x8F2B, s0  }
0xcc: {  	[sflag:s0] =	ssyncadd.remote.s32 $0x1  }
0xcd: {  	_ =	sfence.sel $0xFFFF  }
0xce: {  	[dreg:$0x0] =	wrdreg $0xFFFFFFFF;
	(pc) =	sbr.abs _section_cstart, $3  }
0xcf: {  	[dreg:$0x1] =	wrdreg $0xFFFFFFFF  }
0xd0: {  	_ =	task.clear_ibuf [dreg:s22], $0x2FFFF;
	_ =	strace $0x9FFFFFFF  }
0xd1: {  	(tm) =	ssettm $0x7FFFFFFF  }
tec
execute0_lowered:
.L_overlay_start_1:
0x0: {  	(tag) =	ssettag $0x1  }
0x1: {  	s1 =	rddreg [dreg:$0x0]  }
0x2: {  	s5 =	rddreg [dreg:$0x1]  }
0x3: {  	s0 =	rddreg [dreg:$0x2];
	s2 =	simm.s32 $0x0  }
0x4: {  	s3 =	srdreg.scid;
	s10 =	simm.s32 $0x4;
	s11 =	simm.s32 $0x0  }
0x5: {  	[smem:$0x7FF] =	sst s2;
	s6 =	sand.u32 $0x1, s3;
	s3 =	stileid.u32  }
0x6: {  	s4 =	sadd.s32 $0x792A00, s5;
	s7 =	sshll.u32 s6, $0x4;
	s6 =	ssub.s32 $0x2, s6  }
0x7: {  	s5 =	sadd.s32 $0x795200, s5;
	s7 =	sor.u32 s3, s7;
	s8 =	sshrl.u32 s6, $0x1  }
0x8: {  	v2 =	vlaneseq.u32;
	_ =	strace $0x80000065;
	s9 =	smul.u32 $0x140, s7;
	s8 =	ssub.s32 s6, s8  }
0x9: {  	vm0 =	vmmov $0xffff;
	v1 =	vshrl.u32 v2, $0x3;
	[dreg:$0x3] =	wrdreg s5;
	s5 =	smul.u32 $0x14, s7;
	s7 =	smax.u32 s8, $0x1  }
0xa: {  	v0 =	vand.u32 $0x7, v2;
	v2 =	vor.u32 $0x8, v2;
	v1 =	vmul.u32 $0x8, v1;
	s8 =	simm.s32 $0x5;
	s6 =	sadd.s32 s4, s9;
	s9 =	simm.s32 $0x6  }
.LBB2_1:
0xb: {  	_ =	strace $0x80000066;
	s12 =	simm.s32 $0x14  }
0xc: {  	s13 =	simm.s32 $0x0;
	s14 =	simm.s32 $0x0;
	s15 =	simm.s32 $0x0  }
0xd: {  	[tilespmem:s2], [sflag:$0x1] =	stream.linear.gather [hbm4b:s6+s2], $0x80, $0x200038;
	[tilespmem:$0x10100] =	vst v63  }
0xe: {  	s16 =	simm.s32 $0x0;
	s17 =	simm.s32 $0x1;
	_ =	strace $0x90000066  }
.LBB2_2:
0xf: {  	s18 =	smov.u32 s13;
	s13 =	sadd.s32 $0x1, s13  }
0x10: {  	p0 =	seq.s32 s13, $0x14  }
0x11: {  	s13 =	simm.s32 @p0 $0x0  }
0x12: {  	p6 =	sne.s32 s12, $0x1;
	p1 =	sne.s32 s18, s13  }
0x13: {  	p0 =	por !p6, !p1  }
0x14: {  	p0 =	por !p0, !p0  }
0x15: {  	s19 =	sadd.s32 @p0 s5, s13  }
0x16: {  	s20 =	sand.u32 @p0 $0x1, s17;
	s19 =	sshll.u32 @p0 s19, $0x4  }
0x17: {  	_ =	strace @p0 $0x80000067;
	s22 =	simm.s32 @p0 $0x0;
	s19 =	sand.u32 @p0 $0x1FFFFFF0, s19  }
0x18: {  	s21 =	sshll.u32 @p0 s20, $0x7;
	s20 =	sadd.s32 @p0 $0x1, s20;
	s19 =	sadd.s32 @p0 s4, s19  }
0x19: {  	[tilespmem:s21], [sflag:s20] =	stream.linear.gather @p0 [hbm4b:s19+s22], $0x80, $0x200038;
	[tilespmem:$0x10100] =	vst v63  }
0x1a: {  	s23 =	sand.u32 $0x1, s16;
	_ =	strace @p0 $0x90000067  }
0x1b: {  	s19 =	sadd.s32 $0x1, s23;
	_ =	strace $0x80000068  }
0x1c: {  	_ =	swait.ge [sflag:s19], $0x80  }
0x1d: {  	[sflag:s19] =	ssyncset.done $0x0  }
0x1e: {  	[sflag:s19] =	ssyncadd.s32 $0xFFFFFF80  }
0x1f: {  	s24 =	sshll.u32 s16, $0x7;
	_ =	strace $0x90000068  }
0x20: {  	s22 =	sand.u32 $0x80, s24;
	_ =	strace $0x80000069  }
0x21: {  	v3 =	vld [tilespmem:s22+$0x0];
	_ =	sdelay $0x4  }
0x22: {  	v4 =	vshll.u32 v3, $0x1  }
0x23: {  	v3 =	vand.u32 $0x7, v3;
	v4 =	vand.u32 $0xFFFFFFF0, v4  }
0x24: {  	v3 =	vor.u32 v3, v4  }
0x25: {  	v4 =	vperm.xlane v3, v0;
	_ =	sdelay $0x1  }
0x26: {  	v3 =	vperm.xlane v3, v2;
	v4 =	vadd.s32 v1, v4;
	_ =	sdelay $0x1  }
0x27: {  	s19 =	sand.u32 $0x1, s15;
	v3 =	vadd.s32 v1, v3  }
0x28: {  	s21 =	sshll.u32 s19, $0xF  }
0x29: {  	s20 =	sor.u32 $0x100, s21  }
0x2a: {  	[tilespmem:s20], [sflag:$0x5] =	stream.indirect_vreg.gather [hbm4b:s1+s2], $0x80, v4, vm0, $0x2000b8;
	[tilespmem:$0x10100] =	vst v63  }
0x2b: {  	s23 =	sor.u32 $0x900, s21  }
0x2c: {  	[tilespmem:s23], [sflag:$0x5] =	stream.indirect_vreg.gather [hbm4b:s1+s2], $0x80, v3, vm0, $0x2000b8;
	[tilespmem:$0x10100] =	vst v63  }
0x2d: {  	v3 =	vld [tilespmem:s22+$0x10];
	_ =	sdelay $0x4  }
0x2e: {  	v57 =	vshll.u32 v3, $0x1  }
0x2f: {  	v3 =	vand.u32 $0x7, v3;
	v4 =	vand.u32 $0xFFFFFFF0, v57  }
0x30: {  	v3 =	vor.u32 v3, v4  }
0x31: {  	v4 =	vperm.xlane v3, v0;
	_ =	sdelay $0x1  }
0x32: {  	v3 =	vperm.xlane v3, v2;
	v4 =	vadd.s32 v1, v4;
	_ =	sdelay $0x1  }
0x33: {  	v3 =	vadd.s32 v1, v3;
	_ =	sdelay $0x1  }
0x34: {  	s25 =	sor.u32 $0x1100, s21  }
0x35: {  	[tilespmem:s25], [sflag:$0x5] =	stream.indirect_vreg.gather [hbm4b:s1+s2], $0x80, v4, vm0, $0x2000b8;
	[tilespmem:$0x10100] =	vst v63  }
0x36: {  	s26 =	sor.u32 $0x1900, s21  }
0x37: {  	[tilespmem:s26], [sflag:$0x5] =	stream.indirect_vreg.gather [hbm4b:s1+s2], $0x80, v3, vm0, $0x2000b8;
	[tilespmem:$0x10100] =	vst v63  }
0x38: {  	v3 =	vld [tilespmem:s22+$0x20];
	_ =	sdelay $0x4  }
0x39: {  	v58 =	vshll.u32 v3, $0x1  }
0x3a: {  	v3 =	vand.u32 $0x7, v3;
	v4 =	vand.u32 $0xFFFFFFF0, v58  }
0x3b: {  	v3 =	vor.u32 v3, v4  }
0x3c: {  	v4 =	vperm.xlane v3, v0;
	_ =	sdelay $0x1  }
0x3d: {  	v3 =	vperm.xlane v3, v2;
	v4 =	vadd.s32 v1, v4;
	_ =	sdelay $0x1  }
0x3e: {  	v3 =	vadd.s32 v1, v3;
	_ =	sdelay $0x1  }
0x3f: {  	s28 =	sor.u32 $0x2100, s21  }
0x40: {  	[tilespmem:s28], [sflag:$0x5] =	stream.indirect_vreg.gather [hbm4b:s1+s2], $0x80, v4, vm0, $0x2000b8;
	[tilespmem:$0x10100] =	vst v63  }
0x41: {  	s29 =	sor.u32 $0x2900, s21  }
0x42: {  	[tilespmem:s29], [sflag:$0x5] =	stream.indirect_vreg.gather [hbm4b:s1+s2], $0x80, v3, vm0, $0x2000b8;
	[tilespmem:$0x10100] =	vst v63  }
0x43: {  	v3 =	vld [tilespmem:s22+$0x30];
	_ =	sdelay $0x4  }
0x44: {  	v59 =	vshll.u32 v3, $0x1  }
0x45: {  	v3 =	vand.u32 $0x7, v3;
	v4 =	vand.u32 $0xFFFFFFF0, v59  }
0x46: {  	v3 =	vor.u32 v3, v4  }
0x47: {  	v4 =	vperm.xlane v3, v0;
	_ =	sdelay $0x1  }
0x48: {  	v3 =	vperm.xlane v3, v2;
	v4 =	vadd.s32 v1, v4;
	_ =	sdelay $0x1  }
0x49: {  	v3 =	vadd.s32 v1, v3;
	_ =	sdelay $0x1  }
0x4a: {  	s30 =	sor.u32 $0x3100, s21  }
0x4b: {  	[tilespmem:s30], [sflag:$0x5] =	stream.indirect_vreg.gather [hbm4b:s1+s2], $0x80, v4, vm0, $0x2000b8;
	[tilespmem:$0x10100] =	vst v63  }
0x4c: {  	s31 =	sor.u32 $0x3900, s21  }
0x4d: {  	[tilespmem:s31], [sflag:$0x5] =	stream.indirect_vreg.gather [hbm4b:s1+s2], $0x80, v3, vm0, $0x2000b8;
	[tilespmem:$0x10100] =	vst v63  }
0x4e: {  	v3 =	vld [tilespmem:s22+$0x40];
	_ =	sdelay $0x4  }
0x4f: {  	v60 =	vshll.u32 v3, $0x1  }
0x50: {  	v3 =	vand.u32 $0x7, v3;
	v4 =	vand.u32 $0xFFFFFFF0, v60  }
0x51: {  	v3 =	vor.u32 v3, v4  }
0x52: {  	v4 =	vperm.xlane v3, v0;
	_ =	sdelay $0x1  }
0x53: {  	v3 =	vperm.xlane v3, v2;
	v4 =	vadd.s32 v1, v4;
	_ =	sdelay $0x1  }
0x54: {  	v3 =	vadd.s32 v1, v3;
	_ =	sdelay $0x1  }
0x55: {  	s24 =	sor.u32 $0x4100, s21  }
0x56: {  	[tilespmem:s24], [sflag:$0x6] =	stream.indirect_vreg.gather [hbm4b:s1+s2], $0x80, v4, vm0, $0x2000b8;
	[tilespmem:$0x10100] =	vst v63  }
0x57: {  	s25 =	sor.u32 $0x4900, s21  }
0x58: {  	[tilespmem:s25], [sflag:$0x6] =	stream.indirect_vreg.gather [hbm4b:s1+s2], $0x80, v3, vm0, $0x2000b8;
	[tilespmem:$0x10100] =	vst v63  }
0x59: {  	v3 =	vld [tilespmem:s22+$0x50];
	_ =	sdelay $0x4  }
0x5a: {  	v61 =	vshll.u32 v3, $0x1  }
0x5b: {  	v3 =	vand.u32 $0x7, v3;
	v4 =	vand.u32 $0xFFFFFFF0, v61  }
0x5c: {  	v3 =	vor.u32 v3, v4  }
0x5d: {  	v4 =	vperm.xlane v3, v0;
	_ =	sdelay $0x1  }
0x5e: {  	v3 =	vperm.xlane v3, v2;
	v4 =	vadd.s32 v1, v4;
	_ =	sdelay $0x1  }
0x5f: {  	v3 =	vadd.s32 v1, v3;
	_ =	sdelay $0x1  }
0x60: {  	s26 =	sor.u32 $0x5100, s21  }
0x61: {  	[tilespmem:s26], [sflag:$0x6] =	stream.indirect_vreg.gather [hbm4b:s1+s2], $0x80, v4, vm0, $0x2000b8;
	[tilespmem:$0x10100] =	vst v63  }
0x62: {  	s28 =	sor.u32 $0x5900, s21  }
0x63: {  	[tilespmem:s28], [sflag:$0x6] =	stream.indirect_vreg.gather [hbm4b:s1+s2], $0x80, v3, vm0, $0x2000b8;
	[tilespmem:$0x10100] =	vst v63  }
0x64: {  	v3 =	vld [tilespmem:s22+$0x60];
	_ =	sdelay $0x4  }
0x65: {  	v62 =	vshll.u32 v3, $0x1  }
0x66: {  	v3 =	vand.u32 $0x7, v3;
	v4 =	vand.u32 $0xFFFFFFF0, v62  }
0x67: {  	v3 =	vor.u32 v3, v4  }
0x68: {  	v4 =	vperm.xlane v3, v0;
	_ =	sdelay $0x1  }
0x69: {  	v3 =	vperm.xlane v3, v2;
	v4 =	vadd.s32 v1, v4;
	_ =	sdelay $0x1  }
0x6a: {  	v3 =	vadd.s32 v1, v3;
	_ =	sdelay $0x1  }
0x6b: {  	s29 =	sor.u32 $0x6100, s21  }
0x6c: {  	[tilespmem:s29], [sflag:$0x6] =	stream.indirect_vreg.gather [hbm4b:s1+s2], $0x80, v4, vm0, $0x2000b8;
	[tilespmem:$0x10100] =	vst v63  }
0x6d: {  	s30 =	sor.u32 $0x6900, s21  }
0x6e: {  	[tilespmem:s30], [sflag:$0x6] =	stream.indirect_vreg.gather [hbm4b:s1+s2], $0x80, v3, vm0, $0x2000b8;
	[tilespmem:$0x10100] =	vst v63  }
0x6f: {  	v3 =	vld [tilespmem:s22+$0x70];
	_ =	sdelay $0x4  }
0x70: {  	v63 =	vshll.u32 v3, $0x1  }
0x71: {  	v3 =	vand.u32 $0x7, v3;
	v4 =	vand.u32 $0xFFFFFFF0, v63  }
0x72: {  	v3 =	vor.u32 v3, v4  }
0x73: {  	v4 =	vperm.xlane v3, v0;
	_ =	sdelay $0x1  }
0x74: {  	v3 =	vperm.xlane v3, v2;
	v4 =	vadd.s32 v1, v4;
	_ =	sdelay $0x1  }
0x75: {  	v3 =	vadd.s32 v1, v3;
	_ =	sdelay $0x1  }
0x76: {  	s31 =	sor.u32 $0x7100, s21  }
0x77: {  	[tilespmem:s31], [sflag:$0x6] =	stream.indirect_vreg.gather [hbm4b:s1+s2], $0x80, v4, vm0, $0x2000b8;
	[tilespmem:$0x10100] =	vst v63  }
0x78: {  	s21 =	sor.u32 $0x7900, s21  }
0x79: {  	[tilespmem:s21], [sflag:$0x6] =	stream.indirect_vreg.gather [hbm4b:s1+s2], $0x80, v3, vm0, $0x2000b8;
	[tilespmem:$0x10100] =	vst v63  }
0x7a: {  	_ =	swait.ge [sflag:s8], $0x4000  }
0x7b: {  	[sflag:s8] =	ssyncset.done $0x0  }
0x7c: {  	[sflag:s8] =	ssyncadd.s32 $0xFFFFC000  }
0x7d: {  	_ =	swait.ge [sflag:s9], $0x4000  }
0x7e: {  	p2 =	seq.s32 s12, $0x1;
	[sflag:s9] =	ssyncset.done $0x0  }
0x7f: {  	s18 =	sadd.s32 s5, s18;
	p1 =	por p2, p1;
	[sflag:s9] =	ssyncadd.s32 $0xFFFFC000  }
0x80: {  	s18 =	sshll.u32 @p1 s18, $0xC;
	_ =	strace $0x90000069  }
0x81: {  	s18 =	sand.u32 @p1 $0x1FFFF000, s18;
	s22 =	simm.s32 $0x1;
	_ =	strace @p1 $0x8000006A  }
0x82: {  	s19 =	sadd.s32 @p1 $0x3, s19;
	s22 =	simm.s32 @!p0 $0x0;
	s21 =	rddreg [dreg:$0x3]  }
0x83: {  	p0 =	seq.s32 s12, $0x14;
	s18 =	sadd.s32 @p1 s21, s18;
	s21 =	simm.s32 @p1 $0x0  }
0x84: {  	[hbm4b:s18+s21] =	stream.linear.scatter @p1 [tilespmem:s20], [sflag:s19], $0x8000, $0x200038;
	[tilespmem:$0x10100] =	vst v63  }
0x85: {  	s18 =	simm.s32 $0x1;
	s20 =	simm.s32 $0x1;
	_ =	strace @p1 $0x9000006A  }
0x86: {  	s18 =	simm.s32 @!p1 $0x0;
	p1 =	sne.s32 s12, $0x14;
	s12 =	sadd.s32 $0xFFFFFFFF, s12  }
0x87: {  	s19 =	sand.u32 @!p0 $0x1, s14;
	s20 =	simm.s32 @!p1 $0x0;
	p1 =	sne.s32 s12, $0x0  }
.Ltmp0:
0x88: {  	s19 =	sadd.s32 @!p0 $0x3, s19;
	_ =	strace @!p0 $0x8000006B;
	(pc) =	sbr.rel @p1 .LBB2_2-.Ltmp0, $4  }
0x89: {  	_ =	swait.ge @!p0 [sflag:s19], $0x8000  }
0x8a: {  	[sflag:s19] =	ssyncset.done @!p0 $0x0  }
0x8b: {  	s17 =	sadd.s32 s22, s17;
	s15 =	sadd.s32 s18, s15;
	[sflag:s19] =	ssyncadd.s32 @!p0 $0xFFFF8000  }
0x8c: {  	s16 =	sadd.s32 s18, s16;
	s14 =	sadd.s32 s20, s14;
	_ =	strace @!p0 $0x9000006B  }
0x8d: {  	s11 =	sadd.s32 $0x1, s11  }
0x8e: {  	p0 =	sne.s32 s11, s7  }
.Ltmp1:
0x8f: {  	_ =	strace $0x8000006C;
	(pc) =	sbr.rel @p0 .LBB2_1-.Ltmp1, $4  }
0x90: {  	_ =	swait.ge [sflag:s10], $0x8000  }
0x91: {  	[sflag:s10] =	ssyncset.done $0x0  }
0x92: {  	[sflag:s10] =	ssyncadd.s32 $0xFFFF8000  }
0x93: {  	_ =	strace $0x9000006C  }
0x94: {  	_ =	sfence.sel $0x180000  }
0x95: {  	[bflag:$0x0] =	sbarrier.arrive $0xFFFF  }
0x96: {  	p0 =	sne.s32 s3, $0x0;
	_ =	strace $0x90000065  }
0x97: {  	s0 =	sadd.s32 @!p0 $0x100000, s0;
	[bflag:$0x2] =	sbarrier.arrive $0xFFFF  }
0x98: {  	[sflag:s0] =	ssyncadd.tile.s32 @!p0 $0x1;
	_ =	shalt  }
.Lfunc_end2:
_tile_overlayer_lowered:
.L_overlay_start_2:
0x99: {  	(tag) =	ssettag $0x2  }
0x9a: {  	s0 =	rddreg [dreg:$0x0];
	s2 =	stileid.u32  }
0x9b: {  	s1 =	rddreg [dreg:$0x1];
	p0 =	sne.s32 s2, $0x0  }
0x9c: {  	s3 =	rddreg [dreg:$0x2];
	[bflag:$0x3] =	sbarrier.arrive $0xFFFF;
	s2 =	simm.s32 @!p0 $0x1C01  }
0x9d: {  	[timem:s3], [sflag:s2] =	dma.local @!p0 [hbm:s0], s1  }
0x9e: {  	s0 =	simm.s32 @!p0 $0x1  }
0x9f: {  	_ =	swait.ge @!p0 [sflag:s0], s1  }
0xa0: {  	s1 =	ssub.s32 @!p0 $0x0, s1;
	[sflag:s0] =	ssyncset.done @!p0 $0x0  }
0xa1: {  	[sflag:s0] =	ssyncadd.s32 @!p0 s1  }
0xa2: {  	[bflag:$0x3] =	sbarrier.arrive $0xFFFF  }
0xa3: {  	_ =	shalt  }

// kernel: kernel.22.cloned.1.call-start
scs
__scs_entry_jumppad:
0x0: {  	(pc) =	sbr.rel $0x88, $3  }
0x1: {  	(tag) =	ssettag $0x0;
	lr =	simm.s32 $0x1  }
0x2: {  	[smem:$0x3F94] =	sst lr;
	_ =	strace $0xD0000000  }
0x3: {  	_ = 	snop  }
0x4: {  	_ = 	snop  }
0x5: {  	_ = 	snop  }
0x6: {  	_ = 	snop  }
0x7: {  	_ = 	snop  }
__scs_overlays_trampoline_lowered:
0x8: {  	[smem:$0x3FA3] =	sst s0  }
0x9: {  	[smem:$0x3FA4] =	sst s1  }
0xa: {  	[smem:$0x3FA5] =	sst s2  }
0xb: {  	[smem:$0x3FA6] =	sst s3  }
0xc: {  	[smem:$0x3FA7] =	sst s4  }
0xd: {  	[smem:$0x3FA8] =	sst s5  }
0xe: {  	[smem:$0x3FA9] =	sst s6  }
0xf: {  	[smem:$0x3FAA] =	sst s7  }
0x10: {  	[smem:$0x3FAB] =	sst s8  }
0x11: {  	[smem:$0x3FAC] =	sst s9;
	s0 =	simm.s32 @!p0 $0x0  }
0x12: {  	s1 =	sld [smem:$0x3F92];
	s0 =	simm.s32 @p0 $0x1  }
0x13: {  	[smem:$0x3FAD] =	sst s0;
	s0 =	simm.s32 @!p1 $0x0  }
0x14: {  	s2 =	sld [smem:$0x3F91];
	s0 =	simm.s32 @p1 $0x1  }
0x15: {  	[smem:$0x3FAE] =	sst s0;
	s0 =	simm.s32 @!p2 $0x0  }
0x16: {  	s3 =	sld [smem:$0x3FDB];
	s0 =	simm.s32 @p2 $0x1  }
0x17: {  	s4 =	simm.s32 $0x1BF5;
	[smem:$0x3FB0] =	sst s0  }
0x18: {  	s0 =	sld [smem:$0x3F93];
	_ =	swait.ge [sflag:s4], $0x0  }
0x19: {  	s7 =	sld [smem:$0x3F94]  }
0x1a: {  	s8 =	sadd.s32 $0xFFFFE003, lr  }
0x1b: {  	s9 =	sadd.s32 $0xFFFFFEF7, lr;
	s5 =	simm.s32 $0xFFFFFFFF;
	p2 =	slt.u32 s8, $0xFFFFF086  }
0x1c: {  	p1 =	slt.u32 s9, $0xF7A;
	s5 =	simm.s32 @!p2 $0x0  }
0x1d: {  	s5 =	simm.s32 @p1 $0x1;
	p0 =	seq.s32 s7, s2  }
0x1e: {  	s7 =	smul.u32 @!p0 $0xF7A, s2;
	p2 =	seq.s32 @!p0 s5, $0x0  }
0x1f: {  	s9 =	smul.u32 $0xF7A, s1;
	s8 =	simm.s32 @!p0 $0x1BF5;
	p2 =	por !p2, p0  }
0x20: {  	[sflag:s8] =	ssyncset.s32 @!p0 $0xFFFFF086;
	s6 =	sadd.s32 @!p0 s3, s7;
	s7 =	simm.s32 @!p0 $0x108  }
0x21: {  	s3 =	sadd.s32 s3, s9;
	s6 =	sadd.s32 @!p0 $0x88, s6;
	s7 =	simm.s32 @p2 $0x1082  }
0x22: {  	[simem:s7], [sflag:s8] =	dma.local @!p0 [hbm:s6], $0xF7A  }
0x23: {  	s9 =	sor.u32 $0xD0000000, s2;
	s6 =	simm.s32 $0x108;
	_ =	swait.ge @!p0 [sflag:s8], $0x0  }
0x24: {  	s3 =	sadd.s32 $0x88, s3;
	s6 =	simm.s32 @!p1 $0x1082;
	[sflag:s4] =	ssyncset.s32 $0xFFFFF086  }
0x25: {  	[simem:s6], [sflag:s4] =	dma.local [hbm:s3], $0xF7A  }
0x26: {  	[smem:$0x3F94] =	sst s1;
	(tag) =	ssettag s2;
	_ =	strace s9  }
0x27: {  	s1 =	sld [smem:$0x3FA4]  }
0x28: {  	s2 =	sld [smem:$0x3FA5]  }
0x29: {  	s4 =	sld [smem:$0x3FA7]  }
0x2a: {  	p0 =	seq.s32 s5, $0x0;
	s5 =	sld [smem:$0x3FA8]  }
0x2b: {  	s6 =	sld [smem:$0x3FA9]  }
0x2c: {  	s7 =	sld [smem:$0x3FAA]  }
0x2d: {  	s3 =	simm.s32 $0x108;
	s8 =	sld [smem:$0x3FAB]  }
0x2e: {  	s3 =	simm.s32 @!p0 $0x1082;
	s9 =	sld [smem:$0x3FAC]  }
0x2f: {  	lr =	sadd.s32 s0, s3;
	s0 =	sld [smem:$0x3FA3]  }
0x30: {  	s3 =	sld [smem:$0x3FA6]  }
0x31: {  	[smem:$0x3FAF] =	sst s10  }
0x32: {  	s10 =	sld [smem:$0x3FAD];
	_ =	sdelay $0x3  }
0x33: {  	p0 =	seq.s32 s10, $0x1;
	s10 =	sld [smem:$0x3FAF];
	_ =	sdelay $0x3  }
0x34: {  	[smem:$0x3FAF] =	sst s10  }
0x35: {  	s10 =	sld [smem:$0x3FAE];
	_ =	sdelay $0x3  }
0x36: {  	p1 =	seq.s32 s10, $0x1;
	s10 =	sld [smem:$0x3FAF];
	_ =	sdelay $0x3  }
0x37: {  	[smem:$0x3FAF] =	sst s10  }
0x38: {  	s10 =	sld [smem:$0x3FB0]  }
0x39: {  	_ = 	snop;
	(pc) =	sbr.ind lr, $3  }
0x3a: {  	_ = 	snop  }
0x3b: {  	_ = 	snop  }
0x3c: {  	p2 =	seq.s32 s10, $0x1;
	s10 =	sld [smem:$0x3FAF]  }
0x3d: {  	_ =	shalt  }
0x3e: {  	_ =	shalt  }
0x3f: {  	_ =	shalt  }
0x40: {  	_ =	shalt  }
0x41: {  	_ =	shalt  }
0x42: {  	_ =	shalt  }
0x43: {  	_ =	shalt  }
0x44: {  	_ =	shalt  }
0x45: {  	_ =	shalt  }
0x46: {  	_ =	shalt  }
0x47: {  	_ =	shalt  }
0x48: {  	_ =	shalt  }
0x49: {  	_ =	shalt  }
0x4a: {  	_ =	shalt  }
0x4b: {  	_ =	shalt  }
0x4c: {  	_ =	shalt  }
0x4d: {  	_ =	shalt  }
0x4e: {  	_ =	shalt  }
0x4f: {  	_ =	shalt  }
0x50: {  	_ =	shalt  }
0x51: {  	_ =	shalt  }
0x52: {  	_ =	shalt  }
0x53: {  	_ =	shalt  }
0x54: {  	_ =	shalt  }
0x55: {  	_ =	shalt  }
0x56: {  	_ =	shalt  }
0x57: {  	_ =	shalt  }
0x58: {  	_ =	shalt  }
0x59: {  	_ =	shalt  }
0x5a: {  	_ =	shalt  }
0x5b: {  	_ =	shalt  }
0x5c: {  	_ =	shalt  }
0x5d: {  	_ =	shalt  }
0x5e: {  	_ =	shalt  }
0x5f: {  	_ =	shalt  }
0x60: {  	_ =	shalt  }
0x61: {  	_ =	shalt  }
0x62: {  	_ =	shalt  }
0x63: {  	_ =	shalt  }
0x64: {  	_ =	shalt  }
0x65: {  	_ =	shalt  }
0x66: {  	_ =	shalt  }
0x67: {  	_ =	shalt  }
0x68: {  	_ =	shalt  }
0x69: {  	_ =	shalt  }
0x6a: {  	_ =	shalt  }
0x6b: {  	_ =	shalt  }
0x6c: {  	_ =	shalt  }
0x6d: {  	_ =	shalt  }
0x6e: {  	_ =	shalt  }
0x6f: {  	_ =	shalt  }
0x70: {  	_ =	shalt  }
0x71: {  	_ =	shalt  }
0x72: {  	_ =	shalt  }
0x73: {  	_ =	shalt  }
0x74: {  	_ =	shalt  }
0x75: {  	_ =	shalt  }
0x76: {  	_ =	shalt  }
0x77: {  	_ =	shalt  }
0x78: {  	_ =	shalt  }
0x79: {  	_ =	shalt  }
0x7a: {  	_ =	shalt  }
0x7b: {  	_ =	shalt  }
0x7c: {  	_ =	shalt  }
0x7d: {  	_ =	shalt  }
0x7e: {  	_ =	shalt  }
0x7f: {  	_ =	shalt  }
0x80: {  	_ =	shalt  }
0x81: {  	_ =	shalt  }
0x82: {  	_ =	shalt  }
0x83: {  	_ =	shalt  }
0x84: {  	_ =	shalt  }
0x85: {  	_ =	shalt  }
0x86: {  	_ =	shalt  }
0x87: {  	_ =	shalt  }
.Lfunc_end0:
.L_simem_size_0:
called_computation.2_lowered:
.L_overlay_start_0:
0x88: {  	s2 =	sld [smem:$0x3FD9]  }
0x89: {  	s3 =	sld [smem:$0x3FFE];
	_ =	sdelay $0x1  }
0x8a: {  	s1 =	srdreg.scid  }
0x8b: {  	s0 =	sand.u32 $0x1, s1  }
0x8c: {  	s17 =	sshll.u32 s0, $0xA;
	s2 =	sadd.s32 s3, s2  }
0x8d: {  	s2 =	sadd.s32 s2, s17  }
0x8e: {  	[smem:$0x3FBB] =	sst s2  }
0x8f: {  	_ = 	snop  }
0x90: {  	(tm) =	ssettm $0x1  }
0x91: {  	s18 =	sld [smem:$0x3FFB];
	_ =	sdelay $0x3  }
0x92: {  	_ =	strace s18  }
0x93: {  	s2 =	sld [smem:$0x3FFC];
	_ =	sdelay $0x3  }
0x94: {  	_ =	strace s2  }
0x95: {  	s2 =	sld [smem:$0x3FFD];
	_ =	sdelay $0x3  }
0x96: {  	_ =	strace s2  }
0x97: {  	_ =	strace $0x8FFFFFFF  }
0x98: {  	s19 =	sld [smem:$0x3FDB];
	_ =	sdelay $0x1  }
0x99: {  	s20 =	simm.s32 $_scs_section_size  }
0x9a: {  	s4 =	simm.s32 $_size__tile_overlayer_lowered;
	s5 =	simm.s32 $_tile_overlayer_lowered  }
0x9b: {  	s6 =	simm.s32 $0x1BFF;
	s21 =	sshll.u32 s5, $0x1;
	s3 =	sadd.s32 s20, s19  }
0x9c: {  	s22 =	simm.s32 $0x0;
	s4 =	sshll.u32 s4, $0x1;
	s5 =	sadd.s32 s21, s3  }
0x9d: {  	[timem:s22], [sflag:s6] =	dma.local [hbm:s5], s4  }
0x9e: {  	_ =	swait.ge [sflag:s6], s4  }
0x9f: {  	s4 =	ssub.s32 $0x0, s4;
	[sflag:s6] =	ssyncset.done $0x0  }
0xa0: {  	[sflag:s6] =	ssyncadd.s32 s4;
	_ =	sdelay $0x1  }
0xa1: {  	s23 =	simm.s32 $0x1B8B  }
0xa2: {  	_ =	swait.ge [sflag:s23], $0x1  }
0xa3: {  	[sflag:s23] =	ssyncset.done $0x0  }
0xa4: {  	[sflag:s23] =	ssyncadd.s32 $0xFFFFFFFF  }
0xa5: {  	s4 =	sld [smem:$0x0]  }
0xa6: {  	s5 =	sand.u32 $0xFFFFFFFE, s1  }
0xa7: {  	p0 =	sne.s32 s1, s5  }
0xa8: {  	s5 =	sshll.u32 @p0 s5, $0xE  }
0xa9: {  	s5 =	sadd.s32 @p0 $0x11B8D, s5;
	s6 =	sshll.u32 @p0 s4, $0x11  }
0xaa: {  	s5 =	sor.u32 @p0 s6, s5  }
0xab: {  	[sflag:s5] =	ssyncadd.remote.s32 @p0 $0x1;
	_ =	sdelay $0x1  }
0xac: {  	s5 =	simm.s32 @p0 $0x1B8D  }
0xad: {  	_ =	swait.eq @p0 [sflag:s5], $0x1  }
0xae: {  	[sflag:s5] =	ssyncadd.s32 @p0 $0xFFFFFFFF  }
0xaf: {  	s6 =	sshll.u32 @!p0 s1, $0xE  }
0xb0: {  	s6 =	sor.u32 @!p0 $0x4000, s6;
	s5 =	simm.s32 @!p0 $0x1B8D  }
0xb1: {  	s4 =	sshll.u32 @!p0 s4, $0x11;
	s6 =	sadd.s32 @!p0 $0x11B8D, s6;
	_ =	swait.eq @!p0 [sflag:s5], $0x1  }
0xb2: {  	s4 =	sor.u32 @!p0 s4, s6;
	[sflag:s5] =	ssyncadd.s32 @!p0 $0xFFFFFFFF  }
0xb3: {  	s25 =	simm.s32 $0x1B8E;
	s24 =	sld [smem:$0x3FFE];
	[sflag:s4] =	ssyncadd.remote.s32 @!p0 $0x1  }
0xb4: {  	s26 =	simm.s32 $execute0_lowered;
	[smem:$0x3FD2] =	sst s25  }
0xb5: {  	s5 =	sshll.u32 s26, $0x1;
	_ =	strace $0x8000007A;
	[dreg:$0x1] =	wrdreg $0xFFFFFFFF  }
0xb6: {  	s28 =	simm.s32 $_size_execute0_lowered;
	s3 =	sadd.s32 s3, s5;
	[dreg:$0x0] =	wrdreg $0x0  }
0xb7: {  	s5 =	sshll.u32 s28, $0x1;
	[dreg:$0x2] =	wrdreg s3  }
0xb8: {  	[dreg:$0x3] =	wrdreg s5  }
0xb9: {  	[dreg:$0x4] =	wrdreg $0xC0  }
0xba: {  	_ =	task [dreg:s22], $0x5FFFF  }
0xbb: {  	[dreg:$0x1] =	wrdreg $0xFFFFFFFF  }
0xbc: {  	[dreg:$0x0] =	wrdreg $0x60  }
0xbd: {  	[dreg:$0x2] =	wrdreg s24  }
0xbe: {  	[dreg:$0x3] =	wrdreg $0x0  }
0xbf: {  	[dreg:$0x4] =	wrdreg $0xA  }
0xc0: {  	_ =	task.clear_ibuf [dreg:s22], $0x5FFFF;
	_ =	strace $0x9000007A  }
0xc1: {  	s29 =	simm.s32 $0xA;
	_ =	strace $0x8000007C  }
0xc2: {  	_ =	swait.ge [sflag:s29], $0x1  }
0xc3: {  	[sflag:s29] =	ssyncadd.s32 $0xFFFFFFFF  }
0xc4: {  	_ =	strace $0x9000007C  }
0xc5: {  	_ =	sfence  }
0xc6: {  	s30 =	sld [smem:$0x0];
	_ =	sdelay $0x2  }
0xc7: {  	s31 =	sshll.u32 s1, $0xD;
	s1 =	sshrl.u32 s1, $0x2  }
0xc8: {  	s4 =	sand.u32 $0x4000, s31;
	s1 =	sadd.s32 s1, s30  }
0xc9: {  	s0 =	sor.u32 s4, s0;
	s1 =	sshll.u32 s1, $0x11  }
0xca: {  	s0 =	sor.u32 s1, s0  }
0xcb: {  	s0 =	sadd.s32 $0x8F2B, s0  }
0xcc: {  	[sflag:s0] =	ssyncadd.remote.s32 $0x1  }
0xcd: {  	_ =	sfence.sel $0xFFFF  }
0xce: {  	[dreg:$0x0] =	wrdreg $0xFFFFFFFF;
	(pc) =	sbr.abs _section_cstart, $3  }
0xcf: {  	[dreg:$0x1] =	wrdreg $0xFFFFFFFF  }
0xd0: {  	_ =	task.clear_ibuf [dreg:s22], $0x2FFFF;
	_ =	strace $0x9FFFFFFF  }
0xd1: {  	(tm) =	ssettm $0x7FFFFFFF  }
tec
execute0_lowered:
.L_overlay_start_1:
0x0: {  	(tag) =	ssettag $0x1  }
0x1: {  	s4 =	rddreg [dreg:$0x0]  }
0x2: {  	s2 =	rddreg [dreg:$0x1]  }
0x3: {  	s1 =	stileid.u32;
	s0 =	rddreg [dreg:$0x2]  }
0x4: {  	s3 =	simm.s32 $0x0;
	s8 =	srdreg.scid;
	s15 =	simm.s32 $0x400  }
0x5: {  	s16 =	simm.s32 $0x1000;
	s17 =	simm.s32 $0x13C00;
	s5 =	smul.u32 $0x28000, s1  }
0x6: {  	s18 =	simm.s32 $0x80;
	s19 =	simm.s32 $0x8;
	s6 =	smul.u32 $0x140, s1  }
0x7: {  	s20 =	simm.s32 $0x200;
	s21 =	simm.s32 $0x0;
	s7 =	smul.u32 $0x2780, s1  }
0x8: {  	[smem:$0x7FF] =	sst s3;
	s8 =	sand.u32 $0x1, s8;
	s9 =	smul.u32 $0x4F000, s1  }
0x9: {  	s13 =	sadd.s32 $0x6E6600, s4;
	s25 =	sshll.u32 s1, $0x6;
	_ =	strace $0x8000007B  }
0xa: {  	s22 =	ssub.s32 $0x2, s8;
	s26 =	sshll.u32 s8, $0xB;
	s28 =	sshll.u32 s8, $0x8  }
0xb: {  	s10 =	sadd.s32 s5, s4;
	s11 =	sadd.s32 s6, s4;
	s23 =	sadd.s32 s7, s4  }
0xc: {  	s24 =	sshrl.u32 s22, $0x1;
	s12 =	sshrl.u32 s9, $0x2;
	s5 =	sor.u32 $0x1C01, s25  }
0xd: {  	s6 =	sor.u32 s26, s9;
	s29 =	sshrl.u32 s9, $0x3;
	s30 =	sadd.s32 s28, s13  }
0xe: {  	s14 =	ssub.s32 s22, s24;
	s12 =	sadd.s32 s12, s2;
	s4 =	sadd.s32 $0xA15200, s23  }
0xf: {  	s6 =	sshrl.u32 s6, $0x3;
	s8 =	sadd.s32 s29, s30;
	s31 =	sadd.s32 s28, s10  }
0x10: {  	s10 =	sadd.s32 $0x791600, s11;
	s6 =	sadd.s32 s13, s6;
	s7 =	sadd.s32 $0x80, s8  }
0x11: {  	s8 =	smax.u32 s14, $0x1;
	s9 =	sadd.s32 $0x466600, s31;
	s11 =	sadd.s32 $0x466680, s31  }
0x12: {  	s12 =	sshrl.u32 s12, $0x3;
	s13 =	simm.s32 $0x1;
	s14 =	simm.s32 $0x17C00  }
.LBB2_1:
0x13: {  	[spmem:s12], [sflag:s5] =	dma.local [hbm:s4], $0x2780  }
0x14: {  	_ =	swait.ge [sflag:s13], $0x2780  }
0x15: {  	[sflag:s13] =	ssyncset.done $0x0  }
0x16: {  	[sflag:s13] =	ssyncadd.s32 $0xFFFFD880  }
0x17: {  	s22 =	sadd.s32 $0x0, s10;
	[bflag:$0x0] =	sbarrier.arrive $0xFFFF  }
0x18: {  	[tilespmem:s14], [sflag:$0x1] =	stream.linear.gather [hbm4b:s22+s3], $0x80, $0x38;
	[tilespmem:$0x17C80] =	vst v63  }
0x19: {  	_ =	swait.ge [sflag:s13], $0x80  }
0x1a: {  	[sflag:s13] =	ssyncset.done $0x0  }
0x1b: {  	[sflag:s13] =	ssyncadd.s32 $0xFFFFFF80  }
0x1c: {  	[tilespmem:s17], [sflag:$0x1] =	stream.strided.gather [hbm4b:s9+s15], $0x4000, s16, s15, $0x38;
	[tilespmem:$0x17C80] =	vst v63  }
0x1d: {  	_ =	swait.ge [sflag:s13], $0x4000  }
0x1e: {  	[sflag:s13] =	ssyncset.done $0x0  }
0x1f: {  	[sflag:s13] =	ssyncadd.s32 $0xFFFFC000  }
0x20: {  	[spmem:s2] =	stream.indirect.scatter.add.f32 [tilespmem:s17], [sflag:$0x1], $0x80, s14, s18, $0xb8;
	[tilespmem:$0x17C80] =	vst v63  }
0x21: {  	s23 =	simm.s32 $0x10;
	_ =	swait.ge [sflag:s13], $0x4000  }
0x22: {  	s24 =	simm.s32 $0x20;
	s22 =	sadd.s32 $0x2000, s9;
	[sflag:s13] =	ssyncset.done $0x0  }
.LBB2_2:
0x23: {  	s25 =	sadd.s32 s23, s10  }
0x24: {  	[sflag:s13] =	ssyncadd.s32 $0xFFFFC000;
	s23 =	smov.u32 s24;
	s26 =	sadd.s32 $0x10, s24  }
0x25: {  	[tilespmem:s14], [sflag:$0x1] =	stream.linear.gather [hbm4b:s25+s3], $0x80, $0x38;
	[tilespmem:$0x17C80] =	vst v63  }
0x26: {  	p0 =	sne.s32 s24, $0x130;
	_ =	swait.ge [sflag:s13], $0x80  }
0x27: {  	[sflag:s13] =	ssyncset.done $0x0  }
0x28: {  	[sflag:s13] =	ssyncadd.s32 $0xFFFFFF80  }
0x29: {  	[tilespmem:s17], [sflag:$0x1] =	stream.strided.gather [hbm4b:s22+s15], $0x4000, s16, s15, $0x38;
	[tilespmem:$0x17C80] =	vst v63  }
0x2a: {  	_ =	swait.ge [sflag:s13], $0x4000  }
.Ltmp0:
0x2b: {  	[sflag:s13] =	ssyncset.done $0x0;
	(pc) =	sbr.rel @p0 .LBB2_2-.Ltmp0, $4  }
0x2c: {  	[sflag:s13] =	ssyncadd.s32 $0xFFFFC000  }
0x2d: {  	[spmem:s2] =	stream.indirect.scatter.add.f32 [tilespmem:s17], [sflag:$0x1], $0x80, s14, s18, $0xb8;
	[tilespmem:$0x17C80] =	vst v63  }
0x2e: {  	_ =	swait.ge [sflag:s13], $0x4000  }
0x2f: {  	s24 =	smov.u32 s26;
	s22 =	sadd.s32 $0x2000, s22;
	[sflag:s13] =	ssyncset.done $0x0  }
0x30: {  	s23 =	sadd.s32 s23, s10;
	[sflag:s13] =	ssyncadd.s32 $0xFFFFC000  }
0x31: {  	[tilespmem:s14], [sflag:$0x1] =	stream.linear.gather [hbm4b:s23+s3], $0x80, $0x38;
	[tilespmem:$0x17C80] =	vst v63  }
0x32: {  	_ =	swait.ge [sflag:s13], $0x80  }
0x33: {  	[sflag:s13] =	ssyncset.done $0x0  }
0x34: {  	[sflag:s13] =	ssyncadd.s32 $0xFFFFFF80  }
0x35: {  	[tilespmem:s17], [sflag:$0x1] =	stream.strided.gather [hbm4b:s22+s15], $0x4000, s16, s15, $0x38;
	[tilespmem:$0x17C80] =	vst v63  }
0x36: {  	_ =	swait.ge [sflag:s13], $0x4000  }
0x37: {  	[sflag:s13] =	ssyncset.done $0x0  }
0x38: {  	[sflag:s13] =	ssyncadd.s32 $0xFFFFC000  }
0x39: {  	[spmem:s2] =	stream.indirect.scatter.add.f32 [tilespmem:s17], [sflag:$0x1], $0x80, s14, s18, $0xb8;
	[tilespmem:$0x17C80] =	vst v63  }
0x3a: {  	_ =	swait.ge [sflag:s13], $0x4000  }
0x3b: {  	[sflag:s13] =	ssyncset.done $0x0  }
0x3c: {  	[sflag:s13] =	ssyncadd.s32 $0xFFFFC000  }
0x3d: {  	[bflag:$0x0] =	sbarrier.arrive $0xFFFF  }
0x3e: {  	[hbm:s6@s20], [sflag:s5] =	dma.strided [spmem:s12@s18], $0x2780, s19, $0x10   }
0x3f: {  	_ =	swait.ge [sflag:s13], $0x2780  }
0x40: {  	[sflag:s13] =	ssyncset.done $0x0  }
0x41: {  	[sflag:s13] =	ssyncadd.s32 $0xFFFFD880  }
0x42: {  	[spmem:s12], [sflag:s5] =	dma.local [hbm:s4], $0x2780  }
0x43: {  	_ =	swait.ge [sflag:s13], $0x2780  }
0x44: {  	[sflag:s13] =	ssyncset.done $0x0  }
0x45: {  	[sflag:s13] =	ssyncadd.s32 $0xFFFFD880  }
0x46: {  	s31 =	sadd.s32 $0x0, s10;
	[bflag:$0x0] =	sbarrier.arrive $0xFFFF  }
0x47: {  	[tilespmem:s14], [sflag:$0x1] =	stream.linear.gather [hbm4b:s31+s3], $0x80, $0x38;
	[tilespmem:$0x17C80] =	vst v63  }
0x48: {  	_ =	swait.ge [sflag:s13], $0x80  }
0x49: {  	[sflag:s13] =	ssyncset.done $0x0  }
0x4a: {  	[sflag:s13] =	ssyncadd.s32 $0xFFFFFF80  }
0x4b: {  	[tilespmem:s17], [sflag:$0x1] =	stream.strided.gather [hbm4b:s11+s15], $0x4000, s16, s15, $0x38;
	[tilespmem:$0x17C80] =	vst v63  }
0x4c: {  	_ =	swait.ge [sflag:s13], $0x4000  }
0x4d: {  	[sflag:s13] =	ssyncset.done $0x0  }
0x4e: {  	[sflag:s13] =	ssyncadd.s32 $0xFFFFC000  }
0x4f: {  	[spmem:s2] =	stream.indirect.scatter.add.f32 [tilespmem:s17], [sflag:$0x1], $0x80, s14, s18, $0xb8;
	[tilespmem:$0x17C80] =	vst v63  }
0x50: {  	s24 =	simm.s32 $0x20;
	_ =	swait.ge [sflag:s13], $0x4000  }
0x51: {  	s23 =	simm.s32 $0x10;
	s22 =	sadd.s32 $0x2000, s11;
	[sflag:s13] =	ssyncset.done $0x0  }
.LBB2_4:
0x52: {  	s25 =	sadd.s32 s23, s10  }
0x53: {  	[sflag:s13] =	ssyncadd.s32 $0xFFFFC000;
	s23 =	smov.u32 s24;
	s26 =	sadd.s32 $0x10, s24  }
0x54: {  	[tilespmem:s14], [sflag:$0x1] =	stream.linear.gather [hbm4b:s25+s3], $0x80, $0x38;
	[tilespmem:$0x17C80] =	vst v63  }
0x55: {  	p0 =	sne.s32 s24, $0x130;
	_ =	swait.ge [sflag:s13], $0x80  }
0x56: {  	[sflag:s13] =	ssyncset.done $0x0  }
0x57: {  	[sflag:s13] =	ssyncadd.s32 $0xFFFFFF80  }
0x58: {  	[tilespmem:s17], [sflag:$0x1] =	stream.strided.gather [hbm4b:s22+s15], $0x4000, s16, s15, $0x38;
	[tilespmem:$0x17C80] =	vst v63  }
0x59: {  	_ =	swait.ge [sflag:s13], $0x4000  }
.Ltmp1:
0x5a: {  	[sflag:s13] =	ssyncset.done $0x0;
	(pc) =	sbr.rel @p0 .LBB2_4-.Ltmp1, $4  }
0x5b: {  	[sflag:s13] =	ssyncadd.s32 $0xFFFFC000  }
0x5c: {  	[spmem:s2] =	stream.indirect.scatter.add.f32 [tilespmem:s17], [sflag:$0x1], $0x80, s14, s18, $0xb8;
	[tilespmem:$0x17C80] =	vst v63  }
0x5d: {  	_ =	swait.ge [sflag:s13], $0x4000  }
0x5e: {  	s24 =	smov.u32 s26;
	s22 =	sadd.s32 $0x2000, s22;
	[sflag:s13] =	ssyncset.done $0x0  }
0x5f: {  	s23 =	sadd.s32 s23, s10;
	[sflag:s13] =	ssyncadd.s32 $0xFFFFC000  }
0x60: {  	[tilespmem:s14], [sflag:$0x1] =	stream.linear.gather [hbm4b:s23+s3], $0x80, $0x38;
	[tilespmem:$0x17C80] =	vst v63  }
0x61: {  	_ =	swait.ge [sflag:s13], $0x80  }
0x62: {  	[sflag:s13] =	ssyncset.done $0x0  }
0x63: {  	[sflag:s13] =	ssyncadd.s32 $0xFFFFFF80  }
0x64: {  	[tilespmem:s17], [sflag:$0x1] =	stream.strided.gather [hbm4b:s22+s15], $0x4000, s16, s15, $0x38;
	[tilespmem:$0x17C80] =	vst v63  }
0x65: {  	_ =	swait.ge [sflag:s13], $0x4000  }
0x66: {  	[sflag:s13] =	ssyncset.done $0x0  }
0x67: {  	[sflag:s13] =	ssyncadd.s32 $0xFFFFC000  }
0x68: {  	[spmem:s2] =	stream.indirect.scatter.add.f32 [tilespmem:s17], [sflag:$0x1], $0x80, s14, s18, $0xb8;
	[tilespmem:$0x17C80] =	vst v63  }
0x69: {  	_ =	swait.ge [sflag:s13], $0x4000  }
0x6a: {  	s21 =	sadd.s32 $0x1, s21;
	[sflag:s13] =	ssyncset.done $0x0  }
0x6b: {  	p0 =	sne.s32 s21, s8;
	[sflag:s13] =	ssyncadd.s32 $0xFFFFC000  }
.Ltmp2:
0x6c: {  	[bflag:$0x0] =	sbarrier.arrive $0xFFFF;
	(pc) =	sbr.rel @p0 .LBB2_1-.Ltmp2, $4  }
0x6d: {  	[hbm:s7@s20], [sflag:s5] =	dma.strided [spmem:s12@s18], $0x2780, s19, $0x10   }
0x6e: {  	_ =	swait.ge [sflag:s13], $0x2780  }
0x6f: {  	[sflag:s13] =	ssyncset.done $0x0  }
0x70: {  	[sflag:s13] =	ssyncadd.s32 $0xFFFFD880  }
0x71: {  	_ =	sfence.sel $0x180000  }
0x72: {  	[bflag:$0x0] =	sbarrier.arrive $0xFFFF  }
0x73: {  	p0 =	sne.s32 s1, $0x0;
	_ =	strace $0x9000007B  }
0x74: {  	s0 =	sadd.s32 @!p0 $0x100000, s0;
	[bflag:$0x2] =	sbarrier.arrive $0xFFFF  }
0x75: {  	[sflag:s0] =	ssyncadd.tile.s32 @!p0 $0x1;
	_ =	shalt  }
.Lfunc_end2:
_tile_overlayer_lowered:
.L_overlay_start_2:
0x76: {  	(tag) =	ssettag $0x2  }
0x77: {  	s0 =	rddreg [dreg:$0x0];
	s2 =	stileid.u32  }
0x78: {  	s1 =	rddreg [dreg:$0x1];
	p0 =	sne.s32 s2, $0x0  }
0x79: {  	s3 =	rddreg [dreg:$0x2];
	[bflag:$0x3] =	sbarrier.arrive $0xFFFF;
	s2 =	simm.s32 @!p0 $0x1C01  }
0x7a: {  	[timem:s3], [sflag:s2] =	dma.local @!p0 [hbm:s0], s1  }
0x7b: {  	s0 =	simm.s32 @!p0 $0x1  }
0x7c: {  	_ =	swait.ge @!p0 [sflag:s0], s1  }
0x7d: {  	s1 =	ssub.s32 @!p0 $0x0, s1;
	[sflag:s0] =	ssyncset.done @!p0 $0x0  }
0x7e: {  	[sflag:s0] =	ssyncadd.s32 @!p0 s1  }
0x7f: {  	[bflag:$0x3] =	sbarrier.arrive $0xFFFF  }
0x80: {  	_ =	shalt  }

// kernel: kernel.25.cloned.1.call-start
scs
__scs_entry_jumppad:
0x0: {  	(pc) =	sbr.rel $0x88, $3  }
0x1: {  	(tag) =	ssettag $0x0;
	lr =	simm.s32 $0x1  }
0x2: {  	[smem:$0x3F94] =	sst lr;
	_ =	strace $0xD0000000  }
0x3: {  	_ = 	snop  }
0x4: {  	_ = 	snop  }
0x5: {  	_ = 	snop  }
0x6: {  	_ = 	snop  }
0x7: {  	_ = 	snop  }
__scs_overlays_trampoline_lowered:
0x8: {  	[smem:$0x3FA3] =	sst s0  }
0x9: {  	[smem:$0x3FA4] =	sst s1  }
0xa: {  	[smem:$0x3FA5] =	sst s2  }
0xb: {  	[smem:$0x3FA6] =	sst s3  }
0xc: {  	[smem:$0x3FA7] =	sst s4  }
0xd: {  	[smem:$0x3FA8] =	sst s5  }
0xe: {  	[smem:$0x3FA9] =	sst s6  }
0xf: {  	[smem:$0x3FAA] =	sst s7  }
0x10: {  	[smem:$0x3FAB] =	sst s8  }
0x11: {  	[smem:$0x3FAC] =	sst s9;
	s0 =	simm.s32 @!p0 $0x0  }
0x12: {  	s1 =	sld [smem:$0x3F92];
	s0 =	simm.s32 @p0 $0x1  }
0x13: {  	[smem:$0x3FAD] =	sst s0;
	s0 =	simm.s32 @!p1 $0x0  }
0x14: {  	s2 =	sld [smem:$0x3F91];
	s0 =	simm.s32 @p1 $0x1  }
0x15: {  	[smem:$0x3FAE] =	sst s0;
	s0 =	simm.s32 @!p2 $0x0  }
0x16: {  	s3 =	sld [smem:$0x3FDB];
	s0 =	simm.s32 @p2 $0x1  }
0x17: {  	s4 =	simm.s32 $0x1BF5;
	[smem:$0x3FB0] =	sst s0  }
0x18: {  	s0 =	sld [smem:$0x3F93];
	_ =	swait.ge [sflag:s4], $0x0  }
0x19: {  	s7 =	sld [smem:$0x3F94]  }
0x1a: {  	s8 =	sadd.s32 $0xFFFFE003, lr  }
0x1b: {  	s9 =	sadd.s32 $0xFFFFFEF7, lr;
	s5 =	simm.s32 $0xFFFFFFFF;
	p2 =	slt.u32 s8, $0xFFFFF086  }
0x1c: {  	p1 =	slt.u32 s9, $0xF7A;
	s5 =	simm.s32 @!p2 $0x0  }
0x1d: {  	s5 =	simm.s32 @p1 $0x1;
	p0 =	seq.s32 s7, s2  }
0x1e: {  	s7 =	smul.u32 @!p0 $0xF7A, s2;
	p2 =	seq.s32 @!p0 s5, $0x0  }
0x1f: {  	s9 =	smul.u32 $0xF7A, s1;
	s8 =	simm.s32 @!p0 $0x1BF5;
	p2 =	por !p2, p0  }
0x20: {  	[sflag:s8] =	ssyncset.s32 @!p0 $0xFFFFF086;
	s6 =	sadd.s32 @!p0 s3, s7;
	s7 =	simm.s32 @!p0 $0x108  }
0x21: {  	s3 =	sadd.s32 s3, s9;
	s6 =	sadd.s32 @!p0 $0x88, s6;
	s7 =	simm.s32 @p2 $0x1082  }
0x22: {  	[simem:s7], [sflag:s8] =	dma.local @!p0 [hbm:s6], $0xF7A  }
0x23: {  	s9 =	sor.u32 $0xD0000000, s2;
	s6 =	simm.s32 $0x108;
	_ =	swait.ge @!p0 [sflag:s8], $0x0  }
0x24: {  	s3 =	sadd.s32 $0x88, s3;
	s6 =	simm.s32 @!p1 $0x1082;
	[sflag:s4] =	ssyncset.s32 $0xFFFFF086  }
0x25: {  	[simem:s6], [sflag:s4] =	dma.local [hbm:s3], $0xF7A  }
0x26: {  	[smem:$0x3F94] =	sst s1;
	(tag) =	ssettag s2;
	_ =	strace s9  }
0x27: {  	s1 =	sld [smem:$0x3FA4]  }
0x28: {  	s2 =	sld [smem:$0x3FA5]  }
0x29: {  	s4 =	sld [smem:$0x3FA7]  }
0x2a: {  	p0 =	seq.s32 s5, $0x0;
	s5 =	sld [smem:$0x3FA8]  }
0x2b: {  	s6 =	sld [smem:$0x3FA9]  }
0x2c: {  	s7 =	sld [smem:$0x3FAA]  }
0x2d: {  	s3 =	simm.s32 $0x108;
	s8 =	sld [smem:$0x3FAB]  }
0x2e: {  	s3 =	simm.s32 @!p0 $0x1082;
	s9 =	sld [smem:$0x3FAC]  }
0x2f: {  	lr =	sadd.s32 s0, s3;
	s0 =	sld [smem:$0x3FA3]  }
0x30: {  	s3 =	sld [smem:$0x3FA6]  }
0x31: {  	[smem:$0x3FAF] =	sst s10  }
0x32: {  	s10 =	sld [smem:$0x3FAD];
	_ =	sdelay $0x3  }
0x33: {  	p0 =	seq.s32 s10, $0x1;
	s10 =	sld [smem:$0x3FAF];
	_ =	sdelay $0x3  }
0x34: {  	[smem:$0x3FAF] =	sst s10  }
0x35: {  	s10 =	sld [smem:$0x3FAE];
	_ =	sdelay $0x3  }
0x36: {  	p1 =	seq.s32 s10, $0x1;
	s10 =	sld [smem:$0x3FAF];
	_ =	sdelay $0x3  }
0x37: {  	[smem:$0x3FAF] =	sst s10  }
0x38: {  	s10 =	sld [smem:$0x3FB0]  }
0x39: {  	_ = 	snop;
	(pc) =	sbr.ind lr, $3  }
0x3a: {  	_ = 	snop  }
0x3b: {  	_ = 	snop  }
0x3c: {  	p2 =	seq.s32 s10, $0x1;
	s10 =	sld [smem:$0x3FAF]  }
0x3d: {  	_ =	shalt  }
0x3e: {  	_ =	shalt  }
0x3f: {  	_ =	shalt  }
0x40: {  	_ =	shalt  }
0x41: {  	_ =	shalt  }
0x42: {  	_ =	shalt  }
0x43: {  	_ =	shalt  }
0x44: {  	_ =	shalt  }
0x45: {  	_ =	shalt  }
0x46: {  	_ =	shalt  }
0x47: {  	_ =	shalt  }
0x48: {  	_ =	shalt  }
0x49: {  	_ =	shalt  }
0x4a: {  	_ =	shalt  }
0x4b: {  	_ =	shalt  }
0x4c: {  	_ =	shalt  }
0x4d: {  	_ =	shalt  }
0x4e: {  	_ =	shalt  }
0x4f: {  	_ =	shalt  }
0x50: {  	_ =	shalt  }
0x51: {  	_ =	shalt  }
0x52: {  	_ =	shalt  }
0x53: {  	_ =	shalt  }
0x54: {  	_ =	shalt  }
0x55: {  	_ =	shalt  }
0x56: {  	_ =	shalt  }
0x57: {  	_ =	shalt  }
0x58: {  	_ =	shalt  }
0x59: {  	_ =	shalt  }
0x5a: {  	_ =	shalt  }
0x5b: {  	_ =	shalt  }
0x5c: {  	_ =	shalt  }
0x5d: {  	_ =	shalt  }
0x5e: {  	_ =	shalt  }
0x5f: {  	_ =	shalt  }
0x60: {  	_ =	shalt  }
0x61: {  	_ =	shalt  }
0x62: {  	_ =	shalt  }
0x63: {  	_ =	shalt  }
0x64: {  	_ =	shalt  }
0x65: {  	_ =	shalt  }
0x66: {  	_ =	shalt  }
0x67: {  	_ =	shalt  }
0x68: {  	_ =	shalt  }
0x69: {  	_ =	shalt  }
0x6a: {  	_ =	shalt  }
0x6b: {  	_ =	shalt  }
0x6c: {  	_ =	shalt  }
0x6d: {  	_ =	shalt  }
0x6e: {  	_ =	shalt  }
0x6f: {  	_ =	shalt  }
0x70: {  	_ =	shalt  }
0x71: {  	_ =	shalt  }
0x72: {  	_ =	shalt  }
0x73: {  	_ =	shalt  }
0x74: {  	_ =	shalt  }
0x75: {  	_ =	shalt  }
0x76: {  	_ =	shalt  }
0x77: {  	_ =	shalt  }
0x78: {  	_ =	shalt  }
0x79: {  	_ =	shalt  }
0x7a: {  	_ =	shalt  }
0x7b: {  	_ =	shalt  }
0x7c: {  	_ =	shalt  }
0x7d: {  	_ =	shalt  }
0x7e: {  	_ =	shalt  }
0x7f: {  	_ =	shalt  }
0x80: {  	_ =	shalt  }
0x81: {  	_ =	shalt  }
0x82: {  	_ =	shalt  }
0x83: {  	_ =	shalt  }
0x84: {  	_ =	shalt  }
0x85: {  	_ =	shalt  }
0x86: {  	_ =	shalt  }
0x87: {  	_ =	shalt  }
.Lfunc_end0:
.L_simem_size_0:
called_computation.3_lowered:
.L_overlay_start_0:
0x88: {  	s2 =	sld [smem:$0x3FD9]  }
0x89: {  	s3 =	sld [smem:$0x3FFE];
	_ =	sdelay $0x1  }
0x8a: {  	s1 =	srdreg.scid  }
0x8b: {  	s0 =	sand.u32 $0x1, s1  }
0x8c: {  	s17 =	sshll.u32 s0, $0xA;
	s2 =	sadd.s32 s3, s2  }
0x8d: {  	s2 =	sadd.s32 s2, s17  }
0x8e: {  	[smem:$0x3FBB] =	sst s2  }
0x8f: {  	_ = 	snop  }
0x90: {  	s2 =	sld [smem:$0x3FD0];
	(tm) =	ssettm $0x1  }
0x91: {  	s18 =	sld [smem:$0x3FFB];
	_ =	sdelay $0x3  }
0x92: {  	_ =	strace s18  }
0x93: {  	s3 =	sld [smem:$0x3FFC];
	_ =	sdelay $0x3  }
0x94: {  	_ =	strace s3  }
0x95: {  	s3 =	sld [smem:$0x3FFD];
	_ =	sdelay $0x3  }
0x96: {  	_ =	strace s3  }
0x97: {  	_ =	strace $0x8FFFFFFF  }
0x98: {  	s19 =	sld [smem:$0x3FDB];
	_ =	sdelay $0x1  }
0x99: {  	s4 =	simm.s32 $_scs_section_size  }
0x9a: {  	s5 =	simm.s32 $_size__tile_overlayer_lowered;
	s6 =	simm.s32 $_tile_overlayer_lowered  }
0x9b: {  	s22 =	simm.s32 $0x1BFF;
	s21 =	sshll.u32 s6, $0x1;
	s3 =	sadd.s32 s4, s19  }
0x9c: {  	s7 =	simm.s32 $0x0;
	s20 =	sshll.u32 s5, $0x1;
	s5 =	sadd.s32 s21, s3  }
0x9d: {  	[timem:s7], [sflag:s22] =	dma.local [hbm:s5], s20  }
0x9e: {  	_ =	swait.ge [sflag:s22], s20  }
0x9f: {  	s4 =	ssub.s32 $0x0, s20;
	[sflag:s22] =	ssyncset.done $0x0  }
0xa0: {  	[sflag:s22] =	ssyncadd.s32 s4;
	_ =	sdelay $0x1  }
0xa1: {  	s23 =	simm.s32 $0x1B8B  }
0xa2: {  	_ =	swait.ge [sflag:s23], $0x1  }
0xa3: {  	[sflag:s23] =	ssyncset.done $0x0  }
0xa4: {  	s25 =	simm.s32 $0x1B8E;
	s24 =	sld [smem:$0x3FFE];
	[sflag:s23] =	ssyncadd.s32 $0xFFFFFFFF  }
0xa5: {  	s26 =	simm.s32 $execute0_lowered;
	[smem:$0x3FD2] =	sst s25  }
0xa6: {  	s5 =	sshll.u32 s26, $0x1;
	_ =	strace $0x80000046;
	[dreg:$0x1] =	wrdreg $0xFFFFFFFF  }
0xa7: {  	s28 =	simm.s32 $_size_execute0_lowered;
	s3 =	sadd.s32 s3, s5;
	[dreg:$0x0] =	wrdreg $0x0  }
0xa8: {  	s5 =	sshll.u32 s28, $0x1;
	[dreg:$0x2] =	wrdreg s3  }
0xa9: {  	[dreg:$0x3] =	wrdreg s5  }
0xaa: {  	[dreg:$0x4] =	wrdreg $0xC0  }
0xab: {  	_ =	task [dreg:s7], $0x5FFFF  }
0xac: {  	[dreg:$0x1] =	wrdreg $0xFFFFFFFF  }
0xad: {  	[dreg:$0x0] =	wrdreg $0x60  }
0xae: {  	[dreg:$0x2] =	wrdreg s2  }
0xaf: {  	[dreg:$0x3] =	wrdreg s24  }
0xb0: {  	[dreg:$0x4] =	wrdreg $0xB  }
0xb1: {  	_ =	task.clear_ibuf [dreg:s7], $0x5FFFF;
	_ =	strace $0x90000046  }
0xb2: {  	s29 =	simm.s32 $0xB;
	_ =	strace $0x8000004F  }
0xb3: {  	_ =	swait.ge [sflag:s29], $0x1  }
0xb4: {  	[sflag:s29] =	ssyncadd.s32 $0xFFFFFFFF  }
0xb5: {  	_ =	strace $0x9000004F  }
0xb6: {  	_ =	sfence  }
0xb7: {  	s30 =	sld [smem:$0x0];
	_ =	sdelay $0x2  }
0xb8: {  	s31 =	sshll.u32 s1, $0xD;
	s1 =	sshrl.u32 s1, $0x2  }
0xb9: {  	s3 =	sand.u32 $0x4000, s31;
	s1 =	sadd.s32 s1, s30  }
0xba: {  	s0 =	sor.u32 s3, s0;
	s1 =	sshll.u32 s1, $0x11  }
0xbb: {  	s0 =	sor.u32 s1, s0  }
0xbc: {  	s0 =	sadd.s32 $0x8F2B, s0  }
0xbd: {  	[sflag:s0] =	ssyncadd.remote.s32 $0x1  }
0xbe: {  	_ =	sfence.sel $0xFFFF  }
0xbf: {  	[dreg:$0x0] =	wrdreg $0xFFFFFFFF;
	(pc) =	sbr.abs _section_cstart, $3  }
0xc0: {  	[dreg:$0x1] =	wrdreg $0xFFFFFFFF  }
0xc1: {  	_ =	task.clear_ibuf [dreg:s7], $0x2FFFF;
	_ =	strace $0x9FFFFFFF  }
0xc2: {  	(tm) =	ssettm $0x7FFFFFFF  }
0xc3: {  	_ =	shalt  }
tec
execute0_lowered:
.L_overlay_start_1:
0x0: {  	(tag) =	ssettag $0x1  }
0x1: {  	s1 =	rddreg [dreg:$0x0]  }
0x2: {  	s5 =	rddreg [dreg:$0x1]  }
0x3: {  	s0 =	rddreg [dreg:$0x2];
	s2 =	simm.s32 $0x0  }
0x4: {  	s3 =	srdreg.scid;
	s10 =	simm.s32 $0x4;
	s11 =	simm.s32 $0x0  }
0x5: {  	[smem:$0x7FF] =	sst s2;
	s6 =	sand.u32 $0x1, s3;
	s3 =	stileid.u32  }
0x6: {  	s4 =	sadd.s32 $0xC600, s5;
	s7 =	sshll.u32 s6, $0x4;
	s6 =	ssub.s32 $0x2, s6  }
0x7: {  	s5 =	sadd.s32 $0xEE00, s5;
	s7 =	sor.u32 s3, s7;
	s8 =	sshrl.u32 s6, $0x1  }
0x8: {  	v2 =	vlaneseq.u32;
	_ =	strace $0x80000047;
	s9 =	smul.u32 $0x140, s7;
	s8 =	ssub.s32 s6, s8  }
0x9: {  	vm0 =	vmmov $0xffff;
	v1 =	vshrl.u32 v2, $0x3;
	[dreg:$0x3] =	wrdreg s5;
	s5 =	smul.u32 $0x14, s7;
	s7 =	smax.u32 s8, $0x1  }
0xa: {  	v0 =	vand.u32 $0x7, v2;
	v2 =	vor.u32 $0x8, v2;
	v1 =	vmul.u32 $0x8, v1;
	s8 =	simm.s32 $0x5;
	s6 =	sadd.s32 s4, s9;
	s9 =	simm.s32 $0x6  }
.LBB2_1:
0xb: {  	_ =	strace $0x80000048;
	s12 =	simm.s32 $0x14  }
0xc: {  	s13 =	simm.s32 $0x0;
	s14 =	simm.s32 $0x0;
	s15 =	simm.s32 $0x0  }
0xd: {  	[tilespmem:s2], [sflag:$0x1] =	stream.linear.gather [hbm4b:s6+s2], $0x80, $0x200038;
	[tilespmem:$0x10100] =	vst v63  }
0xe: {  	s16 =	simm.s32 $0x0;
	s17 =	simm.s32 $0x1;
	_ =	strace $0x90000048  }
.LBB2_2:
0xf: {  	s18 =	smov.u32 s13;
	s13 =	sadd.s32 $0x1, s13  }
0x10: {  	p0 =	seq.s32 s13, $0x14  }
0x11: {  	s13 =	simm.s32 @p0 $0x0  }
0x12: {  	p6 =	sne.s32 s12, $0x1;
	p1 =	sne.s32 s18, s13  }
0x13: {  	p0 =	por !p6, !p1  }
0x14: {  	p0 =	por !p0, !p0  }
0x15: {  	s19 =	sadd.s32 @p0 s5, s13  }
0x16: {  	s20 =	sand.u32 @p0 $0x1, s17;
	s19 =	sshll.u32 @p0 s19, $0x4  }
0x17: {  	_ =	strace @p0 $0x80000049;
	s22 =	simm.s32 @p0 $0x0;
	s19 =	sand.u32 @p0 $0x1FFFFFF0, s19  }
0x18: {  	s21 =	sshll.u32 @p0 s20, $0x7;
	s20 =	sadd.s32 @p0 $0x1, s20;
	s19 =	sadd.s32 @p0 s4, s19  }
0x19: {  	[tilespmem:s21], [sflag:s20] =	stream.linear.gather @p0 [hbm4b:s19+s22], $0x80, $0x200038;
	[tilespmem:$0x10100] =	vst v63  }
0x1a: {  	s23 =	sand.u32 $0x1, s16;
	_ =	strace @p0 $0x90000049  }
0x1b: {  	s19 =	sadd.s32 $0x1, s23;
	_ =	strace $0x8000004A  }
0x1c: {  	_ =	swait.ge [sflag:s19], $0x80  }
0x1d: {  	[sflag:s19] =	ssyncset.done $0x0  }
0x1e: {  	[sflag:s19] =	ssyncadd.s32 $0xFFFFFF80  }
0x1f: {  	s24 =	sshll.u32 s16, $0x7;
	_ =	strace $0x9000004A  }
0x20: {  	s22 =	sand.u32 $0x80, s24;
	_ =	strace $0x8000004B  }
0x21: {  	v3 =	vld [tilespmem:s22+$0x0];
	_ =	sdelay $0x4  }
0x22: {  	v4 =	vshll.u32 v3, $0x1  }
0x23: {  	v3 =	vand.u32 $0x7, v3;
	v4 =	vand.u32 $0xFFFFFFF0, v4  }
0x24: {  	v3 =	vor.u32 v3, v4  }
0x25: {  	v4 =	vperm.xlane v3, v0;
	_ =	sdelay $0x1  }
0x26: {  	v3 =	vperm.xlane v3, v2;
	v4 =	vadd.s32 v1, v4;
	_ =	sdelay $0x1  }
0x27: {  	s19 =	sand.u32 $0x1, s15;
	v3 =	vadd.s32 v1, v3  }
0x28: {  	s21 =	sshll.u32 s19, $0xF  }
0x29: {  	s20 =	sor.u32 $0x100, s21  }
0x2a: {  	[tilespmem:s20], [sflag:$0x5] =	stream.indirect_vreg.gather [hbm4b:s1+s2], $0x80, v4, vm0, $0x2000b8;
	[tilespmem:$0x10100] =	vst v63  }
0x2b: {  	s23 =	sor.u32 $0x900, s21  }
0x2c: {  	[tilespmem:s23], [sflag:$0x5] =	stream.indirect_vreg.gather [hbm4b:s1+s2], $0x80, v3, vm0, $0x2000b8;
	[tilespmem:$0x10100] =	vst v63  }
0x2d: {  	v3 =	vld [tilespmem:s22+$0x10];
	_ =	sdelay $0x4  }
0x2e: {  	v57 =	vshll.u32 v3, $0x1  }
0x2f: {  	v3 =	vand.u32 $0x7, v3;
	v4 =	vand.u32 $0xFFFFFFF0, v57  }
0x30: {  	v3 =	vor.u32 v3, v4  }
0x31: {  	v4 =	vperm.xlane v3, v0;
	_ =	sdelay $0x1  }
0x32: {  	v3 =	vperm.xlane v3, v2;
	v4 =	vadd.s32 v1, v4;
	_ =	sdelay $0x1  }
0x33: {  	v3 =	vadd.s32 v1, v3;
	_ =	sdelay $0x1  }
0x34: {  	s25 =	sor.u32 $0x1100, s21  }
0x35: {  	[tilespmem:s25], [sflag:$0x5] =	stream.indirect_vreg.gather [hbm4b:s1+s2], $0x80, v4, vm0, $0x2000b8;
	[tilespmem:$0x10100] =	vst v63  }
0x36: {  	s26 =	sor.u32 $0x1900, s21  }
0x37: {  	[tilespmem:s26], [sflag:$0x5] =	stream.indirect_vreg.gather [hbm4b:s1+s2], $0x80, v3, vm0, $0x2000b8;
	[tilespmem:$0x10100] =	vst v63  }
0x38: {  	v3 =	vld [tilespmem:s22+$0x20];
	_ =	sdelay $0x4  }
0x39: {  	v58 =	vshll.u32 v3, $0x1  }
0x3a: {  	v3 =	vand.u32 $0x7, v3;
	v4 =	vand.u32 $0xFFFFFFF0, v58  }
0x3b: {  	v3 =	vor.u32 v3, v4  }
0x3c: {  	v4 =	vperm.xlane v3, v0;
	_ =	sdelay $0x1  }
0x3d: {  	v3 =	vperm.xlane v3, v2;
	v4 =	vadd.s32 v1, v4;
	_ =	sdelay $0x1  }
0x3e: {  	v3 =	vadd.s32 v1, v3;
	_ =	sdelay $0x1  }
0x3f: {  	s28 =	sor.u32 $0x2100, s21  }
0x40: {  	[tilespmem:s28], [sflag:$0x5] =	stream.indirect_vreg.gather [hbm4b:s1+s2], $0x80, v4, vm0, $0x2000b8;
	[tilespmem:$0x10100] =	vst v63  }
0x41: {  	s29 =	sor.u32 $0x2900, s21  }
0x42: {  	[tilespmem:s29], [sflag:$0x5] =	stream.indirect_vreg.gather [hbm4b:s1+s2], $0x80, v3, vm0, $0x2000b8;
	[tilespmem:$0x10100] =	vst v63  }
0x43: {  	v3 =	vld [tilespmem:s22+$0x30];
	_ =	sdelay $0x4  }
0x44: {  	v59 =	vshll.u32 v3, $0x1  }
0x45: {  	v3 =	vand.u32 $0x7, v3;
	v4 =	vand.u32 $0xFFFFFFF0, v59  }
0x46: {  	v3 =	vor.u32 v3, v4  }
0x47: {  	v4 =	vperm.xlane v3, v0;
	_ =	sdelay $0x1  }
0x48: {  	v3 =	vperm.xlane v3, v2;
	v4 =	vadd.s32 v1, v4;
	_ =	sdelay $0x1  }
0x49: {  	v3 =	vadd.s32 v1, v3;
	_ =	sdelay $0x1  }
0x4a: {  	s30 =	sor.u32 $0x3100, s21  }
0x4b: {  	[tilespmem:s30], [sflag:$0x5] =	stream.indirect_vreg.gather [hbm4b:s1+s2], $0x80, v4, vm0, $0x2000b8;
	[tilespmem:$0x10100] =	vst v63  }
0x4c: {  	s31 =	sor.u32 $0x3900, s21  }
0x4d: {  	[tilespmem:s31], [sflag:$0x5] =	stream.indirect_vreg.gather [hbm4b:s1+s2], $0x80, v3, vm0, $0x2000b8;
	[tilespmem:$0x10100] =	vst v63  }
0x4e: {  	v3 =	vld [tilespmem:s22+$0x40];
	_ =	sdelay $0x4  }
0x4f: {  	v60 =	vshll.u32 v3, $0x1  }
0x50: {  	v3 =	vand.u32 $0x7, v3;
	v4 =	vand.u32 $0xFFFFFFF0, v60  }
0x51: {  	v3 =	vor.u32 v3, v4  }
0x52: {  	v4 =	vperm.xlane v3, v0;
	_ =	sdelay $0x1  }
0x53: {  	v3 =	vperm.xlane v3, v2;
	v4 =	vadd.s32 v1, v4;
	_ =	sdelay $0x1  }
0x54: {  	v3 =	vadd.s32 v1, v3;
	_ =	sdelay $0x1  }
0x55: {  	s24 =	sor.u32 $0x4100, s21  }
0x56: {  	[tilespmem:s24], [sflag:$0x6] =	stream.indirect_vreg.gather [hbm4b:s1+s2], $0x80, v4, vm0, $0x2000b8;
	[tilespmem:$0x10100] =	vst v63  }
0x57: {  	s25 =	sor.u32 $0x4900, s21  }
0x58: {  	[tilespmem:s25], [sflag:$0x6] =	stream.indirect_vreg.gather [hbm4b:s1+s2], $0x80, v3, vm0, $0x2000b8;
	[tilespmem:$0x10100] =	vst v63  }
0x59: {  	v3 =	vld [tilespmem:s22+$0x50];
	_ =	sdelay $0x4  }
0x5a: {  	v61 =	vshll.u32 v3, $0x1  }
0x5b: {  	v3 =	vand.u32 $0x7, v3;
	v4 =	vand.u32 $0xFFFFFFF0, v61  }
0x5c: {  	v3 =	vor.u32 v3, v4  }
0x5d: {  	v4 =	vperm.xlane v3, v0;
	_ =	sdelay $0x1  }
0x5e: {  	v3 =	vperm.xlane v3, v2;
	v4 =	vadd.s32 v1, v4;
	_ =	sdelay $0x1  }
0x5f: {  	v3 =	vadd.s32 v1, v3;
	_ =	sdelay $0x1  }
0x60: {  	s26 =	sor.u32 $0x5100, s21  }
0x61: {  	[tilespmem:s26], [sflag:$0x6] =	stream.indirect_vreg.gather [hbm4b:s1+s2], $0x80, v4, vm0, $0x2000b8;
	[tilespmem:$0x10100] =	vst v63  }
0x62: {  	s28 =	sor.u32 $0x5900, s21  }
0x63: {  	[tilespmem:s28], [sflag:$0x6] =	stream.indirect_vreg.gather [hbm4b:s1+s2], $0x80, v3, vm0, $0x2000b8;
	[tilespmem:$0x10100] =	vst v63  }
0x64: {  	v3 =	vld [tilespmem:s22+$0x60];
	_ =	sdelay $0x4  }
0x65: {  	v62 =	vshll.u32 v3, $0x1  }
0x66: {  	v3 =	vand.u32 $0x7, v3;
	v4 =	vand.u32 $0xFFFFFFF0, v62  }
0x67: {  	v3 =	vor.u32 v3, v4  }
0x68: {  	v4 =	vperm.xlane v3, v0;
	_ =	sdelay $0x1  }
0x69: {  	v3 =	vperm.xlane v3, v2;
	v4 =	vadd.s32 v1, v4;
	_ =	sdelay $0x1  }
0x6a: {  	v3 =	vadd.s32 v1, v3;
	_ =	sdelay $0x1  }
0x6b: {  	s29 =	sor.u32 $0x6100, s21  }
0x6c: {  	[tilespmem:s29], [sflag:$0x6] =	stream.indirect_vreg.gather [hbm4b:s1+s2], $0x80, v4, vm0, $0x2000b8;
	[tilespmem:$0x10100] =	vst v63  }
0x6d: {  	s30 =	sor.u32 $0x6900, s21  }
0x6e: {  	[tilespmem:s30], [sflag:$0x6] =	stream.indirect_vreg.gather [hbm4b:s1+s2], $0x80, v3, vm0, $0x2000b8;
	[tilespmem:$0x10100] =	vst v63  }
0x6f: {  	v3 =	vld [tilespmem:s22+$0x70];
	_ =	sdelay $0x4  }
0x70: {  	v63 =	vshll.u32 v3, $0x1  }
0x71: {  	v3 =	vand.u32 $0x7, v3;
	v4 =	vand.u32 $0xFFFFFFF0, v63  }
0x72: {  	v3 =	vor.u32 v3, v4  }
0x73: {  	v4 =	vperm.xlane v3, v0;
	_ =	sdelay $0x1  }
0x74: {  	v3 =	vperm.xlane v3, v2;
	v4 =	vadd.s32 v1, v4;
	_ =	sdelay $0x1  }
0x75: {  	v3 =	vadd.s32 v1, v3;
	_ =	sdelay $0x1  }
0x76: {  	s31 =	sor.u32 $0x7100, s21  }
0x77: {  	[tilespmem:s31], [sflag:$0x6] =	stream.indirect_vreg.gather [hbm4b:s1+s2], $0x80, v4, vm0, $0x2000b8;
	[tilespmem:$0x10100] =	vst v63  }
0x78: {  	s21 =	sor.u32 $0x7900, s21  }
0x79: {  	[tilespmem:s21], [sflag:$0x6] =	stream.indirect_vreg.gather [hbm4b:s1+s2], $0x80, v3, vm0, $0x2000b8;
	[tilespmem:$0x10100] =	vst v63  }
0x7a: {  	_ =	swait.ge [sflag:s8], $0x4000  }
0x7b: {  	[sflag:s8] =	ssyncset.done $0x0  }
0x7c: {  	[sflag:s8] =	ssyncadd.s32 $0xFFFFC000  }
0x7d: {  	_ =	swait.ge [sflag:s9], $0x4000  }
0x7e: {  	p2 =	seq.s32 s12, $0x1;
	[sflag:s9] =	ssyncset.done $0x0  }
0x7f: {  	s18 =	sadd.s32 s5, s18;
	p1 =	por p2, p1;
	[sflag:s9] =	ssyncadd.s32 $0xFFFFC000  }
0x80: {  	s18 =	sshll.u32 @p1 s18, $0xC;
	_ =	strace $0x9000004B  }
0x81: {  	s18 =	sand.u32 @p1 $0x1FFFF000, s18;
	s22 =	simm.s32 $0x1;
	_ =	strace @p1 $0x8000004C  }
0x82: {  	s19 =	sadd.s32 @p1 $0x3, s19;
	s22 =	simm.s32 @!p0 $0x0;
	s21 =	rddreg [dreg:$0x3]  }
0x83: {  	p0 =	seq.s32 s12, $0x14;
	s18 =	sadd.s32 @p1 s21, s18;
	s21 =	simm.s32 @p1 $0x0  }
0x84: {  	[hbm4b:s18+s21] =	stream.linear.scatter @p1 [tilespmem:s20], [sflag:s19], $0x8000, $0x200038;
	[tilespmem:$0x10100] =	vst v63  }
0x85: {  	s18 =	simm.s32 $0x1;
	s20 =	simm.s32 $0x1;
	_ =	strace @p1 $0x9000004C  }
0x86: {  	s18 =	simm.s32 @!p1 $0x0;
	p1 =	sne.s32 s12, $0x14;
	s12 =	sadd.s32 $0xFFFFFFFF, s12  }
0x87: {  	s19 =	sand.u32 @!p0 $0x1, s14;
	s20 =	simm.s32 @!p1 $0x0;
	p1 =	sne.s32 s12, $0x0  }
.Ltmp0:
0x88: {  	s19 =	sadd.s32 @!p0 $0x3, s19;
	_ =	strace @!p0 $0x8000004D;
	(pc) =	sbr.rel @p1 .LBB2_2-.Ltmp0, $4  }
0x89: {  	_ =	swait.ge @!p0 [sflag:s19], $0x8000  }
0x8a: {  	[sflag:s19] =	ssyncset.done @!p0 $0x0  }
0x8b: {  	s17 =	sadd.s32 s22, s17;
	s15 =	sadd.s32 s18, s15;
	[sflag:s19] =	ssyncadd.s32 @!p0 $0xFFFF8000  }
0x8c: {  	s16 =	sadd.s32 s18, s16;
	s14 =	sadd.s32 s20, s14;
	_ =	strace @!p0 $0x9000004D  }
0x8d: {  	s11 =	sadd.s32 $0x1, s11  }
0x8e: {  	p0 =	sne.s32 s11, s7  }
.Ltmp1:
0x8f: {  	_ =	strace $0x8000004E;
	(pc) =	sbr.rel @p0 .LBB2_1-.Ltmp1, $4  }
0x90: {  	_ =	swait.ge [sflag:s10], $0x8000  }
0x91: {  	[sflag:s10] =	ssyncset.done $0x0  }
0x92: {  	[sflag:s10] =	ssyncadd.s32 $0xFFFF8000  }
0x93: {  	_ =	strace $0x9000004E  }
0x94: {  	_ =	sfence.sel $0x180000  }
0x95: {  	[bflag:$0x0] =	sbarrier.arrive $0xFFFF  }
0x96: {  	p0 =	sne.s32 s3, $0x0;
	_ =	strace $0x90000047  }
0x97: {  	s0 =	sadd.s32 @!p0 $0x100000, s0;
	[bflag:$0x2] =	sbarrier.arrive $0xFFFF  }
0x98: {  	[sflag:s0] =	ssyncadd.tile.s32 @!p0 $0x1;
	_ =	shalt  }
.Lfunc_end2:
_tile_overlayer_lowered:
.L_overlay_start_2:
0x99: {  	(tag) =	ssettag $0x2  }
0x9a: {  	s0 =	rddreg [dreg:$0x0];
	s2 =	stileid.u32  }
0x9b: {  	s1 =	rddreg [dreg:$0x1];
	p0 =	sne.s32 s2, $0x0  }
0x9c: {  	s3 =	rddreg [dreg:$0x2];
	[bflag:$0x3] =	sbarrier.arrive $0xFFFF;
	s2 =	simm.s32 @!p0 $0x1C01  }
0x9d: {  	[timem:s3], [sflag:s2] =	dma.local @!p0 [hbm:s0], s1  }
0x9e: {  	s0 =	simm.s32 @!p0 $0x1  }
0x9f: {  	_ =	swait.ge @!p0 [sflag:s0], s1  }
0xa0: {  	s1 =	ssub.s32 @!p0 $0x0, s1;
	[sflag:s0] =	ssyncset.done @!p0 $0x0  }
0xa1: {  	[sflag:s0] =	ssyncadd.s32 @!p0 s1  }
0xa2: {  	[bflag:$0x3] =	sbarrier.arrive $0xFFFF  }
0xa3: {  	_ =	shalt  }

// kernel: kernel.28.cloned.1.call-start
scs
__scs_entry_jumppad:
0x0: {  	(pc) =	sbr.rel $0x88, $3  }
0x1: {  	(tag) =	ssettag $0x0;
	lr =	simm.s32 $0x1  }
0x2: {  	[smem:$0x3F94] =	sst lr;
	_ =	strace $0xD0000000  }
0x3: {  	_ = 	snop  }
0x4: {  	_ = 	snop  }
0x5: {  	_ = 	snop  }
0x6: {  	_ = 	snop  }
0x7: {  	_ = 	snop  }
__scs_overlays_trampoline_lowered:
0x8: {  	[smem:$0x3FA3] =	sst s0  }
0x9: {  	[smem:$0x3FA4] =	sst s1  }
0xa: {  	[smem:$0x3FA5] =	sst s2  }
0xb: {  	[smem:$0x3FA6] =	sst s3  }
0xc: {  	[smem:$0x3FA7] =	sst s4  }
0xd: {  	[smem:$0x3FA8] =	sst s5  }
0xe: {  	[smem:$0x3FA9] =	sst s6  }
0xf: {  	[smem:$0x3FAA] =	sst s7  }
0x10: {  	[smem:$0x3FAB] =	sst s8  }
0x11: {  	[smem:$0x3FAC] =	sst s9;
	s0 =	simm.s32 @!p0 $0x0  }
0x12: {  	s1 =	sld [smem:$0x3F92];
	s0 =	simm.s32 @p0 $0x1  }
0x13: {  	[smem:$0x3FAD] =	sst s0;
	s0 =	simm.s32 @!p1 $0x0  }
0x14: {  	s2 =	sld [smem:$0x3F91];
	s0 =	simm.s32 @p1 $0x1  }
0x15: {  	[smem:$0x3FAE] =	sst s0;
	s0 =	simm.s32 @!p2 $0x0  }
0x16: {  	s3 =	sld [smem:$0x3FDB];
	s0 =	simm.s32 @p2 $0x1  }
0x17: {  	s4 =	simm.s32 $0x1BF5;
	[smem:$0x3FB0] =	sst s0  }
0x18: {  	s0 =	sld [smem:$0x3F93];
	_ =	swait.ge [sflag:s4], $0x0  }
0x19: {  	s7 =	sld [smem:$0x3F94]  }
0x1a: {  	s8 =	sadd.s32 $0xFFFFE003, lr  }
0x1b: {  	s9 =	sadd.s32 $0xFFFFFEF7, lr;
	s5 =	simm.s32 $0xFFFFFFFF;
	p2 =	slt.u32 s8, $0xFFFFF086  }
0x1c: {  	p1 =	slt.u32 s9, $0xF7A;
	s5 =	simm.s32 @!p2 $0x0  }
0x1d: {  	s5 =	simm.s32 @p1 $0x1;
	p0 =	seq.s32 s7, s2  }
0x1e: {  	s7 =	smul.u32 @!p0 $0xF7A, s2;
	p2 =	seq.s32 @!p0 s5, $0x0  }
0x1f: {  	s9 =	smul.u32 $0xF7A, s1;
	s8 =	simm.s32 @!p0 $0x1BF5;
	p2 =	por !p2, p0  }
0x20: {  	[sflag:s8] =	ssyncset.s32 @!p0 $0xFFFFF086;
	s6 =	sadd.s32 @!p0 s3, s7;
	s7 =	simm.s32 @!p0 $0x108  }
0x21: {  	s3 =	sadd.s32 s3, s9;
	s6 =	sadd.s32 @!p0 $0x88, s6;
	s7 =	simm.s32 @p2 $0x1082  }
0x22: {  	[simem:s7], [sflag:s8] =	dma.local @!p0 [hbm:s6], $0xF7A  }
0x23: {  	s9 =	sor.u32 $0xD0000000, s2;
	s6 =	simm.s32 $0x108;
	_ =	swait.ge @!p0 [sflag:s8], $0x0  }
0x24: {  	s3 =	sadd.s32 $0x88, s3;
	s6 =	simm.s32 @!p1 $0x1082;
	[sflag:s4] =	ssyncset.s32 $0xFFFFF086  }
0x25: {  	[simem:s6], [sflag:s4] =	dma.local [hbm:s3], $0xF7A  }
0x26: {  	[smem:$0x3F94] =	sst s1;
	(tag) =	ssettag s2;
	_ =	strace s9  }
0x27: {  	s1 =	sld [smem:$0x3FA4]  }
0x28: {  	s2 =	sld [smem:$0x3FA5]  }
0x29: {  	s4 =	sld [smem:$0x3FA7]  }
0x2a: {  	p0 =	seq.s32 s5, $0x0;
	s5 =	sld [smem:$0x3FA8]  }
0x2b: {  	s6 =	sld [smem:$0x3FA9]  }
0x2c: {  	s7 =	sld [smem:$0x3FAA]  }
0x2d: {  	s3 =	simm.s32 $0x108;
	s8 =	sld [smem:$0x3FAB]  }
0x2e: {  	s3 =	simm.s32 @!p0 $0x1082;
	s9 =	sld [smem:$0x3FAC]  }
0x2f: {  	lr =	sadd.s32 s0, s3;
	s0 =	sld [smem:$0x3FA3]  }
0x30: {  	s3 =	sld [smem:$0x3FA6]  }
0x31: {  	[smem:$0x3FAF] =	sst s10  }
0x32: {  	s10 =	sld [smem:$0x3FAD];
	_ =	sdelay $0x3  }
0x33: {  	p0 =	seq.s32 s10, $0x1;
	s10 =	sld [smem:$0x3FAF];
	_ =	sdelay $0x3  }
0x34: {  	[smem:$0x3FAF] =	sst s10  }
0x35: {  	s10 =	sld [smem:$0x3FAE];
	_ =	sdelay $0x3  }
0x36: {  	p1 =	seq.s32 s10, $0x1;
	s10 =	sld [smem:$0x3FAF];
	_ =	sdelay $0x3  }
0x37: {  	[smem:$0x3FAF] =	sst s10  }
0x38: {  	s10 =	sld [smem:$0x3FB0]  }
0x39: {  	_ = 	snop;
	(pc) =	sbr.ind lr, $3  }
0x3a: {  	_ = 	snop  }
0x3b: {  	_ = 	snop  }
0x3c: {  	p2 =	seq.s32 s10, $0x1;
	s10 =	sld [smem:$0x3FAF]  }
0x3d: {  	_ =	shalt  }
0x3e: {  	_ =	shalt  }
0x3f: {  	_ =	shalt  }
0x40: {  	_ =	shalt  }
0x41: {  	_ =	shalt  }
0x42: {  	_ =	shalt  }
0x43: {  	_ =	shalt  }
0x44: {  	_ =	shalt  }
0x45: {  	_ =	shalt  }
0x46: {  	_ =	shalt  }
0x47: {  	_ =	shalt  }
0x48: {  	_ =	shalt  }
0x49: {  	_ =	shalt  }
0x4a: {  	_ =	shalt  }
0x4b: {  	_ =	shalt  }
0x4c: {  	_ =	shalt  }
0x4d: {  	_ =	shalt  }
0x4e: {  	_ =	shalt  }
0x4f: {  	_ =	shalt  }
0x50: {  	_ =	shalt  }
0x51: {  	_ =	shalt  }
0x52: {  	_ =	shalt  }
0x53: {  	_ =	shalt  }
0x54: {  	_ =	shalt  }
0x55: {  	_ =	shalt  }
0x56: {  	_ =	shalt  }
0x57: {  	_ =	shalt  }
0x58: {  	_ =	shalt  }
0x59: {  	_ =	shalt  }
0x5a: {  	_ =	shalt  }
0x5b: {  	_ =	shalt  }
0x5c: {  	_ =	shalt  }
0x5d: {  	_ =	shalt  }
0x5e: {  	_ =	shalt  }
0x5f: {  	_ =	shalt  }
0x60: {  	_ =	shalt  }
0x61: {  	_ =	shalt  }
0x62: {  	_ =	shalt  }
0x63: {  	_ =	shalt  }
0x64: {  	_ =	shalt  }
0x65: {  	_ =	shalt  }
0x66: {  	_ =	shalt  }
0x67: {  	_ =	shalt  }
0x68: {  	_ =	shalt  }
0x69: {  	_ =	shalt  }
0x6a: {  	_ =	shalt  }
0x6b: {  	_ =	shalt  }
0x6c: {  	_ =	shalt  }
0x6d: {  	_ =	shalt  }
0x6e: {  	_ =	shalt  }
0x6f: {  	_ =	shalt  }
0x70: {  	_ =	shalt  }
0x71: {  	_ =	shalt  }
0x72: {  	_ =	shalt  }
0x73: {  	_ =	shalt  }
0x74: {  	_ =	shalt  }
0x75: {  	_ =	shalt  }
0x76: {  	_ =	shalt  }
0x77: {  	_ =	shalt  }
0x78: {  	_ =	shalt  }
0x79: {  	_ =	shalt  }
0x7a: {  	_ =	shalt  }
0x7b: {  	_ =	shalt  }
0x7c: {  	_ =	shalt  }
0x7d: {  	_ =	shalt  }
0x7e: {  	_ =	shalt  }
0x7f: {  	_ =	shalt  }
0x80: {  	_ =	shalt  }
0x81: {  	_ =	shalt  }
0x82: {  	_ =	shalt  }
0x83: {  	_ =	shalt  }
0x84: {  	_ =	shalt  }
0x85: {  	_ =	shalt  }
0x86: {  	_ =	shalt  }
0x87: {  	_ =	shalt  }
.Lfunc_end0:
.L_simem_size_0:
called_computation.4_lowered:
.L_overlay_start_0:
0x88: {  	s2 =	sld [smem:$0x3FD9]  }
0x89: {  	s3 =	sld [smem:$0x3FFE];
	_ =	sdelay $0x1  }
0x8a: {  	s1 =	srdreg.scid  }
0x8b: {  	s0 =	sand.u32 $0x1, s1  }
0x8c: {  	s17 =	sshll.u32 s0, $0xA;
	s2 =	sadd.s32 s3, s2  }
0x8d: {  	s2 =	sadd.s32 s2, s17  }
0x8e: {  	[smem:$0x3FBB] =	sst s2  }
0x8f: {  	_ = 	snop  }
0x90: {  	(tm) =	ssettm $0x1  }
0x91: {  	s18 =	sld [smem:$0x3FFB];
	_ =	sdelay $0x3  }
0x92: {  	_ =	strace s18  }
0x93: {  	s2 =	sld [smem:$0x3FFC];
	_ =	sdelay $0x3  }
0x94: {  	_ =	strace s2  }
0x95: {  	s2 =	sld [smem:$0x3FFD];
	_ =	sdelay $0x3  }
0x96: {  	_ =	strace s2  }
0x97: {  	_ =	strace $0x8FFFFFFF  }
0x98: {  	s19 =	sld [smem:$0x3FDB];
	_ =	sdelay $0x1  }
0x99: {  	s20 =	simm.s32 $_scs_section_size  }
0x9a: {  	s4 =	simm.s32 $_size__tile_overlayer_lowered;
	s5 =	simm.s32 $_tile_overlayer_lowered  }
0x9b: {  	s6 =	simm.s32 $0x1BFF;
	s21 =	sshll.u32 s5, $0x1;
	s3 =	sadd.s32 s20, s19  }
0x9c: {  	s22 =	simm.s32 $0x0;
	s4 =	sshll.u32 s4, $0x1;
	s5 =	sadd.s32 s21, s3  }
0x9d: {  	[timem:s22], [sflag:s6] =	dma.local [hbm:s5], s4  }
0x9e: {  	_ =	swait.ge [sflag:s6], s4  }
0x9f: {  	s4 =	ssub.s32 $0x0, s4;
	[sflag:s6] =	ssyncset.done $0x0  }
0xa0: {  	[sflag:s6] =	ssyncadd.s32 s4;
	_ =	sdelay $0x1  }
0xa1: {  	s23 =	simm.s32 $0x1B8B  }
0xa2: {  	_ =	swait.ge [sflag:s23], $0x1  }
0xa3: {  	[sflag:s23] =	ssyncset.done $0x0  }
0xa4: {  	[sflag:s23] =	ssyncadd.s32 $0xFFFFFFFF  }
0xa5: {  	s4 =	sld [smem:$0x0]  }
0xa6: {  	s5 =	sand.u32 $0xFFFFFFFE, s1  }
0xa7: {  	p0 =	sne.s32 s1, s5  }
0xa8: {  	s5 =	sshll.u32 @p0 s5, $0xE  }
0xa9: {  	s5 =	sadd.s32 @p0 $0x11B8D, s5;
	s6 =	sshll.u32 @p0 s4, $0x11  }
0xaa: {  	s5 =	sor.u32 @p0 s6, s5  }
0xab: {  	[sflag:s5] =	ssyncadd.remote.s32 @p0 $0x1;
	_ =	sdelay $0x1  }
0xac: {  	s5 =	simm.s32 @p0 $0x1B8D  }
0xad: {  	_ =	swait.eq @p0 [sflag:s5], $0x1  }
0xae: {  	[sflag:s5] =	ssyncadd.s32 @p0 $0xFFFFFFFF  }
0xaf: {  	s6 =	sshll.u32 @!p0 s1, $0xE  }
0xb0: {  	s6 =	sor.u32 @!p0 $0x4000, s6;
	s5 =	simm.s32 @!p0 $0x1B8D  }
0xb1: {  	s4 =	sshll.u32 @!p0 s4, $0x11;
	s6 =	sadd.s32 @!p0 $0x11B8D, s6;
	_ =	swait.eq @!p0 [sflag:s5], $0x1  }
0xb2: {  	s4 =	sor.u32 @!p0 s4, s6;
	[sflag:s5] =	ssyncadd.s32 @!p0 $0xFFFFFFFF  }
0xb3: {  	s25 =	simm.s32 $0x1B8E;
	s24 =	sld [smem:$0x3FFE];
	[sflag:s4] =	ssyncadd.remote.s32 @!p0 $0x1  }
0xb4: {  	s26 =	simm.s32 $execute0_lowered;
	[smem:$0x3FD2] =	sst s25  }
0xb5: {  	s5 =	sshll.u32 s26, $0x1;
	_ =	strace $0x80000071;
	[dreg:$0x1] =	wrdreg $0xFFFFFFFF  }
0xb6: {  	s28 =	simm.s32 $_size_execute0_lowered;
	s3 =	sadd.s32 s3, s5;
	[dreg:$0x0] =	wrdreg $0x0  }
0xb7: {  	s5 =	sshll.u32 s28, $0x1;
	[dreg:$0x2] =	wrdreg s3  }
0xb8: {  	[dreg:$0x3] =	wrdreg s5  }
0xb9: {  	[dreg:$0x4] =	wrdreg $0xC0  }
0xba: {  	_ =	task [dreg:s22], $0x5FFFF  }
0xbb: {  	[dreg:$0x1] =	wrdreg $0xFFFFFFFF  }
0xbc: {  	[dreg:$0x0] =	wrdreg $0x60  }
0xbd: {  	[dreg:$0x2] =	wrdreg s24  }
0xbe: {  	[dreg:$0x3] =	wrdreg $0x0  }
0xbf: {  	[dreg:$0x4] =	wrdreg $0xB  }
0xc0: {  	_ =	task.clear_ibuf [dreg:s22], $0x5FFFF;
	_ =	strace $0x90000071  }
0xc1: {  	s29 =	simm.s32 $0xB;
	_ =	strace $0x80000073  }
0xc2: {  	_ =	swait.ge [sflag:s29], $0x1  }
0xc3: {  	[sflag:s29] =	ssyncadd.s32 $0xFFFFFFFF  }
0xc4: {  	_ =	strace $0x90000073  }
0xc5: {  	_ =	sfence  }
0xc6: {  	s30 =	sld [smem:$0x0];
	_ =	sdelay $0x2  }
0xc7: {  	s31 =	sshll.u32 s1, $0xD;
	s1 =	sshrl.u32 s1, $0x2  }
0xc8: {  	s4 =	sand.u32 $0x4000, s31;
	s1 =	sadd.s32 s1, s30  }
0xc9: {  	s0 =	sor.u32 s4, s0;
	s1 =	sshll.u32 s1, $0x11  }
0xca: {  	s0 =	sor.u32 s1, s0  }
0xcb: {  	s0 =	sadd.s32 $0x8F2B, s0  }
0xcc: {  	[sflag:s0] =	ssyncadd.remote.s32 $0x1  }
0xcd: {  	_ =	sfence.sel $0xFFFF  }
0xce: {  	[dreg:$0x0] =	wrdreg $0xFFFFFFFF;
	(pc) =	sbr.abs _section_cstart, $3  }
0xcf: {  	[dreg:$0x1] =	wrdreg $0xFFFFFFFF  }
0xd0: {  	_ =	task.clear_ibuf [dreg:s22], $0x2FFFF;
	_ =	strace $0x9FFFFFFF  }
0xd1: {  	(tm) =	ssettm $0x7FFFFFFF  }
tec
execute0_lowered:
.L_overlay_start_1:
0x0: {  	(tag) =	ssettag $0x1  }
0x1: {  	s4 =	rddreg [dreg:$0x0]  }
0x2: {  	s2 =	rddreg [dreg:$0x1]  }
0x3: {  	s1 =	stileid.u32;
	s0 =	rddreg [dreg:$0x2]  }
0x4: {  	s3 =	simm.s32 $0x0;
	s8 =	srdreg.scid;
	s15 =	simm.s32 $0x400  }
0x5: {  	s16 =	simm.s32 $0x1000;
	s17 =	simm.s32 $0x13C00;
	s5 =	smul.u32 $0x28000, s1  }
0x6: {  	s18 =	simm.s32 $0x80;
	s19 =	simm.s32 $0x8;
	s6 =	smul.u32 $0x140, s1  }
0x7: {  	s20 =	simm.s32 $0x200;
	s21 =	simm.s32 $0x0;
	s7 =	smul.u32 $0x2780, s1  }
0x8: {  	[smem:$0x7FF] =	sst s3;
	s8 =	sand.u32 $0x1, s8;
	s9 =	smul.u32 $0x4F000, s1  }
0x9: {  	s13 =	sadd.s32 $0xC600, s4;
	s25 =	sshll.u32 s1, $0x6;
	_ =	strace $0x80000072  }
0xa: {  	s22 =	ssub.s32 $0x2, s8;
	s26 =	sshll.u32 s8, $0xB;
	s28 =	sshll.u32 s8, $0x8  }
0xb: {  	s10 =	sadd.s32 s5, s4;
	s11 =	sadd.s32 s6, s4;
	s23 =	sadd.s32 s7, s4  }
0xc: {  	s24 =	sshrl.u32 s22, $0x1;
	s12 =	sshrl.u32 s9, $0x2;
	s5 =	sor.u32 $0x1C01, s25  }
0xd: {  	s6 =	sor.u32 s26, s9;
	s29 =	sshrl.u32 s9, $0x3;
	s30 =	sadd.s32 s28, s13  }
0xe: {  	s14 =	ssub.s32 s22, s24;
	s12 =	sadd.s32 s12, s2;
	s4 =	sadd.s32 $0xA15200, s23  }
0xf: {  	s6 =	sshrl.u32 s6, $0x3;
	s8 =	sadd.s32 s29, s30;
	s31 =	sadd.s32 s28, s10  }
0x10: {  	s10 =	sadd.s32 $0xA8C200, s11;
	s6 =	sadd.s32 s13, s6;
	s7 =	sadd.s32 $0x80, s8  }
0x11: {  	s8 =	smax.u32 s14, $0x1;
	s9 =	sadd.s32 $0xA8FE00, s31;
	s11 =	sadd.s32 $0xA8FE80, s31  }
0x12: {  	s12 =	sshrl.u32 s12, $0x3;
	s13 =	simm.s32 $0x1;
	s14 =	simm.s32 $0x17C00  }
.LBB2_1:
0x13: {  	[spmem:s12], [sflag:s5] =	dma.local [hbm:s4], $0x2780  }
0x14: {  	_ =	swait.ge [sflag:s13], $0x2780  }
0x15: {  	[sflag:s13] =	ssyncset.done $0x0  }
0x16: {  	[sflag:s13] =	ssyncadd.s32 $0xFFFFD880  }
0x17: {  	s22 =	sadd.s32 $0x0, s10;
	[bflag:$0x0] =	sbarrier.arrive $0xFFFF  }
0x18: {  	[tilespmem:s14], [sflag:$0x1] =	stream.linear.gather [hbm4b:s22+s3], $0x80, $0x38;
	[tilespmem:$0x17C80] =	vst v63  }
0x19: {  	_ =	swait.ge [sflag:s13], $0x80  }
0x1a: {  	[sflag:s13] =	ssyncset.done $0x0  }
0x1b: {  	[sflag:s13] =	ssyncadd.s32 $0xFFFFFF80  }
0x1c: {  	[tilespmem:s17], [sflag:$0x1] =	stream.strided.gather [hbm4b:s9+s15], $0x4000, s16, s15, $0x38;
	[tilespmem:$0x17C80] =	vst v63  }
0x1d: {  	_ =	swait.ge [sflag:s13], $0x4000  }
0x1e: {  	[sflag:s13] =	ssyncset.done $0x0  }
0x1f: {  	[sflag:s13] =	ssyncadd.s32 $0xFFFFC000  }
0x20: {  	[spmem:s2] =	stream.indirect.scatter.add.f32 [tilespmem:s17], [sflag:$0x1], $0x80, s14, s18, $0xb8;
	[tilespmem:$0x17C80] =	vst v63  }
0x21: {  	s23 =	simm.s32 $0x10;
	_ =	swait.ge [sflag:s13], $0x4000  }
0x22: {  	s24 =	simm.s32 $0x20;
	s22 =	sadd.s32 $0x2000, s9;
	[sflag:s13] =	ssyncset.done $0x0  }
.LBB2_2:
0x23: {  	s25 =	sadd.s32 s23, s10  }
0x24: {  	[sflag:s13] =	ssyncadd.s32 $0xFFFFC000;
	s23 =	smov.u32 s24;
	s26 =	sadd.s32 $0x10, s24  }
0x25: {  	[tilespmem:s14], [sflag:$0x1] =	stream.linear.gather [hbm4b:s25+s3], $0x80, $0x38;
	[tilespmem:$0x17C80] =	vst v63  }
0x26: {  	p0 =	sne.s32 s24, $0x130;
	_ =	swait.ge [sflag:s13], $0x80  }
0x27: {  	[sflag:s13] =	ssyncset.done $0x0  }
0x28: {  	[sflag:s13] =	ssyncadd.s32 $0xFFFFFF80  }
0x29: {  	[tilespmem:s17], [sflag:$0x1] =	stream.strided.gather [hbm4b:s22+s15], $0x4000, s16, s15, $0x38;
	[tilespmem:$0x17C80] =	vst v63  }
0x2a: {  	_ =	swait.ge [sflag:s13], $0x4000  }
.Ltmp0:
0x2b: {  	[sflag:s13] =	ssyncset.done $0x0;
	(pc) =	sbr.rel @p0 .LBB2_2-.Ltmp0, $4  }
0x2c: {  	[sflag:s13] =	ssyncadd.s32 $0xFFFFC000  }
0x2d: {  	[spmem:s2] =	stream.indirect.scatter.add.f32 [tilespmem:s17], [sflag:$0x1], $0x80, s14, s18, $0xb8;
	[tilespmem:$0x17C80] =	vst v63  }
0x2e: {  	_ =	swait.ge [sflag:s13], $0x4000  }
0x2f: {  	s24 =	smov.u32 s26;
	s22 =	sadd.s32 $0x2000, s22;
	[sflag:s13] =	ssyncset.done $0x0  }
0x30: {  	s23 =	sadd.s32 s23, s10;
	[sflag:s13] =	ssyncadd.s32 $0xFFFFC000  }
0x31: {  	[tilespmem:s14], [sflag:$0x1] =	stream.linear.gather [hbm4b:s23+s3], $0x80, $0x38;
	[tilespmem:$0x17C80] =	vst v63  }
0x32: {  	_ =	swait.ge [sflag:s13], $0x80  }
0x33: {  	[sflag:s13] =	ssyncset.done $0x0  }
0x34: {  	[sflag:s13] =	ssyncadd.s32 $0xFFFFFF80  }
0x35: {  	[tilespmem:s17], [sflag:$0x1] =	stream.strided.gather [hbm4b:s22+s15], $0x4000, s16, s15, $0x38;
	[tilespmem:$0x17C80] =	vst v63  }
0x36: {  	_ =	swait.ge [sflag:s13], $0x4000  }
0x37: {  	[sflag:s13] =	ssyncset.done $0x0  }
0x38: {  	[sflag:s13] =	ssyncadd.s32 $0xFFFFC000  }
0x39: {  	[spmem:s2] =	stream.indirect.scatter.add.f32 [tilespmem:s17], [sflag:$0x1], $0x80, s14, s18, $0xb8;
	[tilespmem:$0x17C80] =	vst v63  }
0x3a: {  	_ =	swait.ge [sflag:s13], $0x4000  }
0x3b: {  	[sflag:s13] =	ssyncset.done $0x0  }
0x3c: {  	[sflag:s13] =	ssyncadd.s32 $0xFFFFC000  }
0x3d: {  	[bflag:$0x0] =	sbarrier.arrive $0xFFFF  }
0x3e: {  	[hbm:s6@s20], [sflag:s5] =	dma.strided [spmem:s12@s18], $0x2780, s19, $0x10   }
0x3f: {  	_ =	swait.ge [sflag:s13], $0x2780  }
0x40: {  	[sflag:s13] =	ssyncset.done $0x0  }
0x41: {  	[sflag:s13] =	ssyncadd.s32 $0xFFFFD880  }
0x42: {  	[spmem:s12], [sflag:s5] =	dma.local [hbm:s4], $0x2780  }
0x43: {  	_ =	swait.ge [sflag:s13], $0x2780  }
0x44: {  	[sflag:s13] =	ssyncset.done $0x0  }
0x45: {  	[sflag:s13] =	ssyncadd.s32 $0xFFFFD880  }
0x46: {  	s31 =	sadd.s32 $0x0, s10;
	[bflag:$0x0] =	sbarrier.arrive $0xFFFF  }
0x47: {  	[tilespmem:s14], [sflag:$0x1] =	stream.linear.gather [hbm4b:s31+s3], $0x80, $0x38;
	[tilespmem:$0x17C80] =	vst v63  }
0x48: {  	_ =	swait.ge [sflag:s13], $0x80  }
0x49: {  	[sflag:s13] =	ssyncset.done $0x0  }
0x4a: {  	[sflag:s13] =	ssyncadd.s32 $0xFFFFFF80  }
0x4b: {  	[tilespmem:s17], [sflag:$0x1] =	stream.strided.gather [hbm4b:s11+s15], $0x4000, s16, s15, $0x38;
	[tilespmem:$0x17C80] =	vst v63  }
0x4c: {  	_ =	swait.ge [sflag:s13], $0x4000  }
0x4d: {  	[sflag:s13] =	ssyncset.done $0x0  }
0x4e: {  	[sflag:s13] =	ssyncadd.s32 $0xFFFFC000  }
0x4f: {  	[spmem:s2] =	stream.indirect.scatter.add.f32 [tilespmem:s17], [sflag:$0x1], $0x80, s14, s18, $0xb8;
	[tilespmem:$0x17C80] =	vst v63  }
0x50: {  	s24 =	simm.s32 $0x20;
	_ =	swait.ge [sflag:s13], $0x4000  }
0x51: {  	s23 =	simm.s32 $0x10;
	s22 =	sadd.s32 $0x2000, s11;
	[sflag:s13] =	ssyncset.done $0x0  }
.LBB2_4:
0x52: {  	s25 =	sadd.s32 s23, s10  }
0x53: {  	[sflag:s13] =	ssyncadd.s32 $0xFFFFC000;
	s23 =	smov.u32 s24;
	s26 =	sadd.s32 $0x10, s24  }
0x54: {  	[tilespmem:s14], [sflag:$0x1] =	stream.linear.gather [hbm4b:s25+s3], $0x80, $0x38;
	[tilespmem:$0x17C80] =	vst v63  }
0x55: {  	p0 =	sne.s32 s24, $0x130;
	_ =	swait.ge [sflag:s13], $0x80  }
0x56: {  	[sflag:s13] =	ssyncset.done $0x0  }
0x57: {  	[sflag:s13] =	ssyncadd.s32 $0xFFFFFF80  }
0x58: {  	[tilespmem:s17], [sflag:$0x1] =	stream.strided.gather [hbm4b:s22+s15], $0x4000, s16, s15, $0x38;
	[tilespmem:$0x17C80] =	vst v63  }
0x59: {  	_ =	swait.ge [sflag:s13], $0x4000  }
.Ltmp1:
0x5a: {  	[sflag:s13] =	ssyncset.done $0x0;
	(pc) =	sbr.rel @p0 .LBB2_4-.Ltmp1, $4  }
0x5b: {  	[sflag:s13] =	ssyncadd.s32 $0xFFFFC000  }
0x5c: {  	[spmem:s2] =	stream.indirect.scatter.add.f32 [tilespmem:s17], [sflag:$0x1], $0x80, s14, s18, $0xb8;
	[tilespmem:$0x17C80] =	vst v63  }
0x5d: {  	_ =	swait.ge [sflag:s13], $0x4000  }
0x5e: {  	s24 =	smov.u32 s26;
	s22 =	sadd.s32 $0x2000, s22;
	[sflag:s13] =	ssyncset.done $0x0  }
0x5f: {  	s23 =	sadd.s32 s23, s10;
	[sflag:s13] =	ssyncadd.s32 $0xFFFFC000  }
0x60: {  	[tilespmem:s14], [sflag:$0x1] =	stream.linear.gather [hbm4b:s23+s3], $0x80, $0x38;
	[tilespmem:$0x17C80] =	vst v63  }
0x61: {  	_ =	swait.ge [sflag:s13], $0x80  }
0x62: {  	[sflag:s13] =	ssyncset.done $0x0  }
0x63: {  	[sflag:s13] =	ssyncadd.s32 $0xFFFFFF80  }
0x64: {  	[tilespmem:s17], [sflag:$0x1] =	stream.strided.gather [hbm4b:s22+s15], $0x4000, s16, s15, $0x38;
	[tilespmem:$0x17C80] =	vst v63  }
0x65: {  	_ =	swait.ge [sflag:s13], $0x4000  }
0x66: {  	[sflag:s13] =	ssyncset.done $0x0  }
0x67: {  	[sflag:s13] =	ssyncadd.s32 $0xFFFFC000  }
0x68: {  	[spmem:s2] =	stream.indirect.scatter.add.f32 [tilespmem:s17], [sflag:$0x1], $0x80, s14, s18, $0xb8;
	[tilespmem:$0x17C80] =	vst v63  }
0x69: {  	_ =	swait.ge [sflag:s13], $0x4000  }
0x6a: {  	s21 =	sadd.s32 $0x1, s21;
	[sflag:s13] =	ssyncset.done $0x0  }
0x6b: {  	p0 =	sne.s32 s21, s8;
	[sflag:s13] =	ssyncadd.s32 $0xFFFFC000  }
.Ltmp2:
0x6c: {  	[bflag:$0x0] =	sbarrier.arrive $0xFFFF;
	(pc) =	sbr.rel @p0 .LBB2_1-.Ltmp2, $4  }
0x6d: {  	[hbm:s7@s20], [sflag:s5] =	dma.strided [spmem:s12@s18], $0x2780, s19, $0x10   }
0x6e: {  	_ =	swait.ge [sflag:s13], $0x2780  }
0x6f: {  	[sflag:s13] =	ssyncset.done $0x0  }
0x70: {  	[sflag:s13] =	ssyncadd.s32 $0xFFFFD880  }
0x71: {  	_ =	sfence.sel $0x180000  }
0x72: {  	[bflag:$0x0] =	sbarrier.arrive $0xFFFF  }
0x73: {  	p0 =	sne.s32 s1, $0x0;
	_ =	strace $0x90000072  }
0x74: {  	s0 =	sadd.s32 @!p0 $0x100000, s0;
	[bflag:$0x2] =	sbarrier.arrive $0xFFFF  }
0x75: {  	[sflag:s0] =	ssyncadd.tile.s32 @!p0 $0x1;
	_ =	shalt  }
.Lfunc_end2:
_tile_overlayer_lowered:
.L_overlay_start_2:
0x76: {  	(tag) =	ssettag $0x2  }
0x77: {  	s0 =	rddreg [dreg:$0x0];
	s2 =	stileid.u32  }
0x78: {  	s1 =	rddreg [dreg:$0x1];
	p0 =	sne.s32 s2, $0x0  }
0x79: {  	s3 =	rddreg [dreg:$0x2];
	[bflag:$0x3] =	sbarrier.arrive $0xFFFF;
	s2 =	simm.s32 @!p0 $0x1C01  }
0x7a: {  	[timem:s3], [sflag:s2] =	dma.local @!p0 [hbm:s0], s1  }
0x7b: {  	s0 =	simm.s32 @!p0 $0x1  }
0x7c: {  	_ =	swait.ge @!p0 [sflag:s0], s1  }
0x7d: {  	s1 =	ssub.s32 @!p0 $0x0, s1;
	[sflag:s0] =	ssyncset.done @!p0 $0x0  }
0x7e: {  	[sflag:s0] =	ssyncadd.s32 @!p0 s1  }
0x7f: {  	[bflag:$0x3] =	sbarrier.arrive $0xFFFF  }
0x80: {  	_ =	shalt  }

// kernel: kernel.31.cloned.1.call-start
scs
__scs_entry_jumppad:
0x0: {  	(pc) =	sbr.rel $0x88, $3  }
0x1: {  	(tag) =	ssettag $0x0;
	lr =	simm.s32 $0x1  }
0x2: {  	[smem:$0x3F94] =	sst lr;
	_ =	strace $0xD0000000  }
0x3: {  	_ = 	snop  }
0x4: {  	_ = 	snop  }
0x5: {  	_ = 	snop  }
0x6: {  	_ = 	snop  }
0x7: {  	_ = 	snop  }
__scs_overlays_trampoline_lowered:
0x8: {  	[smem:$0x3FA3] =	sst s0  }
0x9: {  	[smem:$0x3FA4] =	sst s1  }
0xa: {  	[smem:$0x3FA5] =	sst s2  }
0xb: {  	[smem:$0x3FA6] =	sst s3  }
0xc: {  	[smem:$0x3FA7] =	sst s4  }
0xd: {  	[smem:$0x3FA8] =	sst s5  }
0xe: {  	[smem:$0x3FA9] =	sst s6  }
0xf: {  	[smem:$0x3FAA] =	sst s7  }
0x10: {  	[smem:$0x3FAB] =	sst s8  }
0x11: {  	[smem:$0x3FAC] =	sst s9;
	s0 =	simm.s32 @!p0 $0x0  }
0x12: {  	s1 =	sld [smem:$0x3F92];
	s0 =	simm.s32 @p0 $0x1  }
0x13: {  	[smem:$0x3FAD] =	sst s0;
	s0 =	simm.s32 @!p1 $0x0  }
0x14: {  	s2 =	sld [smem:$0x3F91];
	s0 =	simm.s32 @p1 $0x1  }
0x15: {  	[smem:$0x3FAE] =	sst s0;
	s0 =	simm.s32 @!p2 $0x0  }
0x16: {  	s3 =	sld [smem:$0x3FDB];
	s0 =	simm.s32 @p2 $0x1  }
0x17: {  	s4 =	simm.s32 $0x1BF5;
	[smem:$0x3FB0] =	sst s0  }
0x18: {  	s0 =	sld [smem:$0x3F93];
	_ =	swait.ge [sflag:s4], $0x0  }
0x19: {  	s7 =	sld [smem:$0x3F94]  }
0x1a: {  	s8 =	sadd.s32 $0xFFFFE003, lr  }
0x1b: {  	s9 =	sadd.s32 $0xFFFFFEF7, lr;
	s5 =	simm.s32 $0xFFFFFFFF;
	p2 =	slt.u32 s8, $0xFFFFF086  }
0x1c: {  	p1 =	slt.u32 s9, $0xF7A;
	s5 =	simm.s32 @!p2 $0x0  }
0x1d: {  	s5 =	simm.s32 @p1 $0x1;
	p0 =	seq.s32 s7, s2  }
0x1e: {  	s7 =	smul.u32 @!p0 $0xF7A, s2;
	p2 =	seq.s32 @!p0 s5, $0x0  }
0x1f: {  	s9 =	smul.u32 $0xF7A, s1;
	s8 =	simm.s32 @!p0 $0x1BF5;
	p2 =	por !p2, p0  }
0x20: {  	[sflag:s8] =	ssyncset.s32 @!p0 $0xFFFFF086;
	s6 =	sadd.s32 @!p0 s3, s7;
	s7 =	simm.s32 @!p0 $0x108  }
0x21: {  	s3 =	sadd.s32 s3, s9;
	s6 =	sadd.s32 @!p0 $0x88, s6;
	s7 =	simm.s32 @p2 $0x1082  }
0x22: {  	[simem:s7], [sflag:s8] =	dma.local @!p0 [hbm:s6], $0xF7A  }
0x23: {  	s9 =	sor.u32 $0xD0000000, s2;
	s6 =	simm.s32 $0x108;
	_ =	swait.ge @!p0 [sflag:s8], $0x0  }
0x24: {  	s3 =	sadd.s32 $0x88, s3;
	s6 =	simm.s32 @!p1 $0x1082;
	[sflag:s4] =	ssyncset.s32 $0xFFFFF086  }
0x25: {  	[simem:s6], [sflag:s4] =	dma.local [hbm:s3], $0xF7A  }
0x26: {  	[smem:$0x3F94] =	sst s1;
	(tag) =	ssettag s2;
	_ =	strace s9  }
0x27: {  	s1 =	sld [smem:$0x3FA4]  }
0x28: {  	s2 =	sld [smem:$0x3FA5]  }
0x29: {  	s4 =	sld [smem:$0x3FA7]  }
0x2a: {  	p0 =	seq.s32 s5, $0x0;
	s5 =	sld [smem:$0x3FA8]  }
0x2b: {  	s6 =	sld [smem:$0x3FA9]  }
0x2c: {  	s7 =	sld [smem:$0x3FAA]  }
0x2d: {  	s3 =	simm.s32 $0x108;
	s8 =	sld [smem:$0x3FAB]  }
0x2e: {  	s3 =	simm.s32 @!p0 $0x1082;
	s9 =	sld [smem:$0x3FAC]  }
0x2f: {  	lr =	sadd.s32 s0, s3;
	s0 =	sld [smem:$0x3FA3]  }
0x30: {  	s3 =	sld [smem:$0x3FA6]  }
0x31: {  	[smem:$0x3FAF] =	sst s10  }
0x32: {  	s10 =	sld [smem:$0x3FAD];
	_ =	sdelay $0x3  }
0x33: {  	p0 =	seq.s32 s10, $0x1;
	s10 =	sld [smem:$0x3FAF];
	_ =	sdelay $0x3  }
0x34: {  	[smem:$0x3FAF] =	sst s10  }
0x35: {  	s10 =	sld [smem:$0x3FAE];
	_ =	sdelay $0x3  }
0x36: {  	p1 =	seq.s32 s10, $0x1;
	s10 =	sld [smem:$0x3FAF];
	_ =	sdelay $0x3  }
0x37: {  	[smem:$0x3FAF] =	sst s10  }
0x38: {  	s10 =	sld [smem:$0x3FB0]  }
0x39: {  	_ = 	snop;
	(pc) =	sbr.ind lr, $3  }
0x3a: {  	_ = 	snop  }
0x3b: {  	_ = 	snop  }
0x3c: {  	p2 =	seq.s32 s10, $0x1;
	s10 =	sld [smem:$0x3FAF]  }
0x3d: {  	_ =	shalt  }
0x3e: {  	_ =	shalt  }
0x3f: {  	_ =	shalt  }
0x40: {  	_ =	shalt  }
0x41: {  	_ =	shalt  }
0x42: {  	_ =	shalt  }
0x43: {  	_ =	shalt  }
0x44: {  	_ =	shalt  }
0x45: {  	_ =	shalt  }
0x46: {  	_ =	shalt  }
0x47: {  	_ =	shalt  }
0x48: {  	_ =	shalt  }
0x49: {  	_ =	shalt  }
0x4a: {  	_ =	shalt  }
0x4b: {  	_ =	shalt  }
0x4c: {  	_ =	shalt  }
0x4d: {  	_ =	shalt  }
0x4e: {  	_ =	shalt  }
0x4f: {  	_ =	shalt  }
0x50: {  	_ =	shalt  }
0x51: {  	_ =	shalt  }
0x52: {  	_ =	shalt  }
0x53: {  	_ =	shalt  }
0x54: {  	_ =	shalt  }
0x55: {  	_ =	shalt  }
0x56: {  	_ =	shalt  }
0x57: {  	_ =	shalt  }
0x58: {  	_ =	shalt  }
0x59: {  	_ =	shalt  }
0x5a: {  	_ =	shalt  }
0x5b: {  	_ =	shalt  }
0x5c: {  	_ =	shalt  }
0x5d: {  	_ =	shalt  }
0x5e: {  	_ =	shalt  }
0x5f: {  	_ =	shalt  }
0x60: {  	_ =	shalt  }
0x61: {  	_ =	shalt  }
0x62: {  	_ =	shalt  }
0x63: {  	_ =	shalt  }
0x64: {  	_ =	shalt  }
0x65: {  	_ =	shalt  }
0x66: {  	_ =	shalt  }
0x67: {  	_ =	shalt  }
0x68: {  	_ =	shalt  }
0x69: {  	_ =	shalt  }
0x6a: {  	_ =	shalt  }
0x6b: {  	_ =	shalt  }
0x6c: {  	_ =	shalt  }
0x6d: {  	_ =	shalt  }
0x6e: {  	_ =	shalt  }
0x6f: {  	_ =	shalt  }
0x70: {  	_ =	shalt  }
0x71: {  	_ =	shalt  }
0x72: {  	_ =	shalt  }
0x73: {  	_ =	shalt  }
0x74: {  	_ =	shalt  }
0x75: {  	_ =	shalt  }
0x76: {  	_ =	shalt  }
0x77: {  	_ =	shalt  }
0x78: {  	_ =	shalt  }
0x79: {  	_ =	shalt  }
0x7a: {  	_ =	shalt  }
0x7b: {  	_ =	shalt  }
0x7c: {  	_ =	shalt  }
0x7d: {  	_ =	shalt  }
0x7e: {  	_ =	shalt  }
0x7f: {  	_ =	shalt  }
0x80: {  	_ =	shalt  }
0x81: {  	_ =	shalt  }
0x82: {  	_ =	shalt  }
0x83: {  	_ =	shalt  }
0x84: {  	_ =	shalt  }
0x85: {  	_ =	shalt  }
0x86: {  	_ =	shalt  }
0x87: {  	_ =	shalt  }
.Lfunc_end0:
.L_simem_size_0:
called_computation.5_lowered:
.L_overlay_start_0:
0x88: {  	s2 =	sld [smem:$0x3FD9]  }
0x89: {  	s3 =	sld [smem:$0x3FFE];
	_ =	sdelay $0x1  }
0x8a: {  	s1 =	srdreg.scid  }
0x8b: {  	s0 =	sand.u32 $0x1, s1  }
0x8c: {  	s17 =	sshll.u32 s0, $0xA;
	s2 =	sadd.s32 s3, s2  }
0x8d: {  	s2 =	sadd.s32 s2, s17  }
0x8e: {  	[smem:$0x3FBB] =	sst s2  }
0x8f: {  	_ = 	snop  }
0x90: {  	s18 =	sld [smem:$0x3FD0];
	(tm) =	ssettm $0x1  }
0x91: {  	s19 =	sld [smem:$0x3FFB];
	_ =	sdelay $0x3  }
0x92: {  	_ =	strace s19  }
0x93: {  	s2 =	sld [smem:$0x3FFC];
	_ =	sdelay $0x3  }
0x94: {  	_ =	strace s2  }
0x95: {  	s2 =	sld [smem:$0x3FFD];
	_ =	sdelay $0x3  }
0x96: {  	_ =	strace s2  }
0x97: {  	_ =	strace $0x8FFFFFFF  }
0x98: {  	s20 =	sld [smem:$0x3FDB];
	_ =	sdelay $0x1  }
0x99: {  	s4 =	simm.s32 $_scs_section_size  }
0x9a: {  	s5 =	simm.s32 $_size__tile_overlayer_lowered;
	s6 =	simm.s32 $_tile_overlayer_lowered  }
0x9b: {  	s7 =	simm.s32 $0x1BFF;
	s21 =	sshll.u32 s6, $0x1;
	s4 =	sadd.s32 s4, s20  }
0x9c: {  	s22 =	simm.s32 $0x0;
	s5 =	sshll.u32 s5, $0x1;
	s6 =	sadd.s32 s21, s4  }
0x9d: {  	[timem:s22], [sflag:s7] =	dma.local [hbm:s6], s5  }
0x9e: {  	_ =	swait.ge [sflag:s7], s5  }
0x9f: {  	s5 =	ssub.s32 $0x0, s5;
	[sflag:s7] =	ssyncset.done $0x0  }
0xa0: {  	[sflag:s7] =	ssyncadd.s32 s5;
	_ =	sdelay $0x1  }
0xa1: {  	s23 =	simm.s32 $0x1B8B  }
0xa2: {  	_ =	swait.ge [sflag:s23], $0x1  }
0xa3: {  	[sflag:s23] =	ssyncset.done $0x0  }
0xa4: {  	[sflag:s23] =	ssyncadd.s32 $0xFFFFFFFF  }
0xa5: {  	s5 =	sld [smem:$0x0]  }
0xa6: {  	s6 =	sand.u32 $0xFFFFFFFE, s1  }
0xa7: {  	p0 =	sne.s32 s1, s6  }
0xa8: {  	s6 =	sshll.u32 @p0 s6, $0xE  }
0xa9: {  	s6 =	sadd.s32 @p0 $0x11B8D, s6;
	s7 =	sshll.u32 @p0 s5, $0x11  }
0xaa: {  	s6 =	sor.u32 @p0 s7, s6  }
0xab: {  	[sflag:s6] =	ssyncadd.remote.s32 @p0 $0x1;
	_ =	sdelay $0x1  }
0xac: {  	s6 =	simm.s32 @p0 $0x1B8D  }
0xad: {  	_ =	swait.eq @p0 [sflag:s6], $0x1  }
0xae: {  	[sflag:s6] =	ssyncadd.s32 @p0 $0xFFFFFFFF  }
0xaf: {  	s7 =	sshll.u32 @!p0 s1, $0xE  }
0xb0: {  	s7 =	sor.u32 @!p0 $0x4000, s7;
	s6 =	simm.s32 @!p0 $0x1B8D  }
0xb1: {  	s5 =	sshll.u32 @!p0 s5, $0x11;
	s7 =	sadd.s32 @!p0 $0x11B8D, s7;
	_ =	swait.eq @!p0 [sflag:s6], $0x1  }
0xb2: {  	s5 =	sor.u32 @!p0 s5, s7;
	[sflag:s6] =	ssyncadd.s32 @!p0 $0xFFFFFFFF  }
0xb3: {  	s25 =	simm.s32 $0x1B8E;
	s24 =	sld [smem:$0x3FFE];
	[sflag:s5] =	ssyncadd.remote.s32 @!p0 $0x1  }
0xb4: {  	s26 =	simm.s32 $execute0_lowered;
	[smem:$0x3FD2] =	sst s25  }
0xb5: {  	s6 =	sshll.u32 s26, $0x1;
	_ =	strace $0x80000050;
	[dreg:$0x1] =	wrdreg $0xFFFFFFFF  }
0xb6: {  	s28 =	simm.s32 $_size_execute0_lowered;
	s4 =	sadd.s32 s4, s6;
	[dreg:$0x0] =	wrdreg $0x0  }
0xb7: {  	s6 =	sshll.u32 s28, $0x1;
	[dreg:$0x2] =	wrdreg s4  }
0xb8: {  	[dreg:$0x3] =	wrdreg s6  }
0xb9: {  	[dreg:$0x4] =	wrdreg $0xC0  }
0xba: {  	_ =	task [dreg:s22], $0x5FFFF  }
0xbb: {  	[dreg:$0x1] =	wrdreg $0xFFFFFFFF  }
0xbc: {  	[dreg:$0x0] =	wrdreg $0x60  }
0xbd: {  	[dreg:$0x2] =	wrdreg s18  }
0xbe: {  	[dreg:$0x3] =	wrdreg s24  }
0xbf: {  	[dreg:$0x4] =	wrdreg $0xC  }
0xc0: {  	_ =	task.clear_ibuf [dreg:s22], $0x5FFFF;
	_ =	strace $0x90000050  }
0xc1: {  	s29 =	simm.s32 $0xC;
	_ =	strace $0x80000059  }
0xc2: {  	_ =	swait.ge [sflag:s29], $0x1  }
0xc3: {  	[sflag:s29] =	ssyncadd.s32 $0xFFFFFFFF  }
0xc4: {  	_ =	strace $0x90000059  }
0xc5: {  	_ =	sfence  }
0xc6: {  	s30 =	sld [smem:$0x0];
	_ =	sdelay $0x2  }
0xc7: {  	s31 =	sshll.u32 s1, $0xD;
	s1 =	sshrl.u32 s1, $0x2  }
0xc8: {  	s4 =	sand.u32 $0x4000, s31;
	s1 =	sadd.s32 s1, s30  }
0xc9: {  	s0 =	sor.u32 s4, s0;
	s1 =	sshll.u32 s1, $0x11  }
0xca: {  	s0 =	sor.u32 s1, s0  }
0xcb: {  	s0 =	sadd.s32 $0x8F2B, s0  }
0xcc: {  	[sflag:s0] =	ssyncadd.remote.s32 $0x1  }
0xcd: {  	_ =	sfence.sel $0xFFFF  }
0xce: {  	[dreg:$0x0] =	wrdreg $0xFFFFFFFF;
	(pc) =	sbr.abs _section_cstart, $3  }
0xcf: {  	[dreg:$0x1] =	wrdreg $0xFFFFFFFF  }
0xd0: {  	_ =	task.clear_ibuf [dreg:s22], $0x2FFFF;
	_ =	strace $0x9FFFFFFF  }
0xd1: {  	(tm) =	ssettm $0x7FFFFFFF  }
tec
execute0_lowered:
.L_overlay_start_1:
0x0: {  	(tag) =	ssettag $0x1  }
0x1: {  	s1 =	rddreg [dreg:$0x0]  }
0x2: {  	s5 =	rddreg [dreg:$0x1]  }
0x3: {  	s0 =	rddreg [dreg:$0x2];
	s2 =	simm.s32 $0x0  }
0x4: {  	s3 =	srdreg.scid;
	s10 =	simm.s32 $0x4;
	s11 =	simm.s32 $0x0  }
0x5: {  	[smem:$0x7FF] =	sst s2;
	s6 =	sand.u32 $0x1, s3;
	s3 =	stileid.u32  }
0x6: {  	s4 =	sadd.s32 $0x28EE00, s5;
	s7 =	sshll.u32 s6, $0x4;
	s6 =	ssub.s32 $0x2, s6  }
0x7: {  	s5 =	sadd.s32 $0x291600, s5;
	s7 =	sor.u32 s3, s7;
	s8 =	sshrl.u32 s6, $0x1  }
0x8: {  	v2 =	vlaneseq.u32;
	_ =	strace $0x80000051;
	s9 =	smul.u32 $0x140, s7;
	s8 =	ssub.s32 s6, s8  }
0x9: {  	vm0 =	vmmov $0xffff;
	v1 =	vshrl.u32 v2, $0x3;
	[dreg:$0x3] =	wrdreg s5;
	s5 =	smul.u32 $0x14, s7;
	s7 =	smax.u32 s8, $0x1  }
0xa: {  	v0 =	vand.u32 $0x7, v2;
	v2 =	vor.u32 $0x8, v2;
	v1 =	vmul.u32 $0x8, v1;
	s8 =	simm.s32 $0x5;
	s6 =	sadd.s32 s4, s9;
	s9 =	simm.s32 $0x6  }
.LBB2_1:
0xb: {  	_ =	strace $0x80000052;
	s12 =	simm.s32 $0x14  }
0xc: {  	s13 =	simm.s32 $0x0;
	s14 =	simm.s32 $0x0;
	s15 =	simm.s32 $0x0  }
0xd: {  	[tilespmem:s2], [sflag:$0x1] =	stream.linear.gather [hbm4b:s6+s2], $0x80, $0x200038;
	[tilespmem:$0x10100] =	vst v63  }
0xe: {  	s16 =	simm.s32 $0x0;
	s17 =	simm.s32 $0x1;
	_ =	strace $0x90000052  }
.LBB2_2:
0xf: {  	s18 =	smov.u32 s13;
	s13 =	sadd.s32 $0x1, s13  }
0x10: {  	p0 =	seq.s32 s13, $0x14  }
0x11: {  	s13 =	simm.s32 @p0 $0x0  }
0x12: {  	p6 =	sne.s32 s12, $0x1;
	p1 =	sne.s32 s18, s13  }
0x13: {  	p0 =	por !p6, !p1  }
0x14: {  	p0 =	por !p0, !p0  }
0x15: {  	s19 =	sadd.s32 @p0 s5, s13  }
0x16: {  	s20 =	sand.u32 @p0 $0x1, s17;
	s19 =	sshll.u32 @p0 s19, $0x4  }
0x17: {  	_ =	strace @p0 $0x80000053;
	s22 =	simm.s32 @p0 $0x0;
	s19 =	sand.u32 @p0 $0x1FFFFFF0, s19  }
0x18: {  	s21 =	sshll.u32 @p0 s20, $0x7;
	s20 =	sadd.s32 @p0 $0x1, s20;
	s19 =	sadd.s32 @p0 s4, s19  }
0x19: {  	[tilespmem:s21], [sflag:s20] =	stream.linear.gather @p0 [hbm4b:s19+s22], $0x80, $0x200038;
	[tilespmem:$0x10100] =	vst v63  }
0x1a: {  	s23 =	sand.u32 $0x1, s16;
	_ =	strace @p0 $0x90000053  }
0x1b: {  	s19 =	sadd.s32 $0x1, s23;
	_ =	strace $0x80000054  }
0x1c: {  	_ =	swait.ge [sflag:s19], $0x80  }
0x1d: {  	[sflag:s19] =	ssyncset.done $0x0  }
0x1e: {  	[sflag:s19] =	ssyncadd.s32 $0xFFFFFF80  }
0x1f: {  	s24 =	sshll.u32 s16, $0x7;
	_ =	strace $0x90000054  }
0x20: {  	s22 =	sand.u32 $0x80, s24;
	_ =	strace $0x80000055  }
0x21: {  	v3 =	vld [tilespmem:s22+$0x0];
	_ =	sdelay $0x4  }
0x22: {  	v4 =	vshll.u32 v3, $0x1  }
0x23: {  	v3 =	vand.u32 $0x7, v3;
	v4 =	vand.u32 $0xFFFFFFF0, v4  }
0x24: {  	v3 =	vor.u32 v3, v4  }
0x25: {  	v4 =	vperm.xlane v3, v0;
	_ =	sdelay $0x1  }
0x26: {  	v3 =	vperm.xlane v3, v2;
	v4 =	vadd.s32 v1, v4;
	_ =	sdelay $0x1  }
0x27: {  	s19 =	sand.u32 $0x1, s15;
	v3 =	vadd.s32 v1, v3  }
0x28: {  	s21 =	sshll.u32 s19, $0xF  }
0x29: {  	s20 =	sor.u32 $0x100, s21  }
0x2a: {  	[tilespmem:s20], [sflag:$0x5] =	stream.indirect_vreg.gather [hbm4b:s1+s2], $0x80, v4, vm0, $0x2000b8;
	[tilespmem:$0x10100] =	vst v63  }
0x2b: {  	s23 =	sor.u32 $0x900, s21  }
0x2c: {  	[tilespmem:s23], [sflag:$0x5] =	stream.indirect_vreg.gather [hbm4b:s1+s2], $0x80, v3, vm0, $0x2000b8;
	[tilespmem:$0x10100] =	vst v63  }
0x2d: {  	v3 =	vld [tilespmem:s22+$0x10];
	_ =	sdelay $0x4  }
0x2e: {  	v57 =	vshll.u32 v3, $0x1  }
0x2f: {  	v3 =	vand.u32 $0x7, v3;
	v4 =	vand.u32 $0xFFFFFFF0, v57  }
0x30: {  	v3 =	vor.u32 v3, v4  }
0x31: {  	v4 =	vperm.xlane v3, v0;
	_ =	sdelay $0x1  }
0x32: {  	v3 =	vperm.xlane v3, v2;
	v4 =	vadd.s32 v1, v4;
	_ =	sdelay $0x1  }
0x33: {  	v3 =	vadd.s32 v1, v3;
	_ =	sdelay $0x1  }
0x34: {  	s25 =	sor.u32 $0x1100, s21  }
0x35: {  	[tilespmem:s25], [sflag:$0x5] =	stream.indirect_vreg.gather [hbm4b:s1+s2], $0x80, v4, vm0, $0x2000b8;
	[tilespmem:$0x10100] =	vst v63  }
0x36: {  	s26 =	sor.u32 $0x1900, s21  }
0x37: {  	[tilespmem:s26], [sflag:$0x5] =	stream.indirect_vreg.gather [hbm4b:s1+s2], $0x80, v3, vm0, $0x2000b8;
	[tilespmem:$0x10100] =	vst v63  }
0x38: {  	v3 =	vld [tilespmem:s22+$0x20];
	_ =	sdelay $0x4  }
0x39: {  	v58 =	vshll.u32 v3, $0x1  }
0x3a: {  	v3 =	vand.u32 $0x7, v3;
	v4 =	vand.u32 $0xFFFFFFF0, v58  }
0x3b: {  	v3 =	vor.u32 v3, v4  }
0x3c: {  	v4 =	vperm.xlane v3, v0;
	_ =	sdelay $0x1  }
0x3d: {  	v3 =	vperm.xlane v3, v2;
	v4 =	vadd.s32 v1, v4;
	_ =	sdelay $0x1  }
0x3e: {  	v3 =	vadd.s32 v1, v3;
	_ =	sdelay $0x1  }
0x3f: {  	s28 =	sor.u32 $0x2100, s21  }
0x40: {  	[tilespmem:s28], [sflag:$0x5] =	stream.indirect_vreg.gather [hbm4b:s1+s2], $0x80, v4, vm0, $0x2000b8;
	[tilespmem:$0x10100] =	vst v63  }
0x41: {  	s29 =	sor.u32 $0x2900, s21  }
0x42: {  	[tilespmem:s29], [sflag:$0x5] =	stream.indirect_vreg.gather [hbm4b:s1+s2], $0x80, v3, vm0, $0x2000b8;
	[tilespmem:$0x10100] =	vst v63  }
0x43: {  	v3 =	vld [tilespmem:s22+$0x30];
	_ =	sdelay $0x4  }
0x44: {  	v59 =	vshll.u32 v3, $0x1  }
0x45: {  	v3 =	vand.u32 $0x7, v3;
	v4 =	vand.u32 $0xFFFFFFF0, v59  }
0x46: {  	v3 =	vor.u32 v3, v4  }
0x47: {  	v4 =	vperm.xlane v3, v0;
	_ =	sdelay $0x1  }
0x48: {  	v3 =	vperm.xlane v3, v2;
	v4 =	vadd.s32 v1, v4;
	_ =	sdelay $0x1  }
0x49: {  	v3 =	vadd.s32 v1, v3;
	_ =	sdelay $0x1  }
0x4a: {  	s30 =	sor.u32 $0x3100, s21  }
0x4b: {  	[tilespmem:s30], [sflag:$0x5] =	stream.indirect_vreg.gather [hbm4b:s1+s2], $0x80, v4, vm0, $0x2000b8;
	[tilespmem:$0x10100] =	vst v63  }
0x4c: {  	s31 =	sor.u32 $0x3900, s21  }
0x4d: {  	[tilespmem:s31], [sflag:$0x5] =	stream.indirect_vreg.gather [hbm4b:s1+s2], $0x80, v3, vm0, $0x2000b8;
	[tilespmem:$0x10100] =	vst v63  }
0x4e: {  	v3 =	vld [tilespmem:s22+$0x40];
	_ =	sdelay $0x4  }
0x4f: {  	v60 =	vshll.u32 v3, $0x1  }
0x50: {  	v3 =	vand.u32 $0x7, v3;
	v4 =	vand.u32 $0xFFFFFFF0, v60  }
0x51: {  	v3 =	vor.u32 v3, v4  }
0x52: {  	v4 =	vperm.xlane v3, v0;
	_ =	sdelay $0x1  }
0x53: {  	v3 =	vperm.xlane v3, v2;
	v4 =	vadd.s32 v1, v4;
	_ =	sdelay $0x1  }
0x54: {  	v3 =	vadd.s32 v1, v3;
	_ =	sdelay $0x1  }
0x55: {  	s24 =	sor.u32 $0x4100, s21  }
0x56: {  	[tilespmem:s24], [sflag:$0x6] =	stream.indirect_vreg.gather [hbm4b:s1+s2], $0x80, v4, vm0, $0x2000b8;
	[tilespmem:$0x10100] =	vst v63  }
0x57: {  	s25 =	sor.u32 $0x4900, s21  }
0x58: {  	[tilespmem:s25], [sflag:$0x6] =	stream.indirect_vreg.gather [hbm4b:s1+s2], $0x80, v3, vm0, $0x2000b8;
	[tilespmem:$0x10100] =	vst v63  }
0x59: {  	v3 =	vld [tilespmem:s22+$0x50];
	_ =	sdelay $0x4  }
0x5a: {  	v61 =	vshll.u32 v3, $0x1  }
0x5b: {  	v3 =	vand.u32 $0x7, v3;
	v4 =	vand.u32 $0xFFFFFFF0, v61  }
0x5c: {  	v3 =	vor.u32 v3, v4  }
0x5d: {  	v4 =	vperm.xlane v3, v0;
	_ =	sdelay $0x1  }
0x5e: {  	v3 =	vperm.xlane v3, v2;
	v4 =	vadd.s32 v1, v4;
	_ =	sdelay $0x1  }
0x5f: {  	v3 =	vadd.s32 v1, v3;
	_ =	sdelay $0x1  }
0x60: {  	s26 =	sor.u32 $0x5100, s21  }
0x61: {  	[tilespmem:s26], [sflag:$0x6] =	stream.indirect_vreg.gather [hbm4b:s1+s2], $0x80, v4, vm0, $0x2000b8;
	[tilespmem:$0x10100] =	vst v63  }
0x62: {  	s28 =	sor.u32 $0x5900, s21  }
0x63: {  	[tilespmem:s28], [sflag:$0x6] =	stream.indirect_vreg.gather [hbm4b:s1+s2], $0x80, v3, vm0, $0x2000b8;
	[tilespmem:$0x10100] =	vst v63  }
0x64: {  	v3 =	vld [tilespmem:s22+$0x60];
	_ =	sdelay $0x4  }
0x65: {  	v62 =	vshll.u32 v3, $0x1  }
0x66: {  	v3 =	vand.u32 $0x7, v3;
	v4 =	vand.u32 $0xFFFFFFF0, v62  }
0x67: {  	v3 =	vor.u32 v3, v4  }
0x68: {  	v4 =	vperm.xlane v3, v0;
	_ =	sdelay $0x1  }
0x69: {  	v3 =	vperm.xlane v3, v2;
	v4 =	vadd.s32 v1, v4;
	_ =	sdelay $0x1  }
0x6a: {  	v3 =	vadd.s32 v1, v3;
	_ =	sdelay $0x1  }
0x6b: {  	s29 =	sor.u32 $0x6100, s21  }
0x6c: {  	[tilespmem:s29], [sflag:$0x6] =	stream.indirect_vreg.gather [hbm4b:s1+s2], $0x80, v4, vm0, $0x2000b8;
	[tilespmem:$0x10100] =	vst v63  }
0x6d: {  	s30 =	sor.u32 $0x6900, s21  }
0x6e: {  	[tilespmem:s30], [sflag:$0x6] =	stream.indirect_vreg.gather [hbm4b:s1+s2], $0x80, v3, vm0, $0x2000b8;
	[tilespmem:$0x10100] =	vst v63  }
0x6f: {  	v3 =	vld [tilespmem:s22+$0x70];
	_ =	sdelay $0x4  }
0x70: {  	v63 =	vshll.u32 v3, $0x1  }
0x71: {  	v3 =	vand.u32 $0x7, v3;
	v4 =	vand.u32 $0xFFFFFFF0, v63  }
0x72: {  	v3 =	vor.u32 v3, v4  }
0x73: {  	v4 =	vperm.xlane v3, v0;
	_ =	sdelay $0x1  }
0x74: {  	v3 =	vperm.xlane v3, v2;
	v4 =	vadd.s32 v1, v4;
	_ =	sdelay $0x1  }
0x75: {  	v3 =	vadd.s32 v1, v3;
	_ =	sdelay $0x1  }
0x76: {  	s31 =	sor.u32 $0x7100, s21  }
0x77: {  	[tilespmem:s31], [sflag:$0x6] =	stream.indirect_vreg.gather [hbm4b:s1+s2], $0x80, v4, vm0, $0x2000b8;
	[tilespmem:$0x10100] =	vst v63  }
0x78: {  	s21 =	sor.u32 $0x7900, s21  }
0x79: {  	[tilespmem:s21], [sflag:$0x6] =	stream.indirect_vreg.gather [hbm4b:s1+s2], $0x80, v3, vm0, $0x2000b8;
	[tilespmem:$0x10100] =	vst v63  }
0x7a: {  	_ =	swait.ge [sflag:s8], $0x4000  }
0x7b: {  	[sflag:s8] =	ssyncset.done $0x0  }
0x7c: {  	[sflag:s8] =	ssyncadd.s32 $0xFFFFC000  }
0x7d: {  	_ =	swait.ge [sflag:s9], $0x4000  }
0x7e: {  	p2 =	seq.s32 s12, $0x1;
	[sflag:s9] =	ssyncset.done $0x0  }
0x7f: {  	s18 =	sadd.s32 s5, s18;
	p1 =	por p2, p1;
	[sflag:s9] =	ssyncadd.s32 $0xFFFFC000  }
0x80: {  	s18 =	sshll.u32 @p1 s18, $0xC;
	_ =	strace $0x90000055  }
0x81: {  	s18 =	sand.u32 @p1 $0x1FFFF000, s18;
	s22 =	simm.s32 $0x1;
	_ =	strace @p1 $0x80000056  }
0x82: {  	s19 =	sadd.s32 @p1 $0x3, s19;
	s22 =	simm.s32 @!p0 $0x0;
	s21 =	rddreg [dreg:$0x3]  }
0x83: {  	p0 =	seq.s32 s12, $0x14;
	s18 =	sadd.s32 @p1 s21, s18;
	s21 =	simm.s32 @p1 $0x0  }
0x84: {  	[hbm4b:s18+s21] =	stream.linear.scatter @p1 [tilespmem:s20], [sflag:s19], $0x8000, $0x200038;
	[tilespmem:$0x10100] =	vst v63  }
0x85: {  	s18 =	simm.s32 $0x1;
	s20 =	simm.s32 $0x1;
	_ =	strace @p1 $0x90000056  }
0x86: {  	s18 =	simm.s32 @!p1 $0x0;
	p1 =	sne.s32 s12, $0x14;
	s12 =	sadd.s32 $0xFFFFFFFF, s12  }
0x87: {  	s19 =	sand.u32 @!p0 $0x1, s14;
	s20 =	simm.s32 @!p1 $0x0;
	p1 =	sne.s32 s12, $0x0  }
.Ltmp0:
0x88: {  	s19 =	sadd.s32 @!p0 $0x3, s19;
	_ =	strace @!p0 $0x80000057;
	(pc) =	sbr.rel @p1 .LBB2_2-.Ltmp0, $4  }
0x89: {  	_ =	swait.ge @!p0 [sflag:s19], $0x8000  }
0x8a: {  	[sflag:s19] =	ssyncset.done @!p0 $0x0  }
0x8b: {  	s17 =	sadd.s32 s22, s17;
	s15 =	sadd.s32 s18, s15;
	[sflag:s19] =	ssyncadd.s32 @!p0 $0xFFFF8000  }
0x8c: {  	s16 =	sadd.s32 s18, s16;
	s14 =	sadd.s32 s20, s14;
	_ =	strace @!p0 $0x90000057  }
0x8d: {  	s11 =	sadd.s32 $0x1, s11  }
0x8e: {  	p0 =	sne.s32 s11, s7  }
.Ltmp1:
0x8f: {  	_ =	strace $0x80000058;
	(pc) =	sbr.rel @p0 .LBB2_1-.Ltmp1, $4  }
0x90: {  	_ =	swait.ge [sflag:s10], $0x8000  }
0x91: {  	[sflag:s10] =	ssyncset.done $0x0  }
0x92: {  	[sflag:s10] =	ssyncadd.s32 $0xFFFF8000  }
0x93: {  	_ =	strace $0x90000058  }
0x94: {  	_ =	sfence.sel $0x180000  }
0x95: {  	[bflag:$0x0] =	sbarrier.arrive $0xFFFF  }
0x96: {  	p0 =	sne.s32 s3, $0x0;
	_ =	strace $0x90000051  }
0x97: {  	s0 =	sadd.s32 @!p0 $0x100000, s0;
	[bflag:$0x2] =	sbarrier.arrive $0xFFFF  }
0x98: {  	[sflag:s0] =	ssyncadd.tile.s32 @!p0 $0x1;
	_ =	shalt  }
.Lfunc_end2:
_tile_overlayer_lowered:
.L_overlay_start_2:
0x99: {  	(tag) =	ssettag $0x2  }
0x9a: {  	s0 =	rddreg [dreg:$0x0];
	s2 =	stileid.u32  }
0x9b: {  	s1 =	rddreg [dreg:$0x1];
	p0 =	sne.s32 s2, $0x0  }
0x9c: {  	s3 =	rddreg [dreg:$0x2];
	[bflag:$0x3] =	sbarrier.arrive $0xFFFF;
	s2 =	simm.s32 @!p0 $0x1C01  }
0x9d: {  	[timem:s3], [sflag:s2] =	dma.local @!p0 [hbm:s0], s1  }
0x9e: {  	s0 =	simm.s32 @!p0 $0x1  }
0x9f: {  	_ =	swait.ge @!p0 [sflag:s0], s1  }
0xa0: {  	s1 =	ssub.s32 @!p0 $0x0, s1;
	[sflag:s0] =	ssyncset.done @!p0 $0x0  }
0xa1: {  	[sflag:s0] =	ssyncadd.s32 @!p0 s1  }
0xa2: {  	[bflag:$0x3] =	sbarrier.arrive $0xFFFF  }
0xa3: {  	_ =	shalt  }

// kernel: kernel.34.cloned.1.call-start
scs
__scs_entry_jumppad:
0x0: {  	(pc) =	sbr.rel $0x88, $3  }
0x1: {  	(tag) =	ssettag $0x0;
	lr =	simm.s32 $0x1  }
0x2: {  	[smem:$0x3F94] =	sst lr;
	_ =	strace $0xD0000000  }
0x3: {  	_ = 	snop  }
0x4: {  	_ = 	snop  }
0x5: {  	_ = 	snop  }
0x6: {  	_ = 	snop  }
0x7: {  	_ = 	snop  }
__scs_overlays_trampoline_lowered:
0x8: {  	[smem:$0x3FA3] =	sst s0  }
0x9: {  	[smem:$0x3FA4] =	sst s1  }
0xa: {  	[smem:$0x3FA5] =	sst s2  }
0xb: {  	[smem:$0x3FA6] =	sst s3  }
0xc: {  	[smem:$0x3FA7] =	sst s4  }
0xd: {  	[smem:$0x3FA8] =	sst s5  }
0xe: {  	[smem:$0x3FA9] =	sst s6  }
0xf: {  	[smem:$0x3FAA] =	sst s7  }
0x10: {  	[smem:$0x3FAB] =	sst s8  }
0x11: {  	[smem:$0x3FAC] =	sst s9;
	s0 =	simm.s32 @!p0 $0x0  }
0x12: {  	s1 =	sld [smem:$0x3F92];
	s0 =	simm.s32 @p0 $0x1  }
0x13: {  	[smem:$0x3FAD] =	sst s0;
	s0 =	simm.s32 @!p1 $0x0  }
0x14: {  	s2 =	sld [smem:$0x3F91];
	s0 =	simm.s32 @p1 $0x1  }
0x15: {  	[smem:$0x3FAE] =	sst s0;
	s0 =	simm.s32 @!p2 $0x0  }
0x16: {  	s3 =	sld [smem:$0x3FDB];
	s0 =	simm.s32 @p2 $0x1  }
0x17: {  	s4 =	simm.s32 $0x1BF5;
	[smem:$0x3FB0] =	sst s0  }
0x18: {  	s0 =	sld [smem:$0x3F93];
	_ =	swait.ge [sflag:s4], $0x0  }
0x19: {  	s7 =	sld [smem:$0x3F94]  }
0x1a: {  	s8 =	sadd.s32 $0xFFFFE003, lr  }
0x1b: {  	s9 =	sadd.s32 $0xFFFFFEF7, lr;
	s5 =	simm.s32 $0xFFFFFFFF;
	p2 =	slt.u32 s8, $0xFFFFF086  }
0x1c: {  	p1 =	slt.u32 s9, $0xF7A;
	s5 =	simm.s32 @!p2 $0x0  }
0x1d: {  	s5 =	simm.s32 @p1 $0x1;
	p0 =	seq.s32 s7, s2  }
0x1e: {  	s7 =	smul.u32 @!p0 $0xF7A, s2;
	p2 =	seq.s32 @!p0 s5, $0x0  }
0x1f: {  	s9 =	smul.u32 $0xF7A, s1;
	s8 =	simm.s32 @!p0 $0x1BF5;
	p2 =	por !p2, p0  }
0x20: {  	[sflag:s8] =	ssyncset.s32 @!p0 $0xFFFFF086;
	s6 =	sadd.s32 @!p0 s3, s7;
	s7 =	simm.s32 @!p0 $0x108  }
0x21: {  	s3 =	sadd.s32 s3, s9;
	s6 =	sadd.s32 @!p0 $0x88, s6;
	s7 =	simm.s32 @p2 $0x1082  }
0x22: {  	[simem:s7], [sflag:s8] =	dma.local @!p0 [hbm:s6], $0xF7A  }
0x23: {  	s9 =	sor.u32 $0xD0000000, s2;
	s6 =	simm.s32 $0x108;
	_ =	swait.ge @!p0 [sflag:s8], $0x0  }
0x24: {  	s3 =	sadd.s32 $0x88, s3;
	s6 =	simm.s32 @!p1 $0x1082;
	[sflag:s4] =	ssyncset.s32 $0xFFFFF086  }
0x25: {  	[simem:s6], [sflag:s4] =	dma.local [hbm:s3], $0xF7A  }
0x26: {  	[smem:$0x3F94] =	sst s1;
	(tag) =	ssettag s2;
	_ =	strace s9  }
0x27: {  	s1 =	sld [smem:$0x3FA4]  }
0x28: {  	s2 =	sld [smem:$0x3FA5]  }
0x29: {  	s4 =	sld [smem:$0x3FA7]  }
0x2a: {  	p0 =	seq.s32 s5, $0x0;
	s5 =	sld [smem:$0x3FA8]  }
0x2b: {  	s6 =	sld [smem:$0x3FA9]  }
0x2c: {  	s7 =	sld [smem:$0x3FAA]  }
0x2d: {  	s3 =	simm.s32 $0x108;
	s8 =	sld [smem:$0x3FAB]  }
0x2e: {  	s3 =	simm.s32 @!p0 $0x1082;
	s9 =	sld [smem:$0x3FAC]  }
0x2f: {  	lr =	sadd.s32 s0, s3;
	s0 =	sld [smem:$0x3FA3]  }
0x30: {  	s3 =	sld [smem:$0x3FA6]  }
0x31: {  	[smem:$0x3FAF] =	sst s10  }
0x32: {  	s10 =	sld [smem:$0x3FAD];
	_ =	sdelay $0x3  }
0x33: {  	p0 =	seq.s32 s10, $0x1;
	s10 =	sld [smem:$0x3FAF];
	_ =	sdelay $0x3  }
0x34: {  	[smem:$0x3FAF] =	sst s10  }
0x35: {  	s10 =	sld [smem:$0x3FAE];
	_ =	sdelay $0x3  }
0x36: {  	p1 =	seq.s32 s10, $0x1;
	s10 =	sld [smem:$0x3FAF];
	_ =	sdelay $0x3  }
0x37: {  	[smem:$0x3FAF] =	sst s10  }
0x38: {  	s10 =	sld [smem:$0x3FB0]  }
0x39: {  	_ = 	snop;
	(pc) =	sbr.ind lr, $3  }
0x3a: {  	_ = 	snop  }
0x3b: {  	_ = 	snop  }
0x3c: {  	p2 =	seq.s32 s10, $0x1;
	s10 =	sld [smem:$0x3FAF]  }
0x3d: {  	_ =	shalt  }
0x3e: {  	_ =	shalt  }
0x3f: {  	_ =	shalt  }
0x40: {  	_ =	shalt  }
0x41: {  	_ =	shalt  }
0x42: {  	_ =	shalt  }
0x43: {  	_ =	shalt  }
0x44: {  	_ =	shalt  }
0x45: {  	_ =	shalt  }
0x46: {  	_ =	shalt  }
0x47: {  	_ =	shalt  }
0x48: {  	_ =	shalt  }
0x49: {  	_ =	shalt  }
0x4a: {  	_ =	shalt  }
0x4b: {  	_ =	shalt  }
0x4c: {  	_ =	shalt  }
0x4d: {  	_ =	shalt  }
0x4e: {  	_ =	shalt  }
0x4f: {  	_ =	shalt  }
0x50: {  	_ =	shalt  }
0x51: {  	_ =	shalt  }
0x52: {  	_ =	shalt  }
0x53: {  	_ =	shalt  }
0x54: {  	_ =	shalt  }
0x55: {  	_ =	shalt  }
0x56: {  	_ =	shalt  }
0x57: {  	_ =	shalt  }
0x58: {  	_ =	shalt  }
0x59: {  	_ =	shalt  }
0x5a: {  	_ =	shalt  }
0x5b: {  	_ =	shalt  }
0x5c: {  	_ =	shalt  }
0x5d: {  	_ =	shalt  }
0x5e: {  	_ =	shalt  }
0x5f: {  	_ =	shalt  }
0x60: {  	_ =	shalt  }
0x61: {  	_ =	shalt  }
0x62: {  	_ =	shalt  }
0x63: {  	_ =	shalt  }
0x64: {  	_ =	shalt  }
0x65: {  	_ =	shalt  }
0x66: {  	_ =	shalt  }
0x67: {  	_ =	shalt  }
0x68: {  	_ =	shalt  }
0x69: {  	_ =	shalt  }
0x6a: {  	_ =	shalt  }
0x6b: {  	_ =	shalt  }
0x6c: {  	_ =	shalt  }
0x6d: {  	_ =	shalt  }
0x6e: {  	_ =	shalt  }
0x6f: {  	_ =	shalt  }
0x70: {  	_ =	shalt  }
0x71: {  	_ =	shalt  }
0x72: {  	_ =	shalt  }
0x73: {  	_ =	shalt  }
0x74: {  	_ =	shalt  }
0x75: {  	_ =	shalt  }
0x76: {  	_ =	shalt  }
0x77: {  	_ =	shalt  }
0x78: {  	_ =	shalt  }
0x79: {  	_ =	shalt  }
0x7a: {  	_ =	shalt  }
0x7b: {  	_ =	shalt  }
0x7c: {  	_ =	shalt  }
0x7d: {  	_ =	shalt  }
0x7e: {  	_ =	shalt  }
0x7f: {  	_ =	shalt  }
0x80: {  	_ =	shalt  }
0x81: {  	_ =	shalt  }
0x82: {  	_ =	shalt  }
0x83: {  	_ =	shalt  }
0x84: {  	_ =	shalt  }
0x85: {  	_ =	shalt  }
0x86: {  	_ =	shalt  }
0x87: {  	_ =	shalt  }
.Lfunc_end0:
.L_simem_size_0:
called_computation.6_lowered:
.L_overlay_start_0:
0x88: {  	s2 =	sld [smem:$0x3FD9]  }
0x89: {  	s3 =	sld [smem:$0x3FFE];
	_ =	sdelay $0x1  }
0x8a: {  	s1 =	srdreg.scid  }
0x8b: {  	s0 =	sand.u32 $0x1, s1  }
0x8c: {  	s17 =	sshll.u32 s0, $0xA;
	s2 =	sadd.s32 s3, s2  }
0x8d: {  	s2 =	sadd.s32 s2, s17  }
0x8e: {  	[smem:$0x3FBB] =	sst s2  }
0x8f: {  	_ = 	snop  }
0x90: {  	(tm) =	ssettm $0x1  }
0x91: {  	s18 =	sld [smem:$0x3FFB];
	_ =	sdelay $0x3  }
0x92: {  	_ =	strace s18  }
0x93: {  	s2 =	sld [smem:$0x3FFC];
	_ =	sdelay $0x3  }
0x94: {  	_ =	strace s2  }
0x95: {  	s2 =	sld [smem:$0x3FFD];
	_ =	sdelay $0x3  }
0x96: {  	_ =	strace s2  }
0x97: {  	_ =	strace $0x8FFFFFFF  }
0x98: {  	s19 =	sld [smem:$0x3FDB];
	_ =	sdelay $0x1  }
0x99: {  	s20 =	simm.s32 $_scs_section_size  }
0x9a: {  	s4 =	simm.s32 $_size__tile_overlayer_lowered;
	s5 =	simm.s32 $_tile_overlayer_lowered  }
0x9b: {  	s6 =	simm.s32 $0x1BFF;
	s21 =	sshll.u32 s5, $0x1;
	s3 =	sadd.s32 s20, s19  }
0x9c: {  	s22 =	simm.s32 $0x0;
	s4 =	sshll.u32 s4, $0x1;
	s5 =	sadd.s32 s21, s3  }
0x9d: {  	[timem:s22], [sflag:s6] =	dma.local [hbm:s5], s4  }
0x9e: {  	_ =	swait.ge [sflag:s6], s4  }
0x9f: {  	s4 =	ssub.s32 $0x0, s4;
	[sflag:s6] =	ssyncset.done $0x0  }
0xa0: {  	[sflag:s6] =	ssyncadd.s32 s4;
	_ =	sdelay $0x1  }
0xa1: {  	s23 =	simm.s32 $0x1B8B  }
0xa2: {  	_ =	swait.ge [sflag:s23], $0x1  }
0xa3: {  	[sflag:s23] =	ssyncset.done $0x0  }
0xa4: {  	[sflag:s23] =	ssyncadd.s32 $0xFFFFFFFF  }
0xa5: {  	s4 =	sld [smem:$0x0]  }
0xa6: {  	s5 =	sand.u32 $0xFFFFFFFE, s1  }
0xa7: {  	p0 =	sne.s32 s1, s5  }
0xa8: {  	s5 =	sshll.u32 @p0 s5, $0xE  }
0xa9: {  	s5 =	sadd.s32 @p0 $0x11B8D, s5;
	s6 =	sshll.u32 @p0 s4, $0x11  }
0xaa: {  	s5 =	sor.u32 @p0 s6, s5  }
0xab: {  	[sflag:s5] =	ssyncadd.remote.s32 @p0 $0x1;
	_ =	sdelay $0x1  }
0xac: {  	s5 =	simm.s32 @p0 $0x1B8D  }
0xad: {  	_ =	swait.eq @p0 [sflag:s5], $0x1  }
0xae: {  	[sflag:s5] =	ssyncadd.s32 @p0 $0xFFFFFFFF  }
0xaf: {  	s6 =	sshll.u32 @!p0 s1, $0xE  }
0xb0: {  	s6 =	sor.u32 @!p0 $0x4000, s6;
	s5 =	simm.s32 @!p0 $0x1B8D  }
0xb1: {  	s4 =	sshll.u32 @!p0 s4, $0x11;
	s6 =	sadd.s32 @!p0 $0x11B8D, s6;
	_ =	swait.eq @!p0 [sflag:s5], $0x1  }
0xb2: {  	s4 =	sor.u32 @!p0 s4, s6;
	[sflag:s5] =	ssyncadd.s32 @!p0 $0xFFFFFFFF  }
0xb3: {  	s25 =	simm.s32 $0x1B8E;
	s24 =	sld [smem:$0x3FFE];
	[sflag:s4] =	ssyncadd.remote.s32 @!p0 $0x1  }
0xb4: {  	s26 =	simm.s32 $execute0_lowered;
	[smem:$0x3FD2] =	sst s25  }
0xb5: {  	s5 =	sshll.u32 s26, $0x1;
	_ =	strace $0x80000074;
	[dreg:$0x1] =	wrdreg $0xFFFFFFFF  }
0xb6: {  	s28 =	simm.s32 $_size_execute0_lowered;
	s3 =	sadd.s32 s3, s5;
	[dreg:$0x0] =	wrdreg $0x0  }
0xb7: {  	s5 =	sshll.u32 s28, $0x1;
	[dreg:$0x2] =	wrdreg s3  }
0xb8: {  	[dreg:$0x3] =	wrdreg s5  }
0xb9: {  	[dreg:$0x4] =	wrdreg $0xC0  }
0xba: {  	_ =	task [dreg:s22], $0x5FFFF  }
0xbb: {  	[dreg:$0x1] =	wrdreg $0xFFFFFFFF  }
0xbc: {  	[dreg:$0x0] =	wrdreg $0x60  }
0xbd: {  	[dreg:$0x2] =	wrdreg s24  }
0xbe: {  	[dreg:$0x3] =	wrdreg $0x0  }
0xbf: {  	[dreg:$0x4] =	wrdreg $0xC  }
0xc0: {  	_ =	task.clear_ibuf [dreg:s22], $0x5FFFF;
	_ =	strace $0x90000074  }
0xc1: {  	s29 =	simm.s32 $0xC;
	_ =	strace $0x80000076  }
0xc2: {  	_ =	swait.ge [sflag:s29], $0x1  }
0xc3: {  	[sflag:s29] =	ssyncadd.s32 $0xFFFFFFFF  }
0xc4: {  	_ =	strace $0x90000076  }
0xc5: {  	_ =	sfence  }
0xc6: {  	s30 =	sld [smem:$0x0];
	_ =	sdelay $0x2  }
0xc7: {  	s31 =	sshll.u32 s1, $0xD;
	s1 =	sshrl.u32 s1, $0x2  }
0xc8: {  	s4 =	sand.u32 $0x4000, s31;
	s1 =	sadd.s32 s1, s30  }
0xc9: {  	s0 =	sor.u32 s4, s0;
	s1 =	sshll.u32 s1, $0x11  }
0xca: {  	s0 =	sor.u32 s1, s0  }
0xcb: {  	s0 =	sadd.s32 $0x8F2B, s0  }
0xcc: {  	[sflag:s0] =	ssyncadd.remote.s32 $0x1  }
0xcd: {  	_ =	sfence.sel $0xFFFF  }
0xce: {  	[dreg:$0x0] =	wrdreg $0xFFFFFFFF;
	(pc) =	sbr.abs _section_cstart, $3  }
0xcf: {  	[dreg:$0x1] =	wrdreg $0xFFFFFFFF  }
0xd0: {  	_ =	task.clear_ibuf [dreg:s22], $0x2FFFF;
	_ =	strace $0x9FFFFFFF  }
0xd1: {  	(tm) =	ssettm $0x7FFFFFFF  }
tec
execute0_lowered:
.L_overlay_start_1:
0x0: {  	(tag) =	ssettag $0x1  }
0x1: {  	s4 =	rddreg [dreg:$0x0]  }
0x2: {  	s2 =	rddreg [dreg:$0x1]  }
0x3: {  	s1 =	stileid.u32;
	s0 =	rddreg [dreg:$0x2]  }
0x4: {  	s3 =	simm.s32 $0x0;
	s8 =	srdreg.scid;
	s15 =	simm.s32 $0x400  }
0x5: {  	s16 =	simm.s32 $0x1000;
	s17 =	simm.s32 $0x13C00;
	s5 =	smul.u32 $0x28000, s1  }
0x6: {  	s18 =	simm.s32 $0x80;
	s19 =	simm.s32 $0x8;
	s6 =	smul.u32 $0x140, s1  }
0x7: {  	s20 =	simm.s32 $0x200;
	s21 =	simm.s32 $0x0;
	s7 =	smul.u32 $0x2780, s1  }
0x8: {  	[smem:$0x7FF] =	sst s3;
	s8 =	sand.u32 $0x1, s8;
	s9 =	smul.u32 $0x4F000, s1  }
0x9: {  	s13 =	sadd.s32 $0xAA600, s4;
	s25 =	sshll.u32 s1, $0x6;
	_ =	strace $0x80000075  }
0xa: {  	s22 =	ssub.s32 $0x2, s8;
	s26 =	sshll.u32 s8, $0xB;
	s28 =	sshll.u32 s8, $0x8  }
0xb: {  	s10 =	sadd.s32 s5, s4;
	s11 =	sadd.s32 s6, s4;
	s23 =	sadd.s32 s7, s4  }
0xc: {  	s24 =	sshrl.u32 s22, $0x1;
	s12 =	sshrl.u32 s9, $0x2;
	s5 =	sor.u32 $0x1C01, s25  }
0xd: {  	s6 =	sor.u32 s26, s9;
	s29 =	sshrl.u32 s9, $0x3;
	s30 =	sadd.s32 s28, s13  }
0xe: {  	s14 =	ssub.s32 s22, s24;
	s12 =	sadd.s32 s12, s2;
	s4 =	sadd.s32 $0xA15200, s23  }
0xf: {  	s6 =	sshrl.u32 s6, $0x3;
	s8 =	sadd.s32 s29, s30;
	s31 =	sadd.s32 s28, s10  }
0x10: {  	s10 =	sadd.s32 $0xA8D600, s11;
	s6 =	sadd.s32 s13, s6;
	s7 =	sadd.s32 $0x80, s8  }
0x11: {  	s8 =	smax.u32 s14, $0x1;
	s9 =	sadd.s32 $0xD0FE00, s31;
	s11 =	sadd.s32 $0xD0FE80, s31  }
0x12: {  	s12 =	sshrl.u32 s12, $0x3;
	s13 =	simm.s32 $0x1;
	s14 =	simm.s32 $0x17C00  }
.LBB2_1:
0x13: {  	[spmem:s12], [sflag:s5] =	dma.local [hbm:s4], $0x2780  }
0x14: {  	_ =	swait.ge [sflag:s13], $0x2780  }
0x15: {  	[sflag:s13] =	ssyncset.done $0x0  }
0x16: {  	[sflag:s13] =	ssyncadd.s32 $0xFFFFD880  }
0x17: {  	s22 =	sadd.s32 $0x0, s10;
	[bflag:$0x0] =	sbarrier.arrive $0xFFFF  }
0x18: {  	[tilespmem:s14], [sflag:$0x1] =	stream.linear.gather [hbm4b:s22+s3], $0x80, $0x38;
	[tilespmem:$0x17C80] =	vst v63  }
0x19: {  	_ =	swait.ge [sflag:s13], $0x80  }
0x1a: {  	[sflag:s13] =	ssyncset.done $0x0  }
0x1b: {  	[sflag:s13] =	ssyncadd.s32 $0xFFFFFF80  }
0x1c: {  	[tilespmem:s17], [sflag:$0x1] =	stream.strided.gather [hbm4b:s9+s15], $0x4000, s16, s15, $0x38;
	[tilespmem:$0x17C80] =	vst v63  }
0x1d: {  	_ =	swait.ge [sflag:s13], $0x4000  }
0x1e: {  	[sflag:s13] =	ssyncset.done $0x0  }
0x1f: {  	[sflag:s13] =	ssyncadd.s32 $0xFFFFC000  }
0x20: {  	[spmem:s2] =	stream.indirect.scatter.add.f32 [tilespmem:s17], [sflag:$0x1], $0x80, s14, s18, $0xb8;
	[tilespmem:$0x17C80] =	vst v63  }
0x21: {  	s23 =	simm.s32 $0x10;
	_ =	swait.ge [sflag:s13], $0x4000  }
0x22: {  	s24 =	simm.s32 $0x20;
	s22 =	sadd.s32 $0x2000, s9;
	[sflag:s13] =	ssyncset.done $0x0  }
.LBB2_2:
0x23: {  	s25 =	sadd.s32 s23, s10  }
0x24: {  	[sflag:s13] =	ssyncadd.s32 $0xFFFFC000;
	s23 =	smov.u32 s24;
	s26 =	sadd.s32 $0x10, s24  }
0x25: {  	[tilespmem:s14], [sflag:$0x1] =	stream.linear.gather [hbm4b:s25+s3], $0x80, $0x38;
	[tilespmem:$0x17C80] =	vst v63  }
0x26: {  	p0 =	sne.s32 s24, $0x130;
	_ =	swait.ge [sflag:s13], $0x80  }
0x27: {  	[sflag:s13] =	ssyncset.done $0x0  }
0x28: {  	[sflag:s13] =	ssyncadd.s32 $0xFFFFFF80  }
0x29: {  	[tilespmem:s17], [sflag:$0x1] =	stream.strided.gather [hbm4b:s22+s15], $0x4000, s16, s15, $0x38;
	[tilespmem:$0x17C80] =	vst v63  }
0x2a: {  	_ =	swait.ge [sflag:s13], $0x4000  }
.Ltmp0:
0x2b: {  	[sflag:s13] =	ssyncset.done $0x0;
	(pc) =	sbr.rel @p0 .LBB2_2-.Ltmp0, $4  }
0x2c: {  	[sflag:s13] =	ssyncadd.s32 $0xFFFFC000  }
0x2d: {  	[spmem:s2] =	stream.indirect.scatter.add.f32 [tilespmem:s17], [sflag:$0x1], $0x80, s14, s18, $0xb8;
	[tilespmem:$0x17C80] =	vst v63  }
0x2e: {  	_ =	swait.ge [sflag:s13], $0x4000  }
0x2f: {  	s24 =	smov.u32 s26;
	s22 =	sadd.s32 $0x2000, s22;
	[sflag:s13] =	ssyncset.done $0x0  }
0x30: {  	s23 =	sadd.s32 s23, s10;
	[sflag:s13] =	ssyncadd.s32 $0xFFFFC000  }
0x31: {  	[tilespmem:s14], [sflag:$0x1] =	stream.linear.gather [hbm4b:s23+s3], $0x80, $0x38;
	[tilespmem:$0x17C80] =	vst v63  }
0x32: {  	_ =	swait.ge [sflag:s13], $0x80  }
0x33: {  	[sflag:s13] =	ssyncset.done $0x0  }
0x34: {  	[sflag:s13] =	ssyncadd.s32 $0xFFFFFF80  }
0x35: {  	[tilespmem:s17], [sflag:$0x1] =	stream.strided.gather [hbm4b:s22+s15], $0x4000, s16, s15, $0x38;
	[tilespmem:$0x17C80] =	vst v63  }
0x36: {  	_ =	swait.ge [sflag:s13], $0x4000  }
0x37: {  	[sflag:s13] =	ssyncset.done $0x0  }
0x38: {  	[sflag:s13] =	ssyncadd.s32 $0xFFFFC000  }
0x39: {  	[spmem:s2] =	stream.indirect.scatter.add.f32 [tilespmem:s17], [sflag:$0x1], $0x80, s14, s18, $0xb8;
	[tilespmem:$0x17C80] =	vst v63  }
0x3a: {  	_ =	swait.ge [sflag:s13], $0x4000  }
0x3b: {  	[sflag:s13] =	ssyncset.done $0x0  }
0x3c: {  	[sflag:s13] =	ssyncadd.s32 $0xFFFFC000  }
0x3d: {  	[bflag:$0x0] =	sbarrier.arrive $0xFFFF  }
0x3e: {  	[hbm:s6@s20], [sflag:s5] =	dma.strided [spmem:s12@s18], $0x2780, s19, $0x10   }
0x3f: {  	_ =	swait.ge [sflag:s13], $0x2780  }
0x40: {  	[sflag:s13] =	ssyncset.done $0x0  }
0x41: {  	[sflag:s13] =	ssyncadd.s32 $0xFFFFD880  }
0x42: {  	[spmem:s12], [sflag:s5] =	dma.local [hbm:s4], $0x2780  }
0x43: {  	_ =	swait.ge [sflag:s13], $0x2780  }
0x44: {  	[sflag:s13] =	ssyncset.done $0x0  }
0x45: {  	[sflag:s13] =	ssyncadd.s32 $0xFFFFD880  }
0x46: {  	s31 =	sadd.s32 $0x0, s10;
	[bflag:$0x0] =	sbarrier.arrive $0xFFFF  }
0x47: {  	[tilespmem:s14], [sflag:$0x1] =	stream.linear.gather [hbm4b:s31+s3], $0x80, $0x38;
	[tilespmem:$0x17C80] =	vst v63  }
0x48: {  	_ =	swait.ge [sflag:s13], $0x80  }
0x49: {  	[sflag:s13] =	ssyncset.done $0x0  }
0x4a: {  	[sflag:s13] =	ssyncadd.s32 $0xFFFFFF80  }
0x4b: {  	[tilespmem:s17], [sflag:$0x1] =	stream.strided.gather [hbm4b:s11+s15], $0x4000, s16, s15, $0x38;
	[tilespmem:$0x17C80] =	vst v63  }
0x4c: {  	_ =	swait.ge [sflag:s13], $0x4000  }
0x4d: {  	[sflag:s13] =	ssyncset.done $0x0  }
0x4e: {  	[sflag:s13] =	ssyncadd.s32 $0xFFFFC000  }
0x4f: {  	[spmem:s2] =	stream.indirect.scatter.add.f32 [tilespmem:s17], [sflag:$0x1], $0x80, s14, s18, $0xb8;
	[tilespmem:$0x17C80] =	vst v63  }
0x50: {  	s24 =	simm.s32 $0x20;
	_ =	swait.ge [sflag:s13], $0x4000  }
0x51: {  	s23 =	simm.s32 $0x10;
	s22 =	sadd.s32 $0x2000, s11;
	[sflag:s13] =	ssyncset.done $0x0  }
.LBB2_4:
0x52: {  	s25 =	sadd.s32 s23, s10  }
0x53: {  	[sflag:s13] =	ssyncadd.s32 $0xFFFFC000;
	s23 =	smov.u32 s24;
	s26 =	sadd.s32 $0x10, s24  }
0x54: {  	[tilespmem:s14], [sflag:$0x1] =	stream.linear.gather [hbm4b:s25+s3], $0x80, $0x38;
	[tilespmem:$0x17C80] =	vst v63  }
0x55: {  	p0 =	sne.s32 s24, $0x130;
	_ =	swait.ge [sflag:s13], $0x80  }
0x56: {  	[sflag:s13] =	ssyncset.done $0x0  }
0x57: {  	[sflag:s13] =	ssyncadd.s32 $0xFFFFFF80  }
0x58: {  	[tilespmem:s17], [sflag:$0x1] =	stream.strided.gather [hbm4b:s22+s15], $0x4000, s16, s15, $0x38;
	[tilespmem:$0x17C80] =	vst v63  }
0x59: {  	_ =	swait.ge [sflag:s13], $0x4000  }
.Ltmp1:
0x5a: {  	[sflag:s13] =	ssyncset.done $0x0;
	(pc) =	sbr.rel @p0 .LBB2_4-.Ltmp1, $4  }
0x5b: {  	[sflag:s13] =	ssyncadd.s32 $0xFFFFC000  }
0x5c: {  	[spmem:s2] =	stream.indirect.scatter.add.f32 [tilespmem:s17], [sflag:$0x1], $0x80, s14, s18, $0xb8;
	[tilespmem:$0x17C80] =	vst v63  }
0x5d: {  	_ =	swait.ge [sflag:s13], $0x4000  }
0x5e: {  	s24 =	smov.u32 s26;
	s22 =	sadd.s32 $0x2000, s22;
	[sflag:s13] =	ssyncset.done $0x0  }
0x5f: {  	s23 =	sadd.s32 s23, s10;
	[sflag:s13] =	ssyncadd.s32 $0xFFFFC000  }
0x60: {  	[tilespmem:s14], [sflag:$0x1] =	stream.linear.gather [hbm4b:s23+s3], $0x80, $0x38;
	[tilespmem:$0x17C80] =	vst v63  }
0x61: {  	_ =	swait.ge [sflag:s13], $0x80  }
0x62: {  	[sflag:s13] =	ssyncset.done $0x0  }
0x63: {  	[sflag:s13] =	ssyncadd.s32 $0xFFFFFF80  }
0x64: {  	[tilespmem:s17], [sflag:$0x1] =	stream.strided.gather [hbm4b:s22+s15], $0x4000, s16, s15, $0x38;
	[tilespmem:$0x17C80] =	vst v63  }
0x65: {  	_ =	swait.ge [sflag:s13], $0x4000  }
0x66: {  	[sflag:s13] =	ssyncset.done $0x0  }
0x67: {  	[sflag:s13] =	ssyncadd.s32 $0xFFFFC000  }
0x68: {  	[spmem:s2] =	stream.indirect.scatter.add.f32 [tilespmem:s17], [sflag:$0x1], $0x80, s14, s18, $0xb8;
	[tilespmem:$0x17C80] =	vst v63  }
0x69: {  	_ =	swait.ge [sflag:s13], $0x4000  }
0x6a: {  	s21 =	sadd.s32 $0x1, s21;
	[sflag:s13] =	ssyncset.done $0x0  }
0x6b: {  	p0 =	sne.s32 s21, s8;
	[sflag:s13] =	ssyncadd.s32 $0xFFFFC000  }
.Ltmp2:
0x6c: {  	[bflag:$0x0] =	sbarrier.arrive $0xFFFF;
	(pc) =	sbr.rel @p0 .LBB2_1-.Ltmp2, $4  }
0x6d: {  	[hbm:s7@s20], [sflag:s5] =	dma.strided [spmem:s12@s18], $0x2780, s19, $0x10   }
0x6e: {  	_ =	swait.ge [sflag:s13], $0x2780  }
0x6f: {  	[sflag:s13] =	ssyncset.done $0x0  }
0x70: {  	[sflag:s13] =	ssyncadd.s32 $0xFFFFD880  }
0x71: {  	_ =	sfence.sel $0x180000  }
0x72: {  	[bflag:$0x0] =	sbarrier.arrive $0xFFFF  }
0x73: {  	p0 =	sne.s32 s1, $0x0;
	_ =	strace $0x90000075  }
0x74: {  	s0 =	sadd.s32 @!p0 $0x100000, s0;
	[bflag:$0x2] =	sbarrier.arrive $0xFFFF  }
0x75: {  	[sflag:s0] =	ssyncadd.tile.s32 @!p0 $0x1;
	_ =	shalt  }
.Lfunc_end2:
_tile_overlayer_lowered:
.L_overlay_start_2:
0x76: {  	(tag) =	ssettag $0x2  }
0x77: {  	s0 =	rddreg [dreg:$0x0];
	s2 =	stileid.u32  }
0x78: {  	s1 =	rddreg [dreg:$0x1];
	p0 =	sne.s32 s2, $0x0  }
0x79: {  	s3 =	rddreg [dreg:$0x2];
	[bflag:$0x3] =	sbarrier.arrive $0xFFFF;
	s2 =	simm.s32 @!p0 $0x1C01  }
0x7a: {  	[timem:s3], [sflag:s2] =	dma.local @!p0 [hbm:s0], s1  }
0x7b: {  	s0 =	simm.s32 @!p0 $0x1  }
0x7c: {  	_ =	swait.ge @!p0 [sflag:s0], s1  }
0x7d: {  	s1 =	ssub.s32 @!p0 $0x0, s1;
	[sflag:s0] =	ssyncset.done @!p0 $0x0  }
0x7e: {  	[sflag:s0] =	ssyncadd.s32 @!p0 s1  }
0x7f: {  	[bflag:$0x3] =	sbarrier.arrive $0xFFFF  }
0x80: {  	_ =	shalt  }

// kernel: kernel.37.cloned.1.call-start
scs
__scs_entry_jumppad:
0x0: {  	(pc) =	sbr.rel $0x88, $3  }
0x1: {  	(tag) =	ssettag $0x0;
	lr =	simm.s32 $0x1  }
0x2: {  	[smem:$0x3F94] =	sst lr;
	_ =	strace $0xD0000000  }
0x3: {  	_ = 	snop  }
0x4: {  	_ = 	snop  }
0x5: {  	_ = 	snop  }
0x6: {  	_ = 	snop  }
0x7: {  	_ = 	snop  }
__scs_overlays_trampoline_lowered:
0x8: {  	[smem:$0x3FA3] =	sst s0  }
0x9: {  	[smem:$0x3FA4] =	sst s1  }
0xa: {  	[smem:$0x3FA5] =	sst s2  }
0xb: {  	[smem:$0x3FA6] =	sst s3  }
0xc: {  	[smem:$0x3FA7] =	sst s4  }
0xd: {  	[smem:$0x3FA8] =	sst s5  }
0xe: {  	[smem:$0x3FA9] =	sst s6  }
0xf: {  	[smem:$0x3FAA] =	sst s7  }
0x10: {  	[smem:$0x3FAB] =	sst s8  }
0x11: {  	[smem:$0x3FAC] =	sst s9;
	s0 =	simm.s32 @!p0 $0x0  }
0x12: {  	s1 =	sld [smem:$0x3F92];
	s0 =	simm.s32 @p0 $0x1  }
0x13: {  	[smem:$0x3FAD] =	sst s0;
	s0 =	simm.s32 @!p1 $0x0  }
0x14: {  	s2 =	sld [smem:$0x3F91];
	s0 =	simm.s32 @p1 $0x1  }
0x15: {  	[smem:$0x3FAE] =	sst s0;
	s0 =	simm.s32 @!p2 $0x0  }
0x16: {  	s3 =	sld [smem:$0x3FDB];
	s0 =	simm.s32 @p2 $0x1  }
0x17: {  	s4 =	simm.s32 $0x1BF5;
	[smem:$0x3FB0] =	sst s0  }
0x18: {  	s0 =	sld [smem:$0x3F93];
	_ =	swait.ge [sflag:s4], $0x0  }
0x19: {  	s7 =	sld [smem:$0x3F94]  }
0x1a: {  	s8 =	sadd.s32 $0xFFFFE003, lr  }
0x1b: {  	s9 =	sadd.s32 $0xFFFFFEF7, lr;
	s5 =	simm.s32 $0xFFFFFFFF;
	p2 =	slt.u32 s8, $0xFFFFF086  }
0x1c: {  	p1 =	slt.u32 s9, $0xF7A;
	s5 =	simm.s32 @!p2 $0x0  }
0x1d: {  	s5 =	simm.s32 @p1 $0x1;
	p0 =	seq.s32 s7, s2  }
0x1e: {  	s7 =	smul.u32 @!p0 $0xF7A, s2;
	p2 =	seq.s32 @!p0 s5, $0x0  }
0x1f: {  	s9 =	smul.u32 $0xF7A, s1;
	s8 =	simm.s32 @!p0 $0x1BF5;
	p2 =	por !p2, p0  }
0x20: {  	[sflag:s8] =	ssyncset.s32 @!p0 $0xFFFFF086;
	s6 =	sadd.s32 @!p0 s3, s7;
	s7 =	simm.s32 @!p0 $0x108  }
0x21: {  	s3 =	sadd.s32 s3, s9;
	s6 =	sadd.s32 @!p0 $0x88, s6;
	s7 =	simm.s32 @p2 $0x1082  }
0x22: {  	[simem:s7], [sflag:s8] =	dma.local @!p0 [hbm:s6], $0xF7A  }
0x23: {  	s9 =	sor.u32 $0xD0000000, s2;
	s6 =	simm.s32 $0x108;
	_ =	swait.ge @!p0 [sflag:s8], $0x0  }
0x24: {  	s3 =	sadd.s32 $0x88, s3;
	s6 =	simm.s32 @!p1 $0x1082;
	[sflag:s4] =	ssyncset.s32 $0xFFFFF086  }
0x25: {  	[simem:s6], [sflag:s4] =	dma.local [hbm:s3], $0xF7A  }
0x26: {  	[smem:$0x3F94] =	sst s1;
	(tag) =	ssettag s2;
	_ =	strace s9  }
0x27: {  	s1 =	sld [smem:$0x3FA4]  }
0x28: {  	s2 =	sld [smem:$0x3FA5]  }
0x29: {  	s4 =	sld [smem:$0x3FA7]  }
0x2a: {  	p0 =	seq.s32 s5, $0x0;
	s5 =	sld [smem:$0x3FA8]  }
0x2b: {  	s6 =	sld [smem:$0x3FA9]  }
0x2c: {  	s7 =	sld [smem:$0x3FAA]  }
0x2d: {  	s3 =	simm.s32 $0x108;
	s8 =	sld [smem:$0x3FAB]  }
0x2e: {  	s3 =	simm.s32 @!p0 $0x1082;
	s9 =	sld [smem:$0x3FAC]  }
0x2f: {  	lr =	sadd.s32 s0, s3;
	s0 =	sld [smem:$0x3FA3]  }
0x30: {  	s3 =	sld [smem:$0x3FA6]  }
0x31: {  	[smem:$0x3FAF] =	sst s10  }
0x32: {  	s10 =	sld [smem:$0x3FAD];
	_ =	sdelay $0x3  }
0x33: {  	p0 =	seq.s32 s10, $0x1;
	s10 =	sld [smem:$0x3FAF];
	_ =	sdelay $0x3  }
0x34: {  	[smem:$0x3FAF] =	sst s10  }
0x35: {  	s10 =	sld [smem:$0x3FAE];
	_ =	sdelay $0x3  }
0x36: {  	p1 =	seq.s32 s10, $0x1;
	s10 =	sld [smem:$0x3FAF];
	_ =	sdelay $0x3  }
0x37: {  	[smem:$0x3FAF] =	sst s10  }
0x38: {  	s10 =	sld [smem:$0x3FB0]  }
0x39: {  	_ = 	snop;
	(pc) =	sbr.ind lr, $3  }
0x3a: {  	_ = 	snop  }
0x3b: {  	_ = 	snop  }
0x3c: {  	p2 =	seq.s32 s10, $0x1;
	s10 =	sld [smem:$0x3FAF]  }
0x3d: {  	_ =	shalt  }
0x3e: {  	_ =	shalt  }
0x3f: {  	_ =	shalt  }
0x40: {  	_ =	shalt  }
0x41: {  	_ =	shalt  }
0x42: {  	_ =	shalt  }
0x43: {  	_ =	shalt  }
0x44: {  	_ =	shalt  }
0x45: {  	_ =	shalt  }
0x46: {  	_ =	shalt  }
0x47: {  	_ =	shalt  }
0x48: {  	_ =	shalt  }
0x49: {  	_ =	shalt  }
0x4a: {  	_ =	shalt  }
0x4b: {  	_ =	shalt  }
0x4c: {  	_ =	shalt  }
0x4d: {  	_ =	shalt  }
0x4e: {  	_ =	shalt  }
0x4f: {  	_ =	shalt  }
0x50: {  	_ =	shalt  }
0x51: {  	_ =	shalt  }
0x52: {  	_ =	shalt  }
0x53: {  	_ =	shalt  }
0x54: {  	_ =	shalt  }
0x55: {  	_ =	shalt  }
0x56: {  	_ =	shalt  }
0x57: {  	_ =	shalt  }
0x58: {  	_ =	shalt  }
0x59: {  	_ =	shalt  }
0x5a: {  	_ =	shalt  }
0x5b: {  	_ =	shalt  }
0x5c: {  	_ =	shalt  }
0x5d: {  	_ =	shalt  }
0x5e: {  	_ =	shalt  }
0x5f: {  	_ =	shalt  }
0x60: {  	_ =	shalt  }
0x61: {  	_ =	shalt  }
0x62: {  	_ =	shalt  }
0x63: {  	_ =	shalt  }
0x64: {  	_ =	shalt  }
0x65: {  	_ =	shalt  }
0x66: {  	_ =	shalt  }
0x67: {  	_ =	shalt  }
0x68: {  	_ =	shalt  }
0x69: {  	_ =	shalt  }
0x6a: {  	_ =	shalt  }
0x6b: {  	_ =	shalt  }
0x6c: {  	_ =	shalt  }
0x6d: {  	_ =	shalt  }
0x6e: {  	_ =	shalt  }
0x6f: {  	_ =	shalt  }
0x70: {  	_ =	shalt  }
0x71: {  	_ =	shalt  }
0x72: {  	_ =	shalt  }
0x73: {  	_ =	shalt  }
0x74: {  	_ =	shalt  }
0x75: {  	_ =	shalt  }
0x76: {  	_ =	shalt  }
0x77: {  	_ =	shalt  }
0x78: {  	_ =	shalt  }
0x79: {  	_ =	shalt  }
0x7a: {  	_ =	shalt  }
0x7b: {  	_ =	shalt  }
0x7c: {  	_ =	shalt  }
0x7d: {  	_ =	shalt  }
0x7e: {  	_ =	shalt  }
0x7f: {  	_ =	shalt  }
0x80: {  	_ =	shalt  }
0x81: {  	_ =	shalt  }
0x82: {  	_ =	shalt  }
0x83: {  	_ =	shalt  }
0x84: {  	_ =	shalt  }
0x85: {  	_ =	shalt  }
0x86: {  	_ =	shalt  }
0x87: {  	_ =	shalt  }
.Lfunc_end0:
.L_simem_size_0:
called_computation.7_lowered:
.L_overlay_start_0:
0x88: {  	s2 =	sld [smem:$0x3FD9]  }
0x89: {  	s3 =	sld [smem:$0x3FFE];
	_ =	sdelay $0x1  }
0x8a: {  	s1 =	srdreg.scid  }
0x8b: {  	s0 =	sand.u32 $0x1, s1  }
0x8c: {  	s17 =	sshll.u32 s0, $0xA;
	s2 =	sadd.s32 s3, s2  }
0x8d: {  	s2 =	sadd.s32 s2, s17  }
0x8e: {  	[smem:$0x3FBB] =	sst s2  }
0x8f: {  	_ = 	snop  }
0x90: {  	s18 =	sld [smem:$0x3FD0];
	(tm) =	ssettm $0x1  }
0x91: {  	s19 =	sld [smem:$0x3FFB];
	_ =	sdelay $0x3  }
0x92: {  	_ =	strace s19  }
0x93: {  	s2 =	sld [smem:$0x3FFC];
	_ =	sdelay $0x3  }
0x94: {  	_ =	strace s2  }
0x95: {  	s2 =	sld [smem:$0x3FFD];
	_ =	sdelay $0x3  }
0x96: {  	_ =	strace s2  }
0x97: {  	_ =	strace $0x8FFFFFFF  }
0x98: {  	s20 =	sld [smem:$0x3FDB];
	_ =	sdelay $0x1  }
0x99: {  	s4 =	simm.s32 $_scs_section_size  }
0x9a: {  	s5 =	simm.s32 $_size__tile_overlayer_lowered;
	s6 =	simm.s32 $_tile_overlayer_lowered  }
0x9b: {  	s7 =	simm.s32 $0x1BFF;
	s21 =	sshll.u32 s6, $0x1;
	s4 =	sadd.s32 s4, s20  }
0x9c: {  	s22 =	simm.s32 $0x0;
	s5 =	sshll.u32 s5, $0x1;
	s6 =	sadd.s32 s21, s4  }
0x9d: {  	[timem:s22], [sflag:s7] =	dma.local [hbm:s6], s5  }
0x9e: {  	_ =	swait.ge [sflag:s7], s5  }
0x9f: {  	s5 =	ssub.s32 $0x0, s5;
	[sflag:s7] =	ssyncset.done $0x0  }
0xa0: {  	[sflag:s7] =	ssyncadd.s32 s5;
	_ =	sdelay $0x1  }
0xa1: {  	s23 =	simm.s32 $0x1B8B  }
0xa2: {  	_ =	swait.ge [sflag:s23], $0x1  }
0xa3: {  	[sflag:s23] =	ssyncset.done $0x0  }
0xa4: {  	[sflag:s23] =	ssyncadd.s32 $0xFFFFFFFF  }
0xa5: {  	s5 =	sld [smem:$0x0]  }
0xa6: {  	s6 =	sand.u32 $0xFFFFFFFE, s1  }
0xa7: {  	p0 =	sne.s32 s1, s6  }
0xa8: {  	s6 =	sshll.u32 @p0 s6, $0xE  }
0xa9: {  	s6 =	sadd.s32 @p0 $0x11B8D, s6;
	s7 =	sshll.u32 @p0 s5, $0x11  }
0xaa: {  	s6 =	sor.u32 @p0 s7, s6  }
0xab: {  	[sflag:s6] =	ssyncadd.remote.s32 @p0 $0x1;
	_ =	sdelay $0x1  }
0xac: {  	s6 =	simm.s32 @p0 $0x1B8D  }
0xad: {  	_ =	swait.eq @p0 [sflag:s6], $0x1  }
0xae: {  	[sflag:s6] =	ssyncadd.s32 @p0 $0xFFFFFFFF  }
0xaf: {  	s7 =	sshll.u32 @!p0 s1, $0xE  }
0xb0: {  	s7 =	sor.u32 @!p0 $0x4000, s7;
	s6 =	simm.s32 @!p0 $0x1B8D  }
0xb1: {  	s5 =	sshll.u32 @!p0 s5, $0x11;
	s7 =	sadd.s32 @!p0 $0x11B8D, s7;
	_ =	swait.eq @!p0 [sflag:s6], $0x1  }
0xb2: {  	s5 =	sor.u32 @!p0 s5, s7;
	[sflag:s6] =	ssyncadd.s32 @!p0 $0xFFFFFFFF  }
0xb3: {  	s25 =	simm.s32 $0x1B8E;
	s24 =	sld [smem:$0x3FFE];
	[sflag:s5] =	ssyncadd.remote.s32 @!p0 $0x1  }
0xb4: {  	s26 =	simm.s32 $execute0_lowered;
	[smem:$0x3FD2] =	sst s25  }
0xb5: {  	s6 =	sshll.u32 s26, $0x1;
	_ =	strace $0x8000005A;
	[dreg:$0x1] =	wrdreg $0xFFFFFFFF  }
0xb6: {  	s28 =	simm.s32 $_size_execute0_lowered;
	s4 =	sadd.s32 s4, s6;
	[dreg:$0x0] =	wrdreg $0x0  }
0xb7: {  	s6 =	sshll.u32 s28, $0x1;
	[dreg:$0x2] =	wrdreg s4  }
0xb8: {  	[dreg:$0x3] =	wrdreg s6  }
0xb9: {  	[dreg:$0x4] =	wrdreg $0xC0  }
0xba: {  	_ =	task [dreg:s22], $0x5FFFF  }
0xbb: {  	[dreg:$0x1] =	wrdreg $0xFFFFFFFF  }
0xbc: {  	[dreg:$0x0] =	wrdreg $0x60  }
0xbd: {  	[dreg:$0x2] =	wrdreg s18  }
0xbe: {  	[dreg:$0x3] =	wrdreg s24  }
0xbf: {  	[dreg:$0x4] =	wrdreg $0xD  }
0xc0: {  	_ =	task.clear_ibuf [dreg:s22], $0x5FFFF;
	_ =	strace $0x9000005A  }
0xc1: {  	s29 =	simm.s32 $0xD;
	_ =	strace $0x80000063  }
0xc2: {  	_ =	swait.ge [sflag:s29], $0x1  }
0xc3: {  	[sflag:s29] =	ssyncadd.s32 $0xFFFFFFFF  }
0xc4: {  	_ =	strace $0x90000063  }
0xc5: {  	_ =	sfence  }
0xc6: {  	s30 =	sld [smem:$0x0];
	_ =	sdelay $0x2  }
0xc7: {  	s31 =	sshll.u32 s1, $0xD;
	s1 =	sshrl.u32 s1, $0x2  }
0xc8: {  	s4 =	sand.u32 $0x4000, s31;
	s1 =	sadd.s32 s1, s30  }
0xc9: {  	s0 =	sor.u32 s4, s0;
	s1 =	sshll.u32 s1, $0x11  }
0xca: {  	s0 =	sor.u32 s1, s0  }
0xcb: {  	s0 =	sadd.s32 $0x8F2B, s0  }
0xcc: {  	[sflag:s0] =	ssyncadd.remote.s32 $0x1  }
0xcd: {  	_ =	sfence.sel $0xFFFF  }
0xce: {  	[dreg:$0x0] =	wrdreg $0xFFFFFFFF;
	(pc) =	sbr.abs _section_cstart, $3  }
0xcf: {  	[dreg:$0x1] =	wrdreg $0xFFFFFFFF  }
0xd0: {  	_ =	task.clear_ibuf [dreg:s22], $0x2FFFF;
	_ =	strace $0x9FFFFFFF  }
0xd1: {  	(tm) =	ssettm $0x7FFFFFFF  }
tec
execute0_lowered:
.L_overlay_start_1:
0x0: {  	(tag) =	ssettag $0x1  }
0x1: {  	s1 =	rddreg [dreg:$0x0]  }
0x2: {  	s5 =	rddreg [dreg:$0x1]  }
0x3: {  	s0 =	rddreg [dreg:$0x2];
	s2 =	simm.s32 $0x0  }
0x4: {  	s3 =	srdreg.scid;
	s10 =	simm.s32 $0x4;
	s11 =	simm.s32 $0x0  }
0x5: {  	[smem:$0x7FF] =	sst s2;
	s6 =	sand.u32 $0x1, s3;
	s3 =	stileid.u32  }
0x6: {  	s4 =	sadd.s32 $0x9E00, s5;
	s7 =	sshll.u32 s6, $0x4;
	s6 =	ssub.s32 $0x2, s6  }
0x7: {  	s5 =	sadd.s32 $0x511600, s5;
	s7 =	sor.u32 s3, s7;
	s8 =	sshrl.u32 s6, $0x1  }
0x8: {  	v2 =	vlaneseq.u32;
	_ =	strace $0x8000005B;
	s9 =	smul.u32 $0x140, s7;
	s8 =	ssub.s32 s6, s8  }
0x9: {  	vm0 =	vmmov $0xffff;
	v1 =	vshrl.u32 v2, $0x3;
	[dreg:$0x3] =	wrdreg s5;
	s5 =	smul.u32 $0x14, s7;
	s7 =	smax.u32 s8, $0x1  }
0xa: {  	v0 =	vand.u32 $0x7, v2;
	v2 =	vor.u32 $0x8, v2;
	v1 =	vmul.u32 $0x8, v1;
	s8 =	simm.s32 $0x5;
	s6 =	sadd.s32 s4, s9;
	s9 =	simm.s32 $0x6  }
.LBB2_1:
0xb: {  	_ =	strace $0x8000005C;
	s12 =	simm.s32 $0x14  }
0xc: {  	s13 =	simm.s32 $0x0;
	s14 =	simm.s32 $0x0;
	s15 =	simm.s32 $0x0  }
0xd: {  	[tilespmem:s2], [sflag:$0x1] =	stream.linear.gather [hbm4b:s6+s2], $0x80, $0x200038;
	[tilespmem:$0x10100] =	vst v63  }
0xe: {  	s16 =	simm.s32 $0x0;
	s17 =	simm.s32 $0x1;
	_ =	strace $0x9000005C  }
.LBB2_2:
0xf: {  	s18 =	smov.u32 s13;
	s13 =	sadd.s32 $0x1, s13  }
0x10: {  	p0 =	seq.s32 s13, $0x14  }
0x11: {  	s13 =	simm.s32 @p0 $0x0  }
0x12: {  	p6 =	sne.s32 s12, $0x1;
	p1 =	sne.s32 s18, s13  }
0x13: {  	p0 =	por !p6, !p1  }
0x14: {  	p0 =	por !p0, !p0  }
0x15: {  	s19 =	sadd.s32 @p0 s5, s13  }
0x16: {  	s20 =	sand.u32 @p0 $0x1, s17;
	s19 =	sshll.u32 @p0 s19, $0x4  }
0x17: {  	_ =	strace @p0 $0x8000005D;
	s22 =	simm.s32 @p0 $0x0;
	s19 =	sand.u32 @p0 $0x1FFFFFF0, s19  }
0x18: {  	s21 =	sshll.u32 @p0 s20, $0x7;
	s20 =	sadd.s32 @p0 $0x1, s20;
	s19 =	sadd.s32 @p0 s4, s19  }
0x19: {  	[tilespmem:s21], [sflag:s20] =	stream.linear.gather @p0 [hbm4b:s19+s22], $0x80, $0x200038;
	[tilespmem:$0x10100] =	vst v63  }
0x1a: {  	s23 =	sand.u32 $0x1, s16;
	_ =	strace @p0 $0x9000005D  }
0x1b: {  	s19 =	sadd.s32 $0x1, s23;
	_ =	strace $0x8000005E  }
0x1c: {  	_ =	swait.ge [sflag:s19], $0x80  }
0x1d: {  	[sflag:s19] =	ssyncset.done $0x0  }
0x1e: {  	[sflag:s19] =	ssyncadd.s32 $0xFFFFFF80  }
0x1f: {  	s24 =	sshll.u32 s16, $0x7;
	_ =	strace $0x9000005E  }
0x20: {  	s22 =	sand.u32 $0x80, s24;
	_ =	strace $0x8000005F  }
0x21: {  	v3 =	vld [tilespmem:s22+$0x0];
	_ =	sdelay $0x4  }
0x22: {  	v4 =	vshll.u32 v3, $0x1  }
0x23: {  	v3 =	vand.u32 $0x7, v3;
	v4 =	vand.u32 $0xFFFFFFF0, v4  }
0x24: {  	v3 =	vor.u32 v3, v4  }
0x25: {  	v4 =	vperm.xlane v3, v0;
	_ =	sdelay $0x1  }
0x26: {  	v3 =	vperm.xlane v3, v2;
	v4 =	vadd.s32 v1, v4;
	_ =	sdelay $0x1  }
0x27: {  	s19 =	sand.u32 $0x1, s15;
	v3 =	vadd.s32 v1, v3  }
0x28: {  	s21 =	sshll.u32 s19, $0xF  }
0x29: {  	s20 =	sor.u32 $0x100, s21  }
0x2a: {  	[tilespmem:s20], [sflag:$0x5] =	stream.indirect_vreg.gather [hbm4b:s1+s2], $0x80, v4, vm0, $0x2000b8;
	[tilespmem:$0x10100] =	vst v63  }
0x2b: {  	s23 =	sor.u32 $0x900, s21  }
0x2c: {  	[tilespmem:s23], [sflag:$0x5] =	stream.indirect_vreg.gather [hbm4b:s1+s2], $0x80, v3, vm0, $0x2000b8;
	[tilespmem:$0x10100] =	vst v63  }
0x2d: {  	v3 =	vld [tilespmem:s22+$0x10];
	_ =	sdelay $0x4  }
0x2e: {  	v57 =	vshll.u32 v3, $0x1  }
0x2f: {  	v3 =	vand.u32 $0x7, v3;
	v4 =	vand.u32 $0xFFFFFFF0, v57  }
0x30: {  	v3 =	vor.u32 v3, v4  }
0x31: {  	v4 =	vperm.xlane v3, v0;
	_ =	sdelay $0x1  }
0x32: {  	v3 =	vperm.xlane v3, v2;
	v4 =	vadd.s32 v1, v4;
	_ =	sdelay $0x1  }
0x33: {  	v3 =	vadd.s32 v1, v3;
	_ =	sdelay $0x1  }
0x34: {  	s25 =	sor.u32 $0x1100, s21  }
0x35: {  	[tilespmem:s25], [sflag:$0x5] =	stream.indirect_vreg.gather [hbm4b:s1+s2], $0x80, v4, vm0, $0x2000b8;
	[tilespmem:$0x10100] =	vst v63  }
0x36: {  	s26 =	sor.u32 $0x1900, s21  }
0x37: {  	[tilespmem:s26], [sflag:$0x5] =	stream.indirect_vreg.gather [hbm4b:s1+s2], $0x80, v3, vm0, $0x2000b8;
	[tilespmem:$0x10100] =	vst v63  }
0x38: {  	v3 =	vld [tilespmem:s22+$0x20];
	_ =	sdelay $0x4  }
0x39: {  	v58 =	vshll.u32 v3, $0x1  }
0x3a: {  	v3 =	vand.u32 $0x7, v3;
	v4 =	vand.u32 $0xFFFFFFF0, v58  }
0x3b: {  	v3 =	vor.u32 v3, v4  }
0x3c: {  	v4 =	vperm.xlane v3, v0;
	_ =	sdelay $0x1  }
0x3d: {  	v3 =	vperm.xlane v3, v2;
	v4 =	vadd.s32 v1, v4;
	_ =	sdelay $0x1  }
0x3e: {  	v3 =	vadd.s32 v1, v3;
	_ =	sdelay $0x1  }
0x3f: {  	s28 =	sor.u32 $0x2100, s21  }
0x40: {  	[tilespmem:s28], [sflag:$0x5] =	stream.indirect_vreg.gather [hbm4b:s1+s2], $0x80, v4, vm0, $0x2000b8;
	[tilespmem:$0x10100] =	vst v63  }
0x41: {  	s29 =	sor.u32 $0x2900, s21  }
0x42: {  	[tilespmem:s29], [sflag:$0x5] =	stream.indirect_vreg.gather [hbm4b:s1+s2], $0x80, v3, vm0, $0x2000b8;
	[tilespmem:$0x10100] =	vst v63  }
0x43: {  	v3 =	vld [tilespmem:s22+$0x30];
	_ =	sdelay $0x4  }
0x44: {  	v59 =	vshll.u32 v3, $0x1  }
0x45: {  	v3 =	vand.u32 $0x7, v3;
	v4 =	vand.u32 $0xFFFFFFF0, v59  }
0x46: {  	v3 =	vor.u32 v3, v4  }
0x47: {  	v4 =	vperm.xlane v3, v0;
	_ =	sdelay $0x1  }
0x48: {  	v3 =	vperm.xlane v3, v2;
	v4 =	vadd.s32 v1, v4;
	_ =	sdelay $0x1  }
0x49: {  	v3 =	vadd.s32 v1, v3;
	_ =	sdelay $0x1  }
0x4a: {  	s30 =	sor.u32 $0x3100, s21  }
0x4b: {  	[tilespmem:s30], [sflag:$0x5] =	stream.indirect_vreg.gather [hbm4b:s1+s2], $0x80, v4, vm0, $0x2000b8;
	[tilespmem:$0x10100] =	vst v63  }
0x4c: {  	s31 =	sor.u32 $0x3900, s21  }
0x4d: {  	[tilespmem:s31], [sflag:$0x5] =	stream.indirect_vreg.gather [hbm4b:s1+s2], $0x80, v3, vm0, $0x2000b8;
	[tilespmem:$0x10100] =	vst v63  }
0x4e: {  	v3 =	vld [tilespmem:s22+$0x40];
	_ =	sdelay $0x4  }
0x4f: {  	v60 =	vshll.u32 v3, $0x1  }
0x50: {  	v3 =	vand.u32 $0x7, v3;
	v4 =	vand.u32 $0xFFFFFFF0, v60  }
0x51: {  	v3 =	vor.u32 v3, v4  }
0x52: {  	v4 =	vperm.xlane v3, v0;
	_ =	sdelay $0x1  }
0x53: {  	v3 =	vperm.xlane v3, v2;
	v4 =	vadd.s32 v1, v4;
	_ =	sdelay $0x1  }
0x54: {  	v3 =	vadd.s32 v1, v3;
	_ =	sdelay $0x1  }
0x55: {  	s24 =	sor.u32 $0x4100, s21  }
0x56: {  	[tilespmem:s24], [sflag:$0x6] =	stream.indirect_vreg.gather [hbm4b:s1+s2], $0x80, v4, vm0, $0x2000b8;
	[tilespmem:$0x10100] =	vst v63  }
0x57: {  	s25 =	sor.u32 $0x4900, s21  }
0x58: {  	[tilespmem:s25], [sflag:$0x6] =	stream.indirect_vreg.gather [hbm4b:s1+s2], $0x80, v3, vm0, $0x2000b8;
	[tilespmem:$0x10100] =	vst v63  }
0x59: {  	v3 =	vld [tilespmem:s22+$0x50];
	_ =	sdelay $0x4  }
0x5a: {  	v61 =	vshll.u32 v3, $0x1  }
0x5b: {  	v3 =	vand.u32 $0x7, v3;
	v4 =	vand.u32 $0xFFFFFFF0, v61  }
0x5c: {  	v3 =	vor.u32 v3, v4  }
0x5d: {  	v4 =	vperm.xlane v3, v0;
	_ =	sdelay $0x1  }
0x5e: {  	v3 =	vperm.xlane v3, v2;
	v4 =	vadd.s32 v1, v4;
	_ =	sdelay $0x1  }
0x5f: {  	v3 =	vadd.s32 v1, v3;
	_ =	sdelay $0x1  }
0x60: {  	s26 =	sor.u32 $0x5100, s21  }
0x61: {  	[tilespmem:s26], [sflag:$0x6] =	stream.indirect_vreg.gather [hbm4b:s1+s2], $0x80, v4, vm0, $0x2000b8;
	[tilespmem:$0x10100] =	vst v63  }
0x62: {  	s28 =	sor.u32 $0x5900, s21  }
0x63: {  	[tilespmem:s28], [sflag:$0x6] =	stream.indirect_vreg.gather [hbm4b:s1+s2], $0x80, v3, vm0, $0x2000b8;
	[tilespmem:$0x10100] =	vst v63  }
0x64: {  	v3 =	vld [tilespmem:s22+$0x60];
	_ =	sdelay $0x4  }
0x65: {  	v62 =	vshll.u32 v3, $0x1  }
0x66: {  	v3 =	vand.u32 $0x7, v3;
	v4 =	vand.u32 $0xFFFFFFF0, v62  }
0x67: {  	v3 =	vor.u32 v3, v4  }
0x68: {  	v4 =	vperm.xlane v3, v0;
	_ =	sdelay $0x1  }
0x69: {  	v3 =	vperm.xlane v3, v2;
	v4 =	vadd.s32 v1, v4;
	_ =	sdelay $0x1  }
0x6a: {  	v3 =	vadd.s32 v1, v3;
	_ =	sdelay $0x1  }
0x6b: {  	s29 =	sor.u32 $0x6100, s21  }
0x6c: {  	[tilespmem:s29], [sflag:$0x6] =	stream.indirect_vreg.gather [hbm4b:s1+s2], $0x80, v4, vm0, $0x2000b8;
	[tilespmem:$0x10100] =	vst v63  }
0x6d: {  	s30 =	sor.u32 $0x6900, s21  }
0x6e: {  	[tilespmem:s30], [sflag:$0x6] =	stream.indirect_vreg.gather [hbm4b:s1+s2], $0x80, v3, vm0, $0x2000b8;
	[tilespmem:$0x10100] =	vst v63  }
0x6f: {  	v3 =	vld [tilespmem:s22+$0x70];
	_ =	sdelay $0x4  }
0x70: {  	v63 =	vshll.u32 v3, $0x1  }
0x71: {  	v3 =	vand.u32 $0x7, v3;
	v4 =	vand.u32 $0xFFFFFFF0, v63  }
0x72: {  	v3 =	vor.u32 v3, v4  }
0x73: {  	v4 =	vperm.xlane v3, v0;
	_ =	sdelay $0x1  }
0x74: {  	v3 =	vperm.xlane v3, v2;
	v4 =	vadd.s32 v1, v4;
	_ =	sdelay $0x1  }
0x75: {  	v3 =	vadd.s32 v1, v3;
	_ =	sdelay $0x1  }
0x76: {  	s31 =	sor.u32 $0x7100, s21  }
0x77: {  	[tilespmem:s31], [sflag:$0x6] =	stream.indirect_vreg.gather [hbm4b:s1+s2], $0x80, v4, vm0, $0x2000b8;
	[tilespmem:$0x10100] =	vst v63  }
0x78: {  	s21 =	sor.u32 $0x7900, s21  }
0x79: {  	[tilespmem:s21], [sflag:$0x6] =	stream.indirect_vreg.gather [hbm4b:s1+s2], $0x80, v3, vm0, $0x2000b8;
	[tilespmem:$0x10100] =	vst v63  }
0x7a: {  	_ =	swait.ge [sflag:s8], $0x4000  }
0x7b: {  	[sflag:s8] =	ssyncset.done $0x0  }
0x7c: {  	[sflag:s8] =	ssyncadd.s32 $0xFFFFC000  }
0x7d: {  	_ =	swait.ge [sflag:s9], $0x4000  }
0x7e: {  	p2 =	seq.s32 s12, $0x1;
	[sflag:s9] =	ssyncset.done $0x0  }
0x7f: {  	s18 =	sadd.s32 s5, s18;
	p1 =	por p2, p1;
	[sflag:s9] =	ssyncadd.s32 $0xFFFFC000  }
0x80: {  	s18 =	sshll.u32 @p1 s18, $0xC;
	_ =	strace $0x9000005F  }
0x81: {  	s18 =	sand.u32 @p1 $0x1FFFF000, s18;
	s22 =	simm.s32 $0x1;
	_ =	strace @p1 $0x80000060  }
0x82: {  	s19 =	sadd.s32 @p1 $0x3, s19;
	s22 =	simm.s32 @!p0 $0x0;
	s21 =	rddreg [dreg:$0x3]  }
0x83: {  	p0 =	seq.s32 s12, $0x14;
	s18 =	sadd.s32 @p1 s21, s18;
	s21 =	simm.s32 @p1 $0x0  }
0x84: {  	[hbm4b:s18+s21] =	stream.linear.scatter @p1 [tilespmem:s20], [sflag:s19], $0x8000, $0x200038;
	[tilespmem:$0x10100] =	vst v63  }
0x85: {  	s18 =	simm.s32 $0x1;
	s20 =	simm.s32 $0x1;
	_ =	strace @p1 $0x90000060  }
0x86: {  	s18 =	simm.s32 @!p1 $0x0;
	p1 =	sne.s32 s12, $0x14;
	s12 =	sadd.s32 $0xFFFFFFFF, s12  }
0x87: {  	s19 =	sand.u32 @!p0 $0x1, s14;
	s20 =	simm.s32 @!p1 $0x0;
	p1 =	sne.s32 s12, $0x0  }
.Ltmp0:
0x88: {  	s19 =	sadd.s32 @!p0 $0x3, s19;
	_ =	strace @!p0 $0x80000061;
	(pc) =	sbr.rel @p1 .LBB2_2-.Ltmp0, $4  }
0x89: {  	_ =	swait.ge @!p0 [sflag:s19], $0x8000  }
0x8a: {  	[sflag:s19] =	ssyncset.done @!p0 $0x0  }
0x8b: {  	s17 =	sadd.s32 s22, s17;
	s15 =	sadd.s32 s18, s15;
	[sflag:s19] =	ssyncadd.s32 @!p0 $0xFFFF8000  }
0x8c: {  	s16 =	sadd.s32 s18, s16;
	s14 =	sadd.s32 s20, s14;
	_ =	strace @!p0 $0x90000061  }
0x8d: {  	s11 =	sadd.s32 $0x1, s11  }
0x8e: {  	p0 =	sne.s32 s11, s7  }
.Ltmp1:
0x8f: {  	_ =	strace $0x80000062;
	(pc) =	sbr.rel @p0 .LBB2_1-.Ltmp1, $4  }
0x90: {  	_ =	swait.ge [sflag:s10], $0x8000  }
0x91: {  	[sflag:s10] =	ssyncset.done $0x0  }
0x92: {  	[sflag:s10] =	ssyncadd.s32 $0xFFFF8000  }
0x93: {  	_ =	strace $0x90000062  }
0x94: {  	_ =	sfence.sel $0x180000  }
0x95: {  	[bflag:$0x0] =	sbarrier.arrive $0xFFFF  }
0x96: {  	p0 =	sne.s32 s3, $0x0;
	_ =	strace $0x9000005B  }
0x97: {  	s0 =	sadd.s32 @!p0 $0x100000, s0;
	[bflag:$0x2] =	sbarrier.arrive $0xFFFF  }
0x98: {  	[sflag:s0] =	ssyncadd.tile.s32 @!p0 $0x1;
	_ =	shalt  }
.Lfunc_end2:
_tile_overlayer_lowered:
.L_overlay_start_2:
0x99: {  	(tag) =	ssettag $0x2  }
0x9a: {  	s0 =	rddreg [dreg:$0x0];
	s2 =	stileid.u32  }
0x9b: {  	s1 =	rddreg [dreg:$0x1];
	p0 =	sne.s32 s2, $0x0  }
0x9c: {  	s3 =	rddreg [dreg:$0x2];
	[bflag:$0x3] =	sbarrier.arrive $0xFFFF;
	s2 =	simm.s32 @!p0 $0x1C01  }
0x9d: {  	[timem:s3], [sflag:s2] =	dma.local @!p0 [hbm:s0], s1  }
0x9e: {  	s0 =	simm.s32 @!p0 $0x1  }
0x9f: {  	_ =	swait.ge @!p0 [sflag:s0], s1  }
0xa0: {  	s1 =	ssub.s32 @!p0 $0x0, s1;
	[sflag:s0] =	ssyncset.done @!p0 $0x0  }
0xa1: {  	[sflag:s0] =	ssyncadd.s32 @!p0 s1  }
0xa2: {  	[bflag:$0x3] =	sbarrier.arrive $0xFFFF  }
0xa3: {  	_ =	shalt  }

// kernel: kernel.40.cloned.1.call-start
scs
__scs_entry_jumppad:
0x0: {  	(pc) =	sbr.rel $0x88, $3  }
0x1: {  	(tag) =	ssettag $0x0;
	lr =	simm.s32 $0x1  }
0x2: {  	[smem:$0x3F94] =	sst lr;
	_ =	strace $0xD0000000  }
0x3: {  	_ = 	snop  }
0x4: {  	_ = 	snop  }
0x5: {  	_ = 	snop  }
0x6: {  	_ = 	snop  }
0x7: {  	_ = 	snop  }
__scs_overlays_trampoline_lowered:
0x8: {  	[smem:$0x3FA3] =	sst s0  }
0x9: {  	[smem:$0x3FA4] =	sst s1  }
0xa: {  	[smem:$0x3FA5] =	sst s2  }
0xb: {  	[smem:$0x3FA6] =	sst s3  }
0xc: {  	[smem:$0x3FA7] =	sst s4  }
0xd: {  	[smem:$0x3FA8] =	sst s5  }
0xe: {  	[smem:$0x3FA9] =	sst s6  }
0xf: {  	[smem:$0x3FAA] =	sst s7  }
0x10: {  	[smem:$0x3FAB] =	sst s8  }
0x11: {  	[smem:$0x3FAC] =	sst s9;
	s0 =	simm.s32 @!p0 $0x0  }
0x12: {  	s1 =	sld [smem:$0x3F92];
	s0 =	simm.s32 @p0 $0x1  }
0x13: {  	[smem:$0x3FAD] =	sst s0;
	s0 =	simm.s32 @!p1 $0x0  }
0x14: {  	s2 =	sld [smem:$0x3F91];
	s0 =	simm.s32 @p1 $0x1  }
0x15: {  	[smem:$0x3FAE] =	sst s0;
	s0 =	simm.s32 @!p2 $0x0  }
0x16: {  	s3 =	sld [smem:$0x3FDB];
	s0 =	simm.s32 @p2 $0x1  }
0x17: {  	s4 =	simm.s32 $0x1BF5;
	[smem:$0x3FB0] =	sst s0  }
0x18: {  	s0 =	sld [smem:$0x3F93];
	_ =	swait.ge [sflag:s4], $0x0  }
0x19: {  	s7 =	sld [smem:$0x3F94]  }
0x1a: {  	s8 =	sadd.s32 $0xFFFFE003, lr  }
0x1b: {  	s9 =	sadd.s32 $0xFFFFFEF7, lr;
	s5 =	simm.s32 $0xFFFFFFFF;
	p2 =	slt.u32 s8, $0xFFFFF086  }
0x1c: {  	p1 =	slt.u32 s9, $0xF7A;
	s5 =	simm.s32 @!p2 $0x0  }
0x1d: {  	s5 =	simm.s32 @p1 $0x1;
	p0 =	seq.s32 s7, s2  }
0x1e: {  	s7 =	smul.u32 @!p0 $0xF7A, s2;
	p2 =	seq.s32 @!p0 s5, $0x0  }
0x1f: {  	s9 =	smul.u32 $0xF7A, s1;
	s8 =	simm.s32 @!p0 $0x1BF5;
	p2 =	por !p2, p0  }
0x20: {  	[sflag:s8] =	ssyncset.s32 @!p0 $0xFFFFF086;
	s6 =	sadd.s32 @!p0 s3, s7;
	s7 =	simm.s32 @!p0 $0x108  }
0x21: {  	s3 =	sadd.s32 s3, s9;
	s6 =	sadd.s32 @!p0 $0x88, s6;
	s7 =	simm.s32 @p2 $0x1082  }
0x22: {  	[simem:s7], [sflag:s8] =	dma.local @!p0 [hbm:s6], $0xF7A  }
0x23: {  	s9 =	sor.u32 $0xD0000000, s2;
	s6 =	simm.s32 $0x108;
	_ =	swait.ge @!p0 [sflag:s8], $0x0  }
0x24: {  	s3 =	sadd.s32 $0x88, s3;
	s6 =	simm.s32 @!p1 $0x1082;
	[sflag:s4] =	ssyncset.s32 $0xFFFFF086  }
0x25: {  	[simem:s6], [sflag:s4] =	dma.local [hbm:s3], $0xF7A  }
0x26: {  	[smem:$0x3F94] =	sst s1;
	(tag) =	ssettag s2;
	_ =	strace s9  }
0x27: {  	s1 =	sld [smem:$0x3FA4]  }
0x28: {  	s2 =	sld [smem:$0x3FA5]  }
0x29: {  	s4 =	sld [smem:$0x3FA7]  }
0x2a: {  	p0 =	seq.s32 s5, $0x0;
	s5 =	sld [smem:$0x3FA8]  }
0x2b: {  	s6 =	sld [smem:$0x3FA9]  }
0x2c: {  	s7 =	sld [smem:$0x3FAA]  }
0x2d: {  	s3 =	simm.s32 $0x108;
	s8 =	sld [smem:$0x3FAB]  }
0x2e: {  	s3 =	simm.s32 @!p0 $0x1082;
	s9 =	sld [smem:$0x3FAC]  }
0x2f: {  	lr =	sadd.s32 s0, s3;
	s0 =	sld [smem:$0x3FA3]  }
0x30: {  	s3 =	sld [smem:$0x3FA6]  }
0x31: {  	[smem:$0x3FAF] =	sst s10  }
0x32: {  	s10 =	sld [smem:$0x3FAD];
	_ =	sdelay $0x3  }
0x33: {  	p0 =	seq.s32 s10, $0x1;
	s10 =	sld [smem:$0x3FAF];
	_ =	sdelay $0x3  }
0x34: {  	[smem:$0x3FAF] =	sst s10  }
0x35: {  	s10 =	sld [smem:$0x3FAE];
	_ =	sdelay $0x3  }
0x36: {  	p1 =	seq.s32 s10, $0x1;
	s10 =	sld [smem:$0x3FAF];
	_ =	sdelay $0x3  }
0x37: {  	[smem:$0x3FAF] =	sst s10  }
0x38: {  	s10 =	sld [smem:$0x3FB0]  }
0x39: {  	_ = 	snop;
	(pc) =	sbr.ind lr, $3  }
0x3a: {  	_ = 	snop  }
0x3b: {  	_ = 	snop  }
0x3c: {  	p2 =	seq.s32 s10, $0x1;
	s10 =	sld [smem:$0x3FAF]  }
0x3d: {  	_ =	shalt  }
0x3e: {  	_ =	shalt  }
0x3f: {  	_ =	shalt  }
0x40: {  	_ =	shalt  }
0x41: {  	_ =	shalt  }
0x42: {  	_ =	shalt  }
0x43: {  	_ =	shalt  }
0x44: {  	_ =	shalt  }
0x45: {  	_ =	shalt  }
0x46: {  	_ =	shalt  }
0x47: {  	_ =	shalt  }
0x48: {  	_ =	shalt  }
0x49: {  	_ =	shalt  }
0x4a: {  	_ =	shalt  }
0x4b: {  	_ =	shalt  }
0x4c: {  	_ =	shalt  }
0x4d: {  	_ =	shalt  }
0x4e: {  	_ =	shalt  }
0x4f: {  	_ =	shalt  }
0x50: {  	_ =	shalt  }
0x51: {  	_ =	shalt  }
0x52: {  	_ =	shalt  }
0x53: {  	_ =	shalt  }
0x54: {  	_ =	shalt  }
0x55: {  	_ =	shalt  }
0x56: {  	_ =	shalt  }
0x57: {  	_ =	shalt  }
0x58: {  	_ =	shalt  }
0x59: {  	_ =	shalt  }
0x5a: {  	_ =	shalt  }
0x5b: {  	_ =	shalt  }
0x5c: {  	_ =	shalt  }
0x5d: {  	_ =	shalt  }
0x5e: {  	_ =	shalt  }
0x5f: {  	_ =	shalt  }
0x60: {  	_ =	shalt  }
0x61: {  	_ =	shalt  }
0x62: {  	_ =	shalt  }
0x63: {  	_ =	shalt  }
0x64: {  	_ =	shalt  }
0x65: {  	_ =	shalt  }
0x66: {  	_ =	shalt  }
0x67: {  	_ =	shalt  }
0x68: {  	_ =	shalt  }
0x69: {  	_ =	shalt  }
0x6a: {  	_ =	shalt  }
0x6b: {  	_ =	shalt  }
0x6c: {  	_ =	shalt  }
0x6d: {  	_ =	shalt  }
0x6e: {  	_ =	shalt  }
0x6f: {  	_ =	shalt  }
0x70: {  	_ =	shalt  }
0x71: {  	_ =	shalt  }
0x72: {  	_ =	shalt  }
0x73: {  	_ =	shalt  }
0x74: {  	_ =	shalt  }
0x75: {  	_ =	shalt  }
0x76: {  	_ =	shalt  }
0x77: {  	_ =	shalt  }
0x78: {  	_ =	shalt  }
0x79: {  	_ =	shalt  }
0x7a: {  	_ =	shalt  }
0x7b: {  	_ =	shalt  }
0x7c: {  	_ =	shalt  }
0x7d: {  	_ =	shalt  }
0x7e: {  	_ =	shalt  }
0x7f: {  	_ =	shalt  }
0x80: {  	_ =	shalt  }
0x81: {  	_ =	shalt  }
0x82: {  	_ =	shalt  }
0x83: {  	_ =	shalt  }
0x84: {  	_ =	shalt  }
0x85: {  	_ =	shalt  }
0x86: {  	_ =	shalt  }
0x87: {  	_ =	shalt  }
.Lfunc_end0:
.L_simem_size_0:
called_computation.8_lowered:
.L_overlay_start_0:
0x88: {  	s2 =	sld [smem:$0x3FD9]  }
0x89: {  	s3 =	sld [smem:$0x3FFE];
	_ =	sdelay $0x1  }
0x8a: {  	s1 =	srdreg.scid  }
0x8b: {  	s0 =	sand.u32 $0x1, s1  }
0x8c: {  	s17 =	sshll.u32 s0, $0xA;
	s2 =	sadd.s32 s3, s2  }
0x8d: {  	s2 =	sadd.s32 s2, s17  }
0x8e: {  	[smem:$0x3FBB] =	sst s2  }
0x8f: {  	_ = 	snop  }
0x90: {  	(tm) =	ssettm $0x1  }
0x91: {  	s18 =	sld [smem:$0x3FFB];
	_ =	sdelay $0x3  }
0x92: {  	_ =	strace s18  }
0x93: {  	s2 =	sld [smem:$0x3FFC];
	_ =	sdelay $0x3  }
0x94: {  	_ =	strace s2  }
0x95: {  	s2 =	sld [smem:$0x3FFD];
	_ =	sdelay $0x3  }
0x96: {  	_ =	strace s2  }
0x97: {  	_ =	strace $0x8FFFFFFF  }
0x98: {  	s19 =	sld [smem:$0x3FDB];
	_ =	sdelay $0x1  }
0x99: {  	s20 =	simm.s32 $_scs_section_size  }
0x9a: {  	s4 =	simm.s32 $_size__tile_overlayer_lowered;
	s5 =	simm.s32 $_tile_overlayer_lowered  }
0x9b: {  	s6 =	simm.s32 $0x1BFF;
	s21 =	sshll.u32 s5, $0x1;
	s3 =	sadd.s32 s20, s19  }
0x9c: {  	s22 =	simm.s32 $0x0;
	s4 =	sshll.u32 s4, $0x1;
	s5 =	sadd.s32 s21, s3  }
0x9d: {  	[timem:s22], [sflag:s6] =	dma.local [hbm:s5], s4  }
0x9e: {  	_ =	swait.ge [sflag:s6], s4  }
0x9f: {  	s4 =	ssub.s32 $0x0, s4;
	[sflag:s6] =	ssyncset.done $0x0  }
0xa0: {  	[sflag:s6] =	ssyncadd.s32 s4;
	_ =	sdelay $0x1  }
0xa1: {  	s23 =	simm.s32 $0x1B8B  }
0xa2: {  	_ =	swait.ge [sflag:s23], $0x1  }
0xa3: {  	[sflag:s23] =	ssyncset.done $0x0  }
0xa4: {  	[sflag:s23] =	ssyncadd.s32 $0xFFFFFFFF  }
0xa5: {  	s4 =	sld [smem:$0x0]  }
0xa6: {  	s5 =	sand.u32 $0xFFFFFFFE, s1  }
0xa7: {  	p0 =	sne.s32 s1, s5  }
0xa8: {  	s5 =	sshll.u32 @p0 s5, $0xE  }
0xa9: {  	s5 =	sadd.s32 @p0 $0x11B8D, s5;
	s6 =	sshll.u32 @p0 s4, $0x11  }
0xaa: {  	s5 =	sor.u32 @p0 s6, s5  }
0xab: {  	[sflag:s5] =	ssyncadd.remote.s32 @p0 $0x1;
	_ =	sdelay $0x1  }
0xac: {  	s5 =	simm.s32 @p0 $0x1B8D  }
0xad: {  	_ =	swait.eq @p0 [sflag:s5], $0x1  }
0xae: {  	[sflag:s5] =	ssyncadd.s32 @p0 $0xFFFFFFFF  }
0xaf: {  	s6 =	sshll.u32 @!p0 s1, $0xE  }
0xb0: {  	s6 =	sor.u32 @!p0 $0x4000, s6;
	s5 =	simm.s32 @!p0 $0x1B8D  }
0xb1: {  	s4 =	sshll.u32 @!p0 s4, $0x11;
	s6 =	sadd.s32 @!p0 $0x11B8D, s6;
	_ =	swait.eq @!p0 [sflag:s5], $0x1  }
0xb2: {  	s4 =	sor.u32 @!p0 s4, s6;
	[sflag:s5] =	ssyncadd.s32 @!p0 $0xFFFFFFFF  }
0xb3: {  	s25 =	simm.s32 $0x1B8E;
	s24 =	sld [smem:$0x3FFE];
	[sflag:s4] =	ssyncadd.remote.s32 @!p0 $0x1  }
0xb4: {  	s26 =	simm.s32 $execute0_lowered;
	[smem:$0x3FD2] =	sst s25  }
0xb5: {  	s5 =	sshll.u32 s26, $0x1;
	_ =	strace $0x80000077;
	[dreg:$0x1] =	wrdreg $0xFFFFFFFF  }
0xb6: {  	s28 =	simm.s32 $_size_execute0_lowered;
	s3 =	sadd.s32 s3, s5;
	[dreg:$0x0] =	wrdreg $0x0  }
0xb7: {  	s5 =	sshll.u32 s28, $0x1;
	[dreg:$0x2] =	wrdreg s3  }
0xb8: {  	[dreg:$0x3] =	wrdreg s5  }
0xb9: {  	[dreg:$0x4] =	wrdreg $0xC0  }
0xba: {  	_ =	task [dreg:s22], $0x5FFFF  }
0xbb: {  	[dreg:$0x1] =	wrdreg $0xFFFFFFFF  }
0xbc: {  	[dreg:$0x0] =	wrdreg $0x60  }
0xbd: {  	[dreg:$0x2] =	wrdreg s24  }
0xbe: {  	[dreg:$0x3] =	wrdreg $0x0  }
0xbf: {  	[dreg:$0x4] =	wrdreg $0xD  }
0xc0: {  	_ =	task.clear_ibuf [dreg:s22], $0x5FFFF;
	_ =	strace $0x90000077  }
0xc1: {  	s29 =	simm.s32 $0xD;
	_ =	strace $0x80000079  }
0xc2: {  	_ =	swait.ge [sflag:s29], $0x1  }
0xc3: {  	[sflag:s29] =	ssyncadd.s32 $0xFFFFFFFF  }
0xc4: {  	_ =	strace $0x90000079  }
0xc5: {  	_ =	sfence  }
0xc6: {  	s30 =	sld [smem:$0x0];
	_ =	sdelay $0x2  }
0xc7: {  	s31 =	sshll.u32 s1, $0xD;
	s1 =	sshrl.u32 s1, $0x2  }
0xc8: {  	s4 =	sand.u32 $0x4000, s31;
	s1 =	sadd.s32 s1, s30  }
0xc9: {  	s0 =	sor.u32 s4, s0;
	s1 =	sshll.u32 s1, $0x11  }
0xca: {  	s0 =	sor.u32 s1, s0  }
0xcb: {  	s0 =	sadd.s32 $0x8F2B, s0  }
0xcc: {  	[sflag:s0] =	ssyncadd.remote.s32 $0x1  }
0xcd: {  	_ =	sfence.sel $0xFFFF  }
0xce: {  	[dreg:$0x0] =	wrdreg $0xFFFFFFFF;
	(pc) =	sbr.abs _section_cstart, $3  }
0xcf: {  	[dreg:$0x1] =	wrdreg $0xFFFFFFFF  }
0xd0: {  	_ =	task.clear_ibuf [dreg:s22], $0x2FFFF;
	_ =	strace $0x9FFFFFFF  }
0xd1: {  	(tm) =	ssettm $0x7FFFFFFF  }
tec
execute0_lowered:
.L_overlay_start_1:
0x0: {  	(tag) =	ssettag $0x1  }
0x1: {  	s4 =	rddreg [dreg:$0x0]  }
0x2: {  	s2 =	rddreg [dreg:$0x1]  }
0x3: {  	s1 =	stileid.u32;
	s0 =	rddreg [dreg:$0x2]  }
0x4: {  	s3 =	simm.s32 $0x0;
	s8 =	srdreg.scid;
	s15 =	simm.s32 $0x400  }
0x5: {  	s16 =	simm.s32 $0x1000;
	s17 =	simm.s32 $0x13C00;
	s5 =	smul.u32 $0x28000, s1  }
0x6: {  	s18 =	simm.s32 $0x80;
	s19 =	simm.s32 $0x8;
	s6 =	smul.u32 $0x140, s1  }
0x7: {  	s20 =	simm.s32 $0x200;
	s21 =	simm.s32 $0x0;
	s7 =	smul.u32 $0x2780, s1  }
0x8: {  	[smem:$0x7FF] =	sst s3;
	s8 =	sand.u32 $0x1, s8;
	s9 =	smul.u32 $0x4F000, s1  }
0x9: {  	s13 =	sadd.s32 $0x3C8600, s4;
	s25 =	sshll.u32 s1, $0x6;
	_ =	strace $0x80000078  }
0xa: {  	s22 =	ssub.s32 $0x2, s8;
	s26 =	sshll.u32 s8, $0xB;
	s28 =	sshll.u32 s8, $0x8  }
0xb: {  	s10 =	sadd.s32 s5, s4;
	s11 =	sadd.s32 s6, s4;
	s23 =	sadd.s32 s7, s4  }
0xc: {  	s24 =	sshrl.u32 s22, $0x1;
	s12 =	sshrl.u32 s9, $0x2;
	s5 =	sor.u32 $0x1C01, s25  }
0xd: {  	s6 =	sor.u32 s26, s9;
	s29 =	sshrl.u32 s9, $0x3;
	s30 =	sadd.s32 s28, s13  }
0xe: {  	s14 =	ssub.s32 s22, s24;
	s12 =	sadd.s32 s12, s2;
	s4 =	sadd.s32 $0xA15200, s23  }
0xf: {  	s6 =	sshrl.u32 s6, $0x3;
	s8 =	sadd.s32 s29, s30;
	s31 =	sadd.s32 s28, s10  }
0x10: {  	s10 =	sadd.s32 $0xA8EA00, s11;
	s6 =	sadd.s32 s13, s6;
	s7 =	sadd.s32 $0x80, s8  }
0x11: {  	s8 =	smax.u32 s14, $0x1;
	s9 =	sadd.s32 $0x148600, s31;
	s11 =	sadd.s32 $0x148680, s31  }
0x12: {  	s12 =	sshrl.u32 s12, $0x3;
	s13 =	simm.s32 $0x1;
	s14 =	simm.s32 $0x17C00  }
.LBB2_1:
0x13: {  	[spmem:s12], [sflag:s5] =	dma.local [hbm:s4], $0x2780  }
0x14: {  	_ =	swait.ge [sflag:s13], $0x2780  }
0x15: {  	[sflag:s13] =	ssyncset.done $0x0  }
0x16: {  	[sflag:s13] =	ssyncadd.s32 $0xFFFFD880  }
0x17: {  	s22 =	sadd.s32 $0x0, s10;
	[bflag:$0x0] =	sbarrier.arrive $0xFFFF  }
0x18: {  	[tilespmem:s14], [sflag:$0x1] =	stream.linear.gather [hbm4b:s22+s3], $0x80, $0x38;
	[tilespmem:$0x17C80] =	vst v63  }
0x19: {  	_ =	swait.ge [sflag:s13], $0x80  }
0x1a: {  	[sflag:s13] =	ssyncset.done $0x0  }
0x1b: {  	[sflag:s13] =	ssyncadd.s32 $0xFFFFFF80  }
0x1c: {  	[tilespmem:s17], [sflag:$0x1] =	stream.strided.gather [hbm4b:s9+s15], $0x4000, s16, s15, $0x38;
	[tilespmem:$0x17C80] =	vst v63  }
0x1d: {  	_ =	swait.ge [sflag:s13], $0x4000  }
0x1e: {  	[sflag:s13] =	ssyncset.done $0x0  }
0x1f: {  	[sflag:s13] =	ssyncadd.s32 $0xFFFFC000  }
0x20: {  	[spmem:s2] =	stream.indirect.scatter.add.f32 [tilespmem:s17], [sflag:$0x1], $0x80, s14, s18, $0xb8;
	[tilespmem:$0x17C80] =	vst v63  }
0x21: {  	s23 =	simm.s32 $0x10;
	_ =	swait.ge [sflag:s13], $0x4000  }
0x22: {  	s24 =	simm.s32 $0x20;
	s22 =	sadd.s32 $0x2000, s9;
	[sflag:s13] =	ssyncset.done $0x0  }
.LBB2_2:
0x23: {  	s25 =	sadd.s32 s23, s10  }
0x24: {  	[sflag:s13] =	ssyncadd.s32 $0xFFFFC000;
	s23 =	smov.u32 s24;
	s26 =	sadd.s32 $0x10, s24  }
0x25: {  	[tilespmem:s14], [sflag:$0x1] =	stream.linear.gather [hbm4b:s25+s3], $0x80, $0x38;
	[tilespmem:$0x17C80] =	vst v63  }
0x26: {  	p0 =	sne.s32 s24, $0x130;
	_ =	swait.ge [sflag:s13], $0x80  }
0x27: {  	[sflag:s13] =	ssyncset.done $0x0  }
0x28: {  	[sflag:s13] =	ssyncadd.s32 $0xFFFFFF80  }
0x29: {  	[tilespmem:s17], [sflag:$0x1] =	stream.strided.gather [hbm4b:s22+s15], $0x4000, s16, s15, $0x38;
	[tilespmem:$0x17C80] =	vst v63  }
0x2a: {  	_ =	swait.ge [sflag:s13], $0x4000  }
.Ltmp0:
0x2b: {  	[sflag:s13] =	ssyncset.done $0x0;
	(pc) =	sbr.rel @p0 .LBB2_2-.Ltmp0, $4  }
0x2c: {  	[sflag:s13] =	ssyncadd.s32 $0xFFFFC000  }
0x2d: {  	[spmem:s2] =	stream.indirect.scatter.add.f32 [tilespmem:s17], [sflag:$0x1], $0x80, s14, s18, $0xb8;
	[tilespmem:$0x17C80] =	vst v63  }
0x2e: {  	_ =	swait.ge [sflag:s13], $0x4000  }
0x2f: {  	s24 =	smov.u32 s26;
	s22 =	sadd.s32 $0x2000, s22;
	[sflag:s13] =	ssyncset.done $0x0  }
0x30: {  	s23 =	sadd.s32 s23, s10;
	[sflag:s13] =	ssyncadd.s32 $0xFFFFC000  }
0x31: {  	[tilespmem:s14], [sflag:$0x1] =	stream.linear.gather [hbm4b:s23+s3], $0x80, $0x38;
	[tilespmem:$0x17C80] =	vst v63  }
0x32: {  	_ =	swait.ge [sflag:s13], $0x80  }
0x33: {  	[sflag:s13] =	ssyncset.done $0x0  }
0x34: {  	[sflag:s13] =	ssyncadd.s32 $0xFFFFFF80  }
0x35: {  	[tilespmem:s17], [sflag:$0x1] =	stream.strided.gather [hbm4b:s22+s15], $0x4000, s16, s15, $0x38;
	[tilespmem:$0x17C80] =	vst v63  }
0x36: {  	_ =	swait.ge [sflag:s13], $0x4000  }
0x37: {  	[sflag:s13] =	ssyncset.done $0x0  }
0x38: {  	[sflag:s13] =	ssyncadd.s32 $0xFFFFC000  }
0x39: {  	[spmem:s2] =	stream.indirect.scatter.add.f32 [tilespmem:s17], [sflag:$0x1], $0x80, s14, s18, $0xb8;
	[tilespmem:$0x17C80] =	vst v63  }
0x3a: {  	_ =	swait.ge [sflag:s13], $0x4000  }
0x3b: {  	[sflag:s13] =	ssyncset.done $0x0  }
0x3c: {  	[sflag:s13] =	ssyncadd.s32 $0xFFFFC000  }
0x3d: {  	[bflag:$0x0] =	sbarrier.arrive $0xFFFF  }
0x3e: {  	[hbm:s6@s20], [sflag:s5] =	dma.strided [spmem:s12@s18], $0x2780, s19, $0x10   }
0x3f: {  	_ =	swait.ge [sflag:s13], $0x2780  }
0x40: {  	[sflag:s13] =	ssyncset.done $0x0  }
0x41: {  	[sflag:s13] =	ssyncadd.s32 $0xFFFFD880  }
0x42: {  	[spmem:s12], [sflag:s5] =	dma.local [hbm:s4], $0x2780  }
0x43: {  	_ =	swait.ge [sflag:s13], $0x2780  }
0x44: {  	[sflag:s13] =	ssyncset.done $0x0  }
0x45: {  	[sflag:s13] =	ssyncadd.s32 $0xFFFFD880  }
0x46: {  	s31 =	sadd.s32 $0x0, s10;
	[bflag:$0x0] =	sbarrier.arrive $0xFFFF  }
0x47: {  	[tilespmem:s14], [sflag:$0x1] =	stream.linear.gather [hbm4b:s31+s3], $0x80, $0x38;
	[tilespmem:$0x17C80] =	vst v63  }
0x48: {  	_ =	swait.ge [sflag:s13], $0x80  }
0x49: {  	[sflag:s13] =	ssyncset.done $0x0  }
0x4a: {  	[sflag:s13] =	ssyncadd.s32 $0xFFFFFF80  }
0x4b: {  	[tilespmem:s17], [sflag:$0x1] =	stream.strided.gather [hbm4b:s11+s15], $0x4000, s16, s15, $0x38;
	[tilespmem:$0x17C80] =	vst v63  }
0x4c: {  	_ =	swait.ge [sflag:s13], $0x4000  }
0x4d: {  	[sflag:s13] =	ssyncset.done $0x0  }
0x4e: {  	[sflag:s13] =	ssyncadd.s32 $0xFFFFC000  }
0x4f: {  	[spmem:s2] =	stream.indirect.scatter.add.f32 [tilespmem:s17], [sflag:$0x1], $0x80, s14, s18, $0xb8;
	[tilespmem:$0x17C80] =	vst v63  }
0x50: {  	s24 =	simm.s32 $0x20;
	_ =	swait.ge [sflag:s13], $0x4000  }
0x51: {  	s23 =	simm.s32 $0x10;
	s22 =	sadd.s32 $0x2000, s11;
	[sflag:s13] =	ssyncset.done $0x0  }
.LBB2_4:
0x52: {  	s25 =	sadd.s32 s23, s10  }
0x53: {  	[sflag:s13] =	ssyncadd.s32 $0xFFFFC000;
	s23 =	smov.u32 s24;
	s26 =	sadd.s32 $0x10, s24  }
0x54: {  	[tilespmem:s14], [sflag:$0x1] =	stream.linear.gather [hbm4b:s25+s3], $0x80, $0x38;
	[tilespmem:$0x17C80] =	vst v63  }
0x55: {  	p0 =	sne.s32 s24, $0x130;
	_ =	swait.ge [sflag:s13], $0x80  }
0x56: {  	[sflag:s13] =	ssyncset.done $0x0  }
0x57: {  	[sflag:s13] =	ssyncadd.s32 $0xFFFFFF80  }
0x58: {  	[tilespmem:s17], [sflag:$0x1] =	stream.strided.gather [hbm4b:s22+s15], $0x4000, s16, s15, $0x38;
	[tilespmem:$0x17C80] =	vst v63  }
0x59: {  	_ =	swait.ge [sflag:s13], $0x4000  }
.Ltmp1:
0x5a: {  	[sflag:s13] =	ssyncset.done $0x0;
	(pc) =	sbr.rel @p0 .LBB2_4-.Ltmp1, $4  }
0x5b: {  	[sflag:s13] =	ssyncadd.s32 $0xFFFFC000  }
0x5c: {  	[spmem:s2] =	stream.indirect.scatter.add.f32 [tilespmem:s17], [sflag:$0x1], $0x80, s14, s18, $0xb8;
	[tilespmem:$0x17C80] =	vst v63  }
0x5d: {  	_ =	swait.ge [sflag:s13], $0x4000  }
0x5e: {  	s24 =	smov.u32 s26;
	s22 =	sadd.s32 $0x2000, s22;
	[sflag:s13] =	ssyncset.done $0x0  }
0x5f: {  	s23 =	sadd.s32 s23, s10;
	[sflag:s13] =	ssyncadd.s32 $0xFFFFC000  }
0x60: {  	[tilespmem:s14], [sflag:$0x1] =	stream.linear.gather [hbm4b:s23+s3], $0x80, $0x38;
	[tilespmem:$0x17C80] =	vst v63  }
0x61: {  	_ =	swait.ge [sflag:s13], $0x80  }
0x62: {  	[sflag:s13] =	ssyncset.done $0x0  }
0x63: {  	[sflag:s13] =	ssyncadd.s32 $0xFFFFFF80  }
0x64: {  	[tilespmem:s17], [sflag:$0x1] =	stream.strided.gather [hbm4b:s22+s15], $0x4000, s16, s15, $0x38;
	[tilespmem:$0x17C80] =	vst v63  }
0x65: {  	_ =	swait.ge [sflag:s13], $0x4000  }
0x66: {  	[sflag:s13] =	ssyncset.done $0x0  }
0x67: {  	[sflag:s13] =	ssyncadd.s32 $0xFFFFC000  }
0x68: {  	[spmem:s2] =	stream.indirect.scatter.add.f32 [tilespmem:s17], [sflag:$0x1], $0x80, s14, s18, $0xb8;
	[tilespmem:$0x17C80] =	vst v63  }
0x69: {  	_ =	swait.ge [sflag:s13], $0x4000  }
0x6a: {  	s21 =	sadd.s32 $0x1, s21;
	[sflag:s13] =	ssyncset.done $0x0  }
0x6b: {  	p0 =	sne.s32 s21, s8;
	[sflag:s13] =	ssyncadd.s32 $0xFFFFC000  }
.Ltmp2:
0x6c: {  	[bflag:$0x0] =	sbarrier.arrive $0xFFFF;
	(pc) =	sbr.rel @p0 .LBB2_1-.Ltmp2, $4  }
0x6d: {  	[hbm:s7@s20], [sflag:s5] =	dma.strided [spmem:s12@s18], $0x2780, s19, $0x10   }
0x6e: {  	_ =	swait.ge [sflag:s13], $0x2780  }
0x6f: {  	[sflag:s13] =	ssyncset.done $0x0  }
0x70: {  	[sflag:s13] =	ssyncadd.s32 $0xFFFFD880  }
0x71: {  	_ =	sfence.sel $0x180000  }
0x72: {  	[bflag:$0x0] =	sbarrier.arrive $0xFFFF  }
0x73: {  	p0 =	sne.s32 s1, $0x0;
	_ =	strace $0x90000078  }
0x74: {  	s0 =	sadd.s32 @!p0 $0x100000, s0;
	[bflag:$0x2] =	sbarrier.arrive $0xFFFF  }
0x75: {  	[sflag:s0] =	ssyncadd.tile.s32 @!p0 $0x1;
	_ =	shalt  }
.Lfunc_end2:
_tile_overlayer_lowered:
.L_overlay_start_2:
0x76: {  	(tag) =	ssettag $0x2  }
0x77: {  	s0 =	rddreg [dreg:$0x0];
	s2 =	stileid.u32  }
0x78: {  	s1 =	rddreg [dreg:$0x1];
	p0 =	sne.s32 s2, $0x0  }
0x79: {  	s3 =	rddreg [dreg:$0x2];
	[bflag:$0x3] =	sbarrier.arrive $0xFFFF;
	s2 =	simm.s32 @!p0 $0x1C01  }
0x7a: {  	[timem:s3], [sflag:s2] =	dma.local @!p0 [hbm:s0], s1  }
0x7b: {  	s0 =	simm.s32 @!p0 $0x1  }
0x7c: {  	_ =	swait.ge @!p0 [sflag:s0], s1  }
0x7d: {  	s1 =	ssub.s32 @!p0 $0x0, s1;
	[sflag:s0] =	ssyncset.done @!p0 $0x0  }
0x7e: {  	[sflag:s0] =	ssyncadd.s32 @!p0 s1  }
0x7f: {  	[bflag:$0x3] =	sbarrier.arrive $0xFFFF  }
0x80: {  	_ =	shalt  }

</sc_bundles>
